<compile_context>
chip_gen: v7x
topology: tpu7x:2x2x1
jax: 0.10.2.dev20260603
libtpu: 0.0.44.dev20260713+nightly
codegen_flags: <defaults>
</compile_context>

<pallas_src>
import functools

import jax
import jax.numpy as jnp
from jax import lax
from jax.experimental import pallas as pl
from jax.experimental.pallas import tpu as pltpu
from jax.experimental.pallas import tpu_sc as plsc

EMBED_DIM = 1024
NUM_HEADS = 16
NUM_POINTS = 4
HEAD_DIM = EMBED_DIM // NUM_HEADS
LQ = 2048
LV = 2048
BZ = 4

NC, NS, L = 2, 16, 16
NW = NC * NS

R_TOTAL = LQ * BZ * NUM_HEADS
ROWB = LQ * BZ
ENTRIES = ROWB * 128
RB_PER_CHUNK = 4
CHUNK_E = RB_PER_CHUNK * 128
CHUNK_R = RB_PER_CHUNK * NUM_HEADS
RB_PER_W = ROWB // NW
CHUNKS_PER_W = RB_PER_W // RB_PER_CHUNK


def _mm(x, w):
    return lax.dot_general(x, w, (((1,), (1,)), ((), ())),
                           preferred_element_type=jnp.float32)


def _matmul_bias_kernel(x_ref, w_ref, b_ref, o_ref):
    o_ref[...] = _mm(x_ref[...], w_ref[...]) + b_ref[...]


def _matmul_bias_mask_kernel(x_ref, w_ref, b_ref, m_ref, o_ref):
    o_ref[...] = (_mm(x_ref[...], w_ref[...]) + b_ref[...]) * m_ref[...]


def _matmul_bias(x, w, b, mask_col=None, bm=512):
    M, K = x.shape
    N = w.shape[0]
    grid = (M // bm,)
    if mask_col is None:
        return pl.pallas_call(
            _matmul_bias_kernel,
            grid=grid,
            in_specs=[
                pl.BlockSpec((bm, K), lambda i: (i, 0)),
                pl.BlockSpec((N, K), lambda i: (0, 0)),
                pl.BlockSpec((1, N), lambda i: (0, 0)),
            ],
            out_specs=pl.BlockSpec((bm, N), lambda i: (i, 0)),
            out_shape=jax.ShapeDtypeStruct((M, N), jnp.float32),
        )(x, w, b.reshape(1, N))
    return pl.pallas_call(
        _matmul_bias_mask_kernel,
        grid=grid,
        in_specs=[
            pl.BlockSpec((bm, K), lambda i: (i, 0)),
            pl.BlockSpec((N, K), lambda i: (0, 0)),
            pl.BlockSpec((1, N), lambda i: (0, 0)),
            pl.BlockSpec((bm, 1), lambda i: (i, 0)),
        ],
        out_specs=pl.BlockSpec((bm, N), lambda i: (i, 0)),
        out_shape=jax.ShapeDtypeStruct((M, N), jnp.float32),
    )(x, w, b.reshape(1, N), mask_col)


def _vproj_pair_kernel3(x_ref, xh_ref, w_ref, b_ref, m_ref, mh_ref, o_ref):
    x = x_ref[...].reshape(512, EMBED_DIM)
    xh = xh_ref[...].reshape(8, EMBED_DIM)
    mm = (_mm(x, w_ref[...]) + b_ref[...]) * m_ref[...]
    mmh = (_mm(xh, w_ref[...]) + b_ref[...]) * mh_ref[...]
    hi = jnp.concatenate([mm[4:], mmh[0:4]], axis=0)
    for h in range(NUM_HEADS):
        o_ref[h, :, 0:HEAD_DIM] = mm[:, h * HEAD_DIM:(h + 1) * HEAD_DIM]
        o_ref[h, :, HEAD_DIM:] = hi[:, h * HEAD_DIM:(h + 1) * HEAD_DIM]


def _vproj_pair3(value, w, b, maskf):
    nblk = LV // 128
    table3 = pl.pallas_call(
        _vproj_pair_kernel3,
        grid=(nblk,),
        in_specs=[
            pl.BlockSpec((128, BZ, EMBED_DIM), lambda i: (i, 0, 0)),
            pl.BlockSpec((2, BZ, EMBED_DIM),
                         lambda i: (jnp.minimum(i + 1, nblk - 1) * 64, 0, 0)),
            pl.BlockSpec((EMBED_DIM, EMBED_DIM), lambda i: (0, 0)),
            pl.BlockSpec((1, EMBED_DIM), lambda i: (0, 0)),
            pl.BlockSpec((512, 1), lambda i: (i, 0)),
            pl.BlockSpec((8, 1), lambda i: (jnp.minimum(i + 1, nblk - 1) * 64, 0)),
        ],
        out_specs=pl.BlockSpec((NUM_HEADS, 512, 2 * HEAD_DIM),
                               lambda i: (0, i, 0)),
        out_shape=jax.ShapeDtypeStruct((NUM_HEADS, ROWB, 2 * HEAD_DIM),
                                       jnp.float32),
    )(value, value, w, b.reshape(1, EMBED_DIM), maskf, maskf)
    return table3.reshape(R_TOTAL, 2 * HEAD_DIM)


def _vproj_pair_kernel(x_ref, xh_ref, w_ref, b_ref, m_ref, mh_ref, o_ref):
    mm = (_mm(x_ref[...], w_ref[...]) + b_ref[...]) * m_ref[...]
    mmh = (_mm(xh_ref[...], w_ref[...]) + b_ref[...]) * mh_ref[...]
    hi = jnp.concatenate([mm[4:], mmh[0:4]], axis=0)
    for h in range(NUM_HEADS):
        o_ref[h, :, 0:HEAD_DIM] = mm[:, h * HEAD_DIM:(h + 1) * HEAD_DIM]
        o_ref[h, :, HEAD_DIM:] = hi[:, h * HEAD_DIM:(h + 1) * HEAD_DIM]


def _vproj_pair(x, w, b, maskf):
    nblk = LV // 128
    table3 = pl.pallas_call(
        _vproj_pair_kernel,
        grid=(nblk,),
        in_specs=[
            pl.BlockSpec((512, EMBED_DIM), lambda i: (i, 0)),
            pl.BlockSpec((8, EMBED_DIM),
                         lambda i: (jnp.minimum(i + 1, nblk - 1) * 64, 0)),
            pl.BlockSpec((EMBED_DIM, EMBED_DIM), lambda i: (0, 0)),
            pl.BlockSpec((1, EMBED_DIM), lambda i: (0, 0)),
            pl.BlockSpec((512, 1), lambda i: (i, 0)),
            pl.BlockSpec((8, 1), lambda i: (jnp.minimum(i + 1, nblk - 1) * 64, 0)),
        ],
        out_specs=pl.BlockSpec((NUM_HEADS, 512, 2 * HEAD_DIM),
                               lambda i: (0, i, 0)),
        out_shape=jax.ShapeDtypeStruct((NUM_HEADS, ROWB, 2 * HEAD_DIM),
                                       jnp.float32),
    )(x, x, w, b.reshape(1, EMBED_DIM), maskf, maskf)
    return table3.reshape(R_TOTAL, 2 * HEAD_DIM)


def _prep_kernel(bm, q_ref, w_ref, b_ref, rp_ref, idx_ref, coeff_ref):
    soaw = _mm(q_ref[...].reshape(bm, EMBED_DIM), w_ref[...]) + b_ref[...]
    rp = rp_ref[...]
    ref_c = rp[:, 0:1]
    ref_w = rp[:, 1:2]
    i = pl.program_id(0)
    row = lax.broadcasted_iota(jnp.int32, (bm, 1), 0) + i * bm
    boff = row % BZ
    h_iota = lax.broadcasted_iota(jnp.int32, (bm, NUM_HEADS), 1)
    hoff = boff + h_iota * ROWB

    a = [soaw[:, 64 + p * 16:64 + (p + 1) * 16] for p in range(4)]
    mx = jnp.maximum(jnp.maximum(a[0], a[1]), jnp.maximum(a[2], a[3]))
    e = [jnp.exp(x - mx) for x in a]
    inv = 1.0 / (e[0] + e[1] + e[2] + e[3])

    for p in range(4):
        x = (ref_c + soaw[:, p * 16:(p + 1) * 16] * (ref_w * 0.125)) * float(LV - 1)
        x0f = jnp.floor(x)
        w1 = x - x0f
        w0 = 1.0 - w1
        x0 = x0f.astype(jnp.int32)
        x1 = x0 + 1
        m0 = (x0 >= 0) & (x0 <= LV - 1)
        m1 = (x1 >= 0) & (x1 <= LV - 1)
        awp = e[p] * inv
        swap = x0 == -1
        c_lo = jnp.where(swap, awp * w1, jnp.where(m0, awp * w0, 0.0))
        c_hi = jnp.where(swap, 0.0, jnp.where(m1, awp * w1, 0.0))
        lv0 = jnp.clip(x0, 0, LV - 1)
        idx_ref[:, p * 16:(p + 1) * 16] = lv0 * BZ + hoff
        coeff_ref[:, (2 * p) * 16:(2 * p + 1) * 16] = c_lo
        coeff_ref[:, (2 * p + 1) * 16:(2 * p + 2) * 16] = c_hi


def _prep(qf, w_cat, b_cat, refq, bm=512):
    M = qf.shape[0] * qf.shape[1]
    grid = (M // bm,)
    return pl.pallas_call(
        functools.partial(_prep_kernel, bm),
        grid=grid,
        in_specs=[
            pl.BlockSpec((bm // BZ, BZ, EMBED_DIM), lambda i: (i, 0, 0)),
            pl.BlockSpec((128, EMBED_DIM), lambda i: (0, 0)),
            pl.BlockSpec((1, 128), lambda i: (0, 0)),
            pl.BlockSpec((bm, 2), lambda i: (i, 0)),
        ],
        out_specs=[
            pl.BlockSpec((bm, 64), lambda i: (i, 0)),
            pl.BlockSpec((bm, 128), lambda i: (i, 0)),
        ],
        out_shape=[
            jax.ShapeDtypeStruct((M, 64), jnp.int32),
            jax.ShapeDtypeStruct((M, 128), jnp.float32),
        ],
    )(qf, w_cat, b_cat.reshape(1, 128), refq)


def _sc_gather_kernel(table_hbm, idx_hbm, coeff_hbm, out_hbm,
                      idx_v, coeff_v, rows_v, out_v,
                      sem_i0, sem_i1, sem_c0, sem_c1, sem_r, sem_o0, sem_o1):
    wid = lax.axis_index("s") * NC + lax.axis_index("c")
    rbw = wid * RB_PER_W
    NCH = CHUNKS_PER_W

    IDX = [idx_v.at[0], idx_v.at[1]]
    CO = [coeff_v.at[0], coeff_v.at[1]]
    RW = [rows_v.at[0], rows_v.at[1]]
    OU = [out_v.at[0], out_v.at[1]]
    SI = [sem_i0, sem_i1]
    SCm = [sem_c0, sem_c1]
    SO = [sem_o0, sem_o1]

    def idx_src(g):
        return idx_hbm.at[pl.ds(rbw + g * RB_PER_CHUNK, RB_PER_CHUNK), :]

    def coeff_src(g):
        return coeff_hbm.at[pl.ds((rbw + g * RB_PER_CHUNK) * 128, CHUNK_E)]

    def out_dst(g):
        return out_hbm.at[pl.ds(rbw + g * RB_PER_CHUNK, RB_PER_CHUNK), :]

    def fire_gather(s):
        for i in range(RB_PER_CHUNK):
            pltpu.async_copy(table_hbm.at[IDX[s].at[i]],
                             RW[s].at[pl.ds(i * 64, 64), :], sem_r)

    def drain_gather(s):
        for i in range(RB_PER_CHUNK):
            pltpu.make_async_copy(table_hbm.at[pl.ds(0, 64), :],
                                  RW[s].at[pl.ds(i * 64, 64), :], sem_r).wait()

    def splat(vec, h_full):
        return lax.gather(
            vec, h_full[:, None],
            lax.GatherDimensionNumbers(
                offset_dims=(), collapsed_slice_dims=(0,),
                start_index_map=(0,)),
            slice_sizes=(1,),
            mode=lax.GatherScatterMode.PROMISE_IN_BOUNDS)

    def compute(s):
        co, rw, ou = CO[s], RW[s], OU[s]

        def row_body(r, carry2):
            rb = r // NUM_HEADS
            h = r % NUM_HEADS
            h_full = jnp.full((L,), h, jnp.int32)
            acc = [jnp.zeros((L,), jnp.float32) for _ in range(4)]
            for p in range(4):
                pos = rb * 64 + p * 16 + h
                c_lo = splat(co[pl.ds(rb * 128 + p * 32, L)], h_full)
                c_hi = splat(co[pl.ds(rb * 128 + p * 32 + 16, L)], h_full)
                for j in range(4):
                    acc[j] = (acc[j]
                              + c_lo * rw[pos, pl.ds(j * 16, L)]
                              + c_hi * rw[pos, pl.ds(64 + j * 16, L)])
            for j in range(4):
                ou[rb, pl.ds(h * HEAD_DIM + j * 16, L)] = acc[j]
            return carry2

        lax.fori_loop(0, CHUNK_R, row_body, 0, unroll=2)

    def body(g, s):
        t = 1 - s
        drain_gather(s)

        @pl.when(g < NCH - 1)
        def _():
            pltpu.make_async_copy(idx_src(0), IDX[t], SI[t]).wait()
            fire_gather(t)

        @pl.when(g < NCH - 2)
        def _():
            pltpu.async_copy(idx_src(g + 2), IDX[s], SI[s])

        @pl.when(g >= 1)
        def _():
            pltpu.make_async_copy(coeff_src(0), CO[s], SCm[s]).wait()

        @pl.when(g >= 2)
        def _():
            pltpu.make_async_copy(out_dst(0), OU[s], SO[s]).wait()

        compute(s)
        pltpu.async_copy(OU[s], out_dst(g), SO[s])

        @pl.when(g < NCH - 2)
        def _():
            pltpu.async_copy(coeff_src(g + 2), CO[s], SCm[s])

    pltpu.sync_copy(idx_src(0), IDX[0])
    pltpu.sync_copy(coeff_src(0), CO[0])
    fire_gather(0)
    pltpu.async_copy(idx_src(1), IDX[1], SI[1])
    pltpu.async_copy(coeff_src(1), CO[1], SCm[1])

    def loop_body(gg, carry):
        body(2 * gg, 0)
        body(2 * gg + 1, 1)
        return carry

    lax.fori_loop(0, NCH // 2, loop_body, 0)
    pltpu.make_async_copy(out_dst(0), OU[0], SO[0]).wait()
    pltpu.make_async_copy(out_dst(0), OU[1], SO[1]).wait()


@functools.cache
def _sc_gather_fn():
    return pl.kernel(
        _sc_gather_kernel,
        out_type=jax.ShapeDtypeStruct((ROWB, EMBED_DIM), jnp.float32),
        mesh=plsc.VectorSubcoreMesh(core_axis_name="c", subcore_axis_name="s",
                                    num_cores=NC, num_subcores=NS),
        scratch_types=[
            pltpu.VMEM((2, RB_PER_CHUNK, 64), jnp.int32),
            pltpu.VMEM((2, CHUNK_E), jnp.float32),
            pltpu.VMEM((2, RB_PER_CHUNK * 64, 2 * HEAD_DIM), jnp.float32),
            pltpu.VMEM((2, RB_PER_CHUNK, EMBED_DIM), jnp.float32),
            pltpu.SemaphoreType.DMA,
            pltpu.SemaphoreType.DMA,
            pltpu.SemaphoreType.DMA,
            pltpu.SemaphoreType.DMA,
            pltpu.SemaphoreType.DMA,
            pltpu.SemaphoreType.DMA,
            pltpu.SemaphoreType.DMA,
        ],
    )


def _sc_gather(table, idx_all, coeff_all):
    return _sc_gather_fn()(table, idx_all, coeff_all.reshape(-1))


_PERM = [ (c % 16) * 4 + c // 16 for c in range(64) ]


def kernel(query, value, value_key_padding_mask, value_valid_ratio,
           reference_point, snippet_num, W_so, b_so, W_aw, b_aw, W_v, b_v,
           W_o, b_o):
    Lq, bz, d = query.shape
    Lv = value.shape[0]

    perm = jnp.array(_PERM, dtype=jnp.int32)
    w_cat = jnp.concatenate([W_so[perm], W_aw[perm]], axis=0)
    b_cat = jnp.concatenate([b_so[perm], b_aw[perm]])

    maskf = 1.0 - value_key_padding_mask.T.reshape(Lv * bz, 1).astype(jnp.float32)
    table = _vproj_pair3(value, W_v, b_v, maskf)

    refq = jnp.transpose(reference_point, (1, 0, 2)).reshape(Lq * bz, 2)
    idx_all, coeff_all = _prep(query, w_cat, b_cat, refq)

    attn = _sc_gather(table, idx_all, coeff_all)

    return _outproj3d(attn, W_o, b_o)


def _outproj3d_kernel(x_ref, w_ref, b_ref, o_ref):
    mm = _mm(x_ref[...], w_ref[...]) + b_ref[...]
    o_ref[...] = mm.reshape(o_ref.shape)


def _outproj3d(x, w, b, bm=512):
    M, K = x.shape
    N = w.shape[0]
    grid = (M // bm,)
    return pl.pallas_call(
        _outproj3d_kernel,
        grid=grid,
        in_specs=[
            pl.BlockSpec((bm, K), lambda i: (i, 0)),
            pl.BlockSpec((N, K), lambda i: (0, 0)),
            pl.BlockSpec((1, N), lambda i: (0, 0)),
        ],
        out_specs=pl.BlockSpec((bm // BZ, BZ, N), lambda i: (i, 0, 0)),
        out_shape=jax.ShapeDtypeStruct((M // BZ, BZ, N), jnp.float32),
    )(x, w, b.reshape(1, N))

# --- scband reference (transcript-rebuilt; emitter-appended) ---
"""Pipeline reference for scband-deformable-attention-70145405878825 (READ-ONLY COPY).

The authoritative reference and input builder live on the scoring server;
editing this copy changes nothing except your own understanding.
"""

import jax, jax.numpy as jnp
import numpy as np

EMBED_DIM = 1024
NUM_HEADS = 16
NUM_POINTS = 4
HEAD_DIM = EMBED_DIM // NUM_HEADS
LQ = 2048
LV = 2048
BZ = 4


def grid_sample_1d(inp, grid):
    # inp: [N, C, L], grid: [N, S] in [-1, 1], align_corners=True, zero padding
    N, C, L = inp.shape
    x = (grid + 1.0) * 0.5 * (L - 1)
    x0f = jnp.floor(x)
    x0 = x0f.astype(jnp.int32)
    x1 = x0 + 1
    w1 = x - x0f
    w0 = 1.0 - w1

    def gath(v, idx):
        return v[:, jnp.clip(idx, 0, L - 1)]

    v0 = jax.vmap(gath)(inp, x0)
    v1 = jax.vmap(gath)(inp, x1)
    m0 = ((x0 >= 0) & (x0 <= L - 1)).astype(inp.dtype)
    m1 = ((x1 >= 0) & (x1 <= L - 1)).astype(inp.dtype)
    return w0[:, None, :] * v0 * m0[:, None, :] + w1[:, None, :] * v1 * m1[:, None, :]


def setup_inputs(seed: int = 0) -> dict:
    key = jax.random.key(seed)
    ks = [jax.random.fold_in(key, i) for i in range(16)]
    inp = {}
    inp["query"] = jax.random.normal(ks[0], (LQ, BZ, EMBED_DIM), dtype=jnp.float32)
    inp["value"] = jax.random.normal(ks[1], (LV, BZ, EMBED_DIM), dtype=jnp.float32)
    inp["value_key_padding_mask"] = jnp.zeros((BZ, LV), dtype=jnp.bool_)
    inp["value_valid_ratio"] = jnp.ones((BZ, 1), dtype=jnp.float32)
    inp["reference_point"] = jax.random.uniform(ks[2], (BZ, LQ, 2), dtype=jnp.float32)
    inp["snippet_num"] = jnp.ones((BZ,), dtype=jnp.float32)
    # learned parameters (torch nn.Linear convention: y = x @ W.T + b)
    inp["W_so"] = jax.random.normal(ks[3], (NUM_HEADS * NUM_POINTS, EMBED_DIM), dtype=jnp.float32) * 0.02
    inp["b_so"] = jax.random.normal(ks[4], (NUM_HEADS * NUM_POINTS,), dtype=jnp.float32) * 0.02
    inp["W_aw"] = jax.random.normal(ks[5], (NUM_HEADS * NUM_POINTS, EMBED_DIM), dtype=jnp.float32) * 0.02
    inp["b_aw"] = jax.random.normal(ks[6], (NUM_HEADS * NUM_POINTS,), dtype=jnp.float32) * 0.02
    inp["W_v"] = jax.random.normal(ks[7], (EMBED_DIM, EMBED_DIM), dtype=jnp.float32) * 0.02
    inp["b_v"] = jax.random.normal(ks[8], (EMBED_DIM,), dtype=jnp.float32) * 0.02
    inp["W_o"] = jax.random.normal(ks[9], (EMBED_DIM, EMBED_DIM), dtype=jnp.float32) * 0.02
    inp["b_o"] = jax.random.normal(ks[10], (EMBED_DIM,), dtype=jnp.float32) * 0.02
    return inp


def reference(query, value, value_key_padding_mask, value_valid_ratio, reference_point, snippet_num, W_so, b_so, W_aw, b_aw, W_v, b_v, W_o, b_o):
    Lq, bz, d = query.shape
    Lv = value.shape[0]
    H, P, hd = NUM_HEADS, NUM_POINTS, HEAD_DIM
    # value projection + padding mask
    v = value @ W_v.T + b_v
    v = jnp.where(value_key_padding_mask.T[:, :, None], 0.0, v)
    v = jnp.transpose(v, (1, 2, 0)).reshape(bz * H, hd, Lv)
    # sampling offsets
    qf = query.reshape(Lq * bz, d)
    offset = (qf @ W_so.T + b_so).reshape(Lq, bz, H, P)
    offset = jnp.transpose(offset, (1, 2, 0, 3))  # [bz, H, Lq, P]
    # reference_point last dim == 2 branch
    ref_c = reference_point[..., :1].reshape(bz, 1, Lq, 1)
    ref_w = reference_point[..., 1:].reshape(bz, 1, Lq, 1)
    offset = ref_c + offset / P * ref_w * 0.5
    offset = offset * 2.0 - 1.0
    offset = offset.reshape(bz * H, Lq * P)
    # attention weights
    aw = (qf @ W_aw.T + b_aw).reshape(Lq, bz, H, P)
    aw = jnp.transpose(aw, (1, 2, 0, 3))
    aw = jax.nn.softmax(aw, axis=-1).reshape(bz * H * Lq, P, 1)
    # 1d grid sample of value at offsets
    sampled = grid_sample_1d(v, offset).reshape(bz * H, hd, Lq, P)
    sampled = jnp.transpose(sampled, (0, 2, 1, 3)).reshape(bz * H * Lq, hd, P)
    attn_out = jnp.matmul(sampled, aw)  # [bz*H*Lq, hd, 1]
    attn_out = attn_out.reshape(bz, H, Lq, hd)
    attn_out = jnp.transpose(attn_out, (2, 0, 1, 3)).reshape(Lq, bz, d)
    out = attn_out @ W_o.T + b_o
    return out

if __name__ == "__main__":
    import jax
    _d = setup_inputs()
    print(jax.jit(kernel)(*tuple(_d.values())))

</pallas_src>

<mosaic_0001>
#map = affine_map<(d0, d1) -> (0, 0)>
#map1 = affine_map<(d0, d1) -> (0)>
module attributes {stable_mosaic.version = 14 : i64} {
  func.func @_sc_gather_kernel(%arg0: i32, %arg1: i32, %arg2: memref<131072x128xf32, #tpu.memory_space<hbm>>, %arg3: memref<8192x64xi32, #tpu.memory_space<hbm>>, %arg4: memref<1048576xf32, #tpu.memory_space<hbm>>, %arg5: memref<8192x1024xf32, #tpu.memory_space<hbm>>, %arg6: memref<2x4x64xi32, #tpu.memory_space<vmem>>, %arg7: memref<2x512xf32, #tpu.memory_space<vmem>>, %arg8: memref<2x256x128xf32, #tpu.memory_space<vmem>>, %arg9: memref<2x4x1024xf32, #tpu.memory_space<vmem>>, %arg10: memref<!tpu.dma_semaphore, #tpu.memory_space<semaphore_mem>>, %arg11: memref<!tpu.dma_semaphore, #tpu.memory_space<semaphore_mem>>, %arg12: memref<!tpu.dma_semaphore, #tpu.memory_space<semaphore_mem>>, %arg13: memref<!tpu.dma_semaphore, #tpu.memory_space<semaphore_mem>>, %arg14: memref<!tpu.dma_semaphore, #tpu.memory_space<semaphore_mem>>, %arg15: memref<!tpu.dma_semaphore, #tpu.memory_space<semaphore_mem>>, %arg16: memref<!tpu.dma_semaphore, #tpu.memory_space<semaphore_mem>>) attributes {dimension_semantics = [#tpu.dimension_semantics<core_parallel>, #tpu.dimension_semantics<subcore_parallel>], iteration_bounds = array<i64: 2, 16>, scalar_prefetch = 0 : i64, scratch_operands = 11 : i64, tpu.core_type = #tpu.core_type<sc_vector_subcore>, window_params = [{transform_indices = #map}, {transform_indices = #map}, {transform_indices = #map1}, {transform_indices = #map}]} {
    %mul3A = arith.constant 2 : i32
    %mul3A_0 = arith.muli %arg1, %mul3A : i32
    %add3A = arith.addi %mul3A_0, %arg0 : i32
    %mul3A_1 = arith.constant 256 : i32
    %mul3A_2 = arith.muli %add3A, %mul3A_1 : i32
    %add3A_3 = arith.constant 0 : i32
    %add3A_4 = arith.addi %mul3A_2, %add3A_3 : i32
    %run_scoped3A = arith.constant 0 : i32
    "tpu.region"() ({
      %run_scoped3A_159 = tpu.sem_alloc : memref<!tpu.dma_semaphore, #tpu.memory_space<semaphore_mem>>
      %dma_start3A_160 = arith.constant 0 : i32
      %dma_start3A_161 = arith.constant 0 : i32
      %dma_start3A_162 = tpu.memref_slice %arg6[%run_scoped3A, %dma_start3A_160, %dma_start3A_161] : memref<2x4x64xi32, #tpu.memory_space<vmem>> -> memref<1x4x64xi32, #tpu.memory_space<vmem>>
      %dma_start3A_163 = tpu.memref_squeeze %dma_start3A_162 : memref<1x4x64xi32, #tpu.memory_space<vmem>> -> memref<4x64xi32, #tpu.memory_space<vmem>>
      %dma_start3A_164 = arith.constant 0 : i32
      %dma_start3A_165 = tpu.memref_slice %arg3[%add3A_4, %dma_start3A_164] : memref<8192x64xi32, #tpu.memory_space<hbm>> -> memref<4x64xi32, #tpu.memory_space<hbm>>
      %dma_start3A_166 = arith.constant 0 : i32
      %dma_start3A_167 = arith.constant 0 : i32
      %dma_start3A_168 = tpu.memref_slice %arg6[%run_scoped3A, %dma_start3A_166, %dma_start3A_167] : memref<2x4x64xi32, #tpu.memory_space<vmem>> -> memref<1x4x64xi32, #tpu.memory_space<vmem>>
      %dma_start3A_169 = tpu.memref_squeeze %dma_start3A_168 : memref<1x4x64xi32, #tpu.memory_space<vmem>> -> memref<4x64xi32, #tpu.memory_space<vmem>>
      %dma_start3A_170 = arith.constant 0 : i32
      %dma_start3A_171 = tpu.memref_slice %arg3[%add3A_4, %dma_start3A_170] : memref<8192x64xi32, #tpu.memory_space<hbm>> -> memref<4x64xi32, #tpu.memory_space<hbm>>
      tpu.enqueue_dma source(%dma_start3A_171 : memref<4x64xi32, #tpu.memory_space<hbm>>) target(%dma_start3A_169 : memref<4x64xi32, #tpu.memory_space<vmem>>) target_semaphore(%run_scoped3A_159 : memref<!tpu.dma_semaphore, #tpu.memory_space<semaphore_mem>>)
      %dma_wait3A_172 = arith.constant 0 : i32
      %dma_wait3A_173 = arith.constant 0 : i32
      %dma_wait3A_174 = tpu.memref_slice %arg6[%run_scoped3A, %dma_wait3A_172, %dma_wait3A_173] : memref<2x4x64xi32, #tpu.memory_space<vmem>> -> memref<1x4x64xi32, #tpu.memory_space<vmem>>
      %dma_wait3A_175 = tpu.memref_squeeze %dma_wait3A_174 : memref<1x4x64xi32, #tpu.memory_space<vmem>> -> memref<4x64xi32, #tpu.memory_space<vmem>>
      %dma_wait3A_176 = arith.constant 0 : i32
      %dma_wait3A_177 = tpu.memref_slice %arg3[%add3A_4, %dma_wait3A_176] : memref<8192x64xi32, #tpu.memory_space<hbm>> -> memref<4x64xi32, #tpu.memory_space<hbm>>
      %dma_wait3A_178 = arith.constant 0 : i32
      %dma_wait3A_179 = arith.constant 0 : i32
      %dma_wait3A_180 = tpu.memref_slice %arg6[%run_scoped3A, %dma_wait3A_178, %dma_wait3A_179] : memref<2x4x64xi32, #tpu.memory_space<vmem>> -> memref<1x4x64xi32, #tpu.memory_space<vmem>>
      %dma_wait3A_181 = tpu.memref_squeeze %dma_wait3A_180 : memref<1x4x64xi32, #tpu.memory_space<vmem>> -> memref<4x64xi32, #tpu.memory_space<vmem>>
      %dma_wait3A_182 = arith.constant 0 : i32
      %dma_wait3A_183 = tpu.memref_slice %arg3[%add3A_4, %dma_wait3A_182] : memref<8192x64xi32, #tpu.memory_space<hbm>> -> memref<4x64xi32, #tpu.memory_space<hbm>>
      tpu.wait_dma2 semaphore(%run_scoped3A_159 : memref<!tpu.dma_semaphore, #tpu.memory_space<semaphore_mem>>) src(%dma_wait3A_183 : memref<4x64xi32, #tpu.memory_space<hbm>>) dst(%dma_wait3A_181 : memref<4x64xi32, #tpu.memory_space<vmem>>)
      tpu.yield
    }) : () -> ()
    %add3A_5 = arith.constant 0 : i32
    %add3A_6 = arith.addi %mul3A_2, %add3A_5 : i32
    %mul3A_7 = arith.constant 128 : i32
    %mul3A_8 = arith.muli %add3A_6, %mul3A_7 : i32
    %run_scoped3A_9 = arith.constant 0 : i32
    "tpu.region"() ({
      %run_scoped3A_159 = tpu.sem_alloc : memref<!tpu.dma_semaphore, #tpu.memory_space<semaphore_mem>>
      %dma_start3A_160 = arith.constant 0 : i32
      %dma_start3A_161 = tpu.memref_slice %arg7[%run_scoped3A_9, %dma_start3A_160] : memref<2x512xf32, #tpu.memory_space<vmem>> -> memref<1x512xf32, #tpu.memory_space<vmem>>
      %dma_start3A_162 = tpu.memref_squeeze %dma_start3A_161 : memref<1x512xf32, #tpu.memory_space<vmem>> -> memref<512xf32, #tpu.memory_space<vmem>>
      %dma_start3A_163 = tpu.memref_slice %arg4[%mul3A_8] : memref<1048576xf32, #tpu.memory_space<hbm>> -> memref<512xf32, #tpu.memory_space<hbm>>
      %dma_start3A_164 = arith.constant 0 : i32
      %dma_start3A_165 = tpu.memref_slice %arg7[%run_scoped3A_9, %dma_start3A_164] : memref<2x512xf32, #tpu.memory_space<vmem>> -> memref<1x512xf32, #tpu.memory_space<vmem>>
      %dma_start3A_166 = tpu.memref_squeeze %dma_start3A_165 : memref<1x512xf32, #tpu.memory_space<vmem>> -> memref<512xf32, #tpu.memory_space<vmem>>
      %dma_start3A_167 = tpu.memref_slice %arg4[%mul3A_8] : memref<1048576xf32, #tpu.memory_space<hbm>> -> memref<512xf32, #tpu.memory_space<hbm>>
      tpu.enqueue_dma source(%dma_start3A_167 : memref<512xf32, #tpu.memory_space<hbm>>) target(%dma_start3A_166 : memref<512xf32, #tpu.memory_space<vmem>>) target_semaphore(%run_scoped3A_159 : memref<!tpu.dma_semaphore, #tpu.memory_space<semaphore_mem>>)
      %dma_wait3A_168 = arith.constant 0 : i32
      %dma_wait3A_169 = tpu.memref_slice %arg7[%run_scoped3A_9, %dma_wait3A_168] : memref<2x512xf32, #tpu.memory_space<vmem>> -> memref<1x512xf32, #tpu.memory_space<vmem>>
      %dma_wait3A_170 = tpu.memref_squeeze %dma_wait3A_169 : memref<1x512xf32, #tpu.memory_space<vmem>> -> memref<512xf32, #tpu.memory_space<vmem>>
      %dma_wait3A_171 = tpu.memref_slice %arg4[%mul3A_8] : memref<1048576xf32, #tpu.memory_space<hbm>> -> memref<512xf32, #tpu.memory_space<hbm>>
      %dma_wait3A_172 = arith.constant 0 : i32
      %dma_wait3A_173 = tpu.memref_slice %arg7[%run_scoped3A_9, %dma_wait3A_172] : memref<2x512xf32, #tpu.memory_space<vmem>> -> memref<1x512xf32, #tpu.memory_space<vmem>>
      %dma_wait3A_174 = tpu.memref_squeeze %dma_wait3A_173 : memref<1x512xf32, #tpu.memory_space<vmem>> -> memref<512xf32, #tpu.memory_space<vmem>>
      %dma_wait3A_175 = tpu.memref_slice %arg4[%mul3A_8] : memref<1048576xf32, #tpu.memory_space<hbm>> -> memref<512xf32, #tpu.memory_space<hbm>>
      tpu.wait_dma2 semaphore(%run_scoped3A_159 : memref<!tpu.dma_semaphore, #tpu.memory_space<semaphore_mem>>) src(%dma_wait3A_175 : memref<512xf32, #tpu.memory_space<hbm>>) dst(%dma_wait3A_174 : memref<512xf32, #tpu.memory_space<vmem>>)
      tpu.yield
    }) : () -> ()
    %dma_start3A = arith.constant 0 : i32
    %dma_start3A_10 = arith.constant 0 : i32
    %dma_start3A_11 = arith.constant 0 : i32
    %dma_start3A_12 = arith.constant 0 : i32
    %dma_start3A_13 = arith.constant 0 : i32
    %dma_start3A_14 = tpu.memref_slice %arg8[%dma_start3A_11, %dma_start3A_12, %dma_start3A_13] : memref<2x256x128xf32, #tpu.memory_space<vmem>> -> memref<1x256x128xf32, #tpu.memory_space<vmem>>
    %dma_start3A_15 = tpu.memref_squeeze %dma_start3A_14 : memref<1x256x128xf32, #tpu.memory_space<vmem>> -> memref<256x128xf32, #tpu.memory_space<vmem>>
    %dma_start3A_16 = arith.constant 0 : i32
    %dma_start3A_17 = arith.constant 0 : i32
    %dma_start3A_18 = tpu.memref_slice %dma_start3A_15[%dma_start3A_16, %dma_start3A_17] : memref<256x128xf32, #tpu.memory_space<vmem>> -> memref<64x128xf32, #tpu.memory_space<vmem>>
    %dma_start3A_19 = arith.constant 0 : i32
    %dma_start3A_20 = arith.constant 0 : i32
    %dma_start3A_21 = tpu.memref_slice %arg6[%dma_start3A, %dma_start3A_19, %dma_start3A_20] : memref<2x4x64xi32, #tpu.memory_space<vmem>> -> memref<1x4x64xi32, #tpu.memory_space<vmem>>
    %dma_start3A_22 = tpu.memref_squeeze %dma_start3A_21 : memref<1x4x64xi32, #tpu.memory_space<vmem>> -> memref<4x64xi32, #tpu.memory_space<vmem>>
    %dma_start3A_23 = arith.constant 0 : i32
    %dma_start3A_24 = tpu.memref_slice %dma_start3A_22[%dma_start3A_10, %dma_start3A_23] : memref<4x64xi32, #tpu.memory_space<vmem>> -> memref<1x64xi32, #tpu.memory_space<vmem>>
    %dma_start3A_25 = tpu.memref_squeeze %dma_start3A_24 : memref<1x64xi32, #tpu.memory_space<vmem>> -> memref<64xi32, #tpu.memory_space<vmem>>
    %dma_start3A_26 = arith.constant 0 : i32
    %dma_start3A_27 = arith.constant 0 : i32
    %dma_start3A_28 = tpu.memref_slice %arg2[%dma_start3A_26, %dma_start3A_27] : memref<131072x128xf32, #tpu.memory_space<hbm>> -> memref<131072x128xf32, #tpu.memory_space<hbm>>
    tpu.enqueue_indirect_dma source(%dma_start3A_28 : memref<131072x128xf32, #tpu.memory_space<hbm>>) target(%dma_start3A_18 : memref<64x128xf32, #tpu.memory_space<vmem>>) offsets(%dma_start3A_25 : memref<64xi32, #tpu.memory_space<vmem>>) semaphore(%arg14 : memref<!tpu.dma_semaphore, #tpu.memory_space<semaphore_mem>>)
    %dma_start3A_29 = arith.constant 0 : i32
    %dma_start3A_30 = arith.constant 1 : i32
    %dma_start3A_31 = arith.constant 0 : i32
    %dma_start3A_32 = arith.constant 0 : i32
    %dma_start3A_33 = arith.constant 0 : i32
    %dma_start3A_34 = tpu.memref_slice %arg8[%dma_start3A_31, %dma_start3A_32, %dma_start3A_33] : memref<2x256x128xf32, #tpu.memory_space<vmem>> -> memref<1x256x128xf32, #tpu.memory_space<vmem>>
    %dma_start3A_35 = tpu.memref_squeeze %dma_start3A_34 : memref<1x256x128xf32, #tpu.memory_space<vmem>> -> memref<256x128xf32, #tpu.memory_space<vmem>>
    %dma_start3A_36 = arith.constant 64 : i32
    %dma_start3A_37 = arith.constant 0 : i32
    %dma_start3A_38 = tpu.memref_slice %dma_start3A_35[%dma_start3A_36, %dma_start3A_37] : memref<256x128xf32, #tpu.memory_space<vmem>> -> memref<64x128xf32, #tpu.memory_space<vmem>>
    %dma_start3A_39 = arith.constant 0 : i32
    %dma_start3A_40 = arith.constant 0 : i32
    %dma_start3A_41 = tpu.memref_slice %arg6[%dma_start3A_29, %dma_start3A_39, %dma_start3A_40] : memref<2x4x64xi32, #tpu.memory_space<vmem>> -> memref<1x4x64xi32, #tpu.memory_space<vmem>>
    %dma_start3A_42 = tpu.memref_squeeze %dma_start3A_41 : memref<1x4x64xi32, #tpu.memory_space<vmem>> -> memref<4x64xi32, #tpu.memory_space<vmem>>
    %dma_start3A_43 = arith.constant 0 : i32
    %dma_start3A_44 = tpu.memref_slice %dma_start3A_42[%dma_start3A_30, %dma_start3A_43] : memref<4x64xi32, #tpu.memory_space<vmem>> -> memref<1x64xi32, #tpu.memory_space<vmem>>
    %dma_start3A_45 = tpu.memref_squeeze %dma_start3A_44 : memref<1x64xi32, #tpu.memory_space<vmem>> -> memref<64xi32, #tpu.memory_space<vmem>>
    %dma_start3A_46 = arith.constant 0 : i32
    %dma_start3A_47 = arith.constant 0 : i32
    %dma_start3A_48 = tpu.memref_slice %arg2[%dma_start3A_46, %dma_start3A_47] : memref<131072x128xf32, #tpu.memory_space<hbm>> -> memref<131072x128xf32, #tpu.memory_space<hbm>>
    tpu.enqueue_indirect_dma source(%dma_start3A_48 : memref<131072x128xf32, #tpu.memory_space<hbm>>) target(%dma_start3A_38 : memref<64x128xf32, #tpu.memory_space<vmem>>) offsets(%dma_start3A_45 : memref<64xi32, #tpu.memory_space<vmem>>) semaphore(%arg14 : memref<!tpu.dma_semaphore, #tpu.memory_space<semaphore_mem>>)
    %dma_start3A_49 = arith.constant 0 : i32
    %dma_start3A_50 = arith.constant 2 : i32
    %dma_start3A_51 = arith.constant 0 : i32
    %dma_start3A_52 = arith.constant 0 : i32
    %dma_start3A_53 = arith.constant 0 : i32
    %dma_start3A_54 = tpu.memref_slice %arg8[%dma_start3A_51, %dma_start3A_52, %dma_start3A_53] : memref<2x256x128xf32, #tpu.memory_space<vmem>> -> memref<1x256x128xf32, #tpu.memory_space<vmem>>
    %dma_start3A_55 = tpu.memref_squeeze %dma_start3A_54 : memref<1x256x128xf32, #tpu.memory_space<vmem>> -> memref<256x128xf32, #tpu.memory_space<vmem>>
    %dma_start3A_56 = arith.constant 128 : i32
    %dma_start3A_57 = arith.constant 0 : i32
    %dma_start3A_58 = tpu.memref_slice %dma_start3A_55[%dma_start3A_56, %dma_start3A_57] : memref<256x128xf32, #tpu.memory_space<vmem>> -> memref<64x128xf32, #tpu.memory_space<vmem>>
    %dma_start3A_59 = arith.constant 0 : i32
    %dma_start3A_60 = arith.constant 0 : i32
    %dma_start3A_61 = tpu.memref_slice %arg6[%dma_start3A_49, %dma_start3A_59, %dma_start3A_60] : memref<2x4x64xi32, #tpu.memory_space<vmem>> -> memref<1x4x64xi32, #tpu.memory_space<vmem>>
    %dma_start3A_62 = tpu.memref_squeeze %dma_start3A_61 : memref<1x4x64xi32, #tpu.memory_space<vmem>> -> memref<4x64xi32, #tpu.memory_space<vmem>>
    %dma_start3A_63 = arith.constant 0 : i32
    %dma_start3A_64 = tpu.memref_slice %dma_start3A_62[%dma_start3A_50, %dma_start3A_63] : memref<4x64xi32, #tpu.memory_space<vmem>> -> memref<1x64xi32, #tpu.memory_space<vmem>>
    %dma_start3A_65 = tpu.memref_squeeze %dma_start3A_64 : memref<1x64xi32, #tpu.memory_space<vmem>> -> memref<64xi32, #tpu.memory_space<vmem>>
    %dma_start3A_66 = arith.constant 0 : i32
    %dma_start3A_67 = arith.constant 0 : i32
    %dma_start3A_68 = tpu.memref_slice %arg2[%dma_start3A_66, %dma_start3A_67] : memref<131072x128xf32, #tpu.memory_space<hbm>> -> memref<131072x128xf32, #tpu.memory_space<hbm>>
    tpu.enqueue_indirect_dma source(%dma_start3A_68 : memref<131072x128xf32, #tpu.memory_space<hbm>>) target(%dma_start3A_58 : memref<64x128xf32, #tpu.memory_space<vmem>>) offsets(%dma_start3A_65 : memref<64xi32, #tpu.memory_space<vmem>>) semaphore(%arg14 : memref<!tpu.dma_semaphore, #tpu.memory_space<semaphore_mem>>)
    %dma_start3A_69 = arith.constant 0 : i32
    %dma_start3A_70 = arith.constant 3 : i32
    %dma_start3A_71 = arith.constant 0 : i32
    %dma_start3A_72 = arith.constant 0 : i32
    %dma_start3A_73 = arith.constant 0 : i32
    %dma_start3A_74 = tpu.memref_slice %arg8[%dma_start3A_71, %dma_start3A_72, %dma_start3A_73] : memref<2x256x128xf32, #tpu.memory_space<vmem>> -> memref<1x256x128xf32, #tpu.memory_space<vmem>>
    %dma_start3A_75 = tpu.memref_squeeze %dma_start3A_74 : memref<1x256x128xf32, #tpu.memory_space<vmem>> -> memref<256x128xf32, #tpu.memory_space<vmem>>
    %dma_start3A_76 = arith.constant 192 : i32
    %dma_start3A_77 = arith.constant 0 : i32
    %dma_start3A_78 = tpu.memref_slice %dma_start3A_75[%dma_start3A_76, %dma_start3A_77] : memref<256x128xf32, #tpu.memory_space<vmem>> -> memref<64x128xf32, #tpu.memory_space<vmem>>
    %dma_start3A_79 = arith.constant 0 : i32
    %dma_start3A_80 = arith.constant 0 : i32
    %dma_start3A_81 = tpu.memref_slice %arg6[%dma_start3A_69, %dma_start3A_79, %dma_start3A_80] : memref<2x4x64xi32, #tpu.memory_space<vmem>> -> memref<1x4x64xi32, #tpu.memory_space<vmem>>
    %dma_start3A_82 = tpu.memref_squeeze %dma_start3A_81 : memref<1x4x64xi32, #tpu.memory_space<vmem>> -> memref<4x64xi32, #tpu.memory_space<vmem>>
    %dma_start3A_83 = arith.constant 0 : i32
    %dma_start3A_84 = tpu.memref_slice %dma_start3A_82[%dma_start3A_70, %dma_start3A_83] : memref<4x64xi32, #tpu.memory_space<vmem>> -> memref<1x64xi32, #tpu.memory_space<vmem>>
    %dma_start3A_85 = tpu.memref_squeeze %dma_start3A_84 : memref<1x64xi32, #tpu.memory_space<vmem>> -> memref<64xi32, #tpu.memory_space<vmem>>
    %dma_start3A_86 = arith.constant 0 : i32
    %dma_start3A_87 = arith.constant 0 : i32
    %dma_start3A_88 = tpu.memref_slice %arg2[%dma_start3A_86, %dma_start3A_87] : memref<131072x128xf32, #tpu.memory_space<hbm>> -> memref<131072x128xf32, #tpu.memory_space<hbm>>
    tpu.enqueue_indirect_dma source(%dma_start3A_88 : memref<131072x128xf32, #tpu.memory_space<hbm>>) target(%dma_start3A_78 : memref<64x128xf32, #tpu.memory_space<vmem>>) offsets(%dma_start3A_85 : memref<64xi32, #tpu.memory_space<vmem>>) semaphore(%arg14 : memref<!tpu.dma_semaphore, #tpu.memory_space<semaphore_mem>>)
    %add3A_89 = arith.constant 4 : i32
    %add3A_90 = arith.addi %mul3A_2, %add3A_89 : i32
    %dma_start3A_91 = arith.constant 1 : i32
    %dma_start3A_92 = arith.constant 0 : i32
    %dma_start3A_93 = arith.constant 0 : i32
    %dma_start3A_94 = tpu.memref_slice %arg6[%dma_start3A_91, %dma_start3A_92, %dma_start3A_93] : memref<2x4x64xi32, #tpu.memory_space<vmem>> -> memref<1x4x64xi32, #tpu.memory_space<vmem>>
    %dma_start3A_95 = tpu.memref_squeeze %dma_start3A_94 : memref<1x4x64xi32, #tpu.memory_space<vmem>> -> memref<4x64xi32, #tpu.memory_space<vmem>>
    %dma_start3A_96 = arith.constant 0 : i32
    %dma_start3A_97 = tpu.memref_slice %arg3[%add3A_90, %dma_start3A_96] : memref<8192x64xi32, #tpu.memory_space<hbm>> -> memref<4x64xi32, #tpu.memory_space<hbm>>
    %dma_start3A_98 = arith.constant 0 : i32
    %dma_start3A_99 = arith.constant 0 : i32
    %dma_start3A_100 = tpu.memref_slice %arg6[%dma_start3A_91, %dma_start3A_98, %dma_start3A_99] : memref<2x4x64xi32, #tpu.memory_space<vmem>> -> memref<1x4x64xi32, #tpu.memory_space<vmem>>
    %dma_start3A_101 = tpu.memref_squeeze %dma_start3A_100 : memref<1x4x64xi32, #tpu.memory_space<vmem>> -> memref<4x64xi32, #tpu.memory_space<vmem>>
    %dma_start3A_102 = arith.constant 0 : i32
    %dma_start3A_103 = tpu.memref_slice %arg3[%add3A_90, %dma_start3A_102] : memref<8192x64xi32, #tpu.memory_space<hbm>> -> memref<4x64xi32, #tpu.memory_space<hbm>>
    tpu.enqueue_dma source(%dma_start3A_103 : memref<4x64xi32, #tpu.memory_space<hbm>>) target(%dma_start3A_101 : memref<4x64xi32, #tpu.memory_space<vmem>>) target_semaphore(%arg11 : memref<!tpu.dma_semaphore, #tpu.memory_space<semaphore_mem>>)
    %add3A_104 = arith.constant 4 : i32
    %add3A_105 = arith.addi %mul3A_2, %add3A_104 : i32
    %mul3A_106 = arith.constant 128 : i32
    %mul3A_107 = arith.muli %add3A_105, %mul3A_106 : i32
    %dma_start3A_108 = arith.constant 1 : i32
    %dma_start3A_109 = arith.constant 0 : i32
    %dma_start3A_110 = tpu.memref_slice %arg7[%dma_start3A_108, %dma_start3A_109] : memref<2x512xf32, #tpu.memory_space<vmem>> -> memref<1x512xf32, #tpu.memory_space<vmem>>
    %dma_start3A_111 = tpu.memref_squeeze %dma_start3A_110 : memref<1x512xf32, #tpu.memory_space<vmem>> -> memref<512xf32, #tpu.memory_space<vmem>>
    %dma_start3A_112 = tpu.memref_slice %arg4[%mul3A_107] : memref<1048576xf32, #tpu.memory_space<hbm>> -> memref<512xf32, #tpu.memory_space<hbm>>
    %dma_start3A_113 = arith.constant 0 : i32
    %dma_start3A_114 = tpu.memref_slice %arg7[%dma_start3A_108, %dma_start3A_113] : memref<2x512xf32, #tpu.memory_space<vmem>> -> memref<1x512xf32, #tpu.memory_space<vmem>>
    %dma_start3A_115 = tpu.memref_squeeze %dma_start3A_114 : memref<1x512xf32, #tpu.memory_space<vmem>> -> memref<512xf32, #tpu.memory_space<vmem>>
    %dma_start3A_116 = tpu.memref_slice %arg4[%mul3A_107] : memref<1048576xf32, #tpu.memory_space<hbm>> -> memref<512xf32, #tpu.memory_space<hbm>>
    tpu.enqueue_dma source(%dma_start3A_116 : memref<512xf32, #tpu.memory_space<hbm>>) target(%dma_start3A_115 : memref<512xf32, #tpu.memory_space<vmem>>) target_semaphore(%arg13 : memref<!tpu.dma_semaphore, #tpu.memory_space<semaphore_mem>>)
    %scan3A = arith.constant 0 : i32
    %scan3A_117 = arith.constant 0 : i32
    %scan3A_118 = arith.constant 1 : i32
    %scan3A_119 = arith.constant 1 : i32
    %scan3A_120 = arith.constant 0 : i32
    %scan3A_121 = arith.constant 0 : i32
    %scan3A_122 = arith.constant 0 : i32
    %scan3A_123 = arith.constant 1 : i32
    %scan3A_124 = arith.constant 1 : i32
    %scan3A_125 = arith.constant 0 : i32
    %scan3A_126 = arith.constant 32 : i32
    %scan3A_127 = arith.addi %scan3A_125, %scan3A_126 : i32
    %scan3A_128 = arith.constant 1 : i32
    scf.for %scan3A_159 = %scan3A_125 to %scan3A_127 step %scan3A_128  : i32 {
      %mul3A_160 = arith.constant 2 : i32
      %mul3A_161 = arith.muli %mul3A_160, %scan3A_159 : i32
      %dma_wait3A_162 = arith.constant 0 : i32
      %dma_wait3A_163 = arith.constant 0 : i32
      %dma_wait3A_164 = tpu.memref_slice %arg8[%scan3A_117, %dma_wait3A_162, %dma_wait3A_163] : memref<2x256x128xf32, #tpu.memory_space<vmem>> -> memref<1x256x128xf32, #tpu.memory_space<vmem>>
      %dma_wait3A_165 = tpu.memref_squeeze %dma_wait3A_164 : memref<1x256x128xf32, #tpu.memory_space<vmem>> -> memref<256x128xf32, #tpu.memory_space<vmem>>
      %dma_wait3A_166 = arith.constant 0 : i32
      %dma_wait3A_167 = arith.constant 0 : i32
      %dma_wait3A_168 = tpu.memref_slice %dma_wait3A_165[%dma_wait3A_166, %dma_wait3A_167] : memref<256x128xf32, #tpu.memory_space<vmem>> -> memref<64x128xf32, #tpu.memory_space<vmem>>
      %dma_wait3A_169 = arith.constant 0 : i32
      %dma_wait3A_170 = arith.constant 0 : i32
      %dma_wait3A_171 = tpu.memref_slice %arg2[%dma_wait3A_169, %dma_wait3A_170] : memref<131072x128xf32, #tpu.memory_space<hbm>> -> memref<64x128xf32, #tpu.memory_space<hbm>>
      %dma_wait3A_172 = arith.constant 0 : i32
      %dma_wait3A_173 = arith.constant 0 : i32
      %dma_wait3A_174 = tpu.memref_slice %arg8[%scan3A_117, %dma_wait3A_172, %dma_wait3A_173] : memref<2x256x128xf32, #tpu.memory_space<vmem>> -> memref<1x256x128xf32, #tpu.memory_space<vmem>>
      %dma_wait3A_175 = tpu.memref_squeeze %dma_wait3A_174 : memref<1x256x128xf32, #tpu.memory_space<vmem>> -> memref<256x128xf32, #tpu.memory_space<vmem>>
      %dma_wait3A_176 = arith.constant 0 : i32
      %dma_wait3A_177 = arith.constant 0 : i32
      %dma_wait3A_178 = tpu.memref_slice %dma_wait3A_175[%dma_wait3A_176, %dma_wait3A_177] : memref<256x128xf32, #tpu.memory_space<vmem>> -> memref<64x128xf32, #tpu.memory_space<vmem>>
      %dma_wait3A_179 = arith.constant 0 : i32
      %dma_wait3A_180 = arith.constant 0 : i32
      %dma_wait3A_181 = tpu.memref_slice %arg2[%dma_wait3A_179, %dma_wait3A_180] : memref<131072x128xf32, #tpu.memory_space<hbm>> -> memref<64x128xf32, #tpu.memory_space<hbm>>
      tpu.wait_dma2 semaphore(%arg14 : memref<!tpu.dma_semaphore, #tpu.memory_space<semaphore_mem>>) src(%dma_wait3A_181 : memref<64x128xf32, #tpu.memory_space<hbm>>) dst(%dma_wait3A_178 : memref<64x128xf32, #tpu.memory_space<vmem>>)
      %dma_wait3A_182 = arith.constant 0 : i32
      %dma_wait3A_183 = arith.constant 0 : i32
      %dma_wait3A_184 = tpu.memref_slice %arg8[%scan3A_117, %dma_wait3A_182, %dma_wait3A_183] : memref<2x256x128xf32, #tpu.memory_space<vmem>> -> memref<1x256x128xf32, #tpu.memory_space<vmem>>
      %dma_wait3A_185 = tpu.memref_squeeze %dma_wait3A_184 : memref<1x256x128xf32, #tpu.memory_space<vmem>> -> memref<256x128xf32, #tpu.memory_space<vmem>>
      %dma_wait3A_186 = arith.constant 64 : i32
      %dma_wait3A_187 = arith.constant 0 : i32
      %dma_wait3A_188 = tpu.memref_slice %dma_wait3A_185[%dma_wait3A_186, %dma_wait3A_187] : memref<256x128xf32, #tpu.memory_space<vmem>> -> memref<64x128xf32, #tpu.memory_space<vmem>>
      %dma_wait3A_189 = arith.constant 0 : i32
      %dma_wait3A_190 = arith.constant 0 : i32
      %dma_wait3A_191 = tpu.memref_slice %arg2[%dma_wait3A_189, %dma_wait3A_190] : memref<131072x128xf32, #tpu.memory_space<hbm>> -> memref<64x128xf32, #tpu.memory_space<hbm>>
      %dma_wait3A_192 = arith.constant 0 : i32
      %dma_wait3A_193 = arith.constant 0 : i32
      %dma_wait3A_194 = tpu.memref_slice %arg8[%scan3A_117, %dma_wait3A_192, %dma_wait3A_193] : memref<2x256x128xf32, #tpu.memory_space<vmem>> -> memref<1x256x128xf32, #tpu.memory_space<vmem>>
      %dma_wait3A_195 = tpu.memref_squeeze %dma_wait3A_194 : memref<1x256x128xf32, #tpu.memory_space<vmem>> -> memref<256x128xf32, #tpu.memory_space<vmem>>
      %dma_wait3A_196 = arith.constant 64 : i32
      %dma_wait3A_197 = arith.constant 0 : i32
      %dma_wait3A_198 = tpu.memref_slice %dma_wait3A_195[%dma_wait3A_196, %dma_wait3A_197] : memref<256x128xf32, #tpu.memory_space<vmem>> -> memref<64x128xf32, #tpu.memory_space<vmem>>
      %dma_wait3A_199 = arith.constant 0 : i32
      %dma_wait3A_200 = arith.constant 0 : i32
      %dma_wait3A_201 = tpu.memref_slice %arg2[%dma_wait3A_199, %dma_wait3A_200] : memref<131072x128xf32, #tpu.memory_space<hbm>> -> memref<64x128xf32, #tpu.memory_space<hbm>>
      tpu.wait_dma2 semaphore(%arg14 : memref<!tpu.dma_semaphore, #tpu.memory_space<semaphore_mem>>) src(%dma_wait3A_201 : memref<64x128xf32, #tpu.memory_space<hbm>>) dst(%dma_wait3A_198 : memref<64x128xf32, #tpu.memory_space<vmem>>)
      %dma_wait3A_202 = arith.constant 0 : i32
      %dma_wait3A_203 = arith.constant 0 : i32
      %dma_wait3A_204 = tpu.memref_slice %arg8[%scan3A_117, %dma_wait3A_202, %dma_wait3A_203] : memref<2x256x128xf32, #tpu.memory_space<vmem>> -> memref<1x256x128xf32, #tpu.memory_space<vmem>>
      %dma_wait3A_205 = tpu.memref_squeeze %dma_wait3A_204 : memref<1x256x128xf32, #tpu.memory_space<vmem>> -> memref<256x128xf32, #tpu.memory_space<vmem>>
      %dma_wait3A_206 = arith.constant 128 : i32
      %dma_wait3A_207 = arith.constant 0 : i32
      %dma_wait3A_208 = tpu.memref_slice %dma_wait3A_205[%dma_wait3A_206, %dma_wait3A_207] : memref<256x128xf32, #tpu.memory_space<vmem>> -> memref<64x128xf32, #tpu.memory_space<vmem>>
      %dma_wait3A_209 = arith.constant 0 : i32
      %dma_wait3A_210 = arith.constant 0 : i32
      %dma_wait3A_211 = tpu.memref_slice %arg2[%dma_wait3A_209, %dma_wait3A_210] : memref<131072x128xf32, #tpu.memory_space<hbm>> -> memref<64x128xf32, #tpu.memory_space<hbm>>
      %dma_wait3A_212 = arith.constant 0 : i32
      %dma_wait3A_213 = arith.constant 0 : i32
      %dma_wait3A_214 = tpu.memref_slice %arg8[%scan3A_117, %dma_wait3A_212, %dma_wait3A_213] : memref<2x256x128xf32, #tpu.memory_space<vmem>> -> memref<1x256x128xf32, #tpu.memory_space<vmem>>
      %dma_wait3A_215 = tpu.memref_squeeze %dma_wait3A_214 : memref<1x256x128xf32, #tpu.memory_space<vmem>> -> memref<256x128xf32, #tpu.memory_space<vmem>>
      %dma_wait3A_216 = arith.constant 128 : i32
      %dma_wait3A_217 = arith.constant 0 : i32
      %dma_wait3A_218 = tpu.memref_slice %dma_wait3A_215[%dma_wait3A_216, %dma_wait3A_217] : memref<256x128xf32, #tpu.memory_space<vmem>> -> memref<64x128xf32, #tpu.memory_space<vmem>>
      %dma_wait3A_219 = arith.constant 0 : i32
      %dma_wait3A_220 = arith.constant 0 : i32
      %dma_wait3A_221 = tpu.memref_slice %arg2[%dma_wait3A_219, %dma_wait3A_220] : memref<131072x128xf32, #tpu.memory_space<hbm>> -> memref<64x128xf32, #tpu.memory_space<hbm>>
      tpu.wait_dma2 semaphore(%arg14 : memref<!tpu.dma_semaphore, #tpu.memory_space<semaphore_mem>>) src(%dma_wait3A_221 : memref<64x128xf32, #tpu.memory_space<hbm>>) dst(%dma_wait3A_218 : memref<64x128xf32, #tpu.memory_space<vmem>>)
      %dma_wait3A_222 = arith.constant 0 : i32
      %dma_wait3A_223 = arith.constant 0 : i32
      %dma_wait3A_224 = tpu.memref_slice %arg8[%scan3A_117, %dma_wait3A_222, %dma_wait3A_223] : memref<2x256x128xf32, #tpu.memory_space<vmem>> -> memref<1x256x128xf32, #tpu.memory_space<vmem>>
      %dma_wait3A_225 = tpu.memref_squeeze %dma_wait3A_224 : memref<1x256x128xf32, #tpu.memory_space<vmem>> -> memref<256x128xf32, #tpu.memory_space<vmem>>
      %dma_wait3A_226 = arith.constant 192 : i32
      %dma_wait3A_227 = arith.constant 0 : i32
      %dma_wait3A_228 = tpu.memref_slice %dma_wait3A_225[%dma_wait3A_226, %dma_wait3A_227] : memref<256x128xf32, #tpu.memory_space<vmem>> -> memref<64x128xf32, #tpu.memory_space<vmem>>
      %dma_wait3A_229 = arith.constant 0 : i32
      %dma_wait3A_230 = arith.constant 0 : i32
      %dma_wait3A_231 = tpu.memref_slice %arg2[%dma_wait3A_229, %dma_wait3A_230] : memref<131072x128xf32, #tpu.memory_space<hbm>> -> memref<64x128xf32, #tpu.memory_space<hbm>>
      %dma_wait3A_232 = arith.constant 0 : i32
      %dma_wait3A_233 = arith.constant 0 : i32
      %dma_wait3A_234 = tpu.memref_slice %arg8[%scan3A_117, %dma_wait3A_232, %dma_wait3A_233] : memref<2x256x128xf32, #tpu.memory_space<vmem>> -> memref<1x256x128xf32, #tpu.memory_space<vmem>>
      %dma_wait3A_235 = tpu.memref_squeeze %dma_wait3A_234 : memref<1x256x128xf32, #tpu.memory_space<vmem>> -> memref<256x128xf32, #tpu.memory_space<vmem>>
      %dma_wait3A_236 = arith.constant 192 : i32
      %dma_wait3A_237 = arith.constant 0 : i32
      %dma_wait3A_238 = tpu.memref_slice %dma_wait3A_235[%dma_wait3A_236, %dma_wait3A_237] : memref<256x128xf32, #tpu.memory_space<vmem>> -> memref<64x128xf32, #tpu.memory_space<vmem>>
      %dma_wait3A_239 = arith.constant 0 : i32
      %dma_wait3A_240 = arith.constant 0 : i32
      %dma_wait3A_241 = tpu.memref_slice %arg2[%dma_wait3A_239, %dma_wait3A_240] : memref<131072x128xf32, #tpu.memory_space<hbm>> -> memref<64x128xf32, #tpu.memory_space<hbm>>
      tpu.wait_dma2 semaphore(%arg14 : memref<!tpu.dma_semaphore, #tpu.memory_space<semaphore_mem>>) src(%dma_wait3A_241 : memref<64x128xf32, #tpu.memory_space<hbm>>) dst(%dma_wait3A_238 : memref<64x128xf32, #tpu.memory_space<vmem>>)
      %lt3A = arith.constant 63 : i32
      %lt3A_242 = arith.cmpi slt, %mul3A_161, %lt3A : i32
      %convert_element_type3A = arith.extui %lt3A_242 : i1 to i32
      %cond3A = arith.constant 0 : i32
      %cond3A_243 = arith.cmpi ne, %convert_element_type3A, %cond3A : i32
      scf.if %cond3A_243 {
        %add3A_414 = arith.constant 0 : i32
        %add3A_415 = arith.addi %mul3A_2, %add3A_414 : i32
        %dma_wait3A_416 = arith.constant 0 : i32
        %dma_wait3A_417 = arith.constant 0 : i32
        %dma_wait3A_418 = tpu.memref_slice %arg6[%scan3A_118, %dma_wait3A_416, %dma_wait3A_417] : memref<2x4x64xi32, #tpu.memory_space<vmem>> -> memref<1x4x64xi32, #tpu.memory_space<vmem>>
        %dma_wait3A_419 = tpu.memref_squeeze %dma_wait3A_418 : memref<1x4x64xi32, #tpu.memory_space<vmem>> -> memref<4x64xi32, #tpu.memory_space<vmem>>
        %dma_wait3A_420 = arith.constant 0 : i32
        %dma_wait3A_421 = tpu.memref_slice %arg3[%add3A_415, %dma_wait3A_420] : memref<8192x64xi32, #tpu.memory_space<hbm>> -> memref<4x64xi32, #tpu.memory_space<hbm>>
        %dma_wait3A_422 = arith.constant 0 : i32
        %dma_wait3A_423 = arith.constant 0 : i32
        %dma_wait3A_424 = tpu.memref_slice %arg6[%scan3A_118, %dma_wait3A_422, %dma_wait3A_423] : memref<2x4x64xi32, #tpu.memory_space<vmem>> -> memref<1x4x64xi32, #tpu.memory_space<vmem>>
        %dma_wait3A_425 = tpu.memref_squeeze %dma_wait3A_424 : memref<1x4x64xi32, #tpu.memory_space<vmem>> -> memref<4x64xi32, #tpu.memory_space<vmem>>
        %dma_wait3A_426 = arith.constant 0 : i32
        %dma_wait3A_427 = tpu.memref_slice %arg3[%add3A_415, %dma_wait3A_426] : memref<8192x64xi32, #tpu.memory_space<hbm>> -> memref<4x64xi32, #tpu.memory_space<hbm>>
        tpu.wait_dma2 semaphore(%arg11 : memref<!tpu.dma_semaphore, #tpu.memory_space<semaphore_mem>>) src(%dma_wait3A_427 : memref<4x64xi32, #tpu.memory_space<hbm>>) dst(%dma_wait3A_425 : memref<4x64xi32, #tpu.memory_space<vmem>>)
        %dma_start3A_428 = arith.constant 0 : i32
        %dma_start3A_429 = arith.constant 0 : i32
        %dma_start3A_430 = arith.constant 0 : i32
        %dma_start3A_431 = tpu.memref_slice %arg8[%scan3A_119, %dma_start3A_429, %dma_start3A_430] : memref<2x256x128xf32, #tpu.memory_space<vmem>> -> memref<1x256x128xf32, #tpu.memory_space<vmem>>
        %dma_start3A_432 = tpu.memref_squeeze %dma_start3A_431 : memref<1x256x128xf32, #tpu.memory_space<vmem>> -> memref<256x128xf32, #tpu.memory_space<vmem>>
        %dma_start3A_433 = arith.constant 0 : i32
        %dma_start3A_434 = arith.constant 0 : i32
        %dma_start3A_435 = tpu.memref_slice %dma_start3A_432[%dma_start3A_433, %dma_start3A_434] : memref<256x128xf32, #tpu.memory_space<vmem>> -> memref<64x128xf32, #tpu.memory_space<vmem>>
        %dma_start3A_436 = arith.constant 0 : i32
        %dma_start3A_437 = arith.constant 0 : i32
        %dma_start3A_438 = tpu.memref_slice %arg6[%scan3A_118, %dma_start3A_436, %dma_start3A_437] : memref<2x4x64xi32, #tpu.memory_space<vmem>> -> memref<1x4x64xi32, #tpu.memory_space<vmem>>
        %dma_start3A_439 = tpu.memref_squeeze %dma_start3A_438 : memref<1x4x64xi32, #tpu.memory_space<vmem>> -> memref<4x64xi32, #tpu.memory_space<vmem>>
        %dma_start3A_440 = arith.constant 0 : i32
        %dma_start3A_441 = tpu.memref_slice %dma_start3A_439[%dma_start3A_428, %dma_start3A_440] : memref<4x64xi32, #tpu.memory_space<vmem>> -> memref<1x64xi32, #tpu.memory_space<vmem>>
        %dma_start3A_442 = tpu.memref_squeeze %dma_start3A_441 : memref<1x64xi32, #tpu.memory_space<vmem>> -> memref<64xi32, #tpu.memory_space<vmem>>
        %dma_start3A_443 = arith.constant 0 : i32
        %dma_start3A_444 = arith.constant 0 : i32
        %dma_start3A_445 = tpu.memref_slice %arg2[%dma_start3A_443, %dma_start3A_444] : memref<131072x128xf32, #tpu.memory_space<hbm>> -> memref<131072x128xf32, #tpu.memory_space<hbm>>
        tpu.enqueue_indirect_dma source(%dma_start3A_445 : memref<131072x128xf32, #tpu.memory_space<hbm>>) target(%dma_start3A_435 : memref<64x128xf32, #tpu.memory_space<vmem>>) offsets(%dma_start3A_442 : memref<64xi32, #tpu.memory_space<vmem>>) semaphore(%arg14 : memref<!tpu.dma_semaphore, #tpu.memory_space<semaphore_mem>>)
        %dma_start3A_446 = arith.constant 1 : i32
        %dma_start3A_447 = arith.constant 0 : i32
        %dma_start3A_448 = arith.constant 0 : i32
        %dma_start3A_449 = tpu.memref_slice %arg8[%scan3A_119, %dma_start3A_447, %dma_start3A_448] : memref<2x256x128xf32, #tpu.memory_space<vmem>> -> memref<1x256x128xf32, #tpu.memory_space<vmem>>
        %dma_start3A_450 = tpu.memref_squeeze %dma_start3A_449 : memref<1x256x128xf32, #tpu.memory_space<vmem>> -> memref<256x128xf32, #tpu.memory_space<vmem>>
        %dma_start3A_451 = arith.constant 64 : i32
        %dma_start3A_452 = arith.constant 0 : i32
        %dma_start3A_453 = tpu.memref_slice %dma_start3A_450[%dma_start3A_451, %dma_start3A_452] : memref<256x128xf32, #tpu.memory_space<vmem>> -> memref<64x128xf32, #tpu.memory_space<vmem>>
        %dma_start3A_454 = arith.constant 0 : i32
        %dma_start3A_455 = arith.constant 0 : i32
        %dma_start3A_456 = tpu.memref_slice %arg6[%scan3A_118, %dma_start3A_454, %dma_start3A_455] : memref<2x4x64xi32, #tpu.memory_space<vmem>> -> memref<1x4x64xi32, #tpu.memory_space<vmem>>
        %dma_start3A_457 = tpu.memref_squeeze %dma_start3A_456 : memref<1x4x64xi32, #tpu.memory_space<vmem>> -> memref<4x64xi32, #tpu.memory_space<vmem>>
        %dma_start3A_458 = arith.constant 0 : i32
        %dma_start3A_459 = tpu.memref_slice %dma_start3A_457[%dma_start3A_446, %dma_start3A_458] : memref<4x64xi32, #tpu.memory_space<vmem>> -> memref<1x64xi32, #tpu.memory_space<vmem>>
        %dma_start3A_460 = tpu.memref_squeeze %dma_start3A_459 : memref<1x64xi32, #tpu.memory_space<vmem>> -> memref<64xi32, #tpu.memory_space<vmem>>
        %dma_start3A_461 = arith.constant 0 : i32
        %dma_start3A_462 = arith.constant 0 : i32
        %dma_start3A_463 = tpu.memref_slice %arg2[%dma_start3A_461, %dma_start3A_462] : memref<131072x128xf32, #tpu.memory_space<hbm>> -> memref<131072x128xf32, #tpu.memory_space<hbm>>
        tpu.enqueue_indirect_dma source(%dma_start3A_463 : memref<131072x128xf32, #tpu.memory_space<hbm>>) target(%dma_start3A_453 : memref<64x128xf32, #tpu.memory_space<vmem>>) offsets(%dma_start3A_460 : memref<64xi32, #tpu.memory_space<vmem>>) semaphore(%arg14 : memref<!tpu.dma_semaphore, #tpu.memory_space<semaphore_mem>>)
        %dma_start3A_464 = arith.constant 2 : i32
        %dma_start3A_465 = arith.constant 0 : i32
        %dma_start3A_466 = arith.constant 0 : i32
        %dma_start3A_467 = tpu.memref_slice %arg8[%scan3A_119, %dma_start3A_465, %dma_start3A_466] : memref<2x256x128xf32, #tpu.memory_space<vmem>> -> memref<1x256x128xf32, #tpu.memory_space<vmem>>
        %dma_start3A_468 = tpu.memref_squeeze %dma_start3A_467 : memref<1x256x128xf32, #tpu.memory_space<vmem>> -> memref<256x128xf32, #tpu.memory_space<vmem>>
        %dma_start3A_469 = arith.constant 128 : i32
        %dma_start3A_470 = arith.constant 0 : i32
        %dma_start3A_471 = tpu.memref_slice %dma_start3A_468[%dma_start3A_469, %dma_start3A_470] : memref<256x128xf32, #tpu.memory_space<vmem>> -> memref<64x128xf32, #tpu.memory_space<vmem>>
        %dma_start3A_472 = arith.constant 0 : i32
        %dma_start3A_473 = arith.constant 0 : i32
        %dma_start3A_474 = tpu.memref_slice %arg6[%scan3A_118, %dma_start3A_472, %dma_start3A_473] : memref<2x4x64xi32, #tpu.memory_space<vmem>> -> memref<1x4x64xi32, #tpu.memory_space<vmem>>
        %dma_start3A_475 = tpu.memref_squeeze %dma_start3A_474 : memref<1x4x64xi32, #tpu.memory_space<vmem>> -> memref<4x64xi32, #tpu.memory_space<vmem>>
        %dma_start3A_476 = arith.constant 0 : i32
        %dma_start3A_477 = tpu.memref_slice %dma_start3A_475[%dma_start3A_464, %dma_start3A_476] : memref<4x64xi32, #tpu.memory_space<vmem>> -> memref<1x64xi32, #tpu.memory_space<vmem>>
        %dma_start3A_478 = tpu.memref_squeeze %dma_start3A_477 : memref<1x64xi32, #tpu.memory_space<vmem>> -> memref<64xi32, #tpu.memory_space<vmem>>
        %dma_start3A_479 = arith.constant 0 : i32
        %dma_start3A_480 = arith.constant 0 : i32
        %dma_start3A_481 = tpu.memref_slice %arg2[%dma_start3A_479, %dma_start3A_480] : memref<131072x128xf32, #tpu.memory_space<hbm>> -> memref<131072x128xf32, #tpu.memory_space<hbm>>
        tpu.enqueue_indirect_dma source(%dma_start3A_481 : memref<131072x128xf32, #tpu.memory_space<hbm>>) target(%dma_start3A_471 : memref<64x128xf32, #tpu.memory_space<vmem>>) offsets(%dma_start3A_478 : memref<64xi32, #tpu.memory_space<vmem>>) semaphore(%arg14 : memref<!tpu.dma_semaphore, #tpu.memory_space<semaphore_mem>>)
        %dma_start3A_482 = arith.constant 3 : i32
        %dma_start3A_483 = arith.constant 0 : i32
        %dma_start3A_484 = arith.constant 0 : i32
        %dma_start3A_485 = tpu.memref_slice %arg8[%scan3A_119, %dma_start3A_483, %dma_start3A_484] : memref<2x256x128xf32, #tpu.memory_space<vmem>> -> memref<1x256x128xf32, #tpu.memory_space<vmem>>
        %dma_start3A_486 = tpu.memref_squeeze %dma_start3A_485 : memref<1x256x128xf32, #tpu.memory_space<vmem>> -> memref<256x128xf32, #tpu.memory_space<vmem>>
        %dma_start3A_487 = arith.constant 192 : i32
        %dma_start3A_488 = arith.constant 0 : i32
        %dma_start3A_489 = tpu.memref_slice %dma_start3A_486[%dma_start3A_487, %dma_start3A_488] : memref<256x128xf32, #tpu.memory_space<vmem>> -> memref<64x128xf32, #tpu.memory_space<vmem>>
        %dma_start3A_490 = arith.constant 0 : i32
        %dma_start3A_491 = arith.constant 0 : i32
        %dma_start3A_492 = tpu.memref_slice %arg6[%scan3A_118, %dma_start3A_490, %dma_start3A_491] : memref<2x4x64xi32, #tpu.memory_space<vmem>> -> memref<1x4x64xi32, #tpu.memory_space<vmem>>
        %dma_start3A_493 = tpu.memref_squeeze %dma_start3A_492 : memref<1x4x64xi32, #tpu.memory_space<vmem>> -> memref<4x64xi32, #tpu.memory_space<vmem>>
        %dma_start3A_494 = arith.constant 0 : i32
        %dma_start3A_495 = tpu.memref_slice %dma_start3A_493[%dma_start3A_482, %dma_start3A_494] : memref<4x64xi32, #tpu.memory_space<vmem>> -> memref<1x64xi32, #tpu.memory_space<vmem>>
        %dma_start3A_496 = tpu.memref_squeeze %dma_start3A_495 : memref<1x64xi32, #tpu.memory_space<vmem>> -> memref<64xi32, #tpu.memory_space<vmem>>
        %dma_start3A_497 = arith.constant 0 : i32
        %dma_start3A_498 = arith.constant 0 : i32
        %dma_start3A_499 = tpu.memref_slice %arg2[%dma_start3A_497, %dma_start3A_498] : memref<131072x128xf32, #tpu.memory_space<hbm>> -> memref<131072x128xf32, #tpu.memory_space<hbm>>
        tpu.enqueue_indirect_dma source(%dma_start3A_499 : memref<131072x128xf32, #tpu.memory_space<hbm>>) target(%dma_start3A_489 : memref<64x128xf32, #tpu.memory_space<vmem>>) offsets(%dma_start3A_496 : memref<64xi32, #tpu.memory_space<vmem>>) semaphore(%arg14 : memref<!tpu.dma_semaphore, #tpu.memory_space<semaphore_mem>>)
      } else {
      }
      %lt3A_244 = arith.constant 62 : i32
      %lt3A_245 = arith.cmpi slt, %mul3A_161, %lt3A_244 : i32
      %convert_element_type3A_246 = arith.extui %lt3A_245 : i1 to i32
      %cond3A_247 = arith.constant 0 : i32
      %cond3A_248 = arith.cmpi ne, %convert_element_type3A_246, %cond3A_247 : i32
      scf.if %cond3A_248 {
        %add3A_414 = arith.constant 2 : i32
        %add3A_415 = arith.addi %mul3A_161, %add3A_414 : i32
        %mul3A_416 = arith.constant 4 : i32
        %mul3A_417 = arith.muli %add3A_415, %mul3A_416 : i32
        %add3A_418 = arith.addi %mul3A_2, %mul3A_417 : i32
        %dma_start3A_419 = arith.constant 0 : i32
        %dma_start3A_420 = arith.constant 0 : i32
        %dma_start3A_421 = tpu.memref_slice %arg6[%scan3A_120, %dma_start3A_419, %dma_start3A_420] : memref<2x4x64xi32, #tpu.memory_space<vmem>> -> memref<1x4x64xi32, #tpu.memory_space<vmem>>
        %dma_start3A_422 = tpu.memref_squeeze %dma_start3A_421 : memref<1x4x64xi32, #tpu.memory_space<vmem>> -> memref<4x64xi32, #tpu.memory_space<vmem>>
        %dma_start3A_423 = arith.constant 0 : i32
        %dma_start3A_424 = tpu.memref_slice %arg3[%add3A_418, %dma_start3A_423] : memref<8192x64xi32, #tpu.memory_space<hbm>> -> memref<4x64xi32, #tpu.memory_space<hbm>>
        %dma_start3A_425 = arith.constant 0 : i32
        %dma_start3A_426 = arith.constant 0 : i32
        %dma_start3A_427 = tpu.memref_slice %arg6[%scan3A_120, %dma_start3A_425, %dma_start3A_426] : memref<2x4x64xi32, #tpu.memory_space<vmem>> -> memref<1x4x64xi32, #tpu.memory_space<vmem>>
        %dma_start3A_428 = tpu.memref_squeeze %dma_start3A_427 : memref<1x4x64xi32, #tpu.memory_space<vmem>> -> memref<4x64xi32, #tpu.memory_space<vmem>>
        %dma_start3A_429 = arith.constant 0 : i32
        %dma_start3A_430 = tpu.memref_slice %arg3[%add3A_418, %dma_start3A_429] : memref<8192x64xi32, #tpu.memory_space<hbm>> -> memref<4x64xi32, #tpu.memory_space<hbm>>
        tpu.enqueue_dma source(%dma_start3A_430 : memref<4x64xi32, #tpu.memory_space<hbm>>) target(%dma_start3A_428 : memref<4x64xi32, #tpu.memory_space<vmem>>) target_semaphore(%arg10 : memref<!tpu.dma_semaphore, #tpu.memory_space<semaphore_mem>>)
      } else {
      }
      %ge3A = arith.constant 1 : i32
      %ge3A_249 = arith.cmpi sge, %mul3A_161, %ge3A : i32
      %convert_element_type3A_250 = arith.extui %ge3A_249 : i1 to i32
      %cond3A_251 = arith.constant 0 : i32
      %cond3A_252 = arith.cmpi ne, %convert_element_type3A_250, %cond3A_251 : i32
      scf.if %cond3A_252 {
        %add3A_414 = arith.constant 0 : i32
        %add3A_415 = arith.addi %mul3A_2, %add3A_414 : i32
        %mul3A_416 = arith.constant 128 : i32
        %mul3A_417 = arith.muli %add3A_415, %mul3A_416 : i32
        %dma_wait3A_418 = arith.constant 0 : i32
        %dma_wait3A_419 = tpu.memref_slice %arg7[%scan3A_121, %dma_wait3A_418] : memref<2x512xf32, #tpu.memory_space<vmem>> -> memref<1x512xf32, #tpu.memory_space<vmem>>
        %dma_wait3A_420 = tpu.memref_squeeze %dma_wait3A_419 : memref<1x512xf32, #tpu.memory_space<vmem>> -> memref<512xf32, #tpu.memory_space<vmem>>
        %dma_wait3A_421 = tpu.memref_slice %arg4[%mul3A_417] : memref<1048576xf32, #tpu.memory_space<hbm>> -> memref<512xf32, #tpu.memory_space<hbm>>
        %dma_wait3A_422 = arith.constant 0 : i32
        %dma_wait3A_423 = tpu.memref_slice %arg7[%scan3A_121, %dma_wait3A_422] : memref<2x512xf32, #tpu.memory_space<vmem>> -> memref<1x512xf32, #tpu.memory_space<vmem>>
        %dma_wait3A_424 = tpu.memref_squeeze %dma_wait3A_423 : memref<1x512xf32, #tpu.memory_space<vmem>> -> memref<512xf32, #tpu.memory_space<vmem>>
        %dma_wait3A_425 = tpu.memref_slice %arg4[%mul3A_417] : memref<1048576xf32, #tpu.memory_space<hbm>> -> memref<512xf32, #tpu.memory_space<hbm>>
        tpu.wait_dma2 semaphore(%arg12 : memref<!tpu.dma_semaphore, #tpu.memory_space<semaphore_mem>>) src(%dma_wait3A_425 : memref<512xf32, #tpu.memory_space<hbm>>) dst(%dma_wait3A_424 : memref<512xf32, #tpu.memory_space<vmem>>)
      } else {
      }
      %ge3A_253 = arith.constant 2 : i32
      %ge3A_254 = arith.cmpi sge, %mul3A_161, %ge3A_253 : i32
      %convert_element_type3A_255 = arith.extui %ge3A_254 : i1 to i32
      %cond3A_256 = arith.constant 0 : i32
      %cond3A_257 = arith.cmpi ne, %convert_element_type3A_255, %cond3A_256 : i32
      scf.if %cond3A_257 {
        %add3A_414 = arith.constant 0 : i32
        %add3A_415 = arith.addi %mul3A_2, %add3A_414 : i32
        %dma_wait3A_416 = arith.constant 0 : i32
        %dma_wait3A_417 = arith.constant 0 : i32
        %dma_wait3A_418 = tpu.memref_slice %arg9[%scan3A_122, %dma_wait3A_416, %dma_wait3A_417] : memref<2x4x1024xf32, #tpu.memory_space<vmem>> -> memref<1x4x1024xf32, #tpu.memory_space<vmem>>
        %dma_wait3A_419 = tpu.memref_squeeze %dma_wait3A_418 : memref<1x4x1024xf32, #tpu.memory_space<vmem>> -> memref<4x1024xf32, #tpu.memory_space<vmem>>
        %dma_wait3A_420 = arith.constant 0 : i32
        %dma_wait3A_421 = tpu.memref_slice %arg5[%add3A_415, %dma_wait3A_420] : memref<8192x1024xf32, #tpu.memory_space<hbm>> -> memref<4x1024xf32, #tpu.memory_space<hbm>>
        %dma_wait3A_422 = arith.constant 0 : i32
        %dma_wait3A_423 = arith.constant 0 : i32
        %dma_wait3A_424 = tpu.memref_slice %arg9[%scan3A_122, %dma_wait3A_422, %dma_wait3A_423] : memref<2x4x1024xf32, #tpu.memory_space<vmem>> -> memref<1x4x1024xf32, #tpu.memory_space<vmem>>
        %dma_wait3A_425 = tpu.memref_squeeze %dma_wait3A_424 : memref<1x4x1024xf32, #tpu.memory_space<vmem>> -> memref<4x1024xf32, #tpu.memory_space<vmem>>
        %dma_wait3A_426 = arith.constant 0 : i32
        %dma_wait3A_427 = tpu.memref_slice %arg5[%add3A_415, %dma_wait3A_426] : memref<8192x1024xf32, #tpu.memory_space<hbm>> -> memref<4x1024xf32, #tpu.memory_space<hbm>>
        tpu.wait_dma2 semaphore(%arg15 : memref<!tpu.dma_semaphore, #tpu.memory_space<semaphore_mem>>) src(%dma_wait3A_427 : memref<4x1024xf32, #tpu.memory_space<hbm>>) dst(%dma_wait3A_425 : memref<4x1024xf32, #tpu.memory_space<vmem>>)
      } else {
      }
      %scan3A_258 = arith.constant 0 : i32
      %scan3A_259 = arith.constant 0 : i32
      %scan3A_260 = arith.constant 64 : i32
      %scan3A_261 = arith.addi %scan3A_259, %scan3A_260 : i32
      %scan3A_262 = arith.constant 2 : i32
      scf.for %scan3A_414 = %scan3A_259 to %scan3A_261 step %scan3A_262  : i32 {
        %jit3A = arith.constant 16 : i32
        %div3A = arith.divsi %scan3A_414, %jit3A : i32
        %sign3A = arith.constant 0 : i32
        %sign3A_415 = arith.cmpi sgt, %scan3A_414, %sign3A : i32
        %sign3A_416 = arith.extui %sign3A_415 : i1 to i32
        %sign3A_417 = arith.constant 0 : i32
        %sign3A_418 = arith.cmpi slt, %scan3A_414, %sign3A_417 : i32
        %sign3A_419 = arith.extui %sign3A_418 : i1 to i32
        %sign3A_420 = arith.subi %sign3A_416, %sign3A_419 : i32
        %sign3A_421 = arith.constant 0 : i32
        %sign3A_422 = arith.cmpi sgt, %jit3A, %sign3A_421 : i32
        %sign3A_423 = arith.extui %sign3A_422 : i1 to i32
        %sign3A_424 = arith.constant 0 : i32
        %sign3A_425 = arith.cmpi slt, %jit3A, %sign3A_424 : i32
        %sign3A_426 = arith.extui %sign3A_425 : i1 to i32
        %sign3A_427 = arith.subi %sign3A_423, %sign3A_426 : i32
        %ne3A = arith.cmpi ne, %sign3A_420, %sign3A_427 : i32
        %rem3A = arith.remsi %scan3A_414, %jit3A : i32
        %ne3A_428 = arith.constant 0 : i32
        %ne3A_429 = arith.cmpi ne, %rem3A, %ne3A_428 : i32
        %and3A = arith.andi %ne3A, %ne3A_429 : i1
        %sub3A = arith.constant 1 : i32
        %sub3A_430 = arith.subi %div3A, %sub3A : i32
        %select_n3A = arith.select %and3A, %sub3A_430, %div3A : i32
        %jit3A_431 = arith.constant 16 : i32
        %eq3A = arith.constant 0 : i32
        %eq3A_432 = arith.cmpi eq, %jit3A_431, %eq3A : i32
        %jit3A_433 = arith.constant 1 : i32
        %select_n3A_434 = arith.select %eq3A_432, %jit3A_433, %jit3A_431 : i32
        %rem3A_435 = arith.remsi %scan3A_414, %select_n3A_434 : i32
        %ne3A_436 = arith.constant 0 : i32
        %ne3A_437 = arith.cmpi ne, %rem3A_435, %ne3A_436 : i32
        %lt3A_438 = arith.constant 0 : i32
        %lt3A_439 = arith.cmpi slt, %rem3A_435, %lt3A_438 : i32
        %lt3A_440 = arith.constant 0 : i32
        %lt3A_441 = arith.cmpi slt, %select_n3A_434, %lt3A_440 : i32
        %ne3A_442 = arith.xori %lt3A_439, %lt3A_441 : i1
        %and3A_443 = arith.andi %ne3A_442, %ne3A_437 : i1
        %add3A_444 = arith.addi %rem3A_435, %select_n3A_434 : i32
        %select_n3A_445 = arith.select %and3A_443, %add3A_444, %rem3A_435 : i32
        %broadcast_in_dim3A = vector.broadcast %select_n3A_445 : i32 to vector<16xi32>
        %broadcast_in_dim3A_446 = arith.constant 0.000000e+00 : f32
        %broadcast_in_dim3A_447 = vector.broadcast %broadcast_in_dim3A_446 : f32 to vector<16xf32>
        %broadcast_in_dim3A_448 = arith.constant 0.000000e+00 : f32
        %broadcast_in_dim3A_449 = vector.broadcast %broadcast_in_dim3A_448 : f32 to vector<16xf32>
        %broadcast_in_dim3A_450 = arith.constant 0.000000e+00 : f32
        %broadcast_in_dim3A_451 = vector.broadcast %broadcast_in_dim3A_450 : f32 to vector<16xf32>
        %broadcast_in_dim3A_452 = arith.constant 0.000000e+00 : f32
        %broadcast_in_dim3A_453 = vector.broadcast %broadcast_in_dim3A_452 : f32 to vector<16xf32>
        %mul3A_454 = arith.constant 64 : i32
        %mul3A_455 = arith.muli %select_n3A, %mul3A_454 : i32
        %add3A_456 = arith.constant 0 : i32
        %add3A_457 = arith.addi %mul3A_455, %add3A_456 : i32
        %add3A_458 = arith.addi %add3A_457, %select_n3A_445 : i32
        %mul3A_459 = arith.constant 128 : i32
        %mul3A_460 = arith.muli %select_n3A, %mul3A_459 : i32
        %add3A_461 = arith.constant 0 : i32
        %add3A_462 = arith.addi %mul3A_460, %add3A_461 : i32
        %get3A = arith.constant 0 : i32
        %get3A_463 = tpu.memref_slice %arg7[%scan3A_121, %get3A] : memref<2x512xf32, #tpu.memory_space<vmem>> -> memref<1x512xf32, #tpu.memory_space<vmem>>
        %get3A_464 = tpu.memref_squeeze %get3A_463 : memref<1x512xf32, #tpu.memory_space<vmem>> -> memref<512xf32, #tpu.memory_space<vmem>>
        %get3A_465 = arith.index_cast %add3A_462 : i32 to index
        %get3A_466 = tpu.vector_load %get3A_464[%get3A_465] {strides = array<i32>} : memref<512xf32, #tpu.memory_space<vmem>>, vector<16xf32>,
        %get3A_467 = vector.shape_cast %get3A_466 : vector<16xf32> to vector<16xf32>
        %broadcast_in_dim3A_468 = vector.shape_cast %broadcast_in_dim3A : vector<16xi32> to vector<16x1xi32>
        %gather3A = vector.shape_cast %broadcast_in_dim3A_468 : vector<16x1xi32> to vector<16xi32>
        %gather3A_469 = tpu.dynamic_gather %get3A_467[%gather3A] in [0] : vector<16xf32>, vector<16xi32> -> vector<16xf32>
        %mul3A_470 = arith.constant 128 : i32
        %mul3A_471 = arith.muli %select_n3A, %mul3A_470 : i32
        %add3A_472 = arith.constant 0 : i32
        %add3A_473 = arith.addi %mul3A_471, %add3A_472 : i32
        %add3A_474 = arith.constant 16 : i32
        %add3A_475 = arith.addi %add3A_473, %add3A_474 : i32
        %get3A_476 = arith.constant 0 : i32
        %get3A_477 = tpu.memref_slice %arg7[%scan3A_121, %get3A_476] : memref<2x512xf32, #tpu.memory_space<vmem>> -> memref<1x512xf32, #tpu.memory_space<vmem>>
        %get3A_478 = tpu.memref_squeeze %get3A_477 : memref<1x512xf32, #tpu.memory_space<vmem>> -> memref<512xf32, #tpu.memory_space<vmem>>
        %get3A_479 = arith.index_cast %add3A_475 : i32 to index
        %get3A_480 = tpu.vector_load %get3A_478[%get3A_479] {strides = array<i32>} : memref<512xf32, #tpu.memory_space<vmem>>, vector<16xf32>,
        %get3A_481 = vector.shape_cast %get3A_480 : vector<16xf32> to vector<16xf32>
        %broadcast_in_dim3A_482 = vector.shape_cast %broadcast_in_dim3A : vector<16xi32> to vector<16x1xi32>
        %gather3A_483 = vector.shape_cast %broadcast_in_dim3A_482 : vector<16x1xi32> to vector<16xi32>
        %gather3A_484 = tpu.dynamic_gather %get3A_481[%gather3A_483] in [0] : vector<16xf32>, vector<16xi32> -> vector<16xf32>
        %get3A_485 = arith.constant 0 : i32
        %get3A_486 = arith.constant 0 : i32
        %get3A_487 = tpu.memref_slice %arg8[%scan3A_117, %get3A_485, %get3A_486] : memref<2x256x128xf32, #tpu.memory_space<vmem>> -> memref<1x256x128xf32, #tpu.memory_space<vmem>>
        %get3A_488 = tpu.memref_squeeze %get3A_487 : memref<1x256x128xf32, #tpu.memory_space<vmem>> -> memref<256x128xf32, #tpu.memory_space<vmem>>
        %get3A_489 = arith.index_cast %add3A_458 : i32 to index
        %get3A_490 = arith.constant 0 : index
        %get3A_491 = tpu.vector_load %get3A_488[%get3A_489, %get3A_490] {strides = array<i32>} : memref<256x128xf32, #tpu.memory_space<vmem>>, vector<1x16xf32>,
        %get3A_492 = vector.shape_cast %get3A_491 : vector<1x16xf32> to vector<16xf32>
        %mul3A_493 = arith.mulf %gather3A_469, %get3A_492 : vector<16xf32>
        %add3A_494 = arith.addf %broadcast_in_dim3A_447, %mul3A_493 : vector<16xf32>
        %get3A_495 = arith.constant 0 : i32
        %get3A_496 = arith.constant 0 : i32
        %get3A_497 = tpu.memref_slice %arg8[%scan3A_117, %get3A_495, %get3A_496] : memref<2x256x128xf32, #tpu.memory_space<vmem>> -> memref<1x256x128xf32, #tpu.memory_space<vmem>>
        %get3A_498 = tpu.memref_squeeze %get3A_497 : memref<1x256x128xf32, #tpu.memory_space<vmem>> -> memref<256x128xf32, #tpu.memory_space<vmem>>
        %get3A_499 = arith.index_cast %add3A_458 : i32 to index
        %get3A_500 = arith.constant 64 : index
        %get3A_501 = tpu.vector_load %get3A_498[%get3A_499, %get3A_500] {strides = array<i32>} : memref<256x128xf32, #tpu.memory_space<vmem>>, vector<1x16xf32>,
        %get3A_502 = vector.shape_cast %get3A_501 : vector<1x16xf32> to vector<16xf32>
        %mul3A_503 = arith.mulf %gather3A_484, %get3A_502 : vector<16xf32>
        %add3A_504 = arith.addf %add3A_494, %mul3A_503 : vector<16xf32>
        %get3A_505 = arith.constant 0 : i32
        %get3A_506 = arith.constant 0 : i32
        %get3A_507 = tpu.memref_slice %arg8[%scan3A_117, %get3A_505, %get3A_506] : memref<2x256x128xf32, #tpu.memory_space<vmem>> -> memref<1x256x128xf32, #tpu.memory_space<vmem>>
        %get3A_508 = tpu.memref_squeeze %get3A_507 : memref<1x256x128xf32, #tpu.memory_space<vmem>> -> memref<256x128xf32, #tpu.memory_space<vmem>>
        %get3A_509 = arith.index_cast %add3A_458 : i32 to index
        %get3A_510 = arith.constant 16 : index
        %get3A_511 = tpu.vector_load %get3A_508[%get3A_509, %get3A_510] {strides = array<i32>} : memref<256x128xf32, #tpu.memory_space<vmem>>, vector<1x16xf32>,
        %get3A_512 = vector.shape_cast %get3A_511 : vector<1x16xf32> to vector<16xf32>
        %mul3A_513 = arith.mulf %gather3A_469, %get3A_512 : vector<16xf32>
        %add3A_514 = arith.addf %broadcast_in_dim3A_449, %mul3A_513 : vector<16xf32>
        %get3A_515 = arith.constant 0 : i32
        %get3A_516 = arith.constant 0 : i32
        %get3A_517 = tpu.memref_slice %arg8[%scan3A_117, %get3A_515, %get3A_516] : memref<2x256x128xf32, #tpu.memory_space<vmem>> -> memref<1x256x128xf32, #tpu.memory_space<vmem>>
        %get3A_518 = tpu.memref_squeeze %get3A_517 : memref<1x256x128xf32, #tpu.memory_space<vmem>> -> memref<256x128xf32, #tpu.memory_space<vmem>>
        %get3A_519 = arith.index_cast %add3A_458 : i32 to index
        %get3A_520 = arith.constant 80 : index
        %get3A_521 = tpu.vector_load %get3A_518[%get3A_519, %get3A_520] {strides = array<i32>} : memref<256x128xf32, #tpu.memory_space<vmem>>, vector<1x16xf32>,
        %get3A_522 = vector.shape_cast %get3A_521 : vector<1x16xf32> to vector<16xf32>
        %mul3A_523 = arith.mulf %gather3A_484, %get3A_522 : vector<16xf32>
        %add3A_524 = arith.addf %add3A_514, %mul3A_523 : vector<16xf32>
        %get3A_525 = arith.constant 0 : i32
        %get3A_526 = arith.constant 0 : i32
        %get3A_527 = tpu.memref_slice %arg8[%scan3A_117, %get3A_525, %get3A_526] : memref<2x256x128xf32, #tpu.memory_space<vmem>> -> memref<1x256x128xf32, #tpu.memory_space<vmem>>
        %get3A_528 = tpu.memref_squeeze %get3A_527 : memref<1x256x128xf32, #tpu.memory_space<vmem>> -> memref<256x128xf32, #tpu.memory_space<vmem>>
        %get3A_529 = arith.index_cast %add3A_458 : i32 to index
        %get3A_530 = arith.constant 32 : index
        %get3A_531 = tpu.vector_load %get3A_528[%get3A_529, %get3A_530] {strides = array<i32>} : memref<256x128xf32, #tpu.memory_space<vmem>>, vector<1x16xf32>,
        %get3A_532 = vector.shape_cast %get3A_531 : vector<1x16xf32> to vector<16xf32>
        %mul3A_533 = arith.mulf %gather3A_469, %get3A_532 : vector<16xf32>
        %add3A_534 = arith.addf %broadcast_in_dim3A_451, %mul3A_533 : vector<16xf32>
        %get3A_535 = arith.constant 0 : i32
        %get3A_536 = arith.constant 0 : i32
        %get3A_537 = tpu.memref_slice %arg8[%scan3A_117, %get3A_535, %get3A_536] : memref<2x256x128xf32, #tpu.memory_space<vmem>> -> memref<1x256x128xf32, #tpu.memory_space<vmem>>
        %get3A_538 = tpu.memref_squeeze %get3A_537 : memref<1x256x128xf32, #tpu.memory_space<vmem>> -> memref<256x128xf32, #tpu.memory_space<vmem>>
        %get3A_539 = arith.index_cast %add3A_458 : i32 to index
        %get3A_540 = arith.constant 96 : index
        %get3A_541 = tpu.vector_load %get3A_538[%get3A_539, %get3A_540] {strides = array<i32>} : memref<256x128xf32, #tpu.memory_space<vmem>>, vector<1x16xf32>,
        %get3A_542 = vector.shape_cast %get3A_541 : vector<1x16xf32> to vector<16xf32>
        %mul3A_543 = arith.mulf %gather3A_484, %get3A_542 : vector<16xf32>
        %add3A_544 = arith.addf %add3A_534, %mul3A_543 : vector<16xf32>
        %get3A_545 = arith.constant 0 : i32
        %get3A_546 = arith.constant 0 : i32
        %get3A_547 = tpu.memref_slice %arg8[%scan3A_117, %get3A_545, %get3A_546] : memref<2x256x128xf32, #tpu.memory_space<vmem>> -> memref<1x256x128xf32, #tpu.memory_space<vmem>>
        %get3A_548 = tpu.memref_squeeze %get3A_547 : memref<1x256x128xf32, #tpu.memory_space<vmem>> -> memref<256x128xf32, #tpu.memory_space<vmem>>
        %get3A_549 = arith.index_cast %add3A_458 : i32 to index
        %get3A_550 = arith.constant 48 : index
        %get3A_551 = tpu.vector_load %get3A_548[%get3A_549, %get3A_550] {strides = array<i32>} : memref<256x128xf32, #tpu.memory_space<vmem>>, vector<1x16xf32>,
        %get3A_552 = vector.shape_cast %get3A_551 : vector<1x16xf32> to vector<16xf32>
        %mul3A_553 = arith.mulf %gather3A_469, %get3A_552 : vector<16xf32>
        %add3A_554 = arith.addf %broadcast_in_dim3A_453, %mul3A_553 : vector<16xf32>
        %get3A_555 = arith.constant 0 : i32
        %get3A_556 = arith.constant 0 : i32
        %get3A_557 = tpu.memref_slice %arg8[%scan3A_117, %get3A_555, %get3A_556] : memref<2x256x128xf32, #tpu.memory_space<vmem>> -> memref<1x256x128xf32, #tpu.memory_space<vmem>>
        %get3A_558 = tpu.memref_squeeze %get3A_557 : memref<1x256x128xf32, #tpu.memory_space<vmem>> -> memref<256x128xf32, #tpu.memory_space<vmem>>
        %get3A_559 = arith.index_cast %add3A_458 : i32 to index
        %get3A_560 = arith.constant 112 : index
        %get3A_561 = tpu.vector_load %get3A_558[%get3A_559, %get3A_560] {strides = array<i32>} : memref<256x128xf32, #tpu.memory_space<vmem>>, vector<1x16xf32>,
        %get3A_562 = vector.shape_cast %get3A_561 : vector<1x16xf32> to vector<16xf32>
        %mul3A_563 = arith.mulf %gather3A_484, %get3A_562 : vector<16xf32>
        %add3A_564 = arith.addf %add3A_554, %mul3A_563 : vector<16xf32>
        %mul3A_565 = arith.constant 64 : i32
        %mul3A_566 = arith.muli %select_n3A, %mul3A_565 : i32
        %add3A_567 = arith.constant 16 : i32
        %add3A_568 = arith.addi %mul3A_566, %add3A_567 : i32
        %add3A_569 = arith.addi %add3A_568, %select_n3A_445 : i32
        %mul3A_570 = arith.constant 128 : i32
        %mul3A_571 = arith.muli %select_n3A, %mul3A_570 : i32
        %add3A_572 = arith.constant 32 : i32
        %add3A_573 = arith.addi %mul3A_571, %add3A_572 : i32
        %get3A_574 = arith.constant 0 : i32
        %get3A_575 = tpu.memref_slice %arg7[%scan3A_121, %get3A_574] : memref<2x512xf32, #tpu.memory_space<vmem>> -> memref<1x512xf32, #tpu.memory_space<vmem>>
        %get3A_576 = tpu.memref_squeeze %get3A_575 : memref<1x512xf32, #tpu.memory_space<vmem>> -> memref<512xf32, #tpu.memory_space<vmem>>
        %get3A_577 = arith.index_cast %add3A_573 : i32 to index
        %get3A_578 = tpu.vector_load %get3A_576[%get3A_577] {strides = array<i32>} : memref<512xf32, #tpu.memory_space<vmem>>, vector<16xf32>,
        %get3A_579 = vector.shape_cast %get3A_578 : vector<16xf32> to vector<16xf32>
        %broadcast_in_dim3A_580 = vector.shape_cast %broadcast_in_dim3A : vector<16xi32> to vector<16x1xi32>
        %gather3A_581 = vector.shape_cast %broadcast_in_dim3A_580 : vector<16x1xi32> to vector<16xi32>
        %gather3A_582 = tpu.dynamic_gather %get3A_579[%gather3A_581] in [0] : vector<16xf32>, vector<16xi32> -> vector<16xf32>
        %mul3A_583 = arith.constant 128 : i32
        %mul3A_584 = arith.muli %select_n3A, %mul3A_583 : i32
        %add3A_585 = arith.constant 32 : i32
        %add3A_586 = arith.addi %mul3A_584, %add3A_585 : i32
        %add3A_587 = arith.constant 16 : i32
        %add3A_588 = arith.addi %add3A_586, %add3A_587 : i32
        %get3A_589 = arith.constant 0 : i32
        %get3A_590 = tpu.memref_slice %arg7[%scan3A_121, %get3A_589] : memref<2x512xf32, #tpu.memory_space<vmem>> -> memref<1x512xf32, #tpu.memory_space<vmem>>
        %get3A_591 = tpu.memref_squeeze %get3A_590 : memref<1x512xf32, #tpu.memory_space<vmem>> -> memref<512xf32, #tpu.memory_space<vmem>>
        %get3A_592 = arith.index_cast %add3A_588 : i32 to index
        %get3A_593 = tpu.vector_load %get3A_591[%get3A_592] {strides = array<i32>} : memref<512xf32, #tpu.memory_space<vmem>>, vector<16xf32>,
        %get3A_594 = vector.shape_cast %get3A_593 : vector<16xf32> to vector<16xf32>
        %broadcast_in_dim3A_595 = vector.shape_cast %broadcast_in_dim3A : vector<16xi32> to vector<16x1xi32>
        %gather3A_596 = vector.shape_cast %broadcast_in_dim3A_595 : vector<16x1xi32> to vector<16xi32>
        %gather3A_597 = tpu.dynamic_gather %get3A_594[%gather3A_596] in [0] : vector<16xf32>, vector<16xi32> -> vector<16xf32>
        %get3A_598 = arith.constant 0 : i32
        %get3A_599 = arith.constant 0 : i32
        %get3A_600 = tpu.memref_slice %arg8[%scan3A_117, %get3A_598, %get3A_599] : memref<2x256x128xf32, #tpu.memory_space<vmem>> -> memref<1x256x128xf32, #tpu.memory_space<vmem>>
        %get3A_601 = tpu.memref_squeeze %get3A_600 : memref<1x256x128xf32, #tpu.memory_space<vmem>> -> memref<256x128xf32, #tpu.memory_space<vmem>>
        %get3A_602 = arith.index_cast %add3A_569 : i32 to index
        %get3A_603 = arith.constant 0 : index
        %get3A_604 = tpu.vector_load %get3A_601[%get3A_602, %get3A_603] {strides = array<i32>} : memref<256x128xf32, #tpu.memory_space<vmem>>, vector<1x16xf32>,
        %get3A_605 = vector.shape_cast %get3A_604 : vector<1x16xf32> to vector<16xf32>
        %mul3A_606 = arith.mulf %gather3A_582, %get3A_605 : vector<16xf32>
        %add3A_607 = arith.addf %add3A_504, %mul3A_606 : vector<16xf32>
        %get3A_608 = arith.constant 0 : i32
        %get3A_609 = arith.constant 0 : i32
        %get3A_610 = tpu.memref_slice %arg8[%scan3A_117, %get3A_608, %get3A_609] : memref<2x256x128xf32, #tpu.memory_space<vmem>> -> memref<1x256x128xf32, #tpu.memory_space<vmem>>
        %get3A_611 = tpu.memref_squeeze %get3A_610 : memref<1x256x128xf32, #tpu.memory_space<vmem>> -> memref<256x128xf32, #tpu.memory_space<vmem>>
        %get3A_612 = arith.index_cast %add3A_569 : i32 to index
        %get3A_613 = arith.constant 64 : index
        %get3A_614 = tpu.vector_load %get3A_611[%get3A_612, %get3A_613] {strides = array<i32>} : memref<256x128xf32, #tpu.memory_space<vmem>>, vector<1x16xf32>,
        %get3A_615 = vector.shape_cast %get3A_614 : vector<1x16xf32> to vector<16xf32>
        %mul3A_616 = arith.mulf %gather3A_597, %get3A_615 : vector<16xf32>
        %add3A_617 = arith.addf %add3A_607, %mul3A_616 : vector<16xf32>
        %get3A_618 = arith.constant 0 : i32
        %get3A_619 = arith.constant 0 : i32
        %get3A_620 = tpu.memref_slice %arg8[%scan3A_117, %get3A_618, %get3A_619] : memref<2x256x128xf32, #tpu.memory_space<vmem>> -> memref<1x256x128xf32, #tpu.memory_space<vmem>>
        %get3A_621 = tpu.memref_squeeze %get3A_620 : memref<1x256x128xf32, #tpu.memory_space<vmem>> -> memref<256x128xf32, #tpu.memory_space<vmem>>
        %get3A_622 = arith.index_cast %add3A_569 : i32 to index
        %get3A_623 = arith.constant 16 : index
        %get3A_624 = tpu.vector_load %get3A_621[%get3A_622, %get3A_623] {strides = array<i32>} : memref<256x128xf32, #tpu.memory_space<vmem>>, vector<1x16xf32>,
        %get3A_625 = vector.shape_cast %get3A_624 : vector<1x16xf32> to vector<16xf32>
        %mul3A_626 = arith.mulf %gather3A_582, %get3A_625 : vector<16xf32>
        %add3A_627 = arith.addf %add3A_524, %mul3A_626 : vector<16xf32>
        %get3A_628 = arith.constant 0 : i32
        %get3A_629 = arith.constant 0 : i32
        %get3A_630 = tpu.memref_slice %arg8[%scan3A_117, %get3A_628, %get3A_629] : memref<2x256x128xf32, #tpu.memory_space<vmem>> -> memref<1x256x128xf32, #tpu.memory_space<vmem>>
        %get3A_631 = tpu.memref_squeeze %get3A_630 : memref<1x256x128xf32, #tpu.memory_space<vmem>> -> memref<256x128xf32, #tpu.memory_space<vmem>>
        %get3A_632 = arith.index_cast %add3A_569 : i32 to index
        %get3A_633 = arith.constant 80 : index
        %get3A_634 = tpu.vector_load %get3A_631[%get3A_632, %get3A_633] {strides = array<i32>} : memref<256x128xf32, #tpu.memory_space<vmem>>, vector<1x16xf32>,
        %get3A_635 = vector.shape_cast %get3A_634 : vector<1x16xf32> to vector<16xf32>
        %mul3A_636 = arith.mulf %gather3A_597, %get3A_635 : vector<16xf32>
        %add3A_637 = arith.addf %add3A_627, %mul3A_636 : vector<16xf32>
        %get3A_638 = arith.constant 0 : i32
        %get3A_639 = arith.constant 0 : i32
        %get3A_640 = tpu.memref_slice %arg8[%scan3A_117, %get3A_638, %get3A_639] : memref<2x256x128xf32, #tpu.memory_space<vmem>> -> memref<1x256x128xf32, #tpu.memory_space<vmem>>
        %get3A_641 = tpu.memref_squeeze %get3A_640 : memref<1x256x128xf32, #tpu.memory_space<vmem>> -> memref<256x128xf32, #tpu.memory_space<vmem>>
        %get3A_642 = arith.index_cast %add3A_569 : i32 to index
        %get3A_643 = arith.constant 32 : index
        %get3A_644 = tpu.vector_load %get3A_641[%get3A_642, %get3A_643] {strides = array<i32>} : memref<256x128xf32, #tpu.memory_space<vmem>>, vector<1x16xf32>,
        %get3A_645 = vector.shape_cast %get3A_644 : vector<1x16xf32> to vector<16xf32>
        %mul3A_646 = arith.mulf %gather3A_582, %get3A_645 : vector<16xf32>
        %add3A_647 = arith.addf %add3A_544, %mul3A_646 : vector<16xf32>
        %get3A_648 = arith.constant 0 : i32
        %get3A_649 = arith.constant 0 : i32
        %get3A_650 = tpu.memref_slice %arg8[%scan3A_117, %get3A_648, %get3A_649] : memref<2x256x128xf32, #tpu.memory_space<vmem>> -> memref<1x256x128xf32, #tpu.memory_space<vmem>>
        %get3A_651 = tpu.memref_squeeze %get3A_650 : memref<1x256x128xf32, #tpu.memory_space<vmem>> -> memref<256x128xf32, #tpu.memory_space<vmem>>
        %get3A_652 = arith.index_cast %add3A_569 : i32 to index
        %get3A_653 = arith.constant 96 : index
        %get3A_654 = tpu.vector_load %get3A_651[%get3A_652, %get3A_653] {strides = array<i32>} : memref<256x128xf32, #tpu.memory_space<vmem>>, vector<1x16xf32>,
        %get3A_655 = vector.shape_cast %get3A_654 : vector<1x16xf32> to vector<16xf32>
        %mul3A_656 = arith.mulf %gather3A_597, %get3A_655 : vector<16xf32>
        %add3A_657 = arith.addf %add3A_647, %mul3A_656 : vector<16xf32>
        %get3A_658 = arith.constant 0 : i32
        %get3A_659 = arith.constant 0 : i32
        %get3A_660 = tpu.memref_slice %arg8[%scan3A_117, %get3A_658, %get3A_659] : memref<2x256x128xf32, #tpu.memory_space<vmem>> -> memref<1x256x128xf32, #tpu.memory_space<vmem>>
        %get3A_661 = tpu.memref_squeeze %get3A_660 : memref<1x256x128xf32, #tpu.memory_space<vmem>> -> memref<256x128xf32, #tpu.memory_space<vmem>>
        %get3A_662 = arith.index_cast %add3A_569 : i32 to index
        %get3A_663 = arith.constant 48 : index
        %get3A_664 = tpu.vector_load %get3A_661[%get3A_662, %get3A_663] {strides = array<i32>} : memref<256x128xf32, #tpu.memory_space<vmem>>, vector<1x16xf32>,
        %get3A_665 = vector.shape_cast %get3A_664 : vector<1x16xf32> to vector<16xf32>
        %mul3A_666 = arith.mulf %gather3A_582, %get3A_665 : vector<16xf32>
        %add3A_667 = arith.addf %add3A_564, %mul3A_666 : vector<16xf32>
        %get3A_668 = arith.constant 0 : i32
        %get3A_669 = arith.constant 0 : i32
        %get3A_670 = tpu.memref_slice %arg8[%scan3A_117, %get3A_668, %get3A_669] : memref<2x256x128xf32, #tpu.memory_space<vmem>> -> memref<1x256x128xf32, #tpu.memory_space<vmem>>
        %get3A_671 = tpu.memref_squeeze %get3A_670 : memref<1x256x128xf32, #tpu.memory_space<vmem>> -> memref<256x128xf32, #tpu.memory_space<vmem>>
        %get3A_672 = arith.index_cast %add3A_569 : i32 to index
        %get3A_673 = arith.constant 112 : index
        %get3A_674 = tpu.vector_load %get3A_671[%get3A_672, %get3A_673] {strides = array<i32>} : memref<256x128xf32, #tpu.memory_space<vmem>>, vector<1x16xf32>,
        %get3A_675 = vector.shape_cast %get3A_674 : vector<1x16xf32> to vector<16xf32>
        %mul3A_676 = arith.mulf %gather3A_597, %get3A_675 : vector<16xf32>
        %add3A_677 = arith.addf %add3A_667, %mul3A_676 : vector<16xf32>
        %mul3A_678 = arith.constant 64 : i32
        %mul3A_679 = arith.muli %select_n3A, %mul3A_678 : i32
        %add3A_680 = arith.constant 32 : i32
        %add3A_681 = arith.addi %mul3A_679, %add3A_680 : i32
        %add3A_682 = arith.addi %add3A_681, %select_n3A_445 : i32
        %mul3A_683 = arith.constant 128 : i32
        %mul3A_684 = arith.muli %select_n3A, %mul3A_683 : i32
        %add3A_685 = arith.constant 64 : i32
        %add3A_686 = arith.addi %mul3A_684, %add3A_685 : i32
        %get3A_687 = arith.constant 0 : i32
        %get3A_688 = tpu.memref_slice %arg7[%scan3A_121, %get3A_687] : memref<2x512xf32, #tpu.memory_space<vmem>> -> memref<1x512xf32, #tpu.memory_space<vmem>>
        %get3A_689 = tpu.memref_squeeze %get3A_688 : memref<1x512xf32, #tpu.memory_space<vmem>> -> memref<512xf32, #tpu.memory_space<vmem>>
        %get3A_690 = arith.index_cast %add3A_686 : i32 to index
        %get3A_691 = tpu.vector_load %get3A_689[%get3A_690] {strides = array<i32>} : memref<512xf32, #tpu.memory_space<vmem>>, vector<16xf32>,
        %get3A_692 = vector.shape_cast %get3A_691 : vector<16xf32> to vector<16xf32>
        %broadcast_in_dim3A_693 = vector.shape_cast %broadcast_in_dim3A : vector<16xi32> to vector<16x1xi32>
        %gather3A_694 = vector.shape_cast %broadcast_in_dim3A_693 : vector<16x1xi32> to vector<16xi32>
        %gather3A_695 = tpu.dynamic_gather %get3A_692[%gather3A_694] in [0] : vector<16xf32>, vector<16xi32> -> vector<16xf32>
        %mul3A_696 = arith.constant 128 : i32
        %mul3A_697 = arith.muli %select_n3A, %mul3A_696 : i32
        %add3A_698 = arith.constant 64 : i32
        %add3A_699 = arith.addi %mul3A_697, %add3A_698 : i32
        %add3A_700 = arith.constant 16 : i32
        %add3A_701 = arith.addi %add3A_699, %add3A_700 : i32
        %get3A_702 = arith.constant 0 : i32
        %get3A_703 = tpu.memref_slice %arg7[%scan3A_121, %get3A_702] : memref<2x512xf32, #tpu.memory_space<vmem>> -> memref<1x512xf32, #tpu.memory_space<vmem>>
        %get3A_704 = tpu.memref_squeeze %get3A_703 : memref<1x512xf32, #tpu.memory_space<vmem>> -> memref<512xf32, #tpu.memory_space<vmem>>
        %get3A_705 = arith.index_cast %add3A_701 : i32 to index
        %get3A_706 = tpu.vector_load %get3A_704[%get3A_705] {strides = array<i32>} : memref<512xf32, #tpu.memory_space<vmem>>, vector<16xf32>,
        %get3A_707 = vector.shape_cast %get3A_706 : vector<16xf32> to vector<16xf32>
        %broadcast_in_dim3A_708 = vector.shape_cast %broadcast_in_dim3A : vector<16xi32> to vector<16x1xi32>
        %gather3A_709 = vector.shape_cast %broadcast_in_dim3A_708 : vector<16x1xi32> to vector<16xi32>
        %gather3A_710 = tpu.dynamic_gather %get3A_707[%gather3A_709] in [0] : vector<16xf32>, vector<16xi32> -> vector<16xf32>
        %get3A_711 = arith.constant 0 : i32
        %get3A_712 = arith.constant 0 : i32
        %get3A_713 = tpu.memref_slice %arg8[%scan3A_117, %get3A_711, %get3A_712] : memref<2x256x128xf32, #tpu.memory_space<vmem>> -> memref<1x256x128xf32, #tpu.memory_space<vmem>>
        %get3A_714 = tpu.memref_squeeze %get3A_713 : memref<1x256x128xf32, #tpu.memory_space<vmem>> -> memref<256x128xf32, #tpu.memory_space<vmem>>
        %get3A_715 = arith.index_cast %add3A_682 : i32 to index
        %get3A_716 = arith.constant 0 : index
        %get3A_717 = tpu.vector_load %get3A_714[%get3A_715, %get3A_716] {strides = array<i32>} : memref<256x128xf32, #tpu.memory_space<vmem>>, vector<1x16xf32>,
        %get3A_718 = vector.shape_cast %get3A_717 : vector<1x16xf32> to vector<16xf32>
        %mul3A_719 = arith.mulf %gather3A_695, %get3A_718 : vector<16xf32>
        %add3A_720 = arith.addf %add3A_617, %mul3A_719 : vector<16xf32>
        %get3A_721 = arith.constant 0 : i32
        %get3A_722 = arith.constant 0 : i32
        %get3A_723 = tpu.memref_slice %arg8[%scan3A_117, %get3A_721, %get3A_722] : memref<2x256x128xf32, #tpu.memory_space<vmem>> -> memref<1x256x128xf32, #tpu.memory_space<vmem>>
        %get3A_724 = tpu.memref_squeeze %get3A_723 : memref<1x256x128xf32, #tpu.memory_space<vmem>> -> memref<256x128xf32, #tpu.memory_space<vmem>>
        %get3A_725 = arith.index_cast %add3A_682 : i32 to index
        %get3A_726 = arith.constant 64 : index
        %get3A_727 = tpu.vector_load %get3A_724[%get3A_725, %get3A_726] {strides = array<i32>} : memref<256x128xf32, #tpu.memory_space<vmem>>, vector<1x16xf32>,
        %get3A_728 = vector.shape_cast %get3A_727 : vector<1x16xf32> to vector<16xf32>
        %mul3A_729 = arith.mulf %gather3A_710, %get3A_728 : vector<16xf32>
        %add3A_730 = arith.addf %add3A_720, %mul3A_729 : vector<16xf32>
        %get3A_731 = arith.constant 0 : i32
        %get3A_732 = arith.constant 0 : i32
        %get3A_733 = tpu.memref_slice %arg8[%scan3A_117, %get3A_731, %get3A_732] : memref<2x256x128xf32, #tpu.memory_space<vmem>> -> memref<1x256x128xf32, #tpu.memory_space<vmem>>
        %get3A_734 = tpu.memref_squeeze %get3A_733 : memref<1x256x128xf32, #tpu.memory_space<vmem>> -> memref<256x128xf32, #tpu.memory_space<vmem>>
        %get3A_735 = arith.index_cast %add3A_682 : i32 to index
        %get3A_736 = arith.constant 16 : index
        %get3A_737 = tpu.vector_load %get3A_734[%get3A_735, %get3A_736] {strides = array<i32>} : memref<256x128xf32, #tpu.memory_space<vmem>>, vector<1x16xf32>,
        %get3A_738 = vector.shape_cast %get3A_737 : vector<1x16xf32> to vector<16xf32>
        %mul3A_739 = arith.mulf %gather3A_695, %get3A_738 : vector<16xf32>
        %add3A_740 = arith.addf %add3A_637, %mul3A_739 : vector<16xf32>
        %get3A_741 = arith.constant 0 : i32
        %get3A_742 = arith.constant 0 : i32
        %get3A_743 = tpu.memref_slice %arg8[%scan3A_117, %get3A_741, %get3A_742] : memref<2x256x128xf32, #tpu.memory_space<vmem>> -> memref<1x256x128xf32, #tpu.memory_space<vmem>>
        %get3A_744 = tpu.memref_squeeze %get3A_743 : memref<1x256x128xf32, #tpu.memory_space<vmem>> -> memref<256x128xf32, #tpu.memory_space<vmem>>
        %get3A_745 = arith.index_cast %add3A_682 : i32 to index
        %get3A_746 = arith.constant 80 : index
        %get3A_747 = tpu.vector_load %get3A_744[%get3A_745, %get3A_746] {strides = array<i32>} : memref<256x128xf32, #tpu.memory_space<vmem>>, vector<1x16xf32>,
        %get3A_748 = vector.shape_cast %get3A_747 : vector<1x16xf32> to vector<16xf32>
        %mul3A_749 = arith.mulf %gather3A_710, %get3A_748 : vector<16xf32>
        %add3A_750 = arith.addf %add3A_740, %mul3A_749 : vector<16xf32>
        %get3A_751 = arith.constant 0 : i32
        %get3A_752 = arith.constant 0 : i32
        %get3A_753 = tpu.memref_slice %arg8[%scan3A_117, %get3A_751, %get3A_752] : memref<2x256x128xf32, #tpu.memory_space<vmem>> -> memref<1x256x128xf32, #tpu.memory_space<vmem>>
        %get3A_754 = tpu.memref_squeeze %get3A_753 : memref<1x256x128xf32, #tpu.memory_space<vmem>> -> memref<256x128xf32, #tpu.memory_space<vmem>>
        %get3A_755 = arith.index_cast %add3A_682 : i32 to index
        %get3A_756 = arith.constant 32 : index
        %get3A_757 = tpu.vector_load %get3A_754[%get3A_755, %get3A_756] {strides = array<i32>} : memref<256x128xf32, #tpu.memory_space<vmem>>, vector<1x16xf32>,
        %get3A_758 = vector.shape_cast %get3A_757 : vector<1x16xf32> to vector<16xf32>
        %mul3A_759 = arith.mulf %gather3A_695, %get3A_758 : vector<16xf32>
        %add3A_760 = arith.addf %add3A_657, %mul3A_759 : vector<16xf32>
        %get3A_761 = arith.constant 0 : i32
        %get3A_762 = arith.constant 0 : i32
        %get3A_763 = tpu.memref_slice %arg8[%scan3A_117, %get3A_761, %get3A_762] : memref<2x256x128xf32, #tpu.memory_space<vmem>> -> memref<1x256x128xf32, #tpu.memory_space<vmem>>
        %get3A_764 = tpu.memref_squeeze %get3A_763 : memref<1x256x128xf32, #tpu.memory_space<vmem>> -> memref<256x128xf32, #tpu.memory_space<vmem>>
        %get3A_765 = arith.index_cast %add3A_682 : i32 to index
        %get3A_766 = arith.constant 96 : index
        %get3A_767 = tpu.vector_load %get3A_764[%get3A_765, %get3A_766] {strides = array<i32>} : memref<256x128xf32, #tpu.memory_space<vmem>>, vector<1x16xf32>,
        %get3A_768 = vector.shape_cast %get3A_767 : vector<1x16xf32> to vector<16xf32>
        %mul3A_769 = arith.mulf %gather3A_710, %get3A_768 : vector<16xf32>
        %add3A_770 = arith.addf %add3A_760, %mul3A_769 : vector<16xf32>
        %get3A_771 = arith.constant 0 : i32
        %get3A_772 = arith.constant 0 : i32
        %get3A_773 = tpu.memref_slice %arg8[%scan3A_117, %get3A_771, %get3A_772] : memref<2x256x128xf32, #tpu.memory_space<vmem>> -> memref<1x256x128xf32, #tpu.memory_space<vmem>>
        %get3A_774 = tpu.memref_squeeze %get3A_773 : memref<1x256x128xf32, #tpu.memory_space<vmem>> -> memref<256x128xf32, #tpu.memory_space<vmem>>
        %get3A_775 = arith.index_cast %add3A_682 : i32 to index
        %get3A_776 = arith.constant 48 : index
        %get3A_777 = tpu.vector_load %get3A_774[%get3A_775, %get3A_776] {strides = array<i32>} : memref<256x128xf32, #tpu.memory_space<vmem>>, vector<1x16xf32>,
        %get3A_778 = vector.shape_cast %get3A_777 : vector<1x16xf32> to vector<16xf32>
        %mul3A_779 = arith.mulf %gather3A_695, %get3A_778 : vector<16xf32>
        %add3A_780 = arith.addf %add3A_677, %mul3A_779 : vector<16xf32>
        %get3A_781 = arith.constant 0 : i32
        %get3A_782 = arith.constant 0 : i32
        %get3A_783 = tpu.memref_slice %arg8[%scan3A_117, %get3A_781, %get3A_782] : memref<2x256x128xf32, #tpu.memory_space<vmem>> -> memref<1x256x128xf32, #tpu.memory_space<vmem>>
        %get3A_784 = tpu.memref_squeeze %get3A_783 : memref<1x256x128xf32, #tpu.memory_space<vmem>> -> memref<256x128xf32, #tpu.memory_space<vmem>>
        %get3A_785 = arith.index_cast %add3A_682 : i32 to index
        %get3A_786 = arith.constant 112 : index
        %get3A_787 = tpu.vector_load %get3A_784[%get3A_785, %get3A_786] {strides = array<i32>} : memref<256x128xf32, #tpu.memory_space<vmem>>, vector<1x16xf32>,
        %get3A_788 = vector.shape_cast %get3A_787 : vector<1x16xf32> to vector<16xf32>
        %mul3A_789 = arith.mulf %gather3A_710, %get3A_788 : vector<16xf32>
        %add3A_790 = arith.addf %add3A_780, %mul3A_789 : vector<16xf32>
        %mul3A_791 = arith.constant 64 : i32
        %mul3A_792 = arith.muli %select_n3A, %mul3A_791 : i32
        %add3A_793 = arith.constant 48 : i32
        %add3A_794 = arith.addi %mul3A_792, %add3A_793 : i32
        %add3A_795 = arith.addi %add3A_794, %select_n3A_445 : i32
        %mul3A_796 = arith.constant 128 : i32
        %mul3A_797 = arith.muli %select_n3A, %mul3A_796 : i32
        %add3A_798 = arith.constant 96 : i32
        %add3A_799 = arith.addi %mul3A_797, %add3A_798 : i32
        %get3A_800 = arith.constant 0 : i32
        %get3A_801 = tpu.memref_slice %arg7[%scan3A_121, %get3A_800] : memref<2x512xf32, #tpu.memory_space<vmem>> -> memref<1x512xf32, #tpu.memory_space<vmem>>
        %get3A_802 = tpu.memref_squeeze %get3A_801 : memref<1x512xf32, #tpu.memory_space<vmem>> -> memref<512xf32, #tpu.memory_space<vmem>>
        %get3A_803 = arith.index_cast %add3A_799 : i32 to index
        %get3A_804 = tpu.vector_load %get3A_802[%get3A_803] {strides = array<i32>} : memref<512xf32, #tpu.memory_space<vmem>>, vector<16xf32>,
        %get3A_805 = vector.shape_cast %get3A_804 : vector<16xf32> to vector<16xf32>
        %broadcast_in_dim3A_806 = vector.shape_cast %broadcast_in_dim3A : vector<16xi32> to vector<16x1xi32>
        %gather3A_807 = vector.shape_cast %broadcast_in_dim3A_806 : vector<16x1xi32> to vector<16xi32>
        %gather3A_808 = tpu.dynamic_gather %get3A_805[%gather3A_807] in [0] : vector<16xf32>, vector<16xi32> -> vector<16xf32>
        %mul3A_809 = arith.constant 128 : i32
        %mul3A_810 = arith.muli %select_n3A, %mul3A_809 : i32
        %add3A_811 = arith.constant 96 : i32
        %add3A_812 = arith.addi %mul3A_810, %add3A_811 : i32
        %add3A_813 = arith.constant 16 : i32
        %add3A_814 = arith.addi %add3A_812, %add3A_813 : i32
        %get3A_815 = arith.constant 0 : i32
        %get3A_816 = tpu.memref_slice %arg7[%scan3A_121, %get3A_815] : memref<2x512xf32, #tpu.memory_space<vmem>> -> memref<1x512xf32, #tpu.memory_space<vmem>>
        %get3A_817 = tpu.memref_squeeze %get3A_816 : memref<1x512xf32, #tpu.memory_space<vmem>> -> memref<512xf32, #tpu.memory_space<vmem>>
        %get3A_818 = arith.index_cast %add3A_814 : i32 to index
        %get3A_819 = tpu.vector_load %get3A_817[%get3A_818] {strides = array<i32>} : memref<512xf32, #tpu.memory_space<vmem>>, vector<16xf32>,
        %get3A_820 = vector.shape_cast %get3A_819 : vector<16xf32> to vector<16xf32>
        %broadcast_in_dim3A_821 = vector.shape_cast %broadcast_in_dim3A : vector<16xi32> to vector<16x1xi32>
        %gather3A_822 = vector.shape_cast %broadcast_in_dim3A_821 : vector<16x1xi32> to vector<16xi32>
        %gather3A_823 = tpu.dynamic_gather %get3A_820[%gather3A_822] in [0] : vector<16xf32>, vector<16xi32> -> vector<16xf32>
        %get3A_824 = arith.constant 0 : i32
        %get3A_825 = arith.constant 0 : i32
        %get3A_826 = tpu.memref_slice %arg8[%scan3A_117, %get3A_824, %get3A_825] : memref<2x256x128xf32, #tpu.memory_space<vmem>> -> memref<1x256x128xf32, #tpu.memory_space<vmem>>
        %get3A_827 = tpu.memref_squeeze %get3A_826 : memref<1x256x128xf32, #tpu.memory_space<vmem>> -> memref<256x128xf32, #tpu.memory_space<vmem>>
        %get3A_828 = arith.index_cast %add3A_795 : i32 to index
        %get3A_829 = arith.constant 0 : index
        %get3A_830 = tpu.vector_load %get3A_827[%get3A_828, %get3A_829] {strides = array<i32>} : memref<256x128xf32, #tpu.memory_space<vmem>>, vector<1x16xf32>,
        %get3A_831 = vector.shape_cast %get3A_830 : vector<1x16xf32> to vector<16xf32>
        %mul3A_832 = arith.mulf %gather3A_808, %get3A_831 : vector<16xf32>
        %add3A_833 = arith.addf %add3A_730, %mul3A_832 : vector<16xf32>
        %get3A_834 = arith.constant 0 : i32
        %get3A_835 = arith.constant 0 : i32
        %get3A_836 = tpu.memref_slice %arg8[%scan3A_117, %get3A_834, %get3A_835] : memref<2x256x128xf32, #tpu.memory_space<vmem>> -> memref<1x256x128xf32, #tpu.memory_space<vmem>>
        %get3A_837 = tpu.memref_squeeze %get3A_836 : memref<1x256x128xf32, #tpu.memory_space<vmem>> -> memref<256x128xf32, #tpu.memory_space<vmem>>
        %get3A_838 = arith.index_cast %add3A_795 : i32 to index
        %get3A_839 = arith.constant 64 : index
        %get3A_840 = tpu.vector_load %get3A_837[%get3A_838, %get3A_839] {strides = array<i32>} : memref<256x128xf32, #tpu.memory_space<vmem>>, vector<1x16xf32>,
        %get3A_841 = vector.shape_cast %get3A_840 : vector<1x16xf32> to vector<16xf32>
        %mul3A_842 = arith.mulf %gather3A_823, %get3A_841 : vector<16xf32>
        %add3A_843 = arith.addf %add3A_833, %mul3A_842 : vector<16xf32>
        %get3A_844 = arith.constant 0 : i32
        %get3A_845 = arith.constant 0 : i32
        %get3A_846 = tpu.memref_slice %arg8[%scan3A_117, %get3A_844, %get3A_845] : memref<2x256x128xf32, #tpu.memory_space<vmem>> -> memref<1x256x128xf32, #tpu.memory_space<vmem>>
        %get3A_847 = tpu.memref_squeeze %get3A_846 : memref<1x256x128xf32, #tpu.memory_space<vmem>> -> memref<256x128xf32, #tpu.memory_space<vmem>>
        %get3A_848 = arith.index_cast %add3A_795 : i32 to index
        %get3A_849 = arith.constant 16 : index
        %get3A_850 = tpu.vector_load %get3A_847[%get3A_848, %get3A_849] {strides = array<i32>} : memref<256x128xf32, #tpu.memory_space<vmem>>, vector<1x16xf32>,
        %get3A_851 = vector.shape_cast %get3A_850 : vector<1x16xf32> to vector<16xf32>
        %mul3A_852 = arith.mulf %gather3A_808, %get3A_851 : vector<16xf32>
        %add3A_853 = arith.addf %add3A_750, %mul3A_852 : vector<16xf32>
        %get3A_854 = arith.constant 0 : i32
        %get3A_855 = arith.constant 0 : i32
        %get3A_856 = tpu.memref_slice %arg8[%scan3A_117, %get3A_854, %get3A_855] : memref<2x256x128xf32, #tpu.memory_space<vmem>> -> memref<1x256x128xf32, #tpu.memory_space<vmem>>
        %get3A_857 = tpu.memref_squeeze %get3A_856 : memref<1x256x128xf32, #tpu.memory_space<vmem>> -> memref<256x128xf32, #tpu.memory_space<vmem>>
        %get3A_858 = arith.index_cast %add3A_795 : i32 to index
        %get3A_859 = arith.constant 80 : index
        %get3A_860 = tpu.vector_load %get3A_857[%get3A_858, %get3A_859] {strides = array<i32>} : memref<256x128xf32, #tpu.memory_space<vmem>>, vector<1x16xf32>,
        %get3A_861 = vector.shape_cast %get3A_860 : vector<1x16xf32> to vector<16xf32>
        %mul3A_862 = arith.mulf %gather3A_823, %get3A_861 : vector<16xf32>
        %add3A_863 = arith.addf %add3A_853, %mul3A_862 : vector<16xf32>
        %get3A_864 = arith.constant 0 : i32
        %get3A_865 = arith.constant 0 : i32
        %get3A_866 = tpu.memref_slice %arg8[%scan3A_117, %get3A_864, %get3A_865] : memref<2x256x128xf32, #tpu.memory_space<vmem>> -> memref<1x256x128xf32, #tpu.memory_space<vmem>>
        %get3A_867 = tpu.memref_squeeze %get3A_866 : memref<1x256x128xf32, #tpu.memory_space<vmem>> -> memref<256x128xf32, #tpu.memory_space<vmem>>
        %get3A_868 = arith.index_cast %add3A_795 : i32 to index
        %get3A_869 = arith.constant 32 : index
        %get3A_870 = tpu.vector_load %get3A_867[%get3A_868, %get3A_869] {strides = array<i32>} : memref<256x128xf32, #tpu.memory_space<vmem>>, vector<1x16xf32>,
        %get3A_871 = vector.shape_cast %get3A_870 : vector<1x16xf32> to vector<16xf32>
        %mul3A_872 = arith.mulf %gather3A_808, %get3A_871 : vector<16xf32>
        %add3A_873 = arith.addf %add3A_770, %mul3A_872 : vector<16xf32>
        %get3A_874 = arith.constant 0 : i32
        %get3A_875 = arith.constant 0 : i32
        %get3A_876 = tpu.memref_slice %arg8[%scan3A_117, %get3A_874, %get3A_875] : memref<2x256x128xf32, #tpu.memory_space<vmem>> -> memref<1x256x128xf32, #tpu.memory_space<vmem>>
        %get3A_877 = tpu.memref_squeeze %get3A_876 : memref<1x256x128xf32, #tpu.memory_space<vmem>> -> memref<256x128xf32, #tpu.memory_space<vmem>>
        %get3A_878 = arith.index_cast %add3A_795 : i32 to index
        %get3A_879 = arith.constant 96 : index
        %get3A_880 = tpu.vector_load %get3A_877[%get3A_878, %get3A_879] {strides = array<i32>} : memref<256x128xf32, #tpu.memory_space<vmem>>, vector<1x16xf32>,
        %get3A_881 = vector.shape_cast %get3A_880 : vector<1x16xf32> to vector<16xf32>
        %mul3A_882 = arith.mulf %gather3A_823, %get3A_881 : vector<16xf32>
        %add3A_883 = arith.addf %add3A_873, %mul3A_882 : vector<16xf32>
        %get3A_884 = arith.constant 0 : i32
        %get3A_885 = arith.constant 0 : i32
        %get3A_886 = tpu.memref_slice %arg8[%scan3A_117, %get3A_884, %get3A_885] : memref<2x256x128xf32, #tpu.memory_space<vmem>> -> memref<1x256x128xf32, #tpu.memory_space<vmem>>
        %get3A_887 = tpu.memref_squeeze %get3A_886 : memref<1x256x128xf32, #tpu.memory_space<vmem>> -> memref<256x128xf32, #tpu.memory_space<vmem>>
        %get3A_888 = arith.index_cast %add3A_795 : i32 to index
        %get3A_889 = arith.constant 48 : index
        %get3A_890 = tpu.vector_load %get3A_887[%get3A_888, %get3A_889] {strides = array<i32>} : memref<256x128xf32, #tpu.memory_space<vmem>>, vector<1x16xf32>,
        %get3A_891 = vector.shape_cast %get3A_890 : vector<1x16xf32> to vector<16xf32>
        %mul3A_892 = arith.mulf %gather3A_808, %get3A_891 : vector<16xf32>
        %add3A_893 = arith.addf %add3A_790, %mul3A_892 : vector<16xf32>
        %get3A_894 = arith.constant 0 : i32
        %get3A_895 = arith.constant 0 : i32
        %get3A_896 = tpu.memref_slice %arg8[%scan3A_117, %get3A_894, %get3A_895] : memref<2x256x128xf32, #tpu.memory_space<vmem>> -> memref<1x256x128xf32, #tpu.memory_space<vmem>>
        %get3A_897 = tpu.memref_squeeze %get3A_896 : memref<1x256x128xf32, #tpu.memory_space<vmem>> -> memref<256x128xf32, #tpu.memory_space<vmem>>
        %get3A_898 = arith.index_cast %add3A_795 : i32 to index
        %get3A_899 = arith.constant 112 : index
        %get3A_900 = tpu.vector_load %get3A_897[%get3A_898, %get3A_899] {strides = array<i32>} : memref<256x128xf32, #tpu.memory_space<vmem>>, vector<1x16xf32>,
        %get3A_901 = vector.shape_cast %get3A_900 : vector<1x16xf32> to vector<16xf32>
        %mul3A_902 = arith.mulf %gather3A_823, %get3A_901 : vector<16xf32>
        %add3A_903 = arith.addf %add3A_893, %mul3A_902 : vector<16xf32>
        %mul3A_904 = arith.constant 64 : i32
        %mul3A_905 = arith.muli %select_n3A_445, %mul3A_904 : i32
        %add3A_906 = arith.constant 0 : i32
        %add3A_907 = arith.addi %mul3A_905, %add3A_906 : i32
        %swap3A = arith.constant 0 : i32
        %swap3A_908 = arith.constant 0 : i32
        %swap3A_909 = tpu.memref_slice %arg9[%scan3A_122, %swap3A, %swap3A_908] : memref<2x4x1024xf32, #tpu.memory_space<vmem>> -> memref<1x4x1024xf32, #tpu.memory_space<vmem>>
        %swap3A_910 = tpu.memref_squeeze %swap3A_909 : memref<1x4x1024xf32, #tpu.memory_space<vmem>> -> memref<4x1024xf32, #tpu.memory_space<vmem>>
        %swap3A_911 = arith.index_cast %select_n3A : i32 to index
        %swap3A_912 = arith.index_cast %add3A_907 : i32 to index
        %swap3A_913 = tpu.vector_load %swap3A_910[%swap3A_911, %swap3A_912] {strides = array<i32>} : memref<4x1024xf32, #tpu.memory_space<vmem>>, vector<1x16xf32>,
        %swap3A_914 = vector.shape_cast %swap3A_913 : vector<1x16xf32> to vector<16xf32>
        %swap3A_915 = vector.shape_cast %add3A_843 : vector<16xf32> to vector<1x16xf32>
        tpu.vector_store %swap3A_910[%swap3A_911, %swap3A_912], %swap3A_915 {strides = array<i32>} : memref<4x1024xf32, #tpu.memory_space<vmem>>, vector<1x16xf32>,
        %mul3A_916 = arith.constant 64 : i32
        %mul3A_917 = arith.muli %select_n3A_445, %mul3A_916 : i32
        %add3A_918 = arith.constant 16 : i32
        %add3A_919 = arith.addi %mul3A_917, %add3A_918 : i32
        %swap3A_920 = arith.constant 0 : i32
        %swap3A_921 = arith.constant 0 : i32
        %swap3A_922 = tpu.memref_slice %arg9[%scan3A_122, %swap3A_920, %swap3A_921] : memref<2x4x1024xf32, #tpu.memory_space<vmem>> -> memref<1x4x1024xf32, #tpu.memory_space<vmem>>
        %swap3A_923 = tpu.memref_squeeze %swap3A_922 : memref<1x4x1024xf32, #tpu.memory_space<vmem>> -> memref<4x1024xf32, #tpu.memory_space<vmem>>
        %swap3A_924 = arith.index_cast %select_n3A : i32 to index
        %swap3A_925 = arith.index_cast %add3A_919 : i32 to index
        %swap3A_926 = tpu.vector_load %swap3A_923[%swap3A_924, %swap3A_925] {strides = array<i32>} : memref<4x1024xf32, #tpu.memory_space<vmem>>, vector<1x16xf32>,
        %swap3A_927 = vector.shape_cast %swap3A_926 : vector<1x16xf32> to vector<16xf32>
        %swap3A_928 = vector.shape_cast %add3A_863 : vector<16xf32> to vector<1x16xf32>
        tpu.vector_store %swap3A_923[%swap3A_924, %swap3A_925], %swap3A_928 {strides = array<i32>} : memref<4x1024xf32, #tpu.memory_space<vmem>>, vector<1x16xf32>,
        %mul3A_929 = arith.constant 64 : i32
        %mul3A_930 = arith.muli %select_n3A_445, %mul3A_929 : i32
        %add3A_931 = arith.constant 32 : i32
        %add3A_932 = arith.addi %mul3A_930, %add3A_931 : i32
        %swap3A_933 = arith.constant 0 : i32
        %swap3A_934 = arith.constant 0 : i32
        %swap3A_935 = tpu.memref_slice %arg9[%scan3A_122, %swap3A_933, %swap3A_934] : memref<2x4x1024xf32, #tpu.memory_space<vmem>> -> memref<1x4x1024xf32, #tpu.memory_space<vmem>>
        %swap3A_936 = tpu.memref_squeeze %swap3A_935 : memref<1x4x1024xf32, #tpu.memory_space<vmem>> -> memref<4x1024xf32, #tpu.memory_space<vmem>>
        %swap3A_937 = arith.index_cast %select_n3A : i32 to index
        %swap3A_938 = arith.index_cast %add3A_932 : i32 to index
        %swap3A_939 = tpu.vector_load %swap3A_936[%swap3A_937, %swap3A_938] {strides = array<i32>} : memref<4x1024xf32, #tpu.memory_space<vmem>>, vector<1x16xf32>,
        %swap3A_940 = vector.shape_cast %swap3A_939 : vector<1x16xf32> to vector<16xf32>
        %swap3A_941 = vector.shape_cast %add3A_883 : vector<16xf32> to vector<1x16xf32>
        tpu.vector_store %swap3A_936[%swap3A_937, %swap3A_938], %swap3A_941 {strides = array<i32>} : memref<4x1024xf32, #tpu.memory_space<vmem>>, vector<1x16xf32>,
        %mul3A_942 = arith.constant 64 : i32
        %mul3A_943 = arith.muli %select_n3A_445, %mul3A_942 : i32
        %add3A_944 = arith.constant 48 : i32
        %add3A_945 = arith.addi %mul3A_943, %add3A_944 : i32
        %swap3A_946 = arith.constant 0 : i32
        %swap3A_947 = arith.constant 0 : i32
        %swap3A_948 = tpu.memref_slice %arg9[%scan3A_122, %swap3A_946, %swap3A_947] : memref<2x4x1024xf32, #tpu.memory_space<vmem>> -> memref<1x4x1024xf32, #tpu.memory_space<vmem>>
        %swap3A_949 = tpu.memref_squeeze %swap3A_948 : memref<1x4x1024xf32, #tpu.memory_space<vmem>> -> memref<4x1024xf32, #tpu.memory_space<vmem>>
        %swap3A_950 = arith.index_cast %select_n3A : i32 to index
        %swap3A_951 = arith.index_cast %add3A_945 : i32 to index
        %swap3A_952 = tpu.vector_load %swap3A_949[%swap3A_950, %swap3A_951] {strides = array<i32>} : memref<4x1024xf32, #tpu.memory_space<vmem>>, vector<1x16xf32>,
        %swap3A_953 = vector.shape_cast %swap3A_952 : vector<1x16xf32> to vector<16xf32>
        %swap3A_954 = vector.shape_cast %add3A_903 : vector<16xf32> to vector<1x16xf32>
        tpu.vector_store %swap3A_949[%swap3A_950, %swap3A_951], %swap3A_954 {strides = array<i32>} : memref<4x1024xf32, #tpu.memory_space<vmem>>, vector<1x16xf32>,
        %scan3A_955 = arith.constant 1 : i32
        %scan3A_956 = arith.addi %scan3A_414, %scan3A_955 : i32
        %jit3A_957 = arith.constant 16 : i32
        %div3A_958 = arith.divsi %scan3A_956, %jit3A_957 : i32
        %sign3A_959 = arith.constant 0 : i32
        %sign3A_960 = arith.cmpi sgt, %scan3A_956, %sign3A_959 : i32
        %sign3A_961 = arith.extui %sign3A_960 : i1 to i32
        %sign3A_962 = arith.constant 0 : i32
        %sign3A_963 = arith.cmpi slt, %scan3A_956, %sign3A_962 : i32
        %sign3A_964 = arith.extui %sign3A_963 : i1 to i32
        %sign3A_965 = arith.subi %sign3A_961, %sign3A_964 : i32
        %sign3A_966 = arith.constant 0 : i32
        %sign3A_967 = arith.cmpi sgt, %jit3A_957, %sign3A_966 : i32
        %sign3A_968 = arith.extui %sign3A_967 : i1 to i32
        %sign3A_969 = arith.constant 0 : i32
        %sign3A_970 = arith.cmpi slt, %jit3A_957, %sign3A_969 : i32
        %sign3A_971 = arith.extui %sign3A_970 : i1 to i32
        %sign3A_972 = arith.subi %sign3A_968, %sign3A_971 : i32
        %ne3A_973 = arith.cmpi ne, %sign3A_965, %sign3A_972 : i32
        %rem3A_974 = arith.remsi %scan3A_956, %jit3A_957 : i32
        %ne3A_975 = arith.constant 0 : i32
        %ne3A_976 = arith.cmpi ne, %rem3A_974, %ne3A_975 : i32
        %and3A_977 = arith.andi %ne3A_973, %ne3A_976 : i1
        %sub3A_978 = arith.constant 1 : i32
        %sub3A_979 = arith.subi %div3A_958, %sub3A_978 : i32
        %select_n3A_980 = arith.select %and3A_977, %sub3A_979, %div3A_958 : i32
        %jit3A_981 = arith.constant 16 : i32
        %eq3A_982 = arith.constant 0 : i32
        %eq3A_983 = arith.cmpi eq, %jit3A_981, %eq3A_982 : i32
        %jit3A_984 = arith.constant 1 : i32
        %select_n3A_985 = arith.select %eq3A_983, %jit3A_984, %jit3A_981 : i32
        %rem3A_986 = arith.remsi %scan3A_956, %select_n3A_985 : i32
        %ne3A_987 = arith.constant 0 : i32
        %ne3A_988 = arith.cmpi ne, %rem3A_986, %ne3A_987 : i32
        %lt3A_989 = arith.constant 0 : i32
        %lt3A_990 = arith.cmpi slt, %rem3A_986, %lt3A_989 : i32
        %lt3A_991 = arith.constant 0 : i32
        %lt3A_992 = arith.cmpi slt, %select_n3A_985, %lt3A_991 : i32
        %ne3A_993 = arith.xori %lt3A_990, %lt3A_992 : i1
        %and3A_994 = arith.andi %ne3A_993, %ne3A_988 : i1
        %add3A_995 = arith.addi %rem3A_986, %select_n3A_985 : i32
        %select_n3A_996 = arith.select %and3A_994, %add3A_995, %rem3A_986 : i32
        %broadcast_in_dim3A_997 = vector.broadcast %select_n3A_996 : i32 to vector<16xi32>
        %broadcast_in_dim3A_998 = arith.constant 0.000000e+00 : f32
        %broadcast_in_dim3A_999 = vector.broadcast %broadcast_in_dim3A_998 : f32 to vector<16xf32>
        %broadcast_in_dim3A_1000 = arith.constant 0.000000e+00 : f32
        %broadcast_in_dim3A_1001 = vector.broadcast %broadcast_in_dim3A_1000 : f32 to vector<16xf32>
        %broadcast_in_dim3A_1002 = arith.constant 0.000000e+00 : f32
        %broadcast_in_dim3A_1003 = vector.broadcast %broadcast_in_dim3A_1002 : f32 to vector<16xf32>
        %broadcast_in_dim3A_1004 = arith.constant 0.000000e+00 : f32
        %broadcast_in_dim3A_1005 = vector.broadcast %broadcast_in_dim3A_1004 : f32 to vector<16xf32>
        %mul3A_1006 = arith.constant 64 : i32
        %mul3A_1007 = arith.muli %select_n3A_980, %mul3A_1006 : i32
        %add3A_1008 = arith.constant 0 : i32
        %add3A_1009 = arith.addi %mul3A_1007, %add3A_1008 : i32
        %add3A_1010 = arith.addi %add3A_1009, %select_n3A_996 : i32
        %mul3A_1011 = arith.constant 128 : i32
        %mul3A_1012 = arith.muli %select_n3A_980, %mul3A_1011 : i32
        %add3A_1013 = arith.constant 0 : i32
        %add3A_1014 = arith.addi %mul3A_1012, %add3A_1013 : i32
        %get3A_1015 = arith.constant 0 : i32
        %get3A_1016 = tpu.memref_slice %arg7[%scan3A_121, %get3A_1015] : memref<2x512xf32, #tpu.memory_space<vmem>> -> memref<1x512xf32, #tpu.memory_space<vmem>>
        %get3A_1017 = tpu.memref_squeeze %get3A_1016 : memref<1x512xf32, #tpu.memory_space<vmem>> -> memref<512xf32, #tpu.memory_space<vmem>>
        %get3A_1018 = arith.index_cast %add3A_1014 : i32 to index
        %get3A_1019 = tpu.vector_load %get3A_1017[%get3A_1018] {strides = array<i32>} : memref<512xf32, #tpu.memory_space<vmem>>, vector<16xf32>,
        %get3A_1020 = vector.shape_cast %get3A_1019 : vector<16xf32> to vector<16xf32>
        %broadcast_in_dim3A_1021 = vector.shape_cast %broadcast_in_dim3A_997 : vector<16xi32> to vector<16x1xi32>
        %gather3A_1022 = vector.shape_cast %broadcast_in_dim3A_1021 : vector<16x1xi32> to vector<16xi32>
        %gather3A_1023 = tpu.dynamic_gather %get3A_1020[%gather3A_1022] in [0] : vector<16xf32>, vector<16xi32> -> vector<16xf32>
        %mul3A_1024 = arith.constant 128 : i32
        %mul3A_1025 = arith.muli %select_n3A_980, %mul3A_1024 : i32
        %add3A_1026 = arith.constant 0 : i32
        %add3A_1027 = arith.addi %mul3A_1025, %add3A_1026 : i32
        %add3A_1028 = arith.constant 16 : i32
        %add3A_1029 = arith.addi %add3A_1027, %add3A_1028 : i32
        %get3A_1030 = arith.constant 0 : i32
        %get3A_1031 = tpu.memref_slice %arg7[%scan3A_121, %get3A_1030] : memref<2x512xf32, #tpu.memory_space<vmem>> -> memref<1x512xf32, #tpu.memory_space<vmem>>
        %get3A_1032 = tpu.memref_squeeze %get3A_1031 : memref<1x512xf32, #tpu.memory_space<vmem>> -> memref<512xf32, #tpu.memory_space<vmem>>
        %get3A_1033 = arith.index_cast %add3A_1029 : i32 to index
        %get3A_1034 = tpu.vector_load %get3A_1032[%get3A_1033] {strides = array<i32>} : memref<512xf32, #tpu.memory_space<vmem>>, vector<16xf32>,
        %get3A_1035 = vector.shape_cast %get3A_1034 : vector<16xf32> to vector<16xf32>
        %broadcast_in_dim3A_1036 = vector.shape_cast %broadcast_in_dim3A_997 : vector<16xi32> to vector<16x1xi32>
        %gather3A_1037 = vector.shape_cast %broadcast_in_dim3A_1036 : vector<16x1xi32> to vector<16xi32>
        %gather3A_1038 = tpu.dynamic_gather %get3A_1035[%gather3A_1037] in [0] : vector<16xf32>, vector<16xi32> -> vector<16xf32>
        %get3A_1039 = arith.constant 0 : i32
        %get3A_1040 = arith.constant 0 : i32
        %get3A_1041 = tpu.memref_slice %arg8[%scan3A_117, %get3A_1039, %get3A_1040] : memref<2x256x128xf32, #tpu.memory_space<vmem>> -> memref<1x256x128xf32, #tpu.memory_space<vmem>>
        %get3A_1042 = tpu.memref_squeeze %get3A_1041 : memref<1x256x128xf32, #tpu.memory_space<vmem>> -> memref<256x128xf32, #tpu.memory_space<vmem>>
        %get3A_1043 = arith.index_cast %add3A_1010 : i32 to index
        %get3A_1044 = arith.constant 0 : index
        %get3A_1045 = tpu.vector_load %get3A_1042[%get3A_1043, %get3A_1044] {strides = array<i32>} : memref<256x128xf32, #tpu.memory_space<vmem>>, vector<1x16xf32>,
        %get3A_1046 = vector.shape_cast %get3A_1045 : vector<1x16xf32> to vector<16xf32>
        %mul3A_1047 = arith.mulf %gather3A_1023, %get3A_1046 : vector<16xf32>
        %add3A_1048 = arith.addf %broadcast_in_dim3A_999, %mul3A_1047 : vector<16xf32>
        %get3A_1049 = arith.constant 0 : i32
        %get3A_1050 = arith.constant 0 : i32
        %get3A_1051 = tpu.memref_slice %arg8[%scan3A_117, %get3A_1049, %get3A_1050] : memref<2x256x128xf32, #tpu.memory_space<vmem>> -> memref<1x256x128xf32, #tpu.memory_space<vmem>>
        %get3A_1052 = tpu.memref_squeeze %get3A_1051 : memref<1x256x128xf32, #tpu.memory_space<vmem>> -> memref<256x128xf32, #tpu.memory_space<vmem>>
        %get3A_1053 = arith.index_cast %add3A_1010 : i32 to index
        %get3A_1054 = arith.constant 64 : index
        %get3A_1055 = tpu.vector_load %get3A_1052[%get3A_1053, %get3A_1054] {strides = array<i32>} : memref<256x128xf32, #tpu.memory_space<vmem>>, vector<1x16xf32>,
        %get3A_1056 = vector.shape_cast %get3A_1055 : vector<1x16xf32> to vector<16xf32>
        %mul3A_1057 = arith.mulf %gather3A_1038, %get3A_1056 : vector<16xf32>
        %add3A_1058 = arith.addf %add3A_1048, %mul3A_1057 : vector<16xf32>
        %get3A_1059 = arith.constant 0 : i32
        %get3A_1060 = arith.constant 0 : i32
        %get3A_1061 = tpu.memref_slice %arg8[%scan3A_117, %get3A_1059, %get3A_1060] : memref<2x256x128xf32, #tpu.memory_space<vmem>> -> memref<1x256x128xf32, #tpu.memory_space<vmem>>
        %get3A_1062 = tpu.memref_squeeze %get3A_1061 : memref<1x256x128xf32, #tpu.memory_space<vmem>> -> memref<256x128xf32, #tpu.memory_space<vmem>>
        %get3A_1063 = arith.index_cast %add3A_1010 : i32 to index
        %get3A_1064 = arith.constant 16 : index
        %get3A_1065 = tpu.vector_load %get3A_1062[%get3A_1063, %get3A_1064] {strides = array<i32>} : memref<256x128xf32, #tpu.memory_space<vmem>>, vector<1x16xf32>,
        %get3A_1066 = vector.shape_cast %get3A_1065 : vector<1x16xf32> to vector<16xf32>
        %mul3A_1067 = arith.mulf %gather3A_1023, %get3A_1066 : vector<16xf32>
        %add3A_1068 = arith.addf %broadcast_in_dim3A_1001, %mul3A_1067 : vector<16xf32>
        %get3A_1069 = arith.constant 0 : i32
        %get3A_1070 = arith.constant 0 : i32
        %get3A_1071 = tpu.memref_slice %arg8[%scan3A_117, %get3A_1069, %get3A_1070] : memref<2x256x128xf32, #tpu.memory_space<vmem>> -> memref<1x256x128xf32, #tpu.memory_space<vmem>>
        %get3A_1072 = tpu.memref_squeeze %get3A_1071 : memref<1x256x128xf32, #tpu.memory_space<vmem>> -> memref<256x128xf32, #tpu.memory_space<vmem>>
        %get3A_1073 = arith.index_cast %add3A_1010 : i32 to index
        %get3A_1074 = arith.constant 80 : index
        %get3A_1075 = tpu.vector_load %get3A_1072[%get3A_1073, %get3A_1074] {strides = array<i32>} : memref<256x128xf32, #tpu.memory_space<vmem>>, vector<1x16xf32>,
        %get3A_1076 = vector.shape_cast %get3A_1075 : vector<1x16xf32> to vector<16xf32>
        %mul3A_1077 = arith.mulf %gather3A_1038, %get3A_1076 : vector<16xf32>
        %add3A_1078 = arith.addf %add3A_1068, %mul3A_1077 : vector<16xf32>
        %get3A_1079 = arith.constant 0 : i32
        %get3A_1080 = arith.constant 0 : i32
        %get3A_1081 = tpu.memref_slice %arg8[%scan3A_117, %get3A_1079, %get3A_1080] : memref<2x256x128xf32, #tpu.memory_space<vmem>> -> memref<1x256x128xf32, #tpu.memory_space<vmem>>
        %get3A_1082 = tpu.memref_squeeze %get3A_1081 : memref<1x256x128xf32, #tpu.memory_space<vmem>> -> memref<256x128xf32, #tpu.memory_space<vmem>>
        %get3A_1083 = arith.index_cast %add3A_1010 : i32 to index
        %get3A_1084 = arith.constant 32 : index
        %get3A_1085 = tpu.vector_load %get3A_1082[%get3A_1083, %get3A_1084] {strides = array<i32>} : memref<256x128xf32, #tpu.memory_space<vmem>>, vector<1x16xf32>,
        %get3A_1086 = vector.shape_cast %get3A_1085 : vector<1x16xf32> to vector<16xf32>
        %mul3A_1087 = arith.mulf %gather3A_1023, %get3A_1086 : vector<16xf32>
        %add3A_1088 = arith.addf %broadcast_in_dim3A_1003, %mul3A_1087 : vector<16xf32>
        %get3A_1089 = arith.constant 0 : i32
        %get3A_1090 = arith.constant 0 : i32
        %get3A_1091 = tpu.memref_slice %arg8[%scan3A_117, %get3A_1089, %get3A_1090] : memref<2x256x128xf32, #tpu.memory_space<vmem>> -> memref<1x256x128xf32, #tpu.memory_space<vmem>>
        %get3A_1092 = tpu.memref_squeeze %get3A_1091 : memref<1x256x128xf32, #tpu.memory_space<vmem>> -> memref<256x128xf32, #tpu.memory_space<vmem>>
        %get3A_1093 = arith.index_cast %add3A_1010 : i32 to index
        %get3A_1094 = arith.constant 96 : index
        %get3A_1095 = tpu.vector_load %get3A_1092[%get3A_1093, %get3A_1094] {strides = array<i32>} : memref<256x128xf32, #tpu.memory_space<vmem>>, vector<1x16xf32>,
        %get3A_1096 = vector.shape_cast %get3A_1095 : vector<1x16xf32> to vector<16xf32>
        %mul3A_1097 = arith.mulf %gather3A_1038, %get3A_1096 : vector<16xf32>
        %add3A_1098 = arith.addf %add3A_1088, %mul3A_1097 : vector<16xf32>
        %get3A_1099 = arith.constant 0 : i32
        %get3A_1100 = arith.constant 0 : i32
        %get3A_1101 = tpu.memref_slice %arg8[%scan3A_117, %get3A_1099, %get3A_1100] : memref<2x256x128xf32, #tpu.memory_space<vmem>> -> memref<1x256x128xf32, #tpu.memory_space<vmem>>
        %get3A_1102 = tpu.memref_squeeze %get3A_1101 : memref<1x256x128xf32, #tpu.memory_space<vmem>> -> memref<256x128xf32, #tpu.memory_space<vmem>>
        %get3A_1103 = arith.index_cast %add3A_1010 : i32 to index
        %get3A_1104 = arith.constant 48 : index
        %get3A_1105 = tpu.vector_load %get3A_1102[%get3A_1103, %get3A_1104] {strides = array<i32>} : memref<256x128xf32, #tpu.memory_space<vmem>>, vector<1x16xf32>,
        %get3A_1106 = vector.shape_cast %get3A_1105 : vector<1x16xf32> to vector<16xf32>
        %mul3A_1107 = arith.mulf %gather3A_1023, %get3A_1106 : vector<16xf32>
        %add3A_1108 = arith.addf %broadcast_in_dim3A_1005, %mul3A_1107 : vector<16xf32>
        %get3A_1109 = arith.constant 0 : i32
        %get3A_1110 = arith.constant 0 : i32
        %get3A_1111 = tpu.memref_slice %arg8[%scan3A_117, %get3A_1109, %get3A_1110] : memref<2x256x128xf32, #tpu.memory_space<vmem>> -> memref<1x256x128xf32, #tpu.memory_space<vmem>>
        %get3A_1112 = tpu.memref_squeeze %get3A_1111 : memref<1x256x128xf32, #tpu.memory_space<vmem>> -> memref<256x128xf32, #tpu.memory_space<vmem>>
        %get3A_1113 = arith.index_cast %add3A_1010 : i32 to index
        %get3A_1114 = arith.constant 112 : index
        %get3A_1115 = tpu.vector_load %get3A_1112[%get3A_1113, %get3A_1114] {strides = array<i32>} : memref<256x128xf32, #tpu.memory_space<vmem>>, vector<1x16xf32>,
        %get3A_1116 = vector.shape_cast %get3A_1115 : vector<1x16xf32> to vector<16xf32>
        %mul3A_1117 = arith.mulf %gather3A_1038, %get3A_1116 : vector<16xf32>
        %add3A_1118 = arith.addf %add3A_1108, %mul3A_1117 : vector<16xf32>
        %mul3A_1119 = arith.constant 64 : i32
        %mul3A_1120 = arith.muli %select_n3A_980, %mul3A_1119 : i32
        %add3A_1121 = arith.constant 16 : i32
        %add3A_1122 = arith.addi %mul3A_1120, %add3A_1121 : i32
        %add3A_1123 = arith.addi %add3A_1122, %select_n3A_996 : i32
        %mul3A_1124 = arith.constant 128 : i32
        %mul3A_1125 = arith.muli %select_n3A_980, %mul3A_1124 : i32
        %add3A_1126 = arith.constant 32 : i32
        %add3A_1127 = arith.addi %mul3A_1125, %add3A_1126 : i32
        %get3A_1128 = arith.constant 0 : i32
        %get3A_1129 = tpu.memref_slice %arg7[%scan3A_121, %get3A_1128] : memref<2x512xf32, #tpu.memory_space<vmem>> -> memref<1x512xf32, #tpu.memory_space<vmem>>
        %get3A_1130 = tpu.memref_squeeze %get3A_1129 : memref<1x512xf32, #tpu.memory_space<vmem>> -> memref<512xf32, #tpu.memory_space<vmem>>
        %get3A_1131 = arith.index_cast %add3A_1127 : i32 to index
        %get3A_1132 = tpu.vector_load %get3A_1130[%get3A_1131] {strides = array<i32>} : memref<512xf32, #tpu.memory_space<vmem>>, vector<16xf32>,
        %get3A_1133 = vector.shape_cast %get3A_1132 : vector<16xf32> to vector<16xf32>
        %broadcast_in_dim3A_1134 = vector.shape_cast %broadcast_in_dim3A_997 : vector<16xi32> to vector<16x1xi32>
        %gather3A_1135 = vector.shape_cast %broadcast_in_dim3A_1134 : vector<16x1xi32> to vector<16xi32>
        %gather3A_1136 = tpu.dynamic_gather %get3A_1133[%gather3A_1135] in [0] : vector<16xf32>, vector<16xi32> -> vector<16xf32>
        %mul3A_1137 = arith.constant 128 : i32
        %mul3A_1138 = arith.muli %select_n3A_980, %mul3A_1137 : i32
        %add3A_1139 = arith.constant 32 : i32
        %add3A_1140 = arith.addi %mul3A_1138, %add3A_1139 : i32
        %add3A_1141 = arith.constant 16 : i32
        %add3A_1142 = arith.addi %add3A_1140, %add3A_1141 : i32
        %get3A_1143 = arith.constant 0 : i32
        %get3A_1144 = tpu.memref_slice %arg7[%scan3A_121, %get3A_1143] : memref<2x512xf32, #tpu.memory_space<vmem>> -> memref<1x512xf32, #tpu.memory_space<vmem>>
        %get3A_1145 = tpu.memref_squeeze %get3A_1144 : memref<1x512xf32, #tpu.memory_space<vmem>> -> memref<512xf32, #tpu.memory_space<vmem>>
        %get3A_1146 = arith.index_cast %add3A_1142 : i32 to index
        %get3A_1147 = tpu.vector_load %get3A_1145[%get3A_1146] {strides = array<i32>} : memref<512xf32, #tpu.memory_space<vmem>>, vector<16xf32>,
        %get3A_1148 = vector.shape_cast %get3A_1147 : vector<16xf32> to vector<16xf32>
        %broadcast_in_dim3A_1149 = vector.shape_cast %broadcast_in_dim3A_997 : vector<16xi32> to vector<16x1xi32>
        %gather3A_1150 = vector.shape_cast %broadcast_in_dim3A_1149 : vector<16x1xi32> to vector<16xi32>
        %gather3A_1151 = tpu.dynamic_gather %get3A_1148[%gather3A_1150] in [0] : vector<16xf32>, vector<16xi32> -> vector<16xf32>
        %get3A_1152 = arith.constant 0 : i32
        %get3A_1153 = arith.constant 0 : i32
        %get3A_1154 = tpu.memref_slice %arg8[%scan3A_117, %get3A_1152, %get3A_1153] : memref<2x256x128xf32, #tpu.memory_space<vmem>> -> memref<1x256x128xf32, #tpu.memory_space<vmem>>
        %get3A_1155 = tpu.memref_squeeze %get3A_1154 : memref<1x256x128xf32, #tpu.memory_space<vmem>> -> memref<256x128xf32, #tpu.memory_space<vmem>>
        %get3A_1156 = arith.index_cast %add3A_1123 : i32 to index
        %get3A_1157 = arith.constant 0 : index
        %get3A_1158 = tpu.vector_load %get3A_1155[%get3A_1156, %get3A_1157] {strides = array<i32>} : memref<256x128xf32, #tpu.memory_space<vmem>>, vector<1x16xf32>,
        %get3A_1159 = vector.shape_cast %get3A_1158 : vector<1x16xf32> to vector<16xf32>
        %mul3A_1160 = arith.mulf %gather3A_1136, %get3A_1159 : vector<16xf32>
        %add3A_1161 = arith.addf %add3A_1058, %mul3A_1160 : vector<16xf32>
        %get3A_1162 = arith.constant 0 : i32
        %get3A_1163 = arith.constant 0 : i32
        %get3A_1164 = tpu.memref_slice %arg8[%scan3A_117, %get3A_1162, %get3A_1163] : memref<2x256x128xf32, #tpu.memory_space<vmem>> -> memref<1x256x128xf32, #tpu.memory_space<vmem>>
        %get3A_1165 = tpu.memref_squeeze %get3A_1164 : memref<1x256x128xf32, #tpu.memory_space<vmem>> -> memref<256x128xf32, #tpu.memory_space<vmem>>
        %get3A_1166 = arith.index_cast %add3A_1123 : i32 to index
        %get3A_1167 = arith.constant 64 : index
        %get3A_1168 = tpu.vector_load %get3A_1165[%get3A_1166, %get3A_1167] {strides = array<i32>} : memref<256x128xf32, #tpu.memory_space<vmem>>, vector<1x16xf32>,
        %get3A_1169 = vector.shape_cast %get3A_1168 : vector<1x16xf32> to vector<16xf32>
        %mul3A_1170 = arith.mulf %gather3A_1151, %get3A_1169 : vector<16xf32>
        %add3A_1171 = arith.addf %add3A_1161, %mul3A_1170 : vector<16xf32>
        %get3A_1172 = arith.constant 0 : i32
        %get3A_1173 = arith.constant 0 : i32
        %get3A_1174 = tpu.memref_slice %arg8[%scan3A_117, %get3A_1172, %get3A_1173] : memref<2x256x128xf32, #tpu.memory_space<vmem>> -> memref<1x256x128xf32, #tpu.memory_space<vmem>>
        %get3A_1175 = tpu.memref_squeeze %get3A_1174 : memref<1x256x128xf32, #tpu.memory_space<vmem>> -> memref<256x128xf32, #tpu.memory_space<vmem>>
        %get3A_1176 = arith.index_cast %add3A_1123 : i32 to index
        %get3A_1177 = arith.constant 16 : index
        %get3A_1178 = tpu.vector_load %get3A_1175[%get3A_1176, %get3A_1177] {strides = array<i32>} : memref<256x128xf32, #tpu.memory_space<vmem>>, vector<1x16xf32>,
        %get3A_1179 = vector.shape_cast %get3A_1178 : vector<1x16xf32> to vector<16xf32>
        %mul3A_1180 = arith.mulf %gather3A_1136, %get3A_1179 : vector<16xf32>
        %add3A_1181 = arith.addf %add3A_1078, %mul3A_1180 : vector<16xf32>
        %get3A_1182 = arith.constant 0 : i32
        %get3A_1183 = arith.constant 0 : i32
        %get3A_1184 = tpu.memref_slice %arg8[%scan3A_117, %get3A_1182, %get3A_1183] : memref<2x256x128xf32, #tpu.memory_space<vmem>> -> memref<1x256x128xf32, #tpu.memory_space<vmem>>
        %get3A_1185 = tpu.memref_squeeze %get3A_1184 : memref<1x256x128xf32, #tpu.memory_space<vmem>> -> memref<256x128xf32, #tpu.memory_space<vmem>>
        %get3A_1186 = arith.index_cast %add3A_1123 : i32 to index
        %get3A_1187 = arith.constant 80 : index
        %get3A_1188 = tpu.vector_load %get3A_1185[%get3A_1186, %get3A_1187] {strides = array<i32>} : memref<256x128xf32, #tpu.memory_space<vmem>>, vector<1x16xf32>,
        %get3A_1189 = vector.shape_cast %get3A_1188 : vector<1x16xf32> to vector<16xf32>
        %mul3A_1190 = arith.mulf %gather3A_1151, %get3A_1189 : vector<16xf32>
        %add3A_1191 = arith.addf %add3A_1181, %mul3A_1190 : vector<16xf32>
        %get3A_1192 = arith.constant 0 : i32
        %get3A_1193 = arith.constant 0 : i32
        %get3A_1194 = tpu.memref_slice %arg8[%scan3A_117, %get3A_1192, %get3A_1193] : memref<2x256x128xf32, #tpu.memory_space<vmem>> -> memref<1x256x128xf32, #tpu.memory_space<vmem>>
        %get3A_1195 = tpu.memref_squeeze %get3A_1194 : memref<1x256x128xf32, #tpu.memory_space<vmem>> -> memref<256x128xf32, #tpu.memory_space<vmem>>
        %get3A_1196 = arith.index_cast %add3A_1123 : i32 to index
        %get3A_1197 = arith.constant 32 : index
        %get3A_1198 = tpu.vector_load %get3A_1195[%get3A_1196, %get3A_1197] {strides = array<i32>} : memref<256x128xf32, #tpu.memory_space<vmem>>, vector<1x16xf32>,
        %get3A_1199 = vector.shape_cast %get3A_1198 : vector<1x16xf32> to vector<16xf32>
        %mul3A_1200 = arith.mulf %gather3A_1136, %get3A_1199 : vector<16xf32>
        %add3A_1201 = arith.addf %add3A_1098, %mul3A_1200 : vector<16xf32>
        %get3A_1202 = arith.constant 0 : i32
        %get3A_1203 = arith.constant 0 : i32
        %get3A_1204 = tpu.memref_slice %arg8[%scan3A_117, %get3A_1202, %get3A_1203] : memref<2x256x128xf32, #tpu.memory_space<vmem>> -> memref<1x256x128xf32, #tpu.memory_space<vmem>>
        %get3A_1205 = tpu.memref_squeeze %get3A_1204 : memref<1x256x128xf32, #tpu.memory_space<vmem>> -> memref<256x128xf32, #tpu.memory_space<vmem>>
        %get3A_1206 = arith.index_cast %add3A_1123 : i32 to index
        %get3A_1207 = arith.constant 96 : index
        %get3A_1208 = tpu.vector_load %get3A_1205[%get3A_1206, %get3A_1207] {strides = array<i32>} : memref<256x128xf32, #tpu.memory_space<vmem>>, vector<1x16xf32>,
        %get3A_1209 = vector.shape_cast %get3A_1208 : vector<1x16xf32> to vector<16xf32>
        %mul3A_1210 = arith.mulf %gather3A_1151, %get3A_1209 : vector<16xf32>
        %add3A_1211 = arith.addf %add3A_1201, %mul3A_1210 : vector<16xf32>
        %get3A_1212 = arith.constant 0 : i32
        %get3A_1213 = arith.constant 0 : i32
        %get3A_1214 = tpu.memref_slice %arg8[%scan3A_117, %get3A_1212, %get3A_1213] : memref<2x256x128xf32, #tpu.memory_space<vmem>> -> memref<1x256x128xf32, #tpu.memory_space<vmem>>
        %get3A_1215 = tpu.memref_squeeze %get3A_1214 : memref<1x256x128xf32, #tpu.memory_space<vmem>> -> memref<256x128xf32, #tpu.memory_space<vmem>>
        %get3A_1216 = arith.index_cast %add3A_1123 : i32 to index
        %get3A_1217 = arith.constant 48 : index
        %get3A_1218 = tpu.vector_load %get3A_1215[%get3A_1216, %get3A_1217] {strides = array<i32>} : memref<256x128xf32, #tpu.memory_space<vmem>>, vector<1x16xf32>,
        %get3A_1219 = vector.shape_cast %get3A_1218 : vector<1x16xf32> to vector<16xf32>
        %mul3A_1220 = arith.mulf %gather3A_1136, %get3A_1219 : vector<16xf32>
        %add3A_1221 = arith.addf %add3A_1118, %mul3A_1220 : vector<16xf32>
        %get3A_1222 = arith.constant 0 : i32
        %get3A_1223 = arith.constant 0 : i32
        %get3A_1224 = tpu.memref_slice %arg8[%scan3A_117, %get3A_1222, %get3A_1223] : memref<2x256x128xf32, #tpu.memory_space<vmem>> -> memref<1x256x128xf32, #tpu.memory_space<vmem>>
        %get3A_1225 = tpu.memref_squeeze %get3A_1224 : memref<1x256x128xf32, #tpu.memory_space<vmem>> -> memref<256x128xf32, #tpu.memory_space<vmem>>
        %get3A_1226 = arith.index_cast %add3A_1123 : i32 to index
        %get3A_1227 = arith.constant 112 : index
        %get3A_1228 = tpu.vector_load %get3A_1225[%get3A_1226, %get3A_1227] {strides = array<i32>} : memref<256x128xf32, #tpu.memory_space<vmem>>, vector<1x16xf32>,
        %get3A_1229 = vector.shape_cast %get3A_1228 : vector<1x16xf32> to vector<16xf32>
        %mul3A_1230 = arith.mulf %gather3A_1151, %get3A_1229 : vector<16xf32>
        %add3A_1231 = arith.addf %add3A_1221, %mul3A_1230 : vector<16xf32>
        %mul3A_1232 = arith.constant 64 : i32
        %mul3A_1233 = arith.muli %select_n3A_980, %mul3A_1232 : i32
        %add3A_1234 = arith.constant 32 : i32
        %add3A_1235 = arith.addi %mul3A_1233, %add3A_1234 : i32
        %add3A_1236 = arith.addi %add3A_1235, %select_n3A_996 : i32
        %mul3A_1237 = arith.constant 128 : i32
        %mul3A_1238 = arith.muli %select_n3A_980, %mul3A_1237 : i32
        %add3A_1239 = arith.constant 64 : i32
        %add3A_1240 = arith.addi %mul3A_1238, %add3A_1239 : i32
        %get3A_1241 = arith.constant 0 : i32
        %get3A_1242 = tpu.memref_slice %arg7[%scan3A_121, %get3A_1241] : memref<2x512xf32, #tpu.memory_space<vmem>> -> memref<1x512xf32, #tpu.memory_space<vmem>>
        %get3A_1243 = tpu.memref_squeeze %get3A_1242 : memref<1x512xf32, #tpu.memory_space<vmem>> -> memref<512xf32, #tpu.memory_space<vmem>>
        %get3A_1244 = arith.index_cast %add3A_1240 : i32 to index
        %get3A_1245 = tpu.vector_load %get3A_1243[%get3A_1244] {strides = array<i32>} : memref<512xf32, #tpu.memory_space<vmem>>, vector<16xf32>,
        %get3A_1246 = vector.shape_cast %get3A_1245 : vector<16xf32> to vector<16xf32>
        %broadcast_in_dim3A_1247 = vector.shape_cast %broadcast_in_dim3A_997 : vector<16xi32> to vector<16x1xi32>
        %gather3A_1248 = vector.shape_cast %broadcast_in_dim3A_1247 : vector<16x1xi32> to vector<16xi32>
        %gather3A_1249 = tpu.dynamic_gather %get3A_1246[%gather3A_1248] in [0] : vector<16xf32>, vector<16xi32> -> vector<16xf32>
        %mul3A_1250 = arith.constant 128 : i32
        %mul3A_1251 = arith.muli %select_n3A_980, %mul3A_1250 : i32
        %add3A_1252 = arith.constant 64 : i32
        %add3A_1253 = arith.addi %mul3A_1251, %add3A_1252 : i32
        %add3A_1254 = arith.constant 16 : i32
        %add3A_1255 = arith.addi %add3A_1253, %add3A_1254 : i32
        %get3A_1256 = arith.constant 0 : i32
        %get3A_1257 = tpu.memref_slice %arg7[%scan3A_121, %get3A_1256] : memref<2x512xf32, #tpu.memory_space<vmem>> -> memref<1x512xf32, #tpu.memory_space<vmem>>
        %get3A_1258 = tpu.memref_squeeze %get3A_1257 : memref<1x512xf32, #tpu.memory_space<vmem>> -> memref<512xf32, #tpu.memory_space<vmem>>
        %get3A_1259 = arith.index_cast %add3A_1255 : i32 to index
        %get3A_1260 = tpu.vector_load %get3A_1258[%get3A_1259] {strides = array<i32>} : memref<512xf32, #tpu.memory_space<vmem>>, vector<16xf32>,
        %get3A_1261 = vector.shape_cast %get3A_1260 : vector<16xf32> to vector<16xf32>
        %broadcast_in_dim3A_1262 = vector.shape_cast %broadcast_in_dim3A_997 : vector<16xi32> to vector<16x1xi32>
        %gather3A_1263 = vector.shape_cast %broadcast_in_dim3A_1262 : vector<16x1xi32> to vector<16xi32>
        %gather3A_1264 = tpu.dynamic_gather %get3A_1261[%gather3A_1263] in [0] : vector<16xf32>, vector<16xi32> -> vector<16xf32>
        %get3A_1265 = arith.constant 0 : i32
        %get3A_1266 = arith.constant 0 : i32
        %get3A_1267 = tpu.memref_slice %arg8[%scan3A_117, %get3A_1265, %get3A_1266] : memref<2x256x128xf32, #tpu.memory_space<vmem>> -> memref<1x256x128xf32, #tpu.memory_space<vmem>>
        %get3A_1268 = tpu.memref_squeeze %get3A_1267 : memref<1x256x128xf32, #tpu.memory_space<vmem>> -> memref<256x128xf32, #tpu.memory_space<vmem>>
        %get3A_1269 = arith.index_cast %add3A_1236 : i32 to index
        %get3A_1270 = arith.constant 0 : index
        %get3A_1271 = tpu.vector_load %get3A_1268[%get3A_1269, %get3A_1270] {strides = array<i32>} : memref<256x128xf32, #tpu.memory_space<vmem>>, vector<1x16xf32>,
        %get3A_1272 = vector.shape_cast %get3A_1271 : vector<1x16xf32> to vector<16xf32>
        %mul3A_1273 = arith.mulf %gather3A_1249, %get3A_1272 : vector<16xf32>
        %add3A_1274 = arith.addf %add3A_1171, %mul3A_1273 : vector<16xf32>
        %get3A_1275 = arith.constant 0 : i32
        %get3A_1276 = arith.constant 0 : i32
        %get3A_1277 = tpu.memref_slice %arg8[%scan3A_117, %get3A_1275, %get3A_1276] : memref<2x256x128xf32, #tpu.memory_space<vmem>> -> memref<1x256x128xf32, #tpu.memory_space<vmem>>
        %get3A_1278 = tpu.memref_squeeze %get3A_1277 : memref<1x256x128xf32, #tpu.memory_space<vmem>> -> memref<256x128xf32, #tpu.memory_space<vmem>>
        %get3A_1279 = arith.index_cast %add3A_1236 : i32 to index
        %get3A_1280 = arith.constant 64 : index
        %get3A_1281 = tpu.vector_load %get3A_1278[%get3A_1279, %get3A_1280] {strides = array<i32>} : memref<256x128xf32, #tpu.memory_space<vmem>>, vector<1x16xf32>,
        %get3A_1282 = vector.shape_cast %get3A_1281 : vector<1x16xf32> to vector<16xf32>
        %mul3A_1283 = arith.mulf %gather3A_1264, %get3A_1282 : vector<16xf32>
        %add3A_1284 = arith.addf %add3A_1274, %mul3A_1283 : vector<16xf32>
        %get3A_1285 = arith.constant 0 : i32
        %get3A_1286 = arith.constant 0 : i32
        %get3A_1287 = tpu.memref_slice %arg8[%scan3A_117, %get3A_1285, %get3A_1286] : memref<2x256x128xf32, #tpu.memory_space<vmem>> -> memref<1x256x128xf32, #tpu.memory_space<vmem>>
        %get3A_1288 = tpu.memref_squeeze %get3A_1287 : memref<1x256x128xf32, #tpu.memory_space<vmem>> -> memref<256x128xf32, #tpu.memory_space<vmem>>
        %get3A_1289 = arith.index_cast %add3A_1236 : i32 to index
        %get3A_1290 = arith.constant 16 : index
        %get3A_1291 = tpu.vector_load %get3A_1288[%get3A_1289, %get3A_1290] {strides = array<i32>} : memref<256x128xf32, #tpu.memory_space<vmem>>, vector<1x16xf32>,
        %get3A_1292 = vector.shape_cast %get3A_1291 : vector<1x16xf32> to vector<16xf32>
        %mul3A_1293 = arith.mulf %gather3A_1249, %get3A_1292 : vector<16xf32>
        %add3A_1294 = arith.addf %add3A_1191, %mul3A_1293 : vector<16xf32>
        %get3A_1295 = arith.constant 0 : i32
        %get3A_1296 = arith.constant 0 : i32
        %get3A_1297 = tpu.memref_slice %arg8[%scan3A_117, %get3A_1295, %get3A_1296] : memref<2x256x128xf32, #tpu.memory_space<vmem>> -> memref<1x256x128xf32, #tpu.memory_space<vmem>>
        %get3A_1298 = tpu.memref_squeeze %get3A_1297 : memref<1x256x128xf32, #tpu.memory_space<vmem>> -> memref<256x128xf32, #tpu.memory_space<vmem>>
        %get3A_1299 = arith.index_cast %add3A_1236 : i32 to index
        %get3A_1300 = arith.constant 80 : index
        %get3A_1301 = tpu.vector_load %get3A_1298[%get3A_1299, %get3A_1300] {strides = array<i32>} : memref<256x128xf32, #tpu.memory_space<vmem>>, vector<1x16xf32>,
        %get3A_1302 = vector.shape_cast %get3A_1301 : vector<1x16xf32> to vector<16xf32>
        %mul3A_1303 = arith.mulf %gather3A_1264, %get3A_1302 : vector<16xf32>
        %add3A_1304 = arith.addf %add3A_1294, %mul3A_1303 : vector<16xf32>
        %get3A_1305 = arith.constant 0 : i32
        %get3A_1306 = arith.constant 0 : i32
        %get3A_1307 = tpu.memref_slice %arg8[%scan3A_117, %get3A_1305, %get3A_1306] : memref<2x256x128xf32, #tpu.memory_space<vmem>> -> memref<1x256x128xf32, #tpu.memory_space<vmem>>
        %get3A_1308 = tpu.memref_squeeze %get3A_1307 : memref<1x256x128xf32, #tpu.memory_space<vmem>> -> memref<256x128xf32, #tpu.memory_space<vmem>>
        %get3A_1309 = arith.index_cast %add3A_1236 : i32 to index
        %get3A_1310 = arith.constant 32 : index
        %get3A_1311 = tpu.vector_load %get3A_1308[%get3A_1309, %get3A_1310] {strides = array<i32>} : memref<256x128xf32, #tpu.memory_space<vmem>>, vector<1x16xf32>,
        %get3A_1312 = vector.shape_cast %get3A_1311 : vector<1x16xf32> to vector<16xf32>
        %mul3A_1313 = arith.mulf %gather3A_1249, %get3A_1312 : vector<16xf32>
        %add3A_1314 = arith.addf %add3A_1211, %mul3A_1313 : vector<16xf32>
        %get3A_1315 = arith.constant 0 : i32
        %get3A_1316 = arith.constant 0 : i32
        %get3A_1317 = tpu.memref_slice %arg8[%scan3A_117, %get3A_1315, %get3A_1316] : memref<2x256x128xf32, #tpu.memory_space<vmem>> -> memref<1x256x128xf32, #tpu.memory_space<vmem>>
        %get3A_1318 = tpu.memref_squeeze %get3A_1317 : memref<1x256x128xf32, #tpu.memory_space<vmem>> -> memref<256x128xf32, #tpu.memory_space<vmem>>
        %get3A_1319 = arith.index_cast %add3A_1236 : i32 to index
        %get3A_1320 = arith.constant 96 : index
        %get3A_1321 = tpu.vector_load %get3A_1318[%get3A_1319, %get3A_1320] {strides = array<i32>} : memref<256x128xf32, #tpu.memory_space<vmem>>, vector<1x16xf32>,
        %get3A_1322 = vector.shape_cast %get3A_1321 : vector<1x16xf32> to vector<16xf32>
        %mul3A_1323 = arith.mulf %gather3A_1264, %get3A_1322 : vector<16xf32>
        %add3A_1324 = arith.addf %add3A_1314, %mul3A_1323 : vector<16xf32>
        %get3A_1325 = arith.constant 0 : i32
        %get3A_1326 = arith.constant 0 : i32
        %get3A_1327 = tpu.memref_slice %arg8[%scan3A_117, %get3A_1325, %get3A_1326] : memref<2x256x128xf32, #tpu.memory_space<vmem>> -> memref<1x256x128xf32, #tpu.memory_space<vmem>>
        %get3A_1328 = tpu.memref_squeeze %get3A_1327 : memref<1x256x128xf32, #tpu.memory_space<vmem>> -> memref<256x128xf32, #tpu.memory_space<vmem>>
        %get3A_1329 = arith.index_cast %add3A_1236 : i32 to index
        %get3A_1330 = arith.constant 48 : index
        %get3A_1331 = tpu.vector_load %get3A_1328[%get3A_1329, %get3A_1330] {strides = array<i32>} : memref<256x128xf32, #tpu.memory_space<vmem>>, vector<1x16xf32>,
        %get3A_1332 = vector.shape_cast %get3A_1331 : vector<1x16xf32> to vector<16xf32>
        %mul3A_1333 = arith.mulf %gather3A_1249, %get3A_1332 : vector<16xf32>
        %add3A_1334 = arith.addf %add3A_1231, %mul3A_1333 : vector<16xf32>
        %get3A_1335 = arith.constant 0 : i32
        %get3A_1336 = arith.constant 0 : i32
        %get3A_1337 = tpu.memref_slice %arg8[%scan3A_117, %get3A_1335, %get3A_1336] : memref<2x256x128xf32, #tpu.memory_space<vmem>> -> memref<1x256x128xf32, #tpu.memory_space<vmem>>
        %get3A_1338 = tpu.memref_squeeze %get3A_1337 : memref<1x256x128xf32, #tpu.memory_space<vmem>> -> memref<256x128xf32, #tpu.memory_space<vmem>>
        %get3A_1339 = arith.index_cast %add3A_1236 : i32 to index
        %get3A_1340 = arith.constant 112 : index
        %get3A_1341 = tpu.vector_load %get3A_1338[%get3A_1339, %get3A_1340] {strides = array<i32>} : memref<256x128xf32, #tpu.memory_space<vmem>>, vector<1x16xf32>,
        %get3A_1342 = vector.shape_cast %get3A_1341 : vector<1x16xf32> to vector<16xf32>
        %mul3A_1343 = arith.mulf %gather3A_1264, %get3A_1342 : vector<16xf32>
        %add3A_1344 = arith.addf %add3A_1334, %mul3A_1343 : vector<16xf32>
        %mul3A_1345 = arith.constant 64 : i32
        %mul3A_1346 = arith.muli %select_n3A_980, %mul3A_1345 : i32
        %add3A_1347 = arith.constant 48 : i32
        %add3A_1348 = arith.addi %mul3A_1346, %add3A_1347 : i32
        %add3A_1349 = arith.addi %add3A_1348, %select_n3A_996 : i32
        %mul3A_1350 = arith.constant 128 : i32
        %mul3A_1351 = arith.muli %select_n3A_980, %mul3A_1350 : i32
        %add3A_1352 = arith.constant 96 : i32
        %add3A_1353 = arith.addi %mul3A_1351, %add3A_1352 : i32
        %get3A_1354 = arith.constant 0 : i32
        %get3A_1355 = tpu.memref_slice %arg7[%scan3A_121, %get3A_1354] : memref<2x512xf32, #tpu.memory_space<vmem>> -> memref<1x512xf32, #tpu.memory_space<vmem>>
        %get3A_1356 = tpu.memref_squeeze %get3A_1355 : memref<1x512xf32, #tpu.memory_space<vmem>> -> memref<512xf32, #tpu.memory_space<vmem>>
        %get3A_1357 = arith.index_cast %add3A_1353 : i32 to index
        %get3A_1358 = tpu.vector_load %get3A_1356[%get3A_1357] {strides = array<i32>} : memref<512xf32, #tpu.memory_space<vmem>>, vector<16xf32>,
        %get3A_1359 = vector.shape_cast %get3A_1358 : vector<16xf32> to vector<16xf32>
        %broadcast_in_dim3A_1360 = vector.shape_cast %broadcast_in_dim3A_997 : vector<16xi32> to vector<16x1xi32>
        %gather3A_1361 = vector.shape_cast %broadcast_in_dim3A_1360 : vector<16x1xi32> to vector<16xi32>
        %gather3A_1362 = tpu.dynamic_gather %get3A_1359[%gather3A_1361] in [0] : vector<16xf32>, vector<16xi32> -> vector<16xf32>
        %mul3A_1363 = arith.constant 128 : i32
        %mul3A_1364 = arith.muli %select_n3A_980, %mul3A_1363 : i32
        %add3A_1365 = arith.constant 96 : i32
        %add3A_1366 = arith.addi %mul3A_1364, %add3A_1365 : i32
        %add3A_1367 = arith.constant 16 : i32
        %add3A_1368 = arith.addi %add3A_1366, %add3A_1367 : i32
        %get3A_1369 = arith.constant 0 : i32
        %get3A_1370 = tpu.memref_slice %arg7[%scan3A_121, %get3A_1369] : memref<2x512xf32, #tpu.memory_space<vmem>> -> memref<1x512xf32, #tpu.memory_space<vmem>>
        %get3A_1371 = tpu.memref_squeeze %get3A_1370 : memref<1x512xf32, #tpu.memory_space<vmem>> -> memref<512xf32, #tpu.memory_space<vmem>>
        %get3A_1372 = arith.index_cast %add3A_1368 : i32 to index
        %get3A_1373 = tpu.vector_load %get3A_1371[%get3A_1372] {strides = array<i32>} : memref<512xf32, #tpu.memory_space<vmem>>, vector<16xf32>,
        %get3A_1374 = vector.shape_cast %get3A_1373 : vector<16xf32> to vector<16xf32>
        %broadcast_in_dim3A_1375 = vector.shape_cast %broadcast_in_dim3A_997 : vector<16xi32> to vector<16x1xi32>
        %gather3A_1376 = vector.shape_cast %broadcast_in_dim3A_1375 : vector<16x1xi32> to vector<16xi32>
        %gather3A_1377 = tpu.dynamic_gather %get3A_1374[%gather3A_1376] in [0] : vector<16xf32>, vector<16xi32> -> vector<16xf32>
        %get3A_1378 = arith.constant 0 : i32
        %get3A_1379 = arith.constant 0 : i32
        %get3A_1380 = tpu.memref_slice %arg8[%scan3A_117, %get3A_1378, %get3A_1379] : memref<2x256x128xf32, #tpu.memory_space<vmem>> -> memref<1x256x128xf32, #tpu.memory_space<vmem>>
        %get3A_1381 = tpu.memref_squeeze %get3A_1380 : memref<1x256x128xf32, #tpu.memory_space<vmem>> -> memref<256x128xf32, #tpu.memory_space<vmem>>
        %get3A_1382 = arith.index_cast %add3A_1349 : i32 to index
        %get3A_1383 = arith.constant 0 : index
        %get3A_1384 = tpu.vector_load %get3A_1381[%get3A_1382, %get3A_1383] {strides = array<i32>} : memref<256x128xf32, #tpu.memory_space<vmem>>, vector<1x16xf32>,
        %get3A_1385 = vector.shape_cast %get3A_1384 : vector<1x16xf32> to vector<16xf32>
        %mul3A_1386 = arith.mulf %gather3A_1362, %get3A_1385 : vector<16xf32>
        %add3A_1387 = arith.addf %add3A_1284, %mul3A_1386 : vector<16xf32>
        %get3A_1388 = arith.constant 0 : i32
        %get3A_1389 = arith.constant 0 : i32
        %get3A_1390 = tpu.memref_slice %arg8[%scan3A_117, %get3A_1388, %get3A_1389] : memref<2x256x128xf32, #tpu.memory_space<vmem>> -> memref<1x256x128xf32, #tpu.memory_space<vmem>>
        %get3A_1391 = tpu.memref_squeeze %get3A_1390 : memref<1x256x128xf32, #tpu.memory_space<vmem>> -> memref<256x128xf32, #tpu.memory_space<vmem>>
        %get3A_1392 = arith.index_cast %add3A_1349 : i32 to index
        %get3A_1393 = arith.constant 64 : index
        %get3A_1394 = tpu.vector_load %get3A_1391[%get3A_1392, %get3A_1393] {strides = array<i32>} : memref<256x128xf32, #tpu.memory_space<vmem>>, vector<1x16xf32>,
        %get3A_1395 = vector.shape_cast %get3A_1394 : vector<1x16xf32> to vector<16xf32>
        %mul3A_1396 = arith.mulf %gather3A_1377, %get3A_1395 : vector<16xf32>
        %add3A_1397 = arith.addf %add3A_1387, %mul3A_1396 : vector<16xf32>
        %get3A_1398 = arith.constant 0 : i32
        %get3A_1399 = arith.constant 0 : i32
        %get3A_1400 = tpu.memref_slice %arg8[%scan3A_117, %get3A_1398, %get3A_1399] : memref<2x256x128xf32, #tpu.memory_space<vmem>> -> memref<1x256x128xf32, #tpu.memory_space<vmem>>
        %get3A_1401 = tpu.memref_squeeze %get3A_1400 : memref<1x256x128xf32, #tpu.memory_space<vmem>> -> memref<256x128xf32, #tpu.memory_space<vmem>>
        %get3A_1402 = arith.index_cast %add3A_1349 : i32 to index
        %get3A_1403 = arith.constant 16 : index
        %get3A_1404 = tpu.vector_load %get3A_1401[%get3A_1402, %get3A_1403] {strides = array<i32>} : memref<256x128xf32, #tpu.memory_space<vmem>>, vector<1x16xf32>,
        %get3A_1405 = vector.shape_cast %get3A_1404 : vector<1x16xf32> to vector<16xf32>
        %mul3A_1406 = arith.mulf %gather3A_1362, %get3A_1405 : vector<16xf32>
        %add3A_1407 = arith.addf %add3A_1304, %mul3A_1406 : vector<16xf32>
        %get3A_1408 = arith.constant 0 : i32
        %get3A_1409 = arith.constant 0 : i32
        %get3A_1410 = tpu.memref_slice %arg8[%scan3A_117, %get3A_1408, %get3A_1409] : memref<2x256x128xf32, #tpu.memory_space<vmem>> -> memref<1x256x128xf32, #tpu.memory_space<vmem>>
        %get3A_1411 = tpu.memref_squeeze %get3A_1410 : memref<1x256x128xf32, #tpu.memory_space<vmem>> -> memref<256x128xf32, #tpu.memory_space<vmem>>
        %get3A_1412 = arith.index_cast %add3A_1349 : i32 to index
        %get3A_1413 = arith.constant 80 : index
        %get3A_1414 = tpu.vector_load %get3A_1411[%get3A_1412, %get3A_1413] {strides = array<i32>} : memref<256x128xf32, #tpu.memory_space<vmem>>, vector<1x16xf32>,
        %get3A_1415 = vector.shape_cast %get3A_1414 : vector<1x16xf32> to vector<16xf32>
        %mul3A_1416 = arith.mulf %gather3A_1377, %get3A_1415 : vector<16xf32>
        %add3A_1417 = arith.addf %add3A_1407, %mul3A_1416 : vector<16xf32>
        %get3A_1418 = arith.constant 0 : i32
        %get3A_1419 = arith.constant 0 : i32
        %get3A_1420 = tpu.memref_slice %arg8[%scan3A_117, %get3A_1418, %get3A_1419] : memref<2x256x128xf32, #tpu.memory_space<vmem>> -> memref<1x256x128xf32, #tpu.memory_space<vmem>>
        %get3A_1421 = tpu.memref_squeeze %get3A_1420 : memref<1x256x128xf32, #tpu.memory_space<vmem>> -> memref<256x128xf32, #tpu.memory_space<vmem>>
        %get3A_1422 = arith.index_cast %add3A_1349 : i32 to index
        %get3A_1423 = arith.constant 32 : index
        %get3A_1424 = tpu.vector_load %get3A_1421[%get3A_1422, %get3A_1423] {strides = array<i32>} : memref<256x128xf32, #tpu.memory_space<vmem>>, vector<1x16xf32>,
        %get3A_1425 = vector.shape_cast %get3A_1424 : vector<1x16xf32> to vector<16xf32>
        %mul3A_1426 = arith.mulf %gather3A_1362, %get3A_1425 : vector<16xf32>
        %add3A_1427 = arith.addf %add3A_1324, %mul3A_1426 : vector<16xf32>
        %get3A_1428 = arith.constant 0 : i32
        %get3A_1429 = arith.constant 0 : i32
        %get3A_1430 = tpu.memref_slice %arg8[%scan3A_117, %get3A_1428, %get3A_1429] : memref<2x256x128xf32, #tpu.memory_space<vmem>> -> memref<1x256x128xf32, #tpu.memory_space<vmem>>
        %get3A_1431 = tpu.memref_squeeze %get3A_1430 : memref<1x256x128xf32, #tpu.memory_space<vmem>> -> memref<256x128xf32, #tpu.memory_space<vmem>>
        %get3A_1432 = arith.index_cast %add3A_1349 : i32 to index
        %get3A_1433 = arith.constant 96 : index
        %get3A_1434 = tpu.vector_load %get3A_1431[%get3A_1432, %get3A_1433] {strides = array<i32>} : memref<256x128xf32, #tpu.memory_space<vmem>>, vector<1x16xf32>,
        %get3A_1435 = vector.shape_cast %get3A_1434 : vector<1x16xf32> to vector<16xf32>
        %mul3A_1436 = arith.mulf %gather3A_1377, %get3A_1435 : vector<16xf32>
        %add3A_1437 = arith.addf %add3A_1427, %mul3A_1436 : vector<16xf32>
        %get3A_1438 = arith.constant 0 : i32
        %get3A_1439 = arith.constant 0 : i32
        %get3A_1440 = tpu.memref_slice %arg8[%scan3A_117, %get3A_1438, %get3A_1439] : memref<2x256x128xf32, #tpu.memory_space<vmem>> -> memref<1x256x128xf32, #tpu.memory_space<vmem>>
        %get3A_1441 = tpu.memref_squeeze %get3A_1440 : memref<1x256x128xf32, #tpu.memory_space<vmem>> -> memref<256x128xf32, #tpu.memory_space<vmem>>
        %get3A_1442 = arith.index_cast %add3A_1349 : i32 to index
        %get3A_1443 = arith.constant 48 : index
        %get3A_1444 = tpu.vector_load %get3A_1441[%get3A_1442, %get3A_1443] {strides = array<i32>} : memref<256x128xf32, #tpu.memory_space<vmem>>, vector<1x16xf32>,
        %get3A_1445 = vector.shape_cast %get3A_1444 : vector<1x16xf32> to vector<16xf32>
        %mul3A_1446 = arith.mulf %gather3A_1362, %get3A_1445 : vector<16xf32>
        %add3A_1447 = arith.addf %add3A_1344, %mul3A_1446 : vector<16xf32>
        %get3A_1448 = arith.constant 0 : i32
        %get3A_1449 = arith.constant 0 : i32
        %get3A_1450 = tpu.memref_slice %arg8[%scan3A_117, %get3A_1448, %get3A_1449] : memref<2x256x128xf32, #tpu.memory_space<vmem>> -> memref<1x256x128xf32, #tpu.memory_space<vmem>>
        %get3A_1451 = tpu.memref_squeeze %get3A_1450 : memref<1x256x128xf32, #tpu.memory_space<vmem>> -> memref<256x128xf32, #tpu.memory_space<vmem>>
        %get3A_1452 = arith.index_cast %add3A_1349 : i32 to index
        %get3A_1453 = arith.constant 112 : index
        %get3A_1454 = tpu.vector_load %get3A_1451[%get3A_1452, %get3A_1453] {strides = array<i32>} : memref<256x128xf32, #tpu.memory_space<vmem>>, vector<1x16xf32>,
        %get3A_1455 = vector.shape_cast %get3A_1454 : vector<1x16xf32> to vector<16xf32>
        %mul3A_1456 = arith.mulf %gather3A_1377, %get3A_1455 : vector<16xf32>
        %add3A_1457 = arith.addf %add3A_1447, %mul3A_1456 : vector<16xf32>
        %mul3A_1458 = arith.constant 64 : i32
        %mul3A_1459 = arith.muli %select_n3A_996, %mul3A_1458 : i32
        %add3A_1460 = arith.constant 0 : i32
        %add3A_1461 = arith.addi %mul3A_1459, %add3A_1460 : i32
        %swap3A_1462 = arith.constant 0 : i32
        %swap3A_1463 = arith.constant 0 : i32
        %swap3A_1464 = tpu.memref_slice %arg9[%scan3A_122, %swap3A_1462, %swap3A_1463] : memref<2x4x1024xf32, #tpu.memory_space<vmem>> -> memref<1x4x1024xf32, #tpu.memory_space<vmem>>
        %swap3A_1465 = tpu.memref_squeeze %swap3A_1464 : memref<1x4x1024xf32, #tpu.memory_space<vmem>> -> memref<4x1024xf32, #tpu.memory_space<vmem>>
        %swap3A_1466 = arith.index_cast %select_n3A_980 : i32 to index
        %swap3A_1467 = arith.index_cast %add3A_1461 : i32 to index
        %swap3A_1468 = tpu.vector_load %swap3A_1465[%swap3A_1466, %swap3A_1467] {strides = array<i32>} : memref<4x1024xf32, #tpu.memory_space<vmem>>, vector<1x16xf32>,
        %swap3A_1469 = vector.shape_cast %swap3A_1468 : vector<1x16xf32> to vector<16xf32>
        %swap3A_1470 = vector.shape_cast %add3A_1397 : vector<16xf32> to vector<1x16xf32>
        tpu.vector_store %swap3A_1465[%swap3A_1466, %swap3A_1467], %swap3A_1470 {strides = array<i32>} : memref<4x1024xf32, #tpu.memory_space<vmem>>, vector<1x16xf32>,
        %mul3A_1471 = arith.constant 64 : i32
        %mul3A_1472 = arith.muli %select_n3A_996, %mul3A_1471 : i32
        %add3A_1473 = arith.constant 16 : i32
        %add3A_1474 = arith.addi %mul3A_1472, %add3A_1473 : i32
        %swap3A_1475 = arith.constant 0 : i32
        %swap3A_1476 = arith.constant 0 : i32
        %swap3A_1477 = tpu.memref_slice %arg9[%scan3A_122, %swap3A_1475, %swap3A_1476] : memref<2x4x1024xf32, #tpu.memory_space<vmem>> -> memref<1x4x1024xf32, #tpu.memory_space<vmem>>
        %swap3A_1478 = tpu.memref_squeeze %swap3A_1477 : memref<1x4x1024xf32, #tpu.memory_space<vmem>> -> memref<4x1024xf32, #tpu.memory_space<vmem>>
        %swap3A_1479 = arith.index_cast %select_n3A_980 : i32 to index
        %swap3A_1480 = arith.index_cast %add3A_1474 : i32 to index
        %swap3A_1481 = tpu.vector_load %swap3A_1478[%swap3A_1479, %swap3A_1480] {strides = array<i32>} : memref<4x1024xf32, #tpu.memory_space<vmem>>, vector<1x16xf32>,
        %swap3A_1482 = vector.shape_cast %swap3A_1481 : vector<1x16xf32> to vector<16xf32>
        %swap3A_1483 = vector.shape_cast %add3A_1417 : vector<16xf32> to vector<1x16xf32>
        tpu.vector_store %swap3A_1478[%swap3A_1479, %swap3A_1480], %swap3A_1483 {strides = array<i32>} : memref<4x1024xf32, #tpu.memory_space<vmem>>, vector<1x16xf32>,
        %mul3A_1484 = arith.constant 64 : i32
        %mul3A_1485 = arith.muli %select_n3A_996, %mul3A_1484 : i32
        %add3A_1486 = arith.constant 32 : i32
        %add3A_1487 = arith.addi %mul3A_1485, %add3A_1486 : i32
        %swap3A_1488 = arith.constant 0 : i32
        %swap3A_1489 = arith.constant 0 : i32
        %swap3A_1490 = tpu.memref_slice %arg9[%scan3A_122, %swap3A_1488, %swap3A_1489] : memref<2x4x1024xf32, #tpu.memory_space<vmem>> -> memref<1x4x1024xf32, #tpu.memory_space<vmem>>
        %swap3A_1491 = tpu.memref_squeeze %swap3A_1490 : memref<1x4x1024xf32, #tpu.memory_space<vmem>> -> memref<4x1024xf32, #tpu.memory_space<vmem>>
        %swap3A_1492 = arith.index_cast %select_n3A_980 : i32 to index
        %swap3A_1493 = arith.index_cast %add3A_1487 : i32 to index
        %swap3A_1494 = tpu.vector_load %swap3A_1491[%swap3A_1492, %swap3A_1493] {strides = array<i32>} : memref<4x1024xf32, #tpu.memory_space<vmem>>, vector<1x16xf32>,
        %swap3A_1495 = vector.shape_cast %swap3A_1494 : vector<1x16xf32> to vector<16xf32>
        %swap3A_1496 = vector.shape_cast %add3A_1437 : vector<16xf32> to vector<1x16xf32>
        tpu.vector_store %swap3A_1491[%swap3A_1492, %swap3A_1493], %swap3A_1496 {strides = array<i32>} : memref<4x1024xf32, #tpu.memory_space<vmem>>, vector<1x16xf32>,
        %mul3A_1497 = arith.constant 64 : i32
        %mul3A_1498 = arith.muli %select_n3A_996, %mul3A_1497 : i32
        %add3A_1499 = arith.constant 48 : i32
        %add3A_1500 = arith.addi %mul3A_1498, %add3A_1499 : i32
        %swap3A_1501 = arith.constant 0 : i32
        %swap3A_1502 = arith.constant 0 : i32
        %swap3A_1503 = tpu.memref_slice %arg9[%scan3A_122, %swap3A_1501, %swap3A_1502] : memref<2x4x1024xf32, #tpu.memory_space<vmem>> -> memref<1x4x1024xf32, #tpu.memory_space<vmem>>
        %swap3A_1504 = tpu.memref_squeeze %swap3A_1503 : memref<1x4x1024xf32, #tpu.memory_space<vmem>> -> memref<4x1024xf32, #tpu.memory_space<vmem>>
        %swap3A_1505 = arith.index_cast %select_n3A_980 : i32 to index
        %swap3A_1506 = arith.index_cast %add3A_1500 : i32 to index
        %swap3A_1507 = tpu.vector_load %swap3A_1504[%swap3A_1505, %swap3A_1506] {strides = array<i32>} : memref<4x1024xf32, #tpu.memory_space<vmem>>, vector<1x16xf32>,
        %swap3A_1508 = vector.shape_cast %swap3A_1507 : vector<1x16xf32> to vector<16xf32>
        %swap3A_1509 = vector.shape_cast %add3A_1457 : vector<16xf32> to vector<1x16xf32>
        tpu.vector_store %swap3A_1504[%swap3A_1505, %swap3A_1506], %swap3A_1509 {strides = array<i32>} : memref<4x1024xf32, #tpu.memory_space<vmem>>, vector<1x16xf32>,
      }
      %scan3A_263 = arith.constant 64 : i32
      %mul3A_264 = arith.constant 4 : i32
      %mul3A_265 = arith.muli %mul3A_161, %mul3A_264 : i32
      %add3A_266 = arith.addi %mul3A_2, %mul3A_265 : i32
      %dma_start3A_267 = arith.constant 0 : i32
      %dma_start3A_268 = arith.constant 0 : i32
      %dma_start3A_269 = tpu.memref_slice %arg9[%scan3A_122, %dma_start3A_267, %dma_start3A_268] : memref<2x4x1024xf32, #tpu.memory_space<vmem>> -> memref<1x4x1024xf32, #tpu.memory_space<vmem>>
      %dma_start3A_270 = tpu.memref_squeeze %dma_start3A_269 : memref<1x4x1024xf32, #tpu.memory_space<vmem>> -> memref<4x1024xf32, #tpu.memory_space<vmem>>
      %dma_start3A_271 = arith.constant 0 : i32
      %dma_start3A_272 = tpu.memref_slice %arg5[%add3A_266, %dma_start3A_271] : memref<8192x1024xf32, #tpu.memory_space<hbm>> -> memref<4x1024xf32, #tpu.memory_space<hbm>>
      %dma_start3A_273 = arith.constant 0 : i32
      %dma_start3A_274 = tpu.memref_slice %arg5[%add3A_266, %dma_start3A_273] : memref<8192x1024xf32, #tpu.memory_space<hbm>> -> memref<4x1024xf32, #tpu.memory_space<hbm>>
      %dma_start3A_275 = arith.constant 0 : i32
      %dma_start3A_276 = arith.constant 0 : i32
      %dma_start3A_277 = tpu.memref_slice %arg9[%scan3A_122, %dma_start3A_275, %dma_start3A_276] : memref<2x4x1024xf32, #tpu.memory_space<vmem>> -> memref<1x4x1024xf32, #tpu.memory_space<vmem>>
      %dma_start3A_278 = tpu.memref_squeeze %dma_start3A_277 : memref<1x4x1024xf32, #tpu.memory_space<vmem>> -> memref<4x1024xf32, #tpu.memory_space<vmem>>
      tpu.enqueue_dma source(%dma_start3A_278 : memref<4x1024xf32, #tpu.memory_space<vmem>>) target(%dma_start3A_274 : memref<4x1024xf32, #tpu.memory_space<hbm>>) target_semaphore(%arg15 : memref<!tpu.dma_semaphore, #tpu.memory_space<semaphore_mem>>)
      %lt3A_279 = arith.constant 62 : i32
      %lt3A_280 = arith.cmpi slt, %mul3A_161, %lt3A_279 : i32
      %convert_element_type3A_281 = arith.extui %lt3A_280 : i1 to i32
      %cond3A_282 = arith.constant 0 : i32
      %cond3A_283 = arith.cmpi ne, %convert_element_type3A_281, %cond3A_282 : i32
      scf.if %cond3A_283 {
        %add3A_414 = arith.constant 2 : i32
        %add3A_415 = arith.addi %mul3A_161, %add3A_414 : i32
        %mul3A_416 = arith.constant 4 : i32
        %mul3A_417 = arith.muli %add3A_415, %mul3A_416 : i32
        %add3A_418 = arith.addi %mul3A_2, %mul3A_417 : i32
        %mul3A_419 = arith.constant 128 : i32
        %mul3A_420 = arith.muli %add3A_418, %mul3A_419 : i32
        %dma_start3A_421 = arith.constant 0 : i32
        %dma_start3A_422 = tpu.memref_slice %arg7[%scan3A_121, %dma_start3A_421] : memref<2x512xf32, #tpu.memory_space<vmem>> -> memref<1x512xf32, #tpu.memory_space<vmem>>
        %dma_start3A_423 = tpu.memref_squeeze %dma_start3A_422 : memref<1x512xf32, #tpu.memory_space<vmem>> -> memref<512xf32, #tpu.memory_space<vmem>>
        %dma_start3A_424 = tpu.memref_slice %arg4[%mul3A_420] : memref<1048576xf32, #tpu.memory_space<hbm>> -> memref<512xf32, #tpu.memory_space<hbm>>
        %dma_start3A_425 = arith.constant 0 : i32
        %dma_start3A_426 = tpu.memref_slice %arg7[%scan3A_121, %dma_start3A_425] : memref<2x512xf32, #tpu.memory_space<vmem>> -> memref<1x512xf32, #tpu.memory_space<vmem>>
        %dma_start3A_427 = tpu.memref_squeeze %dma_start3A_426 : memref<1x512xf32, #tpu.memory_space<vmem>> -> memref<512xf32, #tpu.memory_space<vmem>>
        %dma_start3A_428 = tpu.memref_slice %arg4[%mul3A_420] : memref<1048576xf32, #tpu.memory_space<hbm>> -> memref<512xf32, #tpu.memory_space<hbm>>
        tpu.enqueue_dma source(%dma_start3A_428 : memref<512xf32, #tpu.memory_space<hbm>>) target(%dma_start3A_427 : memref<512xf32, #tpu.memory_space<vmem>>) target_semaphore(%arg12 : memref<!tpu.dma_semaphore, #tpu.memory_space<semaphore_mem>>)
      } else {
      }
      %mul3A_284 = arith.constant 2 : i32
      %mul3A_285 = arith.muli %mul3A_284, %scan3A_159 : i32
      %add3A_286 = arith.constant 1 : i32
      %add3A_287 = arith.addi %mul3A_285, %add3A_286 : i32
      %dma_wait3A_288 = arith.constant 0 : i32
      %dma_wait3A_289 = arith.constant 0 : i32
      %dma_wait3A_290 = tpu.memref_slice %arg8[%scan3A_119, %dma_wait3A_288, %dma_wait3A_289] : memref<2x256x128xf32, #tpu.memory_space<vmem>> -> memref<1x256x128xf32, #tpu.memory_space<vmem>>
      %dma_wait3A_291 = tpu.memref_squeeze %dma_wait3A_290 : memref<1x256x128xf32, #tpu.memory_space<vmem>> -> memref<256x128xf32, #tpu.memory_space<vmem>>
      %dma_wait3A_292 = arith.constant 0 : i32
      %dma_wait3A_293 = arith.constant 0 : i32
      %dma_wait3A_294 = tpu.memref_slice %dma_wait3A_291[%dma_wait3A_292, %dma_wait3A_293] : memref<256x128xf32, #tpu.memory_space<vmem>> -> memref<64x128xf32, #tpu.memory_space<vmem>>
      %dma_wait3A_295 = arith.constant 0 : i32
      %dma_wait3A_296 = arith.constant 0 : i32
      %dma_wait3A_297 = tpu.memref_slice %arg2[%dma_wait3A_295, %dma_wait3A_296] : memref<131072x128xf32, #tpu.memory_space<hbm>> -> memref<64x128xf32, #tpu.memory_space<hbm>>
      %dma_wait3A_298 = arith.constant 0 : i32
      %dma_wait3A_299 = arith.constant 0 : i32
      %dma_wait3A_300 = tpu.memref_slice %arg8[%scan3A_119, %dma_wait3A_298, %dma_wait3A_299] : memref<2x256x128xf32, #tpu.memory_space<vmem>> -> memref<1x256x128xf32, #tpu.memory_space<vmem>>
      %dma_wait3A_301 = tpu.memref_squeeze %dma_wait3A_300 : memref<1x256x128xf32, #tpu.memory_space<vmem>> -> memref<256x128xf32, #tpu.memory_space<vmem>>
      %dma_wait3A_302 = arith.constant 0 : i32
      %dma_wait3A_303 = arith.constant 0 : i32
      %dma_wait3A_304 = tpu.memref_slice %dma_wait3A_301[%dma_wait3A_302, %dma_wait3A_303] : memref<256x128xf32, #tpu.memory_space<vmem>> -> memref<64x128xf32, #tpu.memory_space<vmem>>
      %dma_wait3A_305 = arith.constant 0 : i32
      %dma_wait3A_306 = arith.constant 0 : i32
      %dma_wait3A_307 = tpu.memref_slice %arg2[%dma_wait3A_305, %dma_wait3A_306] : memref<131072x128xf32, #tpu.memory_space<hbm>> -> memref<64x128xf32, #tpu.memory_space<hbm>>
      tpu.wait_dma2 semaphore(%arg14 : memref<!tpu.dma_semaphore, #tpu.memory_space<semaphore_mem>>) src(%dma_wait3A_307 : memref<64x128xf32, #tpu.memory_space<hbm>>) dst(%dma_wait3A_304 : memref<64x128xf32, #tpu.memory_space<vmem>>)
      %dma_wait3A_308 = arith.constant 0 : i32
      %dma_wait3A_309 = arith.constant 0 : i32
      %dma_wait3A_310 = tpu.memref_slice %arg8[%scan3A_119, %dma_wait3A_308, %dma_wait3A_309] : memref<2x256x128xf32, #tpu.memory_space<vmem>> -> memref<1x256x128xf32, #tpu.memory_space<vmem>>
      %dma_wait3A_311 = tpu.memref_squeeze %dma_wait3A_310 : memref<1x256x128xf32, #tpu.memory_space<vmem>> -> memref<256x128xf32, #tpu.memory_space<vmem>>
      %dma_wait3A_312 = arith.constant 64 : i32
      %dma_wait3A_313 = arith.constant 0 : i32
      %dma_wait3A_314 = tpu.memref_slice %dma_wait3A_311[%dma_wait3A_312, %dma_wait3A_313] : memref<256x128xf32, #tpu.memory_space<vmem>> -> memref<64x128xf32, #tpu.memory_space<vmem>>
      %dma_wait3A_315 = arith.constant 0 : i32
      %dma_wait3A_316 = arith.constant 0 : i32
      %dma_wait3A_317 = tpu.memref_slice %arg2[%dma_wait3A_315, %dma_wait3A_316] : memref<131072x128xf32, #tpu.memory_space<hbm>> -> memref<64x128xf32, #tpu.memory_space<hbm>>
      %dma_wait3A_318 = arith.constant 0 : i32
      %dma_wait3A_319 = arith.constant 0 : i32
      %dma_wait3A_320 = tpu.memref_slice %arg8[%scan3A_119, %dma_wait3A_318, %dma_wait3A_319] : memref<2x256x128xf32, #tpu.memory_space<vmem>> -> memref<1x256x128xf32, #tpu.memory_space<vmem>>
      %dma_wait3A_321 = tpu.memref_squeeze %dma_wait3A_320 : memref<1x256x128xf32, #tpu.memory_space<vmem>> -> memref<256x128xf32, #tpu.memory_space<vmem>>
      %dma_wait3A_322 = arith.constant 64 : i32
      %dma_wait3A_323 = arith.constant 0 : i32
      %dma_wait3A_324 = tpu.memref_slice %dma_wait3A_321[%dma_wait3A_322, %dma_wait3A_323] : memref<256x128xf32, #tpu.memory_space<vmem>> -> memref<64x128xf32, #tpu.memory_space<vmem>>
      %dma_wait3A_325 = arith.constant 0 : i32
      %dma_wait3A_326 = arith.constant 0 : i32
      %dma_wait3A_327 = tpu.memref_slice %arg2[%dma_wait3A_325, %dma_wait3A_326] : memref<131072x128xf32, #tpu.memory_space<hbm>> -> memref<64x128xf32, #tpu.memory_space<hbm>>
      tpu.wait_dma2 semaphore(%arg14 : memref<!tpu.dma_semaphore, #tpu.memory_space<semaphore_mem>>) src(%dma_wait3A_327 : memref<64x128xf32, #tpu.memory_space<hbm>>) dst(%dma_wait3A_324 : memref<64x128xf32, #tpu.memory_space<vmem>>)
      %dma_wait3A_328 = arith.constant 0 : i32
      %dma_wait3A_329 = arith.constant 0 : i32
      %dma_wait3A_330 = tpu.memref_slice %arg8[%scan3A_119, %dma_wait3A_328, %dma_wait3A_329] : memref<2x256x128xf32, #tpu.memory_space<vmem>> -> memref<1x256x128xf32, #tpu.memory_space<vmem>>
      %dma_wait3A_331 = tpu.memref_squeeze %dma_wait3A_330 : memref<1x256x128xf32, #tpu.memory_space<vmem>> -> memref<256x128xf32, #tpu.memory_space<vmem>>
      %dma_wait3A_332 = arith.constant 128 : i32
      %dma_wait3A_333 = arith.constant 0 : i32
      %dma_wait3A_334 = tpu.memref_slice %dma_wait3A_331[%dma_wait3A_332, %dma_wait3A_333] : memref<256x128xf32, #tpu.memory_space<vmem>> -> memref<64x128xf32, #tpu.memory_space<vmem>>
      %dma_wait3A_335 = arith.constant 0 : i32
      %dma_wait3A_336 = arith.constant 0 : i32
      %dma_wait3A_337 = tpu.memref_slice %arg2[%dma_wait3A_335, %dma_wait3A_336] : memref<131072x128xf32, #tpu.memory_space<hbm>> -> memref<64x128xf32, #tpu.memory_space<hbm>>
      %dma_wait3A_338 = arith.constant 0 : i32
      %dma_wait3A_339 = arith.constant 0 : i32
      %dma_wait3A_340 = tpu.memref_slice %arg8[%scan3A_119, %dma_wait3A_338, %dma_wait3A_339] : memref<2x256x128xf32, #tpu.memory_space<vmem>> -> memref<1x256x128xf32, #tpu.memory_space<vmem>>
      %dma_wait3A_341 = tpu.memref_squeeze %dma_wait3A_340 : memref<1x256x128xf32, #tpu.memory_space<vmem>> -> memref<256x128xf32, #tpu.memory_space<vmem>>
      %dma_wait3A_342 = arith.constant 128 : i32
      %dma_wait3A_343 = arith.constant 0 : i32
      %dma_wait3A_344 = tpu.memref_slice %dma_wait3A_341[%dma_wait3A_342, %dma_wait3A_343] : memref<256x128xf32, #tpu.memory_space<vmem>> -> memref<64x128xf32, #tpu.memory_space<vmem>>
      %dma_wait3A_345 = arith.constant 0 : i32
      %dma_wait3A_346 = arith.constant 0 : i32
      %dma_wait3A_347 = tpu.memref_slice %arg2[%dma_wait3A_345, %dma_wait3A_346] : memref<131072x128xf32, #tpu.memory_space<hbm>> -> memref<64x128xf32, #tpu.memory_space<hbm>>
      tpu.wait_dma2 semaphore(%arg14 : memref<!tpu.dma_semaphore, #tpu.memory_space<semaphore_mem>>) src(%dma_wait3A_347 : memref<64x128xf32, #tpu.memory_space<hbm>>) dst(%dma_wait3A_344 : memref<64x128xf32, #tpu.memory_space<vmem>>)
      %dma_wait3A_348 = arith.constant 0 : i32
      %dma_wait3A_349 = arith.constant 0 : i32
      %dma_wait3A_350 = tpu.memref_slice %arg8[%scan3A_119, %dma_wait3A_348, %dma_wait3A_349] : memref<2x256x128xf32, #tpu.memory_space<vmem>> -> memref<1x256x128xf32, #tpu.memory_space<vmem>>
      %dma_wait3A_351 = tpu.memref_squeeze %dma_wait3A_350 : memref<1x256x128xf32, #tpu.memory_space<vmem>> -> memref<256x128xf32, #tpu.memory_space<vmem>>
      %dma_wait3A_352 = arith.constant 192 : i32
      %dma_wait3A_353 = arith.constant 0 : i32
      %dma_wait3A_354 = tpu.memref_slice %dma_wait3A_351[%dma_wait3A_352, %dma_wait3A_353] : memref<256x128xf32, #tpu.memory_space<vmem>> -> memref<64x128xf32, #tpu.memory_space<vmem>>
      %dma_wait3A_355 = arith.constant 0 : i32
      %dma_wait3A_356 = arith.constant 0 : i32
      %dma_wait3A_357 = tpu.memref_slice %arg2[%dma_wait3A_355, %dma_wait3A_356] : memref<131072x128xf32, #tpu.memory_space<hbm>> -> memref<64x128xf32, #tpu.memory_space<hbm>>
      %dma_wait3A_358 = arith.constant 0 : i32
      %dma_wait3A_359 = arith.constant 0 : i32
      %dma_wait3A_360 = tpu.memref_slice %arg8[%scan3A_119, %dma_wait3A_358, %dma_wait3A_359] : memref<2x256x128xf32, #tpu.memory_space<vmem>> -> memref<1x256x128xf32, #tpu.memory_space<vmem>>
      %dma_wait3A_361 = tpu.memref_squeeze %dma_wait3A_360 : memref<1x256x128xf32, #tpu.memory_space<vmem>> -> memref<256x128xf32, #tpu.memory_space<vmem>>
      %dma_wait3A_362 = arith.constant 192 : i32
      %dma_wait3A_363 = arith.constant 0 : i32
      %dma_wait3A_364 = tpu.memref_slice %dma_wait3A_361[%dma_wait3A_362, %dma_wait3A_363] : memref<256x128xf32, #tpu.memory_space<vmem>> -> memref<64x128xf32, #tpu.memory_space<vmem>>
      %dma_wait3A_365 = arith.constant 0 : i32
      %dma_wait3A_366 = arith.constant 0 : i32
      %dma_wait3A_367 = tpu.memref_slice %arg2[%dma_wait3A_365, %dma_wait3A_366] : memref<131072x128xf32, #tpu.memory_space<hbm>> -> memref<64x128xf32, #tpu.memory_space<hbm>>
      tpu.wait_dma2 semaphore(%arg14 : memref<!tpu.dma_semaphore, #tpu.memory_space<semaphore_mem>>) src(%dma_wait3A_367 : memref<64x128xf32, #tpu.memory_space<hbm>>) dst(%dma_wait3A_364 : memref<64x128xf32, #tpu.memory_space<vmem>>)
      %lt3A_368 = arith.constant 63 : i32
      %lt3A_369 = arith.cmpi slt, %add3A_287, %lt3A_368 : i32
      %convert_element_type3A_370 = arith.extui %lt3A_369 : i1 to i32
      %cond3A_371 = arith.constant 0 : i32
      %cond3A_372 = arith.cmpi ne, %convert_element_type3A_370, %cond3A_371 : i32
      scf.if %cond3A_372 {
        %add3A_414 = arith.constant 0 : i32
        %add3A_415 = arith.addi %mul3A_2, %add3A_414 : i32
        %dma_wait3A_416 = arith.constant 0 : i32
        %dma_wait3A_417 = arith.constant 0 : i32
        %dma_wait3A_418 = tpu.memref_slice %arg6[%scan3A_120, %dma_wait3A_416, %dma_wait3A_417] : memref<2x4x64xi32, #tpu.memory_space<vmem>> -> memref<1x4x64xi32, #tpu.memory_space<vmem>>
        %dma_wait3A_419 = tpu.memref_squeeze %dma_wait3A_418 : memref<1x4x64xi32, #tpu.memory_space<vmem>> -> memref<4x64xi32, #tpu.memory_space<vmem>>
        %dma_wait3A_420 = arith.constant 0 : i32
        %dma_wait3A_421 = tpu.memref_slice %arg3[%add3A_415, %dma_wait3A_420] : memref<8192x64xi32, #tpu.memory_space<hbm>> -> memref<4x64xi32, #tpu.memory_space<hbm>>
        %dma_wait3A_422 = arith.constant 0 : i32
        %dma_wait3A_423 = arith.constant 0 : i32
        %dma_wait3A_424 = tpu.memref_slice %arg6[%scan3A_120, %dma_wait3A_422, %dma_wait3A_423] : memref<2x4x64xi32, #tpu.memory_space<vmem>> -> memref<1x4x64xi32, #tpu.memory_space<vmem>>
        %dma_wait3A_425 = tpu.memref_squeeze %dma_wait3A_424 : memref<1x4x64xi32, #tpu.memory_space<vmem>> -> memref<4x64xi32, #tpu.memory_space<vmem>>
        %dma_wait3A_426 = arith.constant 0 : i32
        %dma_wait3A_427 = tpu.memref_slice %arg3[%add3A_415, %dma_wait3A_426] : memref<8192x64xi32, #tpu.memory_space<hbm>> -> memref<4x64xi32, #tpu.memory_space<hbm>>
        tpu.wait_dma2 semaphore(%arg10 : memref<!tpu.dma_semaphore, #tpu.memory_space<semaphore_mem>>) src(%dma_wait3A_427 : memref<4x64xi32, #tpu.memory_space<hbm>>) dst(%dma_wait3A_425 : memref<4x64xi32, #tpu.memory_space<vmem>>)
        %dma_start3A_428 = arith.constant 0 : i32
        %dma_start3A_429 = arith.constant 0 : i32
        %dma_start3A_430 = arith.constant 0 : i32
        %dma_start3A_431 = tpu.memref_slice %arg8[%scan3A_117, %dma_start3A_429, %dma_start3A_430] : memref<2x256x128xf32, #tpu.memory_space<vmem>> -> memref<1x256x128xf32, #tpu.memory_space<vmem>>
        %dma_start3A_432 = tpu.memref_squeeze %dma_start3A_431 : memref<1x256x128xf32, #tpu.memory_space<vmem>> -> memref<256x128xf32, #tpu.memory_space<vmem>>
        %dma_start3A_433 = arith.constant 0 : i32
        %dma_start3A_434 = arith.constant 0 : i32
        %dma_start3A_435 = tpu.memref_slice %dma_start3A_432[%dma_start3A_433, %dma_start3A_434] : memref<256x128xf32, #tpu.memory_space<vmem>> -> memref<64x128xf32, #tpu.memory_space<vmem>>
        %dma_start3A_436 = arith.constant 0 : i32
        %dma_start3A_437 = arith.constant 0 : i32
        %dma_start3A_438 = tpu.memref_slice %arg6[%scan3A_120, %dma_start3A_436, %dma_start3A_437] : memref<2x4x64xi32, #tpu.memory_space<vmem>> -> memref<1x4x64xi32, #tpu.memory_space<vmem>>
        %dma_start3A_439 = tpu.memref_squeeze %dma_start3A_438 : memref<1x4x64xi32, #tpu.memory_space<vmem>> -> memref<4x64xi32, #tpu.memory_space<vmem>>
        %dma_start3A_440 = arith.constant 0 : i32
        %dma_start3A_441 = tpu.memref_slice %dma_start3A_439[%dma_start3A_428, %dma_start3A_440] : memref<4x64xi32, #tpu.memory_space<vmem>> -> memref<1x64xi32, #tpu.memory_space<vmem>>
        %dma_start3A_442 = tpu.memref_squeeze %dma_start3A_441 : memref<1x64xi32, #tpu.memory_space<vmem>> -> memref<64xi32, #tpu.memory_space<vmem>>
        %dma_start3A_443 = arith.constant 0 : i32
        %dma_start3A_444 = arith.constant 0 : i32
        %dma_start3A_445 = tpu.memref_slice %arg2[%dma_start3A_443, %dma_start3A_444] : memref<131072x128xf32, #tpu.memory_space<hbm>> -> memref<131072x128xf32, #tpu.memory_space<hbm>>
        tpu.enqueue_indirect_dma source(%dma_start3A_445 : memref<131072x128xf32, #tpu.memory_space<hbm>>) target(%dma_start3A_435 : memref<64x128xf32, #tpu.memory_space<vmem>>) offsets(%dma_start3A_442 : memref<64xi32, #tpu.memory_space<vmem>>) semaphore(%arg14 : memref<!tpu.dma_semaphore, #tpu.memory_space<semaphore_mem>>)
        %dma_start3A_446 = arith.constant 1 : i32
        %dma_start3A_447 = arith.constant 0 : i32
        %dma_start3A_448 = arith.constant 0 : i32
        %dma_start3A_449 = tpu.memref_slice %arg8[%scan3A_117, %dma_start3A_447, %dma_start3A_448] : memref<2x256x128xf32, #tpu.memory_space<vmem>> -> memref<1x256x128xf32, #tpu.memory_space<vmem>>
        %dma_start3A_450 = tpu.memref_squeeze %dma_start3A_449 : memref<1x256x128xf32, #tpu.memory_space<vmem>> -> memref<256x128xf32, #tpu.memory_space<vmem>>
        %dma_start3A_451 = arith.constant 64 : i32
        %dma_start3A_452 = arith.constant 0 : i32
        %dma_start3A_453 = tpu.memref_slice %dma_start3A_450[%dma_start3A_451, %dma_start3A_452] : memref<256x128xf32, #tpu.memory_space<vmem>> -> memref<64x128xf32, #tpu.memory_space<vmem>>
        %dma_start3A_454 = arith.constant 0 : i32
        %dma_start3A_455 = arith.constant 0 : i32
        %dma_start3A_456 = tpu.memref_slice %arg6[%scan3A_120, %dma_start3A_454, %dma_start3A_455] : memref<2x4x64xi32, #tpu.memory_space<vmem>> -> memref<1x4x64xi32, #tpu.memory_space<vmem>>
        %dma_start3A_457 = tpu.memref_squeeze %dma_start3A_456 : memref<1x4x64xi32, #tpu.memory_space<vmem>> -> memref<4x64xi32, #tpu.memory_space<vmem>>
        %dma_start3A_458 = arith.constant 0 : i32
        %dma_start3A_459 = tpu.memref_slice %dma_start3A_457[%dma_start3A_446, %dma_start3A_458] : memref<4x64xi32, #tpu.memory_space<vmem>> -> memref<1x64xi32, #tpu.memory_space<vmem>>
        %dma_start3A_460 = tpu.memref_squeeze %dma_start3A_459 : memref<1x64xi32, #tpu.memory_space<vmem>> -> memref<64xi32, #tpu.memory_space<vmem>>
        %dma_start3A_461 = arith.constant 0 : i32
        %dma_start3A_462 = arith.constant 0 : i32
        %dma_start3A_463 = tpu.memref_slice %arg2[%dma_start3A_461, %dma_start3A_462] : memref<131072x128xf32, #tpu.memory_space<hbm>> -> memref<131072x128xf32, #tpu.memory_space<hbm>>
        tpu.enqueue_indirect_dma source(%dma_start3A_463 : memref<131072x128xf32, #tpu.memory_space<hbm>>) target(%dma_start3A_453 : memref<64x128xf32, #tpu.memory_space<vmem>>) offsets(%dma_start3A_460 : memref<64xi32, #tpu.memory_space<vmem>>) semaphore(%arg14 : memref<!tpu.dma_semaphore, #tpu.memory_space<semaphore_mem>>)
        %dma_start3A_464 = arith.constant 2 : i32
        %dma_start3A_465 = arith.constant 0 : i32
        %dma_start3A_466 = arith.constant 0 : i32
        %dma_start3A_467 = tpu.memref_slice %arg8[%scan3A_117, %dma_start3A_465, %dma_start3A_466] : memref<2x256x128xf32, #tpu.memory_space<vmem>> -> memref<1x256x128xf32, #tpu.memory_space<vmem>>
        %dma_start3A_468 = tpu.memref_squeeze %dma_start3A_467 : memref<1x256x128xf32, #tpu.memory_space<vmem>> -> memref<256x128xf32, #tpu.memory_space<vmem>>
        %dma_start3A_469 = arith.constant 128 : i32
        %dma_start3A_470 = arith.constant 0 : i32
        %dma_start3A_471 = tpu.memref_slice %dma_start3A_468[%dma_start3A_469, %dma_start3A_470] : memref<256x128xf32, #tpu.memory_space<vmem>> -> memref<64x128xf32, #tpu.memory_space<vmem>>
        %dma_start3A_472 = arith.constant 0 : i32
        %dma_start3A_473 = arith.constant 0 : i32
        %dma_start3A_474 = tpu.memref_slice %arg6[%scan3A_120, %dma_start3A_472, %dma_start3A_473] : memref<2x4x64xi32, #tpu.memory_space<vmem>> -> memref<1x4x64xi32, #tpu.memory_space<vmem>>
        %dma_start3A_475 = tpu.memref_squeeze %dma_start3A_474 : memref<1x4x64xi32, #tpu.memory_space<vmem>> -> memref<4x64xi32, #tpu.memory_space<vmem>>
        %dma_start3A_476 = arith.constant 0 : i32
        %dma_start3A_477 = tpu.memref_slice %dma_start3A_475[%dma_start3A_464, %dma_start3A_476] : memref<4x64xi32, #tpu.memory_space<vmem>> -> memref<1x64xi32, #tpu.memory_space<vmem>>
        %dma_start3A_478 = tpu.memref_squeeze %dma_start3A_477 : memref<1x64xi32, #tpu.memory_space<vmem>> -> memref<64xi32, #tpu.memory_space<vmem>>
        %dma_start3A_479 = arith.constant 0 : i32
        %dma_start3A_480 = arith.constant 0 : i32
        %dma_start3A_481 = tpu.memref_slice %arg2[%dma_start3A_479, %dma_start3A_480] : memref<131072x128xf32, #tpu.memory_space<hbm>> -> memref<131072x128xf32, #tpu.memory_space<hbm>>
        tpu.enqueue_indirect_dma source(%dma_start3A_481 : memref<131072x128xf32, #tpu.memory_space<hbm>>) target(%dma_start3A_471 : memref<64x128xf32, #tpu.memory_space<vmem>>) offsets(%dma_start3A_478 : memref<64xi32, #tpu.memory_space<vmem>>) semaphore(%arg14 : memref<!tpu.dma_semaphore, #tpu.memory_space<semaphore_mem>>)
        %dma_start3A_482 = arith.constant 3 : i32
        %dma_start3A_483 = arith.constant 0 : i32
        %dma_start3A_484 = arith.constant 0 : i32
        %dma_start3A_485 = tpu.memref_slice %arg8[%scan3A_117, %dma_start3A_483, %dma_start3A_484] : memref<2x256x128xf32, #tpu.memory_space<vmem>> -> memref<1x256x128xf32, #tpu.memory_space<vmem>>
        %dma_start3A_486 = tpu.memref_squeeze %dma_start3A_485 : memref<1x256x128xf32, #tpu.memory_space<vmem>> -> memref<256x128xf32, #tpu.memory_space<vmem>>
        %dma_start3A_487 = arith.constant 192 : i32
        %dma_start3A_488 = arith.constant 0 : i32
        %dma_start3A_489 = tpu.memref_slice %dma_start3A_486[%dma_start3A_487, %dma_start3A_488] : memref<256x128xf32, #tpu.memory_space<vmem>> -> memref<64x128xf32, #tpu.memory_space<vmem>>
        %dma_start3A_490 = arith.constant 0 : i32
        %dma_start3A_491 = arith.constant 0 : i32
        %dma_start3A_492 = tpu.memref_slice %arg6[%scan3A_120, %dma_start3A_490, %dma_start3A_491] : memref<2x4x64xi32, #tpu.memory_space<vmem>> -> memref<1x4x64xi32, #tpu.memory_space<vmem>>
        %dma_start3A_493 = tpu.memref_squeeze %dma_start3A_492 : memref<1x4x64xi32, #tpu.memory_space<vmem>> -> memref<4x64xi32, #tpu.memory_space<vmem>>
        %dma_start3A_494 = arith.constant 0 : i32
        %dma_start3A_495 = tpu.memref_slice %dma_start3A_493[%dma_start3A_482, %dma_start3A_494] : memref<4x64xi32, #tpu.memory_space<vmem>> -> memref<1x64xi32, #tpu.memory_space<vmem>>
        %dma_start3A_496 = tpu.memref_squeeze %dma_start3A_495 : memref<1x64xi32, #tpu.memory_space<vmem>> -> memref<64xi32, #tpu.memory_space<vmem>>
        %dma_start3A_497 = arith.constant 0 : i32
        %dma_start3A_498 = arith.constant 0 : i32
        %dma_start3A_499 = tpu.memref_slice %arg2[%dma_start3A_497, %dma_start3A_498] : memref<131072x128xf32, #tpu.memory_space<hbm>> -> memref<131072x128xf32, #tpu.memory_space<hbm>>
        tpu.enqueue_indirect_dma source(%dma_start3A_499 : memref<131072x128xf32, #tpu.memory_space<hbm>>) target(%dma_start3A_489 : memref<64x128xf32, #tpu.memory_space<vmem>>) offsets(%dma_start3A_496 : memref<64xi32, #tpu.memory_space<vmem>>) semaphore(%arg14 : memref<!tpu.dma_semaphore, #tpu.memory_space<semaphore_mem>>)
      } else {
      }
      %lt3A_373 = arith.constant 62 : i32
      %lt3A_374 = arith.cmpi slt, %add3A_287, %lt3A_373 : i32
      %convert_element_type3A_375 = arith.extui %lt3A_374 : i1 to i32
      %cond3A_376 = arith.constant 0 : i32
      %cond3A_377 = arith.cmpi ne, %convert_element_type3A_375, %cond3A_376 : i32
      scf.if %cond3A_377 {
        %add3A_414 = arith.constant 2 : i32
        %add3A_415 = arith.addi %add3A_287, %add3A_414 : i32
        %mul3A_416 = arith.constant 4 : i32
        %mul3A_417 = arith.muli %add3A_415, %mul3A_416 : i32
        %add3A_418 = arith.addi %mul3A_2, %mul3A_417 : i32
        %dma_start3A_419 = arith.constant 0 : i32
        %dma_start3A_420 = arith.constant 0 : i32
        %dma_start3A_421 = tpu.memref_slice %arg6[%scan3A_118, %dma_start3A_419, %dma_start3A_420] : memref<2x4x64xi32, #tpu.memory_space<vmem>> -> memref<1x4x64xi32, #tpu.memory_space<vmem>>
        %dma_start3A_422 = tpu.memref_squeeze %dma_start3A_421 : memref<1x4x64xi32, #tpu.memory_space<vmem>> -> memref<4x64xi32, #tpu.memory_space<vmem>>
        %dma_start3A_423 = arith.constant 0 : i32
        %dma_start3A_424 = tpu.memref_slice %arg3[%add3A_418, %dma_start3A_423] : memref<8192x64xi32, #tpu.memory_space<hbm>> -> memref<4x64xi32, #tpu.memory_space<hbm>>
        %dma_start3A_425 = arith.constant 0 : i32
        %dma_start3A_426 = arith.constant 0 : i32
        %dma_start3A_427 = tpu.memref_slice %arg6[%scan3A_118, %dma_start3A_425, %dma_start3A_426] : memref<2x4x64xi32, #tpu.memory_space<vmem>> -> memref<1x4x64xi32, #tpu.memory_space<vmem>>
        %dma_start3A_428 = tpu.memref_squeeze %dma_start3A_427 : memref<1x4x64xi32, #tpu.memory_space<vmem>> -> memref<4x64xi32, #tpu.memory_space<vmem>>
        %dma_start3A_429 = arith.constant 0 : i32
        %dma_start3A_430 = tpu.memref_slice %arg3[%add3A_418, %dma_start3A_429] : memref<8192x64xi32, #tpu.memory_space<hbm>> -> memref<4x64xi32, #tpu.memory_space<hbm>>
        tpu.enqueue_dma source(%dma_start3A_430 : memref<4x64xi32, #tpu.memory_space<hbm>>) target(%dma_start3A_428 : memref<4x64xi32, #tpu.memory_space<vmem>>) target_semaphore(%arg11 : memref<!tpu.dma_semaphore, #tpu.memory_space<semaphore_mem>>)
      } else {
      }
      %ge3A_378 = arith.constant 1 : i32
      %ge3A_379 = arith.cmpi sge, %add3A_287, %ge3A_378 : i32
      %convert_element_type3A_380 = arith.extui %ge3A_379 : i1 to i32
      %cond3A_381 = arith.constant 0 : i32
      %cond3A_382 = arith.cmpi ne, %convert_element_type3A_380, %cond3A_381 : i32
      scf.if %cond3A_382 {
        %add3A_414 = arith.constant 0 : i32
        %add3A_415 = arith.addi %mul3A_2, %add3A_414 : i32
        %mul3A_416 = arith.constant 128 : i32
        %mul3A_417 = arith.muli %add3A_415, %mul3A_416 : i32
        %dma_wait3A_418 = arith.constant 0 : i32
        %dma_wait3A_419 = tpu.memref_slice %arg7[%scan3A_123, %dma_wait3A_418] : memref<2x512xf32, #tpu.memory_space<vmem>> -> memref<1x512xf32, #tpu.memory_space<vmem>>
        %dma_wait3A_420 = tpu.memref_squeeze %dma_wait3A_419 : memref<1x512xf32, #tpu.memory_space<vmem>> -> memref<512xf32, #tpu.memory_space<vmem>>
        %dma_wait3A_421 = tpu.memref_slice %arg4[%mul3A_417] : memref<1048576xf32, #tpu.memory_space<hbm>> -> memref<512xf32, #tpu.memory_space<hbm>>
        %dma_wait3A_422 = arith.constant 0 : i32
        %dma_wait3A_423 = tpu.memref_slice %arg7[%scan3A_123, %dma_wait3A_422] : memref<2x512xf32, #tpu.memory_space<vmem>> -> memref<1x512xf32, #tpu.memory_space<vmem>>
        %dma_wait3A_424 = tpu.memref_squeeze %dma_wait3A_423 : memref<1x512xf32, #tpu.memory_space<vmem>> -> memref<512xf32, #tpu.memory_space<vmem>>
        %dma_wait3A_425 = tpu.memref_slice %arg4[%mul3A_417] : memref<1048576xf32, #tpu.memory_space<hbm>> -> memref<512xf32, #tpu.memory_space<hbm>>
        tpu.wait_dma2 semaphore(%arg13 : memref<!tpu.dma_semaphore, #tpu.memory_space<semaphore_mem>>) src(%dma_wait3A_425 : memref<512xf32, #tpu.memory_space<hbm>>) dst(%dma_wait3A_424 : memref<512xf32, #tpu.memory_space<vmem>>)
      } else {
      }
      %ge3A_383 = arith.constant 2 : i32
      %ge3A_384 = arith.cmpi sge, %add3A_287, %ge3A_383 : i32
      %convert_element_type3A_385 = arith.extui %ge3A_384 : i1 to i32
      %cond3A_386 = arith.constant 0 : i32
      %cond3A_387 = arith.cmpi ne, %convert_element_type3A_385, %cond3A_386 : i32
      scf.if %cond3A_387 {
        %add3A_414 = arith.constant 0 : i32
        %add3A_415 = arith.addi %mul3A_2, %add3A_414 : i32
        %dma_wait3A_416 = arith.constant 0 : i32
        %dma_wait3A_417 = arith.constant 0 : i32
        %dma_wait3A_418 = tpu.memref_slice %arg9[%scan3A_124, %dma_wait3A_416, %dma_wait3A_417] : memref<2x4x1024xf32, #tpu.memory_space<vmem>> -> memref<1x4x1024xf32, #tpu.memory_space<vmem>>
        %dma_wait3A_419 = tpu.memref_squeeze %dma_wait3A_418 : memref<1x4x1024xf32, #tpu.memory_space<vmem>> -> memref<4x1024xf32, #tpu.memory_space<vmem>>
        %dma_wait3A_420 = arith.constant 0 : i32
        %dma_wait3A_421 = tpu.memref_slice %arg5[%add3A_415, %dma_wait3A_420] : memref<8192x1024xf32, #tpu.memory_space<hbm>> -> memref<4x1024xf32, #tpu.memory_space<hbm>>
        %dma_wait3A_422 = arith.constant 0 : i32
        %dma_wait3A_423 = arith.constant 0 : i32
        %dma_wait3A_424 = tpu.memref_slice %arg9[%scan3A_124, %dma_wait3A_422, %dma_wait3A_423] : memref<2x4x1024xf32, #tpu.memory_space<vmem>> -> memref<1x4x1024xf32, #tpu.memory_space<vmem>>
        %dma_wait3A_425 = tpu.memref_squeeze %dma_wait3A_424 : memref<1x4x1024xf32, #tpu.memory_space<vmem>> -> memref<4x1024xf32, #tpu.memory_space<vmem>>
        %dma_wait3A_426 = arith.constant 0 : i32
        %dma_wait3A_427 = tpu.memref_slice %arg5[%add3A_415, %dma_wait3A_426] : memref<8192x1024xf32, #tpu.memory_space<hbm>> -> memref<4x1024xf32, #tpu.memory_space<hbm>>
        tpu.wait_dma2 semaphore(%arg16 : memref<!tpu.dma_semaphore, #tpu.memory_space<semaphore_mem>>) src(%dma_wait3A_427 : memref<4x1024xf32, #tpu.memory_space<hbm>>) dst(%dma_wait3A_425 : memref<4x1024xf32, #tpu.memory_space<vmem>>)
      } else {
      }
      %scan3A_388 = arith.constant 0 : i32
      %scan3A_389 = arith.constant 0 : i32
      %scan3A_390 = arith.constant 64 : i32
      %scan3A_391 = arith.addi %scan3A_389, %scan3A_390 : i32
      %scan3A_392 = arith.constant 2 : i32
      scf.for %scan3A_414 = %scan3A_389 to %scan3A_391 step %scan3A_392  : i32 {
        %jit3A = arith.constant 16 : i32
        %div3A = arith.divsi %scan3A_414, %jit3A : i32
        %sign3A = arith.constant 0 : i32
        %sign3A_415 = arith.cmpi sgt, %scan3A_414, %sign3A : i32
        %sign3A_416 = arith.extui %sign3A_415 : i1 to i32
        %sign3A_417 = arith.constant 0 : i32
        %sign3A_418 = arith.cmpi slt, %scan3A_414, %sign3A_417 : i32
        %sign3A_419 = arith.extui %sign3A_418 : i1 to i32
        %sign3A_420 = arith.subi %sign3A_416, %sign3A_419 : i32
        %sign3A_421 = arith.constant 0 : i32
        %sign3A_422 = arith.cmpi sgt, %jit3A, %sign3A_421 : i32
        %sign3A_423 = arith.extui %sign3A_422 : i1 to i32
        %sign3A_424 = arith.constant 0 : i32
        %sign3A_425 = arith.cmpi slt, %jit3A, %sign3A_424 : i32
        %sign3A_426 = arith.extui %sign3A_425 : i1 to i32
        %sign3A_427 = arith.subi %sign3A_423, %sign3A_426 : i32
        %ne3A = arith.cmpi ne, %sign3A_420, %sign3A_427 : i32
        %rem3A = arith.remsi %scan3A_414, %jit3A : i32
        %ne3A_428 = arith.constant 0 : i32
        %ne3A_429 = arith.cmpi ne, %rem3A, %ne3A_428 : i32
        %and3A = arith.andi %ne3A, %ne3A_429 : i1
        %sub3A = arith.constant 1 : i32
        %sub3A_430 = arith.subi %div3A, %sub3A : i32
        %select_n3A = arith.select %and3A, %sub3A_430, %div3A : i32
        %jit3A_431 = arith.constant 16 : i32
        %eq3A = arith.constant 0 : i32
        %eq3A_432 = arith.cmpi eq, %jit3A_431, %eq3A : i32
        %jit3A_433 = arith.constant 1 : i32
        %select_n3A_434 = arith.select %eq3A_432, %jit3A_433, %jit3A_431 : i32
        %rem3A_435 = arith.remsi %scan3A_414, %select_n3A_434 : i32
        %ne3A_436 = arith.constant 0 : i32
        %ne3A_437 = arith.cmpi ne, %rem3A_435, %ne3A_436 : i32
        %lt3A_438 = arith.constant 0 : i32
        %lt3A_439 = arith.cmpi slt, %rem3A_435, %lt3A_438 : i32
        %lt3A_440 = arith.constant 0 : i32
        %lt3A_441 = arith.cmpi slt, %select_n3A_434, %lt3A_440 : i32
        %ne3A_442 = arith.xori %lt3A_439, %lt3A_441 : i1
        %and3A_443 = arith.andi %ne3A_442, %ne3A_437 : i1
        %add3A_444 = arith.addi %rem3A_435, %select_n3A_434 : i32
        %select_n3A_445 = arith.select %and3A_443, %add3A_444, %rem3A_435 : i32
        %broadcast_in_dim3A = vector.broadcast %select_n3A_445 : i32 to vector<16xi32>
        %broadcast_in_dim3A_446 = arith.constant 0.000000e+00 : f32
        %broadcast_in_dim3A_447 = vector.broadcast %broadcast_in_dim3A_446 : f32 to vector<16xf32>
        %broadcast_in_dim3A_448 = arith.constant 0.000000e+00 : f32
        %broadcast_in_dim3A_449 = vector.broadcast %broadcast_in_dim3A_448 : f32 to vector<16xf32>
        %broadcast_in_dim3A_450 = arith.constant 0.000000e+00 : f32
        %broadcast_in_dim3A_451 = vector.broadcast %broadcast_in_dim3A_450 : f32 to vector<16xf32>
        %broadcast_in_dim3A_452 = arith.constant 0.000000e+00 : f32
        %broadcast_in_dim3A_453 = vector.broadcast %broadcast_in_dim3A_452 : f32 to vector<16xf32>
        %mul3A_454 = arith.constant 64 : i32
        %mul3A_455 = arith.muli %select_n3A, %mul3A_454 : i32
        %add3A_456 = arith.constant 0 : i32
        %add3A_457 = arith.addi %mul3A_455, %add3A_456 : i32
        %add3A_458 = arith.addi %add3A_457, %select_n3A_445 : i32
        %mul3A_459 = arith.constant 128 : i32
        %mul3A_460 = arith.muli %select_n3A, %mul3A_459 : i32
        %add3A_461 = arith.constant 0 : i32
        %add3A_462 = arith.addi %mul3A_460, %add3A_461 : i32
        %get3A = arith.constant 0 : i32
        %get3A_463 = tpu.memref_slice %arg7[%scan3A_123, %get3A] : memref<2x512xf32, #tpu.memory_space<vmem>> -> memref<1x512xf32, #tpu.memory_space<vmem>>
        %get3A_464 = tpu.memref_squeeze %get3A_463 : memref<1x512xf32, #tpu.memory_space<vmem>> -> memref<512xf32, #tpu.memory_space<vmem>>
        %get3A_465 = arith.index_cast %add3A_462 : i32 to index
        %get3A_466 = tpu.vector_load %get3A_464[%get3A_465] {strides = array<i32>} : memref<512xf32, #tpu.memory_space<vmem>>, vector<16xf32>,
        %get3A_467 = vector.shape_cast %get3A_466 : vector<16xf32> to vector<16xf32>
        %broadcast_in_dim3A_468 = vector.shape_cast %broadcast_in_dim3A : vector<16xi32> to vector<16x1xi32>
        %gather3A = vector.shape_cast %broadcast_in_dim3A_468 : vector<16x1xi32> to vector<16xi32>
        %gather3A_469 = tpu.dynamic_gather %get3A_467[%gather3A] in [0] : vector<16xf32>, vector<16xi32> -> vector<16xf32>
        %mul3A_470 = arith.constant 128 : i32
        %mul3A_471 = arith.muli %select_n3A, %mul3A_470 : i32
        %add3A_472 = arith.constant 0 : i32
        %add3A_473 = arith.addi %mul3A_471, %add3A_472 : i32
        %add3A_474 = arith.constant 16 : i32
        %add3A_475 = arith.addi %add3A_473, %add3A_474 : i32
        %get3A_476 = arith.constant 0 : i32
        %get3A_477 = tpu.memref_slice %arg7[%scan3A_123, %get3A_476] : memref<2x512xf32, #tpu.memory_space<vmem>> -> memref<1x512xf32, #tpu.memory_space<vmem>>
        %get3A_478 = tpu.memref_squeeze %get3A_477 : memref<1x512xf32, #tpu.memory_space<vmem>> -> memref<512xf32, #tpu.memory_space<vmem>>
        %get3A_479 = arith.index_cast %add3A_475 : i32 to index
        %get3A_480 = tpu.vector_load %get3A_478[%get3A_479] {strides = array<i32>} : memref<512xf32, #tpu.memory_space<vmem>>, vector<16xf32>,
        %get3A_481 = vector.shape_cast %get3A_480 : vector<16xf32> to vector<16xf32>
        %broadcast_in_dim3A_482 = vector.shape_cast %broadcast_in_dim3A : vector<16xi32> to vector<16x1xi32>
        %gather3A_483 = vector.shape_cast %broadcast_in_dim3A_482 : vector<16x1xi32> to vector<16xi32>
        %gather3A_484 = tpu.dynamic_gather %get3A_481[%gather3A_483] in [0] : vector<16xf32>, vector<16xi32> -> vector<16xf32>
        %get3A_485 = arith.constant 0 : i32
        %get3A_486 = arith.constant 0 : i32
        %get3A_487 = tpu.memref_slice %arg8[%scan3A_119, %get3A_485, %get3A_486] : memref<2x256x128xf32, #tpu.memory_space<vmem>> -> memref<1x256x128xf32, #tpu.memory_space<vmem>>
        %get3A_488 = tpu.memref_squeeze %get3A_487 : memref<1x256x128xf32, #tpu.memory_space<vmem>> -> memref<256x128xf32, #tpu.memory_space<vmem>>
        %get3A_489 = arith.index_cast %add3A_458 : i32 to index
        %get3A_490 = arith.constant 0 : index
        %get3A_491 = tpu.vector_load %get3A_488[%get3A_489, %get3A_490] {strides = array<i32>} : memref<256x128xf32, #tpu.memory_space<vmem>>, vector<1x16xf32>,
        %get3A_492 = vector.shape_cast %get3A_491 : vector<1x16xf32> to vector<16xf32>
        %mul3A_493 = arith.mulf %gather3A_469, %get3A_492 : vector<16xf32>
        %add3A_494 = arith.addf %broadcast_in_dim3A_447, %mul3A_493 : vector<16xf32>
        %get3A_495 = arith.constant 0 : i32
        %get3A_496 = arith.constant 0 : i32
        %get3A_497 = tpu.memref_slice %arg8[%scan3A_119, %get3A_495, %get3A_496] : memref<2x256x128xf32, #tpu.memory_space<vmem>> -> memref<1x256x128xf32, #tpu.memory_space<vmem>>
        %get3A_498 = tpu.memref_squeeze %get3A_497 : memref<1x256x128xf32, #tpu.memory_space<vmem>> -> memref<256x128xf32, #tpu.memory_space<vmem>>
        %get3A_499 = arith.index_cast %add3A_458 : i32 to index
        %get3A_500 = arith.constant 64 : index
        %get3A_501 = tpu.vector_load %get3A_498[%get3A_499, %get3A_500] {strides = array<i32>} : memref<256x128xf32, #tpu.memory_space<vmem>>, vector<1x16xf32>,
        %get3A_502 = vector.shape_cast %get3A_501 : vector<1x16xf32> to vector<16xf32>
        %mul3A_503 = arith.mulf %gather3A_484, %get3A_502 : vector<16xf32>
        %add3A_504 = arith.addf %add3A_494, %mul3A_503 : vector<16xf32>
        %get3A_505 = arith.constant 0 : i32
        %get3A_506 = arith.constant 0 : i32
        %get3A_507 = tpu.memref_slice %arg8[%scan3A_119, %get3A_505, %get3A_506] : memref<2x256x128xf32, #tpu.memory_space<vmem>> -> memref<1x256x128xf32, #tpu.memory_space<vmem>>
        %get3A_508 = tpu.memref_squeeze %get3A_507 : memref<1x256x128xf32, #tpu.memory_space<vmem>> -> memref<256x128xf32, #tpu.memory_space<vmem>>
        %get3A_509 = arith.index_cast %add3A_458 : i32 to index
        %get3A_510 = arith.constant 16 : index
        %get3A_511 = tpu.vector_load %get3A_508[%get3A_509, %get3A_510] {strides = array<i32>} : memref<256x128xf32, #tpu.memory_space<vmem>>, vector<1x16xf32>,
        %get3A_512 = vector.shape_cast %get3A_511 : vector<1x16xf32> to vector<16xf32>
        %mul3A_513 = arith.mulf %gather3A_469, %get3A_512 : vector<16xf32>
        %add3A_514 = arith.addf %broadcast_in_dim3A_449, %mul3A_513 : vector<16xf32>
        %get3A_515 = arith.constant 0 : i32
        %get3A_516 = arith.constant 0 : i32
        %get3A_517 = tpu.memref_slice %arg8[%scan3A_119, %get3A_515, %get3A_516] : memref<2x256x128xf32, #tpu.memory_space<vmem>> -> memref<1x256x128xf32, #tpu.memory_space<vmem>>
        %get3A_518 = tpu.memref_squeeze %get3A_517 : memref<1x256x128xf32, #tpu.memory_space<vmem>> -> memref<256x128xf32, #tpu.memory_space<vmem>>
        %get3A_519 = arith.index_cast %add3A_458 : i32 to index
        %get3A_520 = arith.constant 80 : index
        %get3A_521 = tpu.vector_load %get3A_518[%get3A_519, %get3A_520] {strides = array<i32>} : memref<256x128xf32, #tpu.memory_space<vmem>>, vector<1x16xf32>,
        %get3A_522 = vector.shape_cast %get3A_521 : vector<1x16xf32> to vector<16xf32>
        %mul3A_523 = arith.mulf %gather3A_484, %get3A_522 : vector<16xf32>
        %add3A_524 = arith.addf %add3A_514, %mul3A_523 : vector<16xf32>
        %get3A_525 = arith.constant 0 : i32
        %get3A_526 = arith.constant 0 : i32
        %get3A_527 = tpu.memref_slice %arg8[%scan3A_119, %get3A_525, %get3A_526] : memref<2x256x128xf32, #tpu.memory_space<vmem>> -> memref<1x256x128xf32, #tpu.memory_space<vmem>>
        %get3A_528 = tpu.memref_squeeze %get3A_527 : memref<1x256x128xf32, #tpu.memory_space<vmem>> -> memref<256x128xf32, #tpu.memory_space<vmem>>
        %get3A_529 = arith.index_cast %add3A_458 : i32 to index
        %get3A_530 = arith.constant 32 : index
        %get3A_531 = tpu.vector_load %get3A_528[%get3A_529, %get3A_530] {strides = array<i32>} : memref<256x128xf32, #tpu.memory_space<vmem>>, vector<1x16xf32>,
        %get3A_532 = vector.shape_cast %get3A_531 : vector<1x16xf32> to vector<16xf32>
        %mul3A_533 = arith.mulf %gather3A_469, %get3A_532 : vector<16xf32>
        %add3A_534 = arith.addf %broadcast_in_dim3A_451, %mul3A_533 : vector<16xf32>
        %get3A_535 = arith.constant 0 : i32
        %get3A_536 = arith.constant 0 : i32
        %get3A_537 = tpu.memref_slice %arg8[%scan3A_119, %get3A_535, %get3A_536] : memref<2x256x128xf32, #tpu.memory_space<vmem>> -> memref<1x256x128xf32, #tpu.memory_space<vmem>>
        %get3A_538 = tpu.memref_squeeze %get3A_537 : memref<1x256x128xf32, #tpu.memory_space<vmem>> -> memref<256x128xf32, #tpu.memory_space<vmem>>
        %get3A_539 = arith.index_cast %add3A_458 : i32 to index
        %get3A_540 = arith.constant 96 : index
        %get3A_541 = tpu.vector_load %get3A_538[%get3A_539, %get3A_540] {strides = array<i32>} : memref<256x128xf32, #tpu.memory_space<vmem>>, vector<1x16xf32>,
        %get3A_542 = vector.shape_cast %get3A_541 : vector<1x16xf32> to vector<16xf32>
        %mul3A_543 = arith.mulf %gather3A_484, %get3A_542 : vector<16xf32>
        %add3A_544 = arith.addf %add3A_534, %mul3A_543 : vector<16xf32>
        %get3A_545 = arith.constant 0 : i32
        %get3A_546 = arith.constant 0 : i32
        %get3A_547 = tpu.memref_slice %arg8[%scan3A_119, %get3A_545, %get3A_546] : memref<2x256x128xf32, #tpu.memory_space<vmem>> -> memref<1x256x128xf32, #tpu.memory_space<vmem>>
        %get3A_548 = tpu.memref_squeeze %get3A_547 : memref<1x256x128xf32, #tpu.memory_space<vmem>> -> memref<256x128xf32, #tpu.memory_space<vmem>>
        %get3A_549 = arith.index_cast %add3A_458 : i32 to index
        %get3A_550 = arith.constant 48 : index
        %get3A_551 = tpu.vector_load %get3A_548[%get3A_549, %get3A_550] {strides = array<i32>} : memref<256x128xf32, #tpu.memory_space<vmem>>, vector<1x16xf32>,
        %get3A_552 = vector.shape_cast %get3A_551 : vector<1x16xf32> to vector<16xf32>
        %mul3A_553 = arith.mulf %gather3A_469, %get3A_552 : vector<16xf32>
        %add3A_554 = arith.addf %broadcast_in_dim3A_453, %mul3A_553 : vector<16xf32>
        %get3A_555 = arith.constant 0 : i32
        %get3A_556 = arith.constant 0 : i32
        %get3A_557 = tpu.memref_slice %arg8[%scan3A_119, %get3A_555, %get3A_556] : memref<2x256x128xf32, #tpu.memory_space<vmem>> -> memref<1x256x128xf32, #tpu.memory_space<vmem>>
        %get3A_558 = tpu.memref_squeeze %get3A_557 : memref<1x256x128xf32, #tpu.memory_space<vmem>> -> memref<256x128xf32, #tpu.memory_space<vmem>>
        %get3A_559 = arith.index_cast %add3A_458 : i32 to index
        %get3A_560 = arith.constant 112 : index
        %get3A_561 = tpu.vector_load %get3A_558[%get3A_559, %get3A_560] {strides = array<i32>} : memref<256x128xf32, #tpu.memory_space<vmem>>, vector<1x16xf32>,
        %get3A_562 = vector.shape_cast %get3A_561 : vector<1x16xf32> to vector<16xf32>
        %mul3A_563 = arith.mulf %gather3A_484, %get3A_562 : vector<16xf32>
        %add3A_564 = arith.addf %add3A_554, %mul3A_563 : vector<16xf32>
        %mul3A_565 = arith.constant 64 : i32
        %mul3A_566 = arith.muli %select_n3A, %mul3A_565 : i32
        %add3A_567 = arith.constant 16 : i32
        %add3A_568 = arith.addi %mul3A_566, %add3A_567 : i32
        %add3A_569 = arith.addi %add3A_568, %select_n3A_445 : i32
        %mul3A_570 = arith.constant 128 : i32
        %mul3A_571 = arith.muli %select_n3A, %mul3A_570 : i32
        %add3A_572 = arith.constant 32 : i32
        %add3A_573 = arith.addi %mul3A_571, %add3A_572 : i32
        %get3A_574 = arith.constant 0 : i32
        %get3A_575 = tpu.memref_slice %arg7[%scan3A_123, %get3A_574] : memref<2x512xf32, #tpu.memory_space<vmem>> -> memref<1x512xf32, #tpu.memory_space<vmem>>
        %get3A_576 = tpu.memref_squeeze %get3A_575 : memref<1x512xf32, #tpu.memory_space<vmem>> -> memref<512xf32, #tpu.memory_space<vmem>>
        %get3A_577 = arith.index_cast %add3A_573 : i32 to index
        %get3A_578 = tpu.vector_load %get3A_576[%get3A_577] {strides = array<i32>} : memref<512xf32, #tpu.memory_space<vmem>>, vector<16xf32>,
        %get3A_579 = vector.shape_cast %get3A_578 : vector<16xf32> to vector<16xf32>
        %broadcast_in_dim3A_580 = vector.shape_cast %broadcast_in_dim3A : vector<16xi32> to vector<16x1xi32>
        %gather3A_581 = vector.shape_cast %broadcast_in_dim3A_580 : vector<16x1xi32> to vector<16xi32>
        %gather3A_582 = tpu.dynamic_gather %get3A_579[%gather3A_581] in [0] : vector<16xf32>, vector<16xi32> -> vector<16xf32>
        %mul3A_583 = arith.constant 128 : i32
        %mul3A_584 = arith.muli %select_n3A, %mul3A_583 : i32
        %add3A_585 = arith.constant 32 : i32
        %add3A_586 = arith.addi %mul3A_584, %add3A_585 : i32
        %add3A_587 = arith.constant 16 : i32
        %add3A_588 = arith.addi %add3A_586, %add3A_587 : i32
        %get3A_589 = arith.constant 0 : i32
        %get3A_590 = tpu.memref_slice %arg7[%scan3A_123, %get3A_589] : memref<2x512xf32, #tpu.memory_space<vmem>> -> memref<1x512xf32, #tpu.memory_space<vmem>>
        %get3A_591 = tpu.memref_squeeze %get3A_590 : memref<1x512xf32, #tpu.memory_space<vmem>> -> memref<512xf32, #tpu.memory_space<vmem>>
        %get3A_592 = arith.index_cast %add3A_588 : i32 to index
        %get3A_593 = tpu.vector_load %get3A_591[%get3A_592] {strides = array<i32>} : memref<512xf32, #tpu.memory_space<vmem>>, vector<16xf32>,
        %get3A_594 = vector.shape_cast %get3A_593 : vector<16xf32> to vector<16xf32>
        %broadcast_in_dim3A_595 = vector.shape_cast %broadcast_in_dim3A : vector<16xi32> to vector<16x1xi32>
        %gather3A_596 = vector.shape_cast %broadcast_in_dim3A_595 : vector<16x1xi32> to vector<16xi32>
        %gather3A_597 = tpu.dynamic_gather %get3A_594[%gather3A_596] in [0] : vector<16xf32>, vector<16xi32> -> vector<16xf32>
        %get3A_598 = arith.constant 0 : i32
        %get3A_599 = arith.constant 0 : i32
        %get3A_600 = tpu.memref_slice %arg8[%scan3A_119, %get3A_598, %get3A_599] : memref<2x256x128xf32, #tpu.memory_space<vmem>> -> memref<1x256x128xf32, #tpu.memory_space<vmem>>
        %get3A_601 = tpu.memref_squeeze %get3A_600 : memref<1x256x128xf32, #tpu.memory_space<vmem>> -> memref<256x128xf32, #tpu.memory_space<vmem>>
        %get3A_602 = arith.index_cast %add3A_569 : i32 to index
        %get3A_603 = arith.constant 0 : index
        %get3A_604 = tpu.vector_load %get3A_601[%get3A_602, %get3A_603] {strides = array<i32>} : memref<256x128xf32, #tpu.memory_space<vmem>>, vector<1x16xf32>,
        %get3A_605 = vector.shape_cast %get3A_604 : vector<1x16xf32> to vector<16xf32>
        %mul3A_606 = arith.mulf %gather3A_582, %get3A_605 : vector<16xf32>
        %add3A_607 = arith.addf %add3A_504, %mul3A_606 : vector<16xf32>
        %get3A_608 = arith.constant 0 : i32
        %get3A_609 = arith.constant 0 : i32
        %get3A_610 = tpu.memref_slice %arg8[%scan3A_119, %get3A_608, %get3A_609] : memref<2x256x128xf32, #tpu.memory_space<vmem>> -> memref<1x256x128xf32, #tpu.memory_space<vmem>>
        %get3A_611 = tpu.memref_squeeze %get3A_610 : memref<1x256x128xf32, #tpu.memory_space<vmem>> -> memref<256x128xf32, #tpu.memory_space<vmem>>
        %get3A_612 = arith.index_cast %add3A_569 : i32 to index
        %get3A_613 = arith.constant 64 : index
        %get3A_614 = tpu.vector_load %get3A_611[%get3A_612, %get3A_613] {strides = array<i32>} : memref<256x128xf32, #tpu.memory_space<vmem>>, vector<1x16xf32>,
        %get3A_615 = vector.shape_cast %get3A_614 : vector<1x16xf32> to vector<16xf32>
        %mul3A_616 = arith.mulf %gather3A_597, %get3A_615 : vector<16xf32>
        %add3A_617 = arith.addf %add3A_607, %mul3A_616 : vector<16xf32>
        %get3A_618 = arith.constant 0 : i32
        %get3A_619 = arith.constant 0 : i32
        %get3A_620 = tpu.memref_slice %arg8[%scan3A_119, %get3A_618, %get3A_619] : memref<2x256x128xf32, #tpu.memory_space<vmem>> -> memref<1x256x128xf32, #tpu.memory_space<vmem>>
        %get3A_621 = tpu.memref_squeeze %get3A_620 : memref<1x256x128xf32, #tpu.memory_space<vmem>> -> memref<256x128xf32, #tpu.memory_space<vmem>>
        %get3A_622 = arith.index_cast %add3A_569 : i32 to index
        %get3A_623 = arith.constant 16 : index
        %get3A_624 = tpu.vector_load %get3A_621[%get3A_622, %get3A_623] {strides = array<i32>} : memref<256x128xf32, #tpu.memory_space<vmem>>, vector<1x16xf32>,
        %get3A_625 = vector.shape_cast %get3A_624 : vector<1x16xf32> to vector<16xf32>
        %mul3A_626 = arith.mulf %gather3A_582, %get3A_625 : vector<16xf32>
        %add3A_627 = arith.addf %add3A_524, %mul3A_626 : vector<16xf32>
        %get3A_628 = arith.constant 0 : i32
        %get3A_629 = arith.constant 0 : i32
        %get3A_630 = tpu.memref_slice %arg8[%scan3A_119, %get3A_628, %get3A_629] : memref<2x256x128xf32, #tpu.memory_space<vmem>> -> memref<1x256x128xf32, #tpu.memory_space<vmem>>
        %get3A_631 = tpu.memref_squeeze %get3A_630 : memref<1x256x128xf32, #tpu.memory_space<vmem>> -> memref<256x128xf32, #tpu.memory_space<vmem>>
        %get3A_632 = arith.index_cast %add3A_569 : i32 to index
        %get3A_633 = arith.constant 80 : index
        %get3A_634 = tpu.vector_load %get3A_631[%get3A_632, %get3A_633] {strides = array<i32>} : memref<256x128xf32, #tpu.memory_space<vmem>>, vector<1x16xf32>,
        %get3A_635 = vector.shape_cast %get3A_634 : vector<1x16xf32> to vector<16xf32>
        %mul3A_636 = arith.mulf %gather3A_597, %get3A_635 : vector<16xf32>
        %add3A_637 = arith.addf %add3A_627, %mul3A_636 : vector<16xf32>
        %get3A_638 = arith.constant 0 : i32
        %get3A_639 = arith.constant 0 : i32
        %get3A_640 = tpu.memref_slice %arg8[%scan3A_119, %get3A_638, %get3A_639] : memref<2x256x128xf32, #tpu.memory_space<vmem>> -> memref<1x256x128xf32, #tpu.memory_space<vmem>>
        %get3A_641 = tpu.memref_squeeze %get3A_640 : memref<1x256x128xf32, #tpu.memory_space<vmem>> -> memref<256x128xf32, #tpu.memory_space<vmem>>
        %get3A_642 = arith.index_cast %add3A_569 : i32 to index
        %get3A_643 = arith.constant 32 : index
        %get3A_644 = tpu.vector_load %get3A_641[%get3A_642, %get3A_643] {strides = array<i32>} : memref<256x128xf32, #tpu.memory_space<vmem>>, vector<1x16xf32>,
        %get3A_645 = vector.shape_cast %get3A_644 : vector<1x16xf32> to vector<16xf32>
        %mul3A_646 = arith.mulf %gather3A_582, %get3A_645 : vector<16xf32>
        %add3A_647 = arith.addf %add3A_544, %mul3A_646 : vector<16xf32>
        %get3A_648 = arith.constant 0 : i32
        %get3A_649 = arith.constant 0 : i32
        %get3A_650 = tpu.memref_slice %arg8[%scan3A_119, %get3A_648, %get3A_649] : memref<2x256x128xf32, #tpu.memory_space<vmem>> -> memref<1x256x128xf32, #tpu.memory_space<vmem>>
        %get3A_651 = tpu.memref_squeeze %get3A_650 : memref<1x256x128xf32, #tpu.memory_space<vmem>> -> memref<256x128xf32, #tpu.memory_space<vmem>>
        %get3A_652 = arith.index_cast %add3A_569 : i32 to index
        %get3A_653 = arith.constant 96 : index
        %get3A_654 = tpu.vector_load %get3A_651[%get3A_652, %get3A_653] {strides = array<i32>} : memref<256x128xf32, #tpu.memory_space<vmem>>, vector<1x16xf32>,
        %get3A_655 = vector.shape_cast %get3A_654 : vector<1x16xf32> to vector<16xf32>
        %mul3A_656 = arith.mulf %gather3A_597, %get3A_655 : vector<16xf32>
        %add3A_657 = arith.addf %add3A_647, %mul3A_656 : vector<16xf32>
        %get3A_658 = arith.constant 0 : i32
        %get3A_659 = arith.constant 0 : i32
        %get3A_660 = tpu.memref_slice %arg8[%scan3A_119, %get3A_658, %get3A_659] : memref<2x256x128xf32, #tpu.memory_space<vmem>> -> memref<1x256x128xf32, #tpu.memory_space<vmem>>
        %get3A_661 = tpu.memref_squeeze %get3A_660 : memref<1x256x128xf32, #tpu.memory_space<vmem>> -> memref<256x128xf32, #tpu.memory_space<vmem>>
        %get3A_662 = arith.index_cast %add3A_569 : i32 to index
        %get3A_663 = arith.constant 48 : index
        %get3A_664 = tpu.vector_load %get3A_661[%get3A_662, %get3A_663] {strides = array<i32>} : memref<256x128xf32, #tpu.memory_space<vmem>>, vector<1x16xf32>,
        %get3A_665 = vector.shape_cast %get3A_664 : vector<1x16xf32> to vector<16xf32>
        %mul3A_666 = arith.mulf %gather3A_582, %get3A_665 : vector<16xf32>
        %add3A_667 = arith.addf %add3A_564, %mul3A_666 : vector<16xf32>
        %get3A_668 = arith.constant 0 : i32
        %get3A_669 = arith.constant 0 : i32
        %get3A_670 = tpu.memref_slice %arg8[%scan3A_119, %get3A_668, %get3A_669] : memref<2x256x128xf32, #tpu.memory_space<vmem>> -> memref<1x256x128xf32, #tpu.memory_space<vmem>>
        %get3A_671 = tpu.memref_squeeze %get3A_670 : memref<1x256x128xf32, #tpu.memory_space<vmem>> -> memref<256x128xf32, #tpu.memory_space<vmem>>
        %get3A_672 = arith.index_cast %add3A_569 : i32 to index
        %get3A_673 = arith.constant 112 : index
        %get3A_674 = tpu.vector_load %get3A_671[%get3A_672, %get3A_673] {strides = array<i32>} : memref<256x128xf32, #tpu.memory_space<vmem>>, vector<1x16xf32>,
        %get3A_675 = vector.shape_cast %get3A_674 : vector<1x16xf32> to vector<16xf32>
        %mul3A_676 = arith.mulf %gather3A_597, %get3A_675 : vector<16xf32>
        %add3A_677 = arith.addf %add3A_667, %mul3A_676 : vector<16xf32>
        %mul3A_678 = arith.constant 64 : i32
        %mul3A_679 = arith.muli %select_n3A, %mul3A_678 : i32
        %add3A_680 = arith.constant 32 : i32
        %add3A_681 = arith.addi %mul3A_679, %add3A_680 : i32
        %add3A_682 = arith.addi %add3A_681, %select_n3A_445 : i32
        %mul3A_683 = arith.constant 128 : i32
        %mul3A_684 = arith.muli %select_n3A, %mul3A_683 : i32
        %add3A_685 = arith.constant 64 : i32
        %add3A_686 = arith.addi %mul3A_684, %add3A_685 : i32
        %get3A_687 = arith.constant 0 : i32
        %get3A_688 = tpu.memref_slice %arg7[%scan3A_123, %get3A_687] : memref<2x512xf32, #tpu.memory_space<vmem>> -> memref<1x512xf32, #tpu.memory_space<vmem>>
        %get3A_689 = tpu.memref_squeeze %get3A_688 : memref<1x512xf32, #tpu.memory_space<vmem>> -> memref<512xf32, #tpu.memory_space<vmem>>
        %get3A_690 = arith.index_cast %add3A_686 : i32 to index
        %get3A_691 = tpu.vector_load %get3A_689[%get3A_690] {strides = array<i32>} : memref<512xf32, #tpu.memory_space<vmem>>, vector<16xf32>,
        %get3A_692 = vector.shape_cast %get3A_691 : vector<16xf32> to vector<16xf32>
        %broadcast_in_dim3A_693 = vector.shape_cast %broadcast_in_dim3A : vector<16xi32> to vector<16x1xi32>
        %gather3A_694 = vector.shape_cast %broadcast_in_dim3A_693 : vector<16x1xi32> to vector<16xi32>
        %gather3A_695 = tpu.dynamic_gather %get3A_692[%gather3A_694] in [0] : vector<16xf32>, vector<16xi32> -> vector<16xf32>
        %mul3A_696 = arith.constant 128 : i32
        %mul3A_697 = arith.muli %select_n3A, %mul3A_696 : i32
        %add3A_698 = arith.constant 64 : i32
        %add3A_699 = arith.addi %mul3A_697, %add3A_698 : i32
        %add3A_700 = arith.constant 16 : i32
        %add3A_701 = arith.addi %add3A_699, %add3A_700 : i32
        %get3A_702 = arith.constant 0 : i32
        %get3A_703 = tpu.memref_slice %arg7[%scan3A_123, %get3A_702] : memref<2x512xf32, #tpu.memory_space<vmem>> -> memref<1x512xf32, #tpu.memory_space<vmem>>
        %get3A_704 = tpu.memref_squeeze %get3A_703 : memref<1x512xf32, #tpu.memory_space<vmem>> -> memref<512xf32, #tpu.memory_space<vmem>>
        %get3A_705 = arith.index_cast %add3A_701 : i32 to index
        %get3A_706 = tpu.vector_load %get3A_704[%get3A_705] {strides = array<i32>} : memref<512xf32, #tpu.memory_space<vmem>>, vector<16xf32>,
        %get3A_707 = vector.shape_cast %get3A_706 : vector<16xf32> to vector<16xf32>
        %broadcast_in_dim3A_708 = vector.shape_cast %broadcast_in_dim3A : vector<16xi32> to vector<16x1xi32>
        %gather3A_709 = vector.shape_cast %broadcast_in_dim3A_708 : vector<16x1xi32> to vector<16xi32>
        %gather3A_710 = tpu.dynamic_gather %get3A_707[%gather3A_709] in [0] : vector<16xf32>, vector<16xi32> -> vector<16xf32>
        %get3A_711 = arith.constant 0 : i32
        %get3A_712 = arith.constant 0 : i32
        %get3A_713 = tpu.memref_slice %arg8[%scan3A_119, %get3A_711, %get3A_712] : memref<2x256x128xf32, #tpu.memory_space<vmem>> -> memref<1x256x128xf32, #tpu.memory_space<vmem>>
        %get3A_714 = tpu.memref_squeeze %get3A_713 : memref<1x256x128xf32, #tpu.memory_space<vmem>> -> memref<256x128xf32, #tpu.memory_space<vmem>>
        %get3A_715 = arith.index_cast %add3A_682 : i32 to index
        %get3A_716 = arith.constant 0 : index
        %get3A_717 = tpu.vector_load %get3A_714[%get3A_715, %get3A_716] {strides = array<i32>} : memref<256x128xf32, #tpu.memory_space<vmem>>, vector<1x16xf32>,
        %get3A_718 = vector.shape_cast %get3A_717 : vector<1x16xf32> to vector<16xf32>
        %mul3A_719 = arith.mulf %gather3A_695, %get3A_718 : vector<16xf32>
        %add3A_720 = arith.addf %add3A_617, %mul3A_719 : vector<16xf32>
        %get3A_721 = arith.constant 0 : i32
        %get3A_722 = arith.constant 0 : i32
        %get3A_723 = tpu.memref_slice %arg8[%scan3A_119, %get3A_721, %get3A_722] : memref<2x256x128xf32, #tpu.memory_space<vmem>> -> memref<1x256x128xf32, #tpu.memory_space<vmem>>
        %get3A_724 = tpu.memref_squeeze %get3A_723 : memref<1x256x128xf32, #tpu.memory_space<vmem>> -> memref<256x128xf32, #tpu.memory_space<vmem>>
        %get3A_725 = arith.index_cast %add3A_682 : i32 to index
        %get3A_726 = arith.constant 64 : index
        %get3A_727 = tpu.vector_load %get3A_724[%get3A_725, %get3A_726] {strides = array<i32>} : memref<256x128xf32, #tpu.memory_space<vmem>>, vector<1x16xf32>,
        %get3A_728 = vector.shape_cast %get3A_727 : vector<1x16xf32> to vector<16xf32>
        %mul3A_729 = arith.mulf %gather3A_710, %get3A_728 : vector<16xf32>
        %add3A_730 = arith.addf %add3A_720, %mul3A_729 : vector<16xf32>
        %get3A_731 = arith.constant 0 : i32
        %get3A_732 = arith.constant 0 : i32
        %get3A_733 = tpu.memref_slice %arg8[%scan3A_119, %get3A_731, %get3A_732] : memref<2x256x128xf32, #tpu.memory_space<vmem>> -> memref<1x256x128xf32, #tpu.memory_space<vmem>>
        %get3A_734 = tpu.memref_squeeze %get3A_733 : memref<1x256x128xf32, #tpu.memory_space<vmem>> -> memref<256x128xf32, #tpu.memory_space<vmem>>
        %get3A_735 = arith.index_cast %add3A_682 : i32 to index
        %get3A_736 = arith.constant 16 : index
        %get3A_737 = tpu.vector_load %get3A_734[%get3A_735, %get3A_736] {strides = array<i32>} : memref<256x128xf32, #tpu.memory_space<vmem>>, vector<1x16xf32>,
        %get3A_738 = vector.shape_cast %get3A_737 : vector<1x16xf32> to vector<16xf32>
        %mul3A_739 = arith.mulf %gather3A_695, %get3A_738 : vector<16xf32>
        %add3A_740 = arith.addf %add3A_637, %mul3A_739 : vector<16xf32>
        %get3A_741 = arith.constant 0 : i32
        %get3A_742 = arith.constant 0 : i32
        %get3A_743 = tpu.memref_slice %arg8[%scan3A_119, %get3A_741, %get3A_742] : memref<2x256x128xf32, #tpu.memory_space<vmem>> -> memref<1x256x128xf32, #tpu.memory_space<vmem>>
        %get3A_744 = tpu.memref_squeeze %get3A_743 : memref<1x256x128xf32, #tpu.memory_space<vmem>> -> memref<256x128xf32, #tpu.memory_space<vmem>>
        %get3A_745 = arith.index_cast %add3A_682 : i32 to index
        %get3A_746 = arith.constant 80 : index
        %get3A_747 = tpu.vector_load %get3A_744[%get3A_745, %get3A_746] {strides = array<i32>} : memref<256x128xf32, #tpu.memory_space<vmem>>, vector<1x16xf32>,
        %get3A_748 = vector.shape_cast %get3A_747 : vector<1x16xf32> to vector<16xf32>
        %mul3A_749 = arith.mulf %gather3A_710, %get3A_748 : vector<16xf32>
        %add3A_750 = arith.addf %add3A_740, %mul3A_749 : vector<16xf32>
        %get3A_751 = arith.constant 0 : i32
        %get3A_752 = arith.constant 0 : i32
        %get3A_753 = tpu.memref_slice %arg8[%scan3A_119, %get3A_751, %get3A_752] : memref<2x256x128xf32, #tpu.memory_space<vmem>> -> memref<1x256x128xf32, #tpu.memory_space<vmem>>
        %get3A_754 = tpu.memref_squeeze %get3A_753 : memref<1x256x128xf32, #tpu.memory_space<vmem>> -> memref<256x128xf32, #tpu.memory_space<vmem>>
        %get3A_755 = arith.index_cast %add3A_682 : i32 to index
        %get3A_756 = arith.constant 32 : index
        %get3A_757 = tpu.vector_load %get3A_754[%get3A_755, %get3A_756] {strides = array<i32>} : memref<256x128xf32, #tpu.memory_space<vmem>>, vector<1x16xf32>,
        %get3A_758 = vector.shape_cast %get3A_757 : vector<1x16xf32> to vector<16xf32>
        %mul3A_759 = arith.mulf %gather3A_695, %get3A_758 : vector<16xf32>
        %add3A_760 = arith.addf %add3A_657, %mul3A_759 : vector<16xf32>
        %get3A_761 = arith.constant 0 : i32
        %get3A_762 = arith.constant 0 : i32
        %get3A_763 = tpu.memref_slice %arg8[%scan3A_119, %get3A_761, %get3A_762] : memref<2x256x128xf32, #tpu.memory_space<vmem>> -> memref<1x256x128xf32, #tpu.memory_space<vmem>>
        %get3A_764 = tpu.memref_squeeze %get3A_763 : memref<1x256x128xf32, #tpu.memory_space<vmem>> -> memref<256x128xf32, #tpu.memory_space<vmem>>
        %get3A_765 = arith.index_cast %add3A_682 : i32 to index
        %get3A_766 = arith.constant 96 : index
        %get3A_767 = tpu.vector_load %get3A_764[%get3A_765, %get3A_766] {strides = array<i32>} : memref<256x128xf32, #tpu.memory_space<vmem>>, vector<1x16xf32>,
        %get3A_768 = vector.shape_cast %get3A_767 : vector<1x16xf32> to vector<16xf32>
        %mul3A_769 = arith.mulf %gather3A_710, %get3A_768 : vector<16xf32>
        %add3A_770 = arith.addf %add3A_760, %mul3A_769 : vector<16xf32>
        %get3A_771 = arith.constant 0 : i32
        %get3A_772 = arith.constant 0 : i32
        %get3A_773 = tpu.memref_slice %arg8[%scan3A_119, %get3A_771, %get3A_772] : memref<2x256x128xf32, #tpu.memory_space<vmem>> -> memref<1x256x128xf32, #tpu.memory_space<vmem>>
        %get3A_774 = tpu.memref_squeeze %get3A_773 : memref<1x256x128xf32, #tpu.memory_space<vmem>> -> memref<256x128xf32, #tpu.memory_space<vmem>>
        %get3A_775 = arith.index_cast %add3A_682 : i32 to index
        %get3A_776 = arith.constant 48 : index
        %get3A_777 = tpu.vector_load %get3A_774[%get3A_775, %get3A_776] {strides = array<i32>} : memref<256x128xf32, #tpu.memory_space<vmem>>, vector<1x16xf32>,
        %get3A_778 = vector.shape_cast %get3A_777 : vector<1x16xf32> to vector<16xf32>
        %mul3A_779 = arith.mulf %gather3A_695, %get3A_778 : vector<16xf32>
        %add3A_780 = arith.addf %add3A_677, %mul3A_779 : vector<16xf32>
        %get3A_781 = arith.constant 0 : i32
        %get3A_782 = arith.constant 0 : i32
        %get3A_783 = tpu.memref_slice %arg8[%scan3A_119, %get3A_781, %get3A_782] : memref<2x256x128xf32, #tpu.memory_space<vmem>> -> memref<1x256x128xf32, #tpu.memory_space<vmem>>
        %get3A_784 = tpu.memref_squeeze %get3A_783 : memref<1x256x128xf32, #tpu.memory_space<vmem>> -> memref<256x128xf32, #tpu.memory_space<vmem>>
        %get3A_785 = arith.index_cast %add3A_682 : i32 to index
        %get3A_786 = arith.constant 112 : index
        %get3A_787 = tpu.vector_load %get3A_784[%get3A_785, %get3A_786] {strides = array<i32>} : memref<256x128xf32, #tpu.memory_space<vmem>>, vector<1x16xf32>,
        %get3A_788 = vector.shape_cast %get3A_787 : vector<1x16xf32> to vector<16xf32>
        %mul3A_789 = arith.mulf %gather3A_710, %get3A_788 : vector<16xf32>
        %add3A_790 = arith.addf %add3A_780, %mul3A_789 : vector<16xf32>
        %mul3A_791 = arith.constant 64 : i32
        %mul3A_792 = arith.muli %select_n3A, %mul3A_791 : i32
        %add3A_793 = arith.constant 48 : i32
        %add3A_794 = arith.addi %mul3A_792, %add3A_793 : i32
        %add3A_795 = arith.addi %add3A_794, %select_n3A_445 : i32
        %mul3A_796 = arith.constant 128 : i32
        %mul3A_797 = arith.muli %select_n3A, %mul3A_796 : i32
        %add3A_798 = arith.constant 96 : i32
        %add3A_799 = arith.addi %mul3A_797, %add3A_798 : i32
        %get3A_800 = arith.constant 0 : i32
        %get3A_801 = tpu.memref_slice %arg7[%scan3A_123, %get3A_800] : memref<2x512xf32, #tpu.memory_space<vmem>> -> memref<1x512xf32, #tpu.memory_space<vmem>>
        %get3A_802 = tpu.memref_squeeze %get3A_801 : memref<1x512xf32, #tpu.memory_space<vmem>> -> memref<512xf32, #tpu.memory_space<vmem>>
        %get3A_803 = arith.index_cast %add3A_799 : i32 to index
        %get3A_804 = tpu.vector_load %get3A_802[%get3A_803] {strides = array<i32>} : memref<512xf32, #tpu.memory_space<vmem>>, vector<16xf32>,
        %get3A_805 = vector.shape_cast %get3A_804 : vector<16xf32> to vector<16xf32>
        %broadcast_in_dim3A_806 = vector.shape_cast %broadcast_in_dim3A : vector<16xi32> to vector<16x1xi32>
        %gather3A_807 = vector.shape_cast %broadcast_in_dim3A_806 : vector<16x1xi32> to vector<16xi32>
        %gather3A_808 = tpu.dynamic_gather %get3A_805[%gather3A_807] in [0] : vector<16xf32>, vector<16xi32> -> vector<16xf32>
        %mul3A_809 = arith.constant 128 : i32
        %mul3A_810 = arith.muli %select_n3A, %mul3A_809 : i32
        %add3A_811 = arith.constant 96 : i32
        %add3A_812 = arith.addi %mul3A_810, %add3A_811 : i32
        %add3A_813 = arith.constant 16 : i32
        %add3A_814 = arith.addi %add3A_812, %add3A_813 : i32
        %get3A_815 = arith.constant 0 : i32
        %get3A_816 = tpu.memref_slice %arg7[%scan3A_123, %get3A_815] : memref<2x512xf32, #tpu.memory_space<vmem>> -> memref<1x512xf32, #tpu.memory_space<vmem>>
        %get3A_817 = tpu.memref_squeeze %get3A_816 : memref<1x512xf32, #tpu.memory_space<vmem>> -> memref<512xf32, #tpu.memory_space<vmem>>
        %get3A_818 = arith.index_cast %add3A_814 : i32 to index
        %get3A_819 = tpu.vector_load %get3A_817[%get3A_818] {strides = array<i32>} : memref<512xf32, #tpu.memory_space<vmem>>, vector<16xf32>,
        %get3A_820 = vector.shape_cast %get3A_819 : vector<16xf32> to vector<16xf32>
        %broadcast_in_dim3A_821 = vector.shape_cast %broadcast_in_dim3A : vector<16xi32> to vector<16x1xi32>
        %gather3A_822 = vector.shape_cast %broadcast_in_dim3A_821 : vector<16x1xi32> to vector<16xi32>
        %gather3A_823 = tpu.dynamic_gather %get3A_820[%gather3A_822] in [0] : vector<16xf32>, vector<16xi32> -> vector<16xf32>
        %get3A_824 = arith.constant 0 : i32
        %get3A_825 = arith.constant 0 : i32
        %get3A_826 = tpu.memref_slice %arg8[%scan3A_119, %get3A_824, %get3A_825] : memref<2x256x128xf32, #tpu.memory_space<vmem>> -> memref<1x256x128xf32, #tpu.memory_space<vmem>>
        %get3A_827 = tpu.memref_squeeze %get3A_826 : memref<1x256x128xf32, #tpu.memory_space<vmem>> -> memref<256x128xf32, #tpu.memory_space<vmem>>
        %get3A_828 = arith.index_cast %add3A_795 : i32 to index
        %get3A_829 = arith.constant 0 : index
        %get3A_830 = tpu.vector_load %get3A_827[%get3A_828, %get3A_829] {strides = array<i32>} : memref<256x128xf32, #tpu.memory_space<vmem>>, vector<1x16xf32>,
        %get3A_831 = vector.shape_cast %get3A_830 : vector<1x16xf32> to vector<16xf32>
        %mul3A_832 = arith.mulf %gather3A_808, %get3A_831 : vector<16xf32>
        %add3A_833 = arith.addf %add3A_730, %mul3A_832 : vector<16xf32>
        %get3A_834 = arith.constant 0 : i32
        %get3A_835 = arith.constant 0 : i32
        %get3A_836 = tpu.memref_slice %arg8[%scan3A_119, %get3A_834, %get3A_835] : memref<2x256x128xf32, #tpu.memory_space<vmem>> -> memref<1x256x128xf32, #tpu.memory_space<vmem>>
        %get3A_837 = tpu.memref_squeeze %get3A_836 : memref<1x256x128xf32, #tpu.memory_space<vmem>> -> memref<256x128xf32, #tpu.memory_space<vmem>>
        %get3A_838 = arith.index_cast %add3A_795 : i32 to index
        %get3A_839 = arith.constant 64 : index
        %get3A_840 = tpu.vector_load %get3A_837[%get3A_838, %get3A_839] {strides = array<i32>} : memref<256x128xf32, #tpu.memory_space<vmem>>, vector<1x16xf32>,
        %get3A_841 = vector.shape_cast %get3A_840 : vector<1x16xf32> to vector<16xf32>
        %mul3A_842 = arith.mulf %gather3A_823, %get3A_841 : vector<16xf32>
        %add3A_843 = arith.addf %add3A_833, %mul3A_842 : vector<16xf32>
        %get3A_844 = arith.constant 0 : i32
        %get3A_845 = arith.constant 0 : i32
        %get3A_846 = tpu.memref_slice %arg8[%scan3A_119, %get3A_844, %get3A_845] : memref<2x256x128xf32, #tpu.memory_space<vmem>> -> memref<1x256x128xf32, #tpu.memory_space<vmem>>
        %get3A_847 = tpu.memref_squeeze %get3A_846 : memref<1x256x128xf32, #tpu.memory_space<vmem>> -> memref<256x128xf32, #tpu.memory_space<vmem>>
        %get3A_848 = arith.index_cast %add3A_795 : i32 to index
        %get3A_849 = arith.constant 16 : index
        %get3A_850 = tpu.vector_load %get3A_847[%get3A_848, %get3A_849] {strides = array<i32>} : memref<256x128xf32, #tpu.memory_space<vmem>>, vector<1x16xf32>,
        %get3A_851 = vector.shape_cast %get3A_850 : vector<1x16xf32> to vector<16xf32>
        %mul3A_852 = arith.mulf %gather3A_808, %get3A_851 : vector<16xf32>
        %add3A_853 = arith.addf %add3A_750, %mul3A_852 : vector<16xf32>
        %get3A_854 = arith.constant 0 : i32
        %get3A_855 = arith.constant 0 : i32
        %get3A_856 = tpu.memref_slice %arg8[%scan3A_119, %get3A_854, %get3A_855] : memref<2x256x128xf32, #tpu.memory_space<vmem>> -> memref<1x256x128xf32, #tpu.memory_space<vmem>>
        %get3A_857 = tpu.memref_squeeze %get3A_856 : memref<1x256x128xf32, #tpu.memory_space<vmem>> -> memref<256x128xf32, #tpu.memory_space<vmem>>
        %get3A_858 = arith.index_cast %add3A_795 : i32 to index
        %get3A_859 = arith.constant 80 : index
        %get3A_860 = tpu.vector_load %get3A_857[%get3A_858, %get3A_859] {strides = array<i32>} : memref<256x128xf32, #tpu.memory_space<vmem>>, vector<1x16xf32>,
        %get3A_861 = vector.shape_cast %get3A_860 : vector<1x16xf32> to vector<16xf32>
        %mul3A_862 = arith.mulf %gather3A_823, %get3A_861 : vector<16xf32>
        %add3A_863 = arith.addf %add3A_853, %mul3A_862 : vector<16xf32>
        %get3A_864 = arith.constant 0 : i32
        %get3A_865 = arith.constant 0 : i32
        %get3A_866 = tpu.memref_slice %arg8[%scan3A_119, %get3A_864, %get3A_865] : memref<2x256x128xf32, #tpu.memory_space<vmem>> -> memref<1x256x128xf32, #tpu.memory_space<vmem>>
        %get3A_867 = tpu.memref_squeeze %get3A_866 : memref<1x256x128xf32, #tpu.memory_space<vmem>> -> memref<256x128xf32, #tpu.memory_space<vmem>>
        %get3A_868 = arith.index_cast %add3A_795 : i32 to index
        %get3A_869 = arith.constant 32 : index
        %get3A_870 = tpu.vector_load %get3A_867[%get3A_868, %get3A_869] {strides = array<i32>} : memref<256x128xf32, #tpu.memory_space<vmem>>, vector<1x16xf32>,
        %get3A_871 = vector.shape_cast %get3A_870 : vector<1x16xf32> to vector<16xf32>
        %mul3A_872 = arith.mulf %gather3A_808, %get3A_871 : vector<16xf32>
        %add3A_873 = arith.addf %add3A_770, %mul3A_872 : vector<16xf32>
        %get3A_874 = arith.constant 0 : i32
        %get3A_875 = arith.constant 0 : i32
        %get3A_876 = tpu.memref_slice %arg8[%scan3A_119, %get3A_874, %get3A_875] : memref<2x256x128xf32, #tpu.memory_space<vmem>> -> memref<1x256x128xf32, #tpu.memory_space<vmem>>
        %get3A_877 = tpu.memref_squeeze %get3A_876 : memref<1x256x128xf32, #tpu.memory_space<vmem>> -> memref<256x128xf32, #tpu.memory_space<vmem>>
        %get3A_878 = arith.index_cast %add3A_795 : i32 to index
        %get3A_879 = arith.constant 96 : index
        %get3A_880 = tpu.vector_load %get3A_877[%get3A_878, %get3A_879] {strides = array<i32>} : memref<256x128xf32, #tpu.memory_space<vmem>>, vector<1x16xf32>,
        %get3A_881 = vector.shape_cast %get3A_880 : vector<1x16xf32> to vector<16xf32>
        %mul3A_882 = arith.mulf %gather3A_823, %get3A_881 : vector<16xf32>
        %add3A_883 = arith.addf %add3A_873, %mul3A_882 : vector<16xf32>
        %get3A_884 = arith.constant 0 : i32
        %get3A_885 = arith.constant 0 : i32
        %get3A_886 = tpu.memref_slice %arg8[%scan3A_119, %get3A_884, %get3A_885] : memref<2x256x128xf32, #tpu.memory_space<vmem>> -> memref<1x256x128xf32, #tpu.memory_space<vmem>>
        %get3A_887 = tpu.memref_squeeze %get3A_886 : memref<1x256x128xf32, #tpu.memory_space<vmem>> -> memref<256x128xf32, #tpu.memory_space<vmem>>
        %get3A_888 = arith.index_cast %add3A_795 : i32 to index
        %get3A_889 = arith.constant 48 : index
        %get3A_890 = tpu.vector_load %get3A_887[%get3A_888, %get3A_889] {strides = array<i32>} : memref<256x128xf32, #tpu.memory_space<vmem>>, vector<1x16xf32>,
        %get3A_891 = vector.shape_cast %get3A_890 : vector<1x16xf32> to vector<16xf32>
        %mul3A_892 = arith.mulf %gather3A_808, %get3A_891 : vector<16xf32>
        %add3A_893 = arith.addf %add3A_790, %mul3A_892 : vector<16xf32>
        %get3A_894 = arith.constant 0 : i32
        %get3A_895 = arith.constant 0 : i32
        %get3A_896 = tpu.memref_slice %arg8[%scan3A_119, %get3A_894, %get3A_895] : memref<2x256x128xf32, #tpu.memory_space<vmem>> -> memref<1x256x128xf32, #tpu.memory_space<vmem>>
        %get3A_897 = tpu.memref_squeeze %get3A_896 : memref<1x256x128xf32, #tpu.memory_space<vmem>> -> memref<256x128xf32, #tpu.memory_space<vmem>>
        %get3A_898 = arith.index_cast %add3A_795 : i32 to index
        %get3A_899 = arith.constant 112 : index
        %get3A_900 = tpu.vector_load %get3A_897[%get3A_898, %get3A_899] {strides = array<i32>} : memref<256x128xf32, #tpu.memory_space<vmem>>, vector<1x16xf32>,
        %get3A_901 = vector.shape_cast %get3A_900 : vector<1x16xf32> to vector<16xf32>
        %mul3A_902 = arith.mulf %gather3A_823, %get3A_901 : vector<16xf32>
        %add3A_903 = arith.addf %add3A_893, %mul3A_902 : vector<16xf32>
        %mul3A_904 = arith.constant 64 : i32
        %mul3A_905 = arith.muli %select_n3A_445, %mul3A_904 : i32
        %add3A_906 = arith.constant 0 : i32
        %add3A_907 = arith.addi %mul3A_905, %add3A_906 : i32
        %swap3A = arith.constant 0 : i32
        %swap3A_908 = arith.constant 0 : i32
        %swap3A_909 = tpu.memref_slice %arg9[%scan3A_124, %swap3A, %swap3A_908] : memref<2x4x1024xf32, #tpu.memory_space<vmem>> -> memref<1x4x1024xf32, #tpu.memory_space<vmem>>
        %swap3A_910 = tpu.memref_squeeze %swap3A_909 : memref<1x4x1024xf32, #tpu.memory_space<vmem>> -> memref<4x1024xf32, #tpu.memory_space<vmem>>
        %swap3A_911 = arith.index_cast %select_n3A : i32 to index
        %swap3A_912 = arith.index_cast %add3A_907 : i32 to index
        %swap3A_913 = tpu.vector_load %swap3A_910[%swap3A_911, %swap3A_912] {strides = array<i32>} : memref<4x1024xf32, #tpu.memory_space<vmem>>, vector<1x16xf32>,
        %swap3A_914 = vector.shape_cast %swap3A_913 : vector<1x16xf32> to vector<16xf32>
        %swap3A_915 = vector.shape_cast %add3A_843 : vector<16xf32> to vector<1x16xf32>
        tpu.vector_store %swap3A_910[%swap3A_911, %swap3A_912], %swap3A_915 {strides = array<i32>} : memref<4x1024xf32, #tpu.memory_space<vmem>>, vector<1x16xf32>,
        %mul3A_916 = arith.constant 64 : i32
        %mul3A_917 = arith.muli %select_n3A_445, %mul3A_916 : i32
        %add3A_918 = arith.constant 16 : i32
        %add3A_919 = arith.addi %mul3A_917, %add3A_918 : i32
        %swap3A_920 = arith.constant 0 : i32
        %swap3A_921 = arith.constant 0 : i32
        %swap3A_922 = tpu.memref_slice %arg9[%scan3A_124, %swap3A_920, %swap3A_921] : memref<2x4x1024xf32, #tpu.memory_space<vmem>> -> memref<1x4x1024xf32, #tpu.memory_space<vmem>>
        %swap3A_923 = tpu.memref_squeeze %swap3A_922 : memref<1x4x1024xf32, #tpu.memory_space<vmem>> -> memref<4x1024xf32, #tpu.memory_space<vmem>>
        %swap3A_924 = arith.index_cast %select_n3A : i32 to index
        %swap3A_925 = arith.index_cast %add3A_919 : i32 to index
        %swap3A_926 = tpu.vector_load %swap3A_923[%swap3A_924, %swap3A_925] {strides = array<i32>} : memref<4x1024xf32, #tpu.memory_space<vmem>>, vector<1x16xf32>,
        %swap3A_927 = vector.shape_cast %swap3A_926 : vector<1x16xf32> to vector<16xf32>
        %swap3A_928 = vector.shape_cast %add3A_863 : vector<16xf32> to vector<1x16xf32>
        tpu.vector_store %swap3A_923[%swap3A_924, %swap3A_925], %swap3A_928 {strides = array<i32>} : memref<4x1024xf32, #tpu.memory_space<vmem>>, vector<1x16xf32>,
        %mul3A_929 = arith.constant 64 : i32
        %mul3A_930 = arith.muli %select_n3A_445, %mul3A_929 : i32
        %add3A_931 = arith.constant 32 : i32
        %add3A_932 = arith.addi %mul3A_930, %add3A_931 : i32
        %swap3A_933 = arith.constant 0 : i32
        %swap3A_934 = arith.constant 0 : i32
        %swap3A_935 = tpu.memref_slice %arg9[%scan3A_124, %swap3A_933, %swap3A_934] : memref<2x4x1024xf32, #tpu.memory_space<vmem>> -> memref<1x4x1024xf32, #tpu.memory_space<vmem>>
        %swap3A_936 = tpu.memref_squeeze %swap3A_935 : memref<1x4x1024xf32, #tpu.memory_space<vmem>> -> memref<4x1024xf32, #tpu.memory_space<vmem>>
        %swap3A_937 = arith.index_cast %select_n3A : i32 to index
        %swap3A_938 = arith.index_cast %add3A_932 : i32 to index
        %swap3A_939 = tpu.vector_load %swap3A_936[%swap3A_937, %swap3A_938] {strides = array<i32>} : memref<4x1024xf32, #tpu.memory_space<vmem>>, vector<1x16xf32>,
        %swap3A_940 = vector.shape_cast %swap3A_939 : vector<1x16xf32> to vector<16xf32>
        %swap3A_941 = vector.shape_cast %add3A_883 : vector<16xf32> to vector<1x16xf32>
        tpu.vector_store %swap3A_936[%swap3A_937, %swap3A_938], %swap3A_941 {strides = array<i32>} : memref<4x1024xf32, #tpu.memory_space<vmem>>, vector<1x16xf32>,
        %mul3A_942 = arith.constant 64 : i32
        %mul3A_943 = arith.muli %select_n3A_445, %mul3A_942 : i32
        %add3A_944 = arith.constant 48 : i32
        %add3A_945 = arith.addi %mul3A_943, %add3A_944 : i32
        %swap3A_946 = arith.constant 0 : i32
        %swap3A_947 = arith.constant 0 : i32
        %swap3A_948 = tpu.memref_slice %arg9[%scan3A_124, %swap3A_946, %swap3A_947] : memref<2x4x1024xf32, #tpu.memory_space<vmem>> -> memref<1x4x1024xf32, #tpu.memory_space<vmem>>
        %swap3A_949 = tpu.memref_squeeze %swap3A_948 : memref<1x4x1024xf32, #tpu.memory_space<vmem>> -> memref<4x1024xf32, #tpu.memory_space<vmem>>
        %swap3A_950 = arith.index_cast %select_n3A : i32 to index
        %swap3A_951 = arith.index_cast %add3A_945 : i32 to index
        %swap3A_952 = tpu.vector_load %swap3A_949[%swap3A_950, %swap3A_951] {strides = array<i32>} : memref<4x1024xf32, #tpu.memory_space<vmem>>, vector<1x16xf32>,
        %swap3A_953 = vector.shape_cast %swap3A_952 : vector<1x16xf32> to vector<16xf32>
        %swap3A_954 = vector.shape_cast %add3A_903 : vector<16xf32> to vector<1x16xf32>
        tpu.vector_store %swap3A_949[%swap3A_950, %swap3A_951], %swap3A_954 {strides = array<i32>} : memref<4x1024xf32, #tpu.memory_space<vmem>>, vector<1x16xf32>,
        %scan3A_955 = arith.constant 1 : i32
        %scan3A_956 = arith.addi %scan3A_414, %scan3A_955 : i32
        %jit3A_957 = arith.constant 16 : i32
        %div3A_958 = arith.divsi %scan3A_956, %jit3A_957 : i32
        %sign3A_959 = arith.constant 0 : i32
        %sign3A_960 = arith.cmpi sgt, %scan3A_956, %sign3A_959 : i32
        %sign3A_961 = arith.extui %sign3A_960 : i1 to i32
        %sign3A_962 = arith.constant 0 : i32
        %sign3A_963 = arith.cmpi slt, %scan3A_956, %sign3A_962 : i32
        %sign3A_964 = arith.extui %sign3A_963 : i1 to i32
        %sign3A_965 = arith.subi %sign3A_961, %sign3A_964 : i32
        %sign3A_966 = arith.constant 0 : i32
        %sign3A_967 = arith.cmpi sgt, %jit3A_957, %sign3A_966 : i32
        %sign3A_968 = arith.extui %sign3A_967 : i1 to i32
        %sign3A_969 = arith.constant 0 : i32
        %sign3A_970 = arith.cmpi slt, %jit3A_957, %sign3A_969 : i32
        %sign3A_971 = arith.extui %sign3A_970 : i1 to i32
        %sign3A_972 = arith.subi %sign3A_968, %sign3A_971 : i32
        %ne3A_973 = arith.cmpi ne, %sign3A_965, %sign3A_972 : i32
        %rem3A_974 = arith.remsi %scan3A_956, %jit3A_957 : i32
        %ne3A_975 = arith.constant 0 : i32
        %ne3A_976 = arith.cmpi ne, %rem3A_974, %ne3A_975 : i32
        %and3A_977 = arith.andi %ne3A_973, %ne3A_976 : i1
        %sub3A_978 = arith.constant 1 : i32
        %sub3A_979 = arith.subi %div3A_958, %sub3A_978 : i32
        %select_n3A_980 = arith.select %and3A_977, %sub3A_979, %div3A_958 : i32
        %jit3A_981 = arith.constant 16 : i32
        %eq3A_982 = arith.constant 0 : i32
        %eq3A_983 = arith.cmpi eq, %jit3A_981, %eq3A_982 : i32
        %jit3A_984 = arith.constant 1 : i32
        %select_n3A_985 = arith.select %eq3A_983, %jit3A_984, %jit3A_981 : i32
        %rem3A_986 = arith.remsi %scan3A_956, %select_n3A_985 : i32
        %ne3A_987 = arith.constant 0 : i32
        %ne3A_988 = arith.cmpi ne, %rem3A_986, %ne3A_987 : i32
        %lt3A_989 = arith.constant 0 : i32
        %lt3A_990 = arith.cmpi slt, %rem3A_986, %lt3A_989 : i32
        %lt3A_991 = arith.constant 0 : i32
        %lt3A_992 = arith.cmpi slt, %select_n3A_985, %lt3A_991 : i32
        %ne3A_993 = arith.xori %lt3A_990, %lt3A_992 : i1
        %and3A_994 = arith.andi %ne3A_993, %ne3A_988 : i1
        %add3A_995 = arith.addi %rem3A_986, %select_n3A_985 : i32
        %select_n3A_996 = arith.select %and3A_994, %add3A_995, %rem3A_986 : i32
        %broadcast_in_dim3A_997 = vector.broadcast %select_n3A_996 : i32 to vector<16xi32>
        %broadcast_in_dim3A_998 = arith.constant 0.000000e+00 : f32
        %broadcast_in_dim3A_999 = vector.broadcast %broadcast_in_dim3A_998 : f32 to vector<16xf32>
        %broadcast_in_dim3A_1000 = arith.constant 0.000000e+00 : f32
        %broadcast_in_dim3A_1001 = vector.broadcast %broadcast_in_dim3A_1000 : f32 to vector<16xf32>
        %broadcast_in_dim3A_1002 = arith.constant 0.000000e+00 : f32
        %broadcast_in_dim3A_1003 = vector.broadcast %broadcast_in_dim3A_1002 : f32 to vector<16xf32>
        %broadcast_in_dim3A_1004 = arith.constant 0.000000e+00 : f32
        %broadcast_in_dim3A_1005 = vector.broadcast %broadcast_in_dim3A_1004 : f32 to vector<16xf32>
        %mul3A_1006 = arith.constant 64 : i32
        %mul3A_1007 = arith.muli %select_n3A_980, %mul3A_1006 : i32
        %add3A_1008 = arith.constant 0 : i32
        %add3A_1009 = arith.addi %mul3A_1007, %add3A_1008 : i32
        %add3A_1010 = arith.addi %add3A_1009, %select_n3A_996 : i32
        %mul3A_1011 = arith.constant 128 : i32
        %mul3A_1012 = arith.muli %select_n3A_980, %mul3A_1011 : i32
        %add3A_1013 = arith.constant 0 : i32
        %add3A_1014 = arith.addi %mul3A_1012, %add3A_1013 : i32
        %get3A_1015 = arith.constant 0 : i32
        %get3A_1016 = tpu.memref_slice %arg7[%scan3A_123, %get3A_1015] : memref<2x512xf32, #tpu.memory_space<vmem>> -> memref<1x512xf32, #tpu.memory_space<vmem>>
        %get3A_1017 = tpu.memref_squeeze %get3A_1016 : memref<1x512xf32, #tpu.memory_space<vmem>> -> memref<512xf32, #tpu.memory_space<vmem>>
        %get3A_1018 = arith.index_cast %add3A_1014 : i32 to index
        %get3A_1019 = tpu.vector_load %get3A_1017[%get3A_1018] {strides = array<i32>} : memref<512xf32, #tpu.memory_space<vmem>>, vector<16xf32>,
        %get3A_1020 = vector.shape_cast %get3A_1019 : vector<16xf32> to vector<16xf32>
        %broadcast_in_dim3A_1021 = vector.shape_cast %broadcast_in_dim3A_997 : vector<16xi32> to vector<16x1xi32>
        %gather3A_1022 = vector.shape_cast %broadcast_in_dim3A_1021 : vector<16x1xi32> to vector<16xi32>
        %gather3A_1023 = tpu.dynamic_gather %get3A_1020[%gather3A_1022] in [0] : vector<16xf32>, vector<16xi32> -> vector<16xf32>
        %mul3A_1024 = arith.constant 128 : i32
        %mul3A_1025 = arith.muli %select_n3A_980, %mul3A_1024 : i32
        %add3A_1026 = arith.constant 0 : i32
        %add3A_1027 = arith.addi %mul3A_1025, %add3A_1026 : i32
        %add3A_1028 = arith.constant 16 : i32
        %add3A_1029 = arith.addi %add3A_1027, %add3A_1028 : i32
        %get3A_1030 = arith.constant 0 : i32
        %get3A_1031 = tpu.memref_slice %arg7[%scan3A_123, %get3A_1030] : memref<2x512xf32, #tpu.memory_space<vmem>> -> memref<1x512xf32, #tpu.memory_space<vmem>>
        %get3A_1032 = tpu.memref_squeeze %get3A_1031 : memref<1x512xf32, #tpu.memory_space<vmem>> -> memref<512xf32, #tpu.memory_space<vmem>>
        %get3A_1033 = arith.index_cast %add3A_1029 : i32 to index
        %get3A_1034 = tpu.vector_load %get3A_1032[%get3A_1033] {strides = array<i32>} : memref<512xf32, #tpu.memory_space<vmem>>, vector<16xf32>,
        %get3A_1035 = vector.shape_cast %get3A_1034 : vector<16xf32> to vector<16xf32>
        %broadcast_in_dim3A_1036 = vector.shape_cast %broadcast_in_dim3A_997 : vector<16xi32> to vector<16x1xi32>
        %gather3A_1037 = vector.shape_cast %broadcast_in_dim3A_1036 : vector<16x1xi32> to vector<16xi32>
        %gather3A_1038 = tpu.dynamic_gather %get3A_1035[%gather3A_1037] in [0] : vector<16xf32>, vector<16xi32> -> vector<16xf32>
        %get3A_1039 = arith.constant 0 : i32
        %get3A_1040 = arith.constant 0 : i32
        %get3A_1041 = tpu.memref_slice %arg8[%scan3A_119, %get3A_1039, %get3A_1040] : memref<2x256x128xf32, #tpu.memory_space<vmem>> -> memref<1x256x128xf32, #tpu.memory_space<vmem>>
        %get3A_1042 = tpu.memref_squeeze %get3A_1041 : memref<1x256x128xf32, #tpu.memory_space<vmem>> -> memref<256x128xf32, #tpu.memory_space<vmem>>
        %get3A_1043 = arith.index_cast %add3A_1010 : i32 to index
        %get3A_1044 = arith.constant 0 : index
        %get3A_1045 = tpu.vector_load %get3A_1042[%get3A_1043, %get3A_1044] {strides = array<i32>} : memref<256x128xf32, #tpu.memory_space<vmem>>, vector<1x16xf32>,
        %get3A_1046 = vector.shape_cast %get3A_1045 : vector<1x16xf32> to vector<16xf32>
        %mul3A_1047 = arith.mulf %gather3A_1023, %get3A_1046 : vector<16xf32>
        %add3A_1048 = arith.addf %broadcast_in_dim3A_999, %mul3A_1047 : vector<16xf32>
        %get3A_1049 = arith.constant 0 : i32
        %get3A_1050 = arith.constant 0 : i32
        %get3A_1051 = tpu.memref_slice %arg8[%scan3A_119, %get3A_1049, %get3A_1050] : memref<2x256x128xf32, #tpu.memory_space<vmem>> -> memref<1x256x128xf32, #tpu.memory_space<vmem>>
        %get3A_1052 = tpu.memref_squeeze %get3A_1051 : memref<1x256x128xf32, #tpu.memory_space<vmem>> -> memref<256x128xf32, #tpu.memory_space<vmem>>
        %get3A_1053 = arith.index_cast %add3A_1010 : i32 to index
        %get3A_1054 = arith.constant 64 : index
        %get3A_1055 = tpu.vector_load %get3A_1052[%get3A_1053, %get3A_1054] {strides = array<i32>} : memref<256x128xf32, #tpu.memory_space<vmem>>, vector<1x16xf32>,
        %get3A_1056 = vector.shape_cast %get3A_1055 : vector<1x16xf32> to vector<16xf32>
        %mul3A_1057 = arith.mulf %gather3A_1038, %get3A_1056 : vector<16xf32>
        %add3A_1058 = arith.addf %add3A_1048, %mul3A_1057 : vector<16xf32>
        %get3A_1059 = arith.constant 0 : i32
        %get3A_1060 = arith.constant 0 : i32
        %get3A_1061 = tpu.memref_slice %arg8[%scan3A_119, %get3A_1059, %get3A_1060] : memref<2x256x128xf32, #tpu.memory_space<vmem>> -> memref<1x256x128xf32, #tpu.memory_space<vmem>>
        %get3A_1062 = tpu.memref_squeeze %get3A_1061 : memref<1x256x128xf32, #tpu.memory_space<vmem>> -> memref<256x128xf32, #tpu.memory_space<vmem>>
        %get3A_1063 = arith.index_cast %add3A_1010 : i32 to index
        %get3A_1064 = arith.constant 16 : index
        %get3A_1065 = tpu.vector_load %get3A_1062[%get3A_1063, %get3A_1064] {strides = array<i32>} : memref<256x128xf32, #tpu.memory_space<vmem>>, vector<1x16xf32>,
        %get3A_1066 = vector.shape_cast %get3A_1065 : vector<1x16xf32> to vector<16xf32>
        %mul3A_1067 = arith.mulf %gather3A_1023, %get3A_1066 : vector<16xf32>
        %add3A_1068 = arith.addf %broadcast_in_dim3A_1001, %mul3A_1067 : vector<16xf32>
        %get3A_1069 = arith.constant 0 : i32
        %get3A_1070 = arith.constant 0 : i32
        %get3A_1071 = tpu.memref_slice %arg8[%scan3A_119, %get3A_1069, %get3A_1070] : memref<2x256x128xf32, #tpu.memory_space<vmem>> -> memref<1x256x128xf32, #tpu.memory_space<vmem>>
        %get3A_1072 = tpu.memref_squeeze %get3A_1071 : memref<1x256x128xf32, #tpu.memory_space<vmem>> -> memref<256x128xf32, #tpu.memory_space<vmem>>
        %get3A_1073 = arith.index_cast %add3A_1010 : i32 to index
        %get3A_1074 = arith.constant 80 : index
        %get3A_1075 = tpu.vector_load %get3A_1072[%get3A_1073, %get3A_1074] {strides = array<i32>} : memref<256x128xf32, #tpu.memory_space<vmem>>, vector<1x16xf32>,
        %get3A_1076 = vector.shape_cast %get3A_1075 : vector<1x16xf32> to vector<16xf32>
        %mul3A_1077 = arith.mulf %gather3A_1038, %get3A_1076 : vector<16xf32>
        %add3A_1078 = arith.addf %add3A_1068, %mul3A_1077 : vector<16xf32>
        %get3A_1079 = arith.constant 0 : i32
        %get3A_1080 = arith.constant 0 : i32
        %get3A_1081 = tpu.memref_slice %arg8[%scan3A_119, %get3A_1079, %get3A_1080] : memref<2x256x128xf32, #tpu.memory_space<vmem>> -> memref<1x256x128xf32, #tpu.memory_space<vmem>>
        %get3A_1082 = tpu.memref_squeeze %get3A_1081 : memref<1x256x128xf32, #tpu.memory_space<vmem>> -> memref<256x128xf32, #tpu.memory_space<vmem>>
        %get3A_1083 = arith.index_cast %add3A_1010 : i32 to index
        %get3A_1084 = arith.constant 32 : index
        %get3A_1085 = tpu.vector_load %get3A_1082[%get3A_1083, %get3A_1084] {strides = array<i32>} : memref<256x128xf32, #tpu.memory_space<vmem>>, vector<1x16xf32>,
        %get3A_1086 = vector.shape_cast %get3A_1085 : vector<1x16xf32> to vector<16xf32>
        %mul3A_1087 = arith.mulf %gather3A_1023, %get3A_1086 : vector<16xf32>
        %add3A_1088 = arith.addf %broadcast_in_dim3A_1003, %mul3A_1087 : vector<16xf32>
        %get3A_1089 = arith.constant 0 : i32
        %get3A_1090 = arith.constant 0 : i32
        %get3A_1091 = tpu.memref_slice %arg8[%scan3A_119, %get3A_1089, %get3A_1090] : memref<2x256x128xf32, #tpu.memory_space<vmem>> -> memref<1x256x128xf32, #tpu.memory_space<vmem>>
        %get3A_1092 = tpu.memref_squeeze %get3A_1091 : memref<1x256x128xf32, #tpu.memory_space<vmem>> -> memref<256x128xf32, #tpu.memory_space<vmem>>
        %get3A_1093 = arith.index_cast %add3A_1010 : i32 to index
        %get3A_1094 = arith.constant 96 : index
        %get3A_1095 = tpu.vector_load %get3A_1092[%get3A_1093, %get3A_1094] {strides = array<i32>} : memref<256x128xf32, #tpu.memory_space<vmem>>, vector<1x16xf32>,
        %get3A_1096 = vector.shape_cast %get3A_1095 : vector<1x16xf32> to vector<16xf32>
        %mul3A_1097 = arith.mulf %gather3A_1038, %get3A_1096 : vector<16xf32>
        %add3A_1098 = arith.addf %add3A_1088, %mul3A_1097 : vector<16xf32>
        %get3A_1099 = arith.constant 0 : i32
        %get3A_1100 = arith.constant 0 : i32
        %get3A_1101 = tpu.memref_slice %arg8[%scan3A_119, %get3A_1099, %get3A_1100] : memref<2x256x128xf32, #tpu.memory_space<vmem>> -> memref<1x256x128xf32, #tpu.memory_space<vmem>>
        %get3A_1102 = tpu.memref_squeeze %get3A_1101 : memref<1x256x128xf32, #tpu.memory_space<vmem>> -> memref<256x128xf32, #tpu.memory_space<vmem>>
        %get3A_1103 = arith.index_cast %add3A_1010 : i32 to index
        %get3A_1104 = arith.constant 48 : index
        %get3A_1105 = tpu.vector_load %get3A_1102[%get3A_1103, %get3A_1104] {strides = array<i32>} : memref<256x128xf32, #tpu.memory_space<vmem>>, vector<1x16xf32>,
        %get3A_1106 = vector.shape_cast %get3A_1105 : vector<1x16xf32> to vector<16xf32>
        %mul3A_1107 = arith.mulf %gather3A_1023, %get3A_1106 : vector<16xf32>
        %add3A_1108 = arith.addf %broadcast_in_dim3A_1005, %mul3A_1107 : vector<16xf32>
        %get3A_1109 = arith.constant 0 : i32
        %get3A_1110 = arith.constant 0 : i32
        %get3A_1111 = tpu.memref_slice %arg8[%scan3A_119, %get3A_1109, %get3A_1110] : memref<2x256x128xf32, #tpu.memory_space<vmem>> -> memref<1x256x128xf32, #tpu.memory_space<vmem>>
        %get3A_1112 = tpu.memref_squeeze %get3A_1111 : memref<1x256x128xf32, #tpu.memory_space<vmem>> -> memref<256x128xf32, #tpu.memory_space<vmem>>
        %get3A_1113 = arith.index_cast %add3A_1010 : i32 to index
        %get3A_1114 = arith.constant 112 : index
        %get3A_1115 = tpu.vector_load %get3A_1112[%get3A_1113, %get3A_1114] {strides = array<i32>} : memref<256x128xf32, #tpu.memory_space<vmem>>, vector<1x16xf32>,
        %get3A_1116 = vector.shape_cast %get3A_1115 : vector<1x16xf32> to vector<16xf32>
        %mul3A_1117 = arith.mulf %gather3A_1038, %get3A_1116 : vector<16xf32>
        %add3A_1118 = arith.addf %add3A_1108, %mul3A_1117 : vector<16xf32>
        %mul3A_1119 = arith.constant 64 : i32
        %mul3A_1120 = arith.muli %select_n3A_980, %mul3A_1119 : i32
        %add3A_1121 = arith.constant 16 : i32
        %add3A_1122 = arith.addi %mul3A_1120, %add3A_1121 : i32
        %add3A_1123 = arith.addi %add3A_1122, %select_n3A_996 : i32
        %mul3A_1124 = arith.constant 128 : i32
        %mul3A_1125 = arith.muli %select_n3A_980, %mul3A_1124 : i32
        %add3A_1126 = arith.constant 32 : i32
        %add3A_1127 = arith.addi %mul3A_1125, %add3A_1126 : i32
        %get3A_1128 = arith.constant 0 : i32
        %get3A_1129 = tpu.memref_slice %arg7[%scan3A_123, %get3A_1128] : memref<2x512xf32, #tpu.memory_space<vmem>> -> memref<1x512xf32, #tpu.memory_space<vmem>>
        %get3A_1130 = tpu.memref_squeeze %get3A_1129 : memref<1x512xf32, #tpu.memory_space<vmem>> -> memref<512xf32, #tpu.memory_space<vmem>>
        %get3A_1131 = arith.index_cast %add3A_1127 : i32 to index
        %get3A_1132 = tpu.vector_load %get3A_1130[%get3A_1131] {strides = array<i32>} : memref<512xf32, #tpu.memory_space<vmem>>, vector<16xf32>,
        %get3A_1133 = vector.shape_cast %get3A_1132 : vector<16xf32> to vector<16xf32>
        %broadcast_in_dim3A_1134 = vector.shape_cast %broadcast_in_dim3A_997 : vector<16xi32> to vector<16x1xi32>
        %gather3A_1135 = vector.shape_cast %broadcast_in_dim3A_1134 : vector<16x1xi32> to vector<16xi32>
        %gather3A_1136 = tpu.dynamic_gather %get3A_1133[%gather3A_1135] in [0] : vector<16xf32>, vector<16xi32> -> vector<16xf32>
        %mul3A_1137 = arith.constant 128 : i32
        %mul3A_1138 = arith.muli %select_n3A_980, %mul3A_1137 : i32
        %add3A_1139 = arith.constant 32 : i32
        %add3A_1140 = arith.addi %mul3A_1138, %add3A_1139 : i32
        %add3A_1141 = arith.constant 16 : i32
        %add3A_1142 = arith.addi %add3A_1140, %add3A_1141 : i32
        %get3A_1143 = arith.constant 0 : i32
        %get3A_1144 = tpu.memref_slice %arg7[%scan3A_123, %get3A_1143] : memref<2x512xf32, #tpu.memory_space<vmem>> -> memref<1x512xf32, #tpu.memory_space<vmem>>
        %get3A_1145 = tpu.memref_squeeze %get3A_1144 : memref<1x512xf32, #tpu.memory_space<vmem>> -> memref<512xf32, #tpu.memory_space<vmem>>
        %get3A_1146 = arith.index_cast %add3A_1142 : i32 to index
        %get3A_1147 = tpu.vector_load %get3A_1145[%get3A_1146] {strides = array<i32>} : memref<512xf32, #tpu.memory_space<vmem>>, vector<16xf32>,
        %get3A_1148 = vector.shape_cast %get3A_1147 : vector<16xf32> to vector<16xf32>
        %broadcast_in_dim3A_1149 = vector.shape_cast %broadcast_in_dim3A_997 : vector<16xi32> to vector<16x1xi32>
        %gather3A_1150 = vector.shape_cast %broadcast_in_dim3A_1149 : vector<16x1xi32> to vector<16xi32>
        %gather3A_1151 = tpu.dynamic_gather %get3A_1148[%gather3A_1150] in [0] : vector<16xf32>, vector<16xi32> -> vector<16xf32>
        %get3A_1152 = arith.constant 0 : i32
        %get3A_1153 = arith.constant 0 : i32
        %get3A_1154 = tpu.memref_slice %arg8[%scan3A_119, %get3A_1152, %get3A_1153] : memref<2x256x128xf32, #tpu.memory_space<vmem>> -> memref<1x256x128xf32, #tpu.memory_space<vmem>>
        %get3A_1155 = tpu.memref_squeeze %get3A_1154 : memref<1x256x128xf32, #tpu.memory_space<vmem>> -> memref<256x128xf32, #tpu.memory_space<vmem>>
        %get3A_1156 = arith.index_cast %add3A_1123 : i32 to index
        %get3A_1157 = arith.constant 0 : index
        %get3A_1158 = tpu.vector_load %get3A_1155[%get3A_1156, %get3A_1157] {strides = array<i32>} : memref<256x128xf32, #tpu.memory_space<vmem>>, vector<1x16xf32>,
        %get3A_1159 = vector.shape_cast %get3A_1158 : vector<1x16xf32> to vector<16xf32>
        %mul3A_1160 = arith.mulf %gather3A_1136, %get3A_1159 : vector<16xf32>
        %add3A_1161 = arith.addf %add3A_1058, %mul3A_1160 : vector<16xf32>
        %get3A_1162 = arith.constant 0 : i32
        %get3A_1163 = arith.constant 0 : i32
        %get3A_1164 = tpu.memref_slice %arg8[%scan3A_119, %get3A_1162, %get3A_1163] : memref<2x256x128xf32, #tpu.memory_space<vmem>> -> memref<1x256x128xf32, #tpu.memory_space<vmem>>
        %get3A_1165 = tpu.memref_squeeze %get3A_1164 : memref<1x256x128xf32, #tpu.memory_space<vmem>> -> memref<256x128xf32, #tpu.memory_space<vmem>>
        %get3A_1166 = arith.index_cast %add3A_1123 : i32 to index
        %get3A_1167 = arith.constant 64 : index
        %get3A_1168 = tpu.vector_load %get3A_1165[%get3A_1166, %get3A_1167] {strides = array<i32>} : memref<256x128xf32, #tpu.memory_space<vmem>>, vector<1x16xf32>,
        %get3A_1169 = vector.shape_cast %get3A_1168 : vector<1x16xf32> to vector<16xf32>
        %mul3A_1170 = arith.mulf %gather3A_1151, %get3A_1169 : vector<16xf32>
        %add3A_1171 = arith.addf %add3A_1161, %mul3A_1170 : vector<16xf32>
        %get3A_1172 = arith.constant 0 : i32
        %get3A_1173 = arith.constant 0 : i32
        %get3A_1174 = tpu.memref_slice %arg8[%scan3A_119, %get3A_1172, %get3A_1173] : memref<2x256x128xf32, #tpu.memory_space<vmem>> -> memref<1x256x128xf32, #tpu.memory_space<vmem>>
        %get3A_1175 = tpu.memref_squeeze %get3A_1174 : memref<1x256x128xf32, #tpu.memory_space<vmem>> -> memref<256x128xf32, #tpu.memory_space<vmem>>
        %get3A_1176 = arith.index_cast %add3A_1123 : i32 to index
        %get3A_1177 = arith.constant 16 : index
        %get3A_1178 = tpu.vector_load %get3A_1175[%get3A_1176, %get3A_1177] {strides = array<i32>} : memref<256x128xf32, #tpu.memory_space<vmem>>, vector<1x16xf32>,
        %get3A_1179 = vector.shape_cast %get3A_1178 : vector<1x16xf32> to vector<16xf32>
        %mul3A_1180 = arith.mulf %gather3A_1136, %get3A_1179 : vector<16xf32>
        %add3A_1181 = arith.addf %add3A_1078, %mul3A_1180 : vector<16xf32>
        %get3A_1182 = arith.constant 0 : i32
        %get3A_1183 = arith.constant 0 : i32
        %get3A_1184 = tpu.memref_slice %arg8[%scan3A_119, %get3A_1182, %get3A_1183] : memref<2x256x128xf32, #tpu.memory_space<vmem>> -> memref<1x256x128xf32, #tpu.memory_space<vmem>>
        %get3A_1185 = tpu.memref_squeeze %get3A_1184 : memref<1x256x128xf32, #tpu.memory_space<vmem>> -> memref<256x128xf32, #tpu.memory_space<vmem>>
        %get3A_1186 = arith.index_cast %add3A_1123 : i32 to index
        %get3A_1187 = arith.constant 80 : index
        %get3A_1188 = tpu.vector_load %get3A_1185[%get3A_1186, %get3A_1187] {strides = array<i32>} : memref<256x128xf32, #tpu.memory_space<vmem>>, vector<1x16xf32>,
        %get3A_1189 = vector.shape_cast %get3A_1188 : vector<1x16xf32> to vector<16xf32>
        %mul3A_1190 = arith.mulf %gather3A_1151, %get3A_1189 : vector<16xf32>
        %add3A_1191 = arith.addf %add3A_1181, %mul3A_1190 : vector<16xf32>
        %get3A_1192 = arith.constant 0 : i32
        %get3A_1193 = arith.constant 0 : i32
        %get3A_1194 = tpu.memref_slice %arg8[%scan3A_119, %get3A_1192, %get3A_1193] : memref<2x256x128xf32, #tpu.memory_space<vmem>> -> memref<1x256x128xf32, #tpu.memory_space<vmem>>
        %get3A_1195 = tpu.memref_squeeze %get3A_1194 : memref<1x256x128xf32, #tpu.memory_space<vmem>> -> memref<256x128xf32, #tpu.memory_space<vmem>>
        %get3A_1196 = arith.index_cast %add3A_1123 : i32 to index
        %get3A_1197 = arith.constant 32 : index
        %get3A_1198 = tpu.vector_load %get3A_1195[%get3A_1196, %get3A_1197] {strides = array<i32>} : memref<256x128xf32, #tpu.memory_space<vmem>>, vector<1x16xf32>,
        %get3A_1199 = vector.shape_cast %get3A_1198 : vector<1x16xf32> to vector<16xf32>
        %mul3A_1200 = arith.mulf %gather3A_1136, %get3A_1199 : vector<16xf32>
        %add3A_1201 = arith.addf %add3A_1098, %mul3A_1200 : vector<16xf32>
        %get3A_1202 = arith.constant 0 : i32
        %get3A_1203 = arith.constant 0 : i32
        %get3A_1204 = tpu.memref_slice %arg8[%scan3A_119, %get3A_1202, %get3A_1203] : memref<2x256x128xf32, #tpu.memory_space<vmem>> -> memref<1x256x128xf32, #tpu.memory_space<vmem>>
        %get3A_1205 = tpu.memref_squeeze %get3A_1204 : memref<1x256x128xf32, #tpu.memory_space<vmem>> -> memref<256x128xf32, #tpu.memory_space<vmem>>
        %get3A_1206 = arith.index_cast %add3A_1123 : i32 to index
        %get3A_1207 = arith.constant 96 : index
        %get3A_1208 = tpu.vector_load %get3A_1205[%get3A_1206, %get3A_1207] {strides = array<i32>} : memref<256x128xf32, #tpu.memory_space<vmem>>, vector<1x16xf32>,
        %get3A_1209 = vector.shape_cast %get3A_1208 : vector<1x16xf32> to vector<16xf32>
        %mul3A_1210 = arith.mulf %gather3A_1151, %get3A_1209 : vector<16xf32>
        %add3A_1211 = arith.addf %add3A_1201, %mul3A_1210 : vector<16xf32>
        %get3A_1212 = arith.constant 0 : i32
        %get3A_1213 = arith.constant 0 : i32
        %get3A_1214 = tpu.memref_slice %arg8[%scan3A_119, %get3A_1212, %get3A_1213] : memref<2x256x128xf32, #tpu.memory_space<vmem>> -> memref<1x256x128xf32, #tpu.memory_space<vmem>>
        %get3A_1215 = tpu.memref_squeeze %get3A_1214 : memref<1x256x128xf32, #tpu.memory_space<vmem>> -> memref<256x128xf32, #tpu.memory_space<vmem>>
        %get3A_1216 = arith.index_cast %add3A_1123 : i32 to index
        %get3A_1217 = arith.constant 48 : index
        %get3A_1218 = tpu.vector_load %get3A_1215[%get3A_1216, %get3A_1217] {strides = array<i32>} : memref<256x128xf32, #tpu.memory_space<vmem>>, vector<1x16xf32>,
        %get3A_1219 = vector.shape_cast %get3A_1218 : vector<1x16xf32> to vector<16xf32>
        %mul3A_1220 = arith.mulf %gather3A_1136, %get3A_1219 : vector<16xf32>
        %add3A_1221 = arith.addf %add3A_1118, %mul3A_1220 : vector<16xf32>
        %get3A_1222 = arith.constant 0 : i32
        %get3A_1223 = arith.constant 0 : i32
        %get3A_1224 = tpu.memref_slice %arg8[%scan3A_119, %get3A_1222, %get3A_1223] : memref<2x256x128xf32, #tpu.memory_space<vmem>> -> memref<1x256x128xf32, #tpu.memory_space<vmem>>
        %get3A_1225 = tpu.memref_squeeze %get3A_1224 : memref<1x256x128xf32, #tpu.memory_space<vmem>> -> memref<256x128xf32, #tpu.memory_space<vmem>>
        %get3A_1226 = arith.index_cast %add3A_1123 : i32 to index
        %get3A_1227 = arith.constant 112 : index
        %get3A_1228 = tpu.vector_load %get3A_1225[%get3A_1226, %get3A_1227] {strides = array<i32>} : memref<256x128xf32, #tpu.memory_space<vmem>>, vector<1x16xf32>,
        %get3A_1229 = vector.shape_cast %get3A_1228 : vector<1x16xf32> to vector<16xf32>
        %mul3A_1230 = arith.mulf %gather3A_1151, %get3A_1229 : vector<16xf32>
        %add3A_1231 = arith.addf %add3A_1221, %mul3A_1230 : vector<16xf32>
        %mul3A_1232 = arith.constant 64 : i32
        %mul3A_1233 = arith.muli %select_n3A_980, %mul3A_1232 : i32
        %add3A_1234 = arith.constant 32 : i32
        %add3A_1235 = arith.addi %mul3A_1233, %add3A_1234 : i32
        %add3A_1236 = arith.addi %add3A_1235, %select_n3A_996 : i32
        %mul3A_1237 = arith.constant 128 : i32
        %mul3A_1238 = arith.muli %select_n3A_980, %mul3A_1237 : i32
        %add3A_1239 = arith.constant 64 : i32
        %add3A_1240 = arith.addi %mul3A_1238, %add3A_1239 : i32
        %get3A_1241 = arith.constant 0 : i32
        %get3A_1242 = tpu.memref_slice %arg7[%scan3A_123, %get3A_1241] : memref<2x512xf32, #tpu.memory_space<vmem>> -> memref<1x512xf32, #tpu.memory_space<vmem>>
        %get3A_1243 = tpu.memref_squeeze %get3A_1242 : memref<1x512xf32, #tpu.memory_space<vmem>> -> memref<512xf32, #tpu.memory_space<vmem>>
        %get3A_1244 = arith.index_cast %add3A_1240 : i32 to index
        %get3A_1245 = tpu.vector_load %get3A_1243[%get3A_1244] {strides = array<i32>} : memref<512xf32, #tpu.memory_space<vmem>>, vector<16xf32>,
        %get3A_1246 = vector.shape_cast %get3A_1245 : vector<16xf32> to vector<16xf32>
        %broadcast_in_dim3A_1247 = vector.shape_cast %broadcast_in_dim3A_997 : vector<16xi32> to vector<16x1xi32>
        %gather3A_1248 = vector.shape_cast %broadcast_in_dim3A_1247 : vector<16x1xi32> to vector<16xi32>
        %gather3A_1249 = tpu.dynamic_gather %get3A_1246[%gather3A_1248] in [0] : vector<16xf32>, vector<16xi32> -> vector<16xf32>
        %mul3A_1250 = arith.constant 128 : i32
        %mul3A_1251 = arith.muli %select_n3A_980, %mul3A_1250 : i32
        %add3A_1252 = arith.constant 64 : i32
        %add3A_1253 = arith.addi %mul3A_1251, %add3A_1252 : i32
        %add3A_1254 = arith.constant 16 : i32
        %add3A_1255 = arith.addi %add3A_1253, %add3A_1254 : i32
        %get3A_1256 = arith.constant 0 : i32
        %get3A_1257 = tpu.memref_slice %arg7[%scan3A_123, %get3A_1256] : memref<2x512xf32, #tpu.memory_space<vmem>> -> memref<1x512xf32, #tpu.memory_space<vmem>>
        %get3A_1258 = tpu.memref_squeeze %get3A_1257 : memref<1x512xf32, #tpu.memory_space<vmem>> -> memref<512xf32, #tpu.memory_space<vmem>>
        %get3A_1259 = arith.index_cast %add3A_1255 : i32 to index
        %get3A_1260 = tpu.vector_load %get3A_1258[%get3A_1259] {strides = array<i32>} : memref<512xf32, #tpu.memory_space<vmem>>, vector<16xf32>,
        %get3A_1261 = vector.shape_cast %get3A_1260 : vector<16xf32> to vector<16xf32>
        %broadcast_in_dim3A_1262 = vector.shape_cast %broadcast_in_dim3A_997 : vector<16xi32> to vector<16x1xi32>
        %gather3A_1263 = vector.shape_cast %broadcast_in_dim3A_1262 : vector<16x1xi32> to vector<16xi32>
        %gather3A_1264 = tpu.dynamic_gather %get3A_1261[%gather3A_1263] in [0] : vector<16xf32>, vector<16xi32> -> vector<16xf32>
        %get3A_1265 = arith.constant 0 : i32
        %get3A_1266 = arith.constant 0 : i32
        %get3A_1267 = tpu.memref_slice %arg8[%scan3A_119, %get3A_1265, %get3A_1266] : memref<2x256x128xf32, #tpu.memory_space<vmem>> -> memref<1x256x128xf32, #tpu.memory_space<vmem>>
        %get3A_1268 = tpu.memref_squeeze %get3A_1267 : memref<1x256x128xf32, #tpu.memory_space<vmem>> -> memref<256x128xf32, #tpu.memory_space<vmem>>
        %get3A_1269 = arith.index_cast %add3A_1236 : i32 to index
        %get3A_1270 = arith.constant 0 : index
        %get3A_1271 = tpu.vector_load %get3A_1268[%get3A_1269, %get3A_1270] {strides = array<i32>} : memref<256x128xf32, #tpu.memory_space<vmem>>, vector<1x16xf32>,
        %get3A_1272 = vector.shape_cast %get3A_1271 : vector<1x16xf32> to vector<16xf32>
        %mul3A_1273 = arith.mulf %gather3A_1249, %get3A_1272 : vector<16xf32>
        %add3A_1274 = arith.addf %add3A_1171, %mul3A_1273 : vector<16xf32>
        %get3A_1275 = arith.constant 0 : i32
        %get3A_1276 = arith.constant 0 : i32
        %get3A_1277 = tpu.memref_slice %arg8[%scan3A_119, %get3A_1275, %get3A_1276] : memref<2x256x128xf32, #tpu.memory_space<vmem>> -> memref<1x256x128xf32, #tpu.memory_space<vmem>>
        %get3A_1278 = tpu.memref_squeeze %get3A_1277 : memref<1x256x128xf32, #tpu.memory_space<vmem>> -> memref<256x128xf32, #tpu.memory_space<vmem>>
        %get3A_1279 = arith.index_cast %add3A_1236 : i32 to index
        %get3A_1280 = arith.constant 64 : index
        %get3A_1281 = tpu.vector_load %get3A_1278[%get3A_1279, %get3A_1280] {strides = array<i32>} : memref<256x128xf32, #tpu.memory_space<vmem>>, vector<1x16xf32>,
        %get3A_1282 = vector.shape_cast %get3A_1281 : vector<1x16xf32> to vector<16xf32>
        %mul3A_1283 = arith.mulf %gather3A_1264, %get3A_1282 : vector<16xf32>
        %add3A_1284 = arith.addf %add3A_1274, %mul3A_1283 : vector<16xf32>
        %get3A_1285 = arith.constant 0 : i32
        %get3A_1286 = arith.constant 0 : i32
        %get3A_1287 = tpu.memref_slice %arg8[%scan3A_119, %get3A_1285, %get3A_1286] : memref<2x256x128xf32, #tpu.memory_space<vmem>> -> memref<1x256x128xf32, #tpu.memory_space<vmem>>
        %get3A_1288 = tpu.memref_squeeze %get3A_1287 : memref<1x256x128xf32, #tpu.memory_space<vmem>> -> memref<256x128xf32, #tpu.memory_space<vmem>>
        %get3A_1289 = arith.index_cast %add3A_1236 : i32 to index
        %get3A_1290 = arith.constant 16 : index
        %get3A_1291 = tpu.vector_load %get3A_1288[%get3A_1289, %get3A_1290] {strides = array<i32>} : memref<256x128xf32, #tpu.memory_space<vmem>>, vector<1x16xf32>,
        %get3A_1292 = vector.shape_cast %get3A_1291 : vector<1x16xf32> to vector<16xf32>
        %mul3A_1293 = arith.mulf %gather3A_1249, %get3A_1292 : vector<16xf32>
        %add3A_1294 = arith.addf %add3A_1191, %mul3A_1293 : vector<16xf32>
        %get3A_1295 = arith.constant 0 : i32
        %get3A_1296 = arith.constant 0 : i32
        %get3A_1297 = tpu.memref_slice %arg8[%scan3A_119, %get3A_1295, %get3A_1296] : memref<2x256x128xf32, #tpu.memory_space<vmem>> -> memref<1x256x128xf32, #tpu.memory_space<vmem>>
        %get3A_1298 = tpu.memref_squeeze %get3A_1297 : memref<1x256x128xf32, #tpu.memory_space<vmem>> -> memref<256x128xf32, #tpu.memory_space<vmem>>
        %get3A_1299 = arith.index_cast %add3A_1236 : i32 to index
        %get3A_1300 = arith.constant 80 : index
        %get3A_1301 = tpu.vector_load %get3A_1298[%get3A_1299, %get3A_1300] {strides = array<i32>} : memref<256x128xf32, #tpu.memory_space<vmem>>, vector<1x16xf32>,
        %get3A_1302 = vector.shape_cast %get3A_1301 : vector<1x16xf32> to vector<16xf32>
        %mul3A_1303 = arith.mulf %gather3A_1264, %get3A_1302 : vector<16xf32>
        %add3A_1304 = arith.addf %add3A_1294, %mul3A_1303 : vector<16xf32>
        %get3A_1305 = arith.constant 0 : i32
        %get3A_1306 = arith.constant 0 : i32
        %get3A_1307 = tpu.memref_slice %arg8[%scan3A_119, %get3A_1305, %get3A_1306] : memref<2x256x128xf32, #tpu.memory_space<vmem>> -> memref<1x256x128xf32, #tpu.memory_space<vmem>>
        %get3A_1308 = tpu.memref_squeeze %get3A_1307 : memref<1x256x128xf32, #tpu.memory_space<vmem>> -> memref<256x128xf32, #tpu.memory_space<vmem>>
        %get3A_1309 = arith.index_cast %add3A_1236 : i32 to index
        %get3A_1310 = arith.constant 32 : index
        %get3A_1311 = tpu.vector_load %get3A_1308[%get3A_1309, %get3A_1310] {strides = array<i32>} : memref<256x128xf32, #tpu.memory_space<vmem>>, vector<1x16xf32>,
        %get3A_1312 = vector.shape_cast %get3A_1311 : vector<1x16xf32> to vector<16xf32>
        %mul3A_1313 = arith.mulf %gather3A_1249, %get3A_1312 : vector<16xf32>
        %add3A_1314 = arith.addf %add3A_1211, %mul3A_1313 : vector<16xf32>
        %get3A_1315 = arith.constant 0 : i32
        %get3A_1316 = arith.constant 0 : i32
        %get3A_1317 = tpu.memref_slice %arg8[%scan3A_119, %get3A_1315, %get3A_1316] : memref<2x256x128xf32, #tpu.memory_space<vmem>> -> memref<1x256x128xf32, #tpu.memory_space<vmem>>
        %get3A_1318 = tpu.memref_squeeze %get3A_1317 : memref<1x256x128xf32, #tpu.memory_space<vmem>> -> memref<256x128xf32, #tpu.memory_space<vmem>>
        %get3A_1319 = arith.index_cast %add3A_1236 : i32 to index
        %get3A_1320 = arith.constant 96 : index
        %get3A_1321 = tpu.vector_load %get3A_1318[%get3A_1319, %get3A_1320] {strides = array<i32>} : memref<256x128xf32, #tpu.memory_space<vmem>>, vector<1x16xf32>,
        %get3A_1322 = vector.shape_cast %get3A_1321 : vector<1x16xf32> to vector<16xf32>
        %mul3A_1323 = arith.mulf %gather3A_1264, %get3A_1322 : vector<16xf32>
        %add3A_1324 = arith.addf %add3A_1314, %mul3A_1323 : vector<16xf32>
        %get3A_1325 = arith.constant 0 : i32
        %get3A_1326 = arith.constant 0 : i32
        %get3A_1327 = tpu.memref_slice %arg8[%scan3A_119, %get3A_1325, %get3A_1326] : memref<2x256x128xf32, #tpu.memory_space<vmem>> -> memref<1x256x128xf32, #tpu.memory_space<vmem>>
        %get3A_1328 = tpu.memref_squeeze %get3A_1327 : memref<1x256x128xf32, #tpu.memory_space<vmem>> -> memref<256x128xf32, #tpu.memory_space<vmem>>
        %get3A_1329 = arith.index_cast %add3A_1236 : i32 to index
        %get3A_1330 = arith.constant 48 : index
        %get3A_1331 = tpu.vector_load %get3A_1328[%get3A_1329, %get3A_1330] {strides = array<i32>} : memref<256x128xf32, #tpu.memory_space<vmem>>, vector<1x16xf32>,
        %get3A_1332 = vector.shape_cast %get3A_1331 : vector<1x16xf32> to vector<16xf32>
        %mul3A_1333 = arith.mulf %gather3A_1249, %get3A_1332 : vector<16xf32>
        %add3A_1334 = arith.addf %add3A_1231, %mul3A_1333 : vector<16xf32>
        %get3A_1335 = arith.constant 0 : i32
        %get3A_1336 = arith.constant 0 : i32
        %get3A_1337 = tpu.memref_slice %arg8[%scan3A_119, %get3A_1335, %get3A_1336] : memref<2x256x128xf32, #tpu.memory_space<vmem>> -> memref<1x256x128xf32, #tpu.memory_space<vmem>>
        %get3A_1338 = tpu.memref_squeeze %get3A_1337 : memref<1x256x128xf32, #tpu.memory_space<vmem>> -> memref<256x128xf32, #tpu.memory_space<vmem>>
        %get3A_1339 = arith.index_cast %add3A_1236 : i32 to index
        %get3A_1340 = arith.constant 112 : index
        %get3A_1341 = tpu.vector_load %get3A_1338[%get3A_1339, %get3A_1340] {strides = array<i32>} : memref<256x128xf32, #tpu.memory_space<vmem>>, vector<1x16xf32>,
        %get3A_1342 = vector.shape_cast %get3A_1341 : vector<1x16xf32> to vector<16xf32>
        %mul3A_1343 = arith.mulf %gather3A_1264, %get3A_1342 : vector<16xf32>
        %add3A_1344 = arith.addf %add3A_1334, %mul3A_1343 : vector<16xf32>
        %mul3A_1345 = arith.constant 64 : i32
        %mul3A_1346 = arith.muli %select_n3A_980, %mul3A_1345 : i32
        %add3A_1347 = arith.constant 48 : i32
        %add3A_1348 = arith.addi %mul3A_1346, %add3A_1347 : i32
        %add3A_1349 = arith.addi %add3A_1348, %select_n3A_996 : i32
        %mul3A_1350 = arith.constant 128 : i32
        %mul3A_1351 = arith.muli %select_n3A_980, %mul3A_1350 : i32
        %add3A_1352 = arith.constant 96 : i32
        %add3A_1353 = arith.addi %mul3A_1351, %add3A_1352 : i32
        %get3A_1354 = arith.constant 0 : i32
        %get3A_1355 = tpu.memref_slice %arg7[%scan3A_123, %get3A_1354] : memref<2x512xf32, #tpu.memory_space<vmem>> -> memref<1x512xf32, #tpu.memory_space<vmem>>
        %get3A_1356 = tpu.memref_squeeze %get3A_1355 : memref<1x512xf32, #tpu.memory_space<vmem>> -> memref<512xf32, #tpu.memory_space<vmem>>
        %get3A_1357 = arith.index_cast %add3A_1353 : i32 to index
        %get3A_1358 = tpu.vector_load %get3A_1356[%get3A_1357] {strides = array<i32>} : memref<512xf32, #tpu.memory_space<vmem>>, vector<16xf32>,
        %get3A_1359 = vector.shape_cast %get3A_1358 : vector<16xf32> to vector<16xf32>
        %broadcast_in_dim3A_1360 = vector.shape_cast %broadcast_in_dim3A_997 : vector<16xi32> to vector<16x1xi32>
        %gather3A_1361 = vector.shape_cast %broadcast_in_dim3A_1360 : vector<16x1xi32> to vector<16xi32>
        %gather3A_1362 = tpu.dynamic_gather %get3A_1359[%gather3A_1361] in [0] : vector<16xf32>, vector<16xi32> -> vector<16xf32>
        %mul3A_1363 = arith.constant 128 : i32
        %mul3A_1364 = arith.muli %select_n3A_980, %mul3A_1363 : i32
        %add3A_1365 = arith.constant 96 : i32
        %add3A_1366 = arith.addi %mul3A_1364, %add3A_1365 : i32
        %add3A_1367 = arith.constant 16 : i32
        %add3A_1368 = arith.addi %add3A_1366, %add3A_1367 : i32
        %get3A_1369 = arith.constant 0 : i32
        %get3A_1370 = tpu.memref_slice %arg7[%scan3A_123, %get3A_1369] : memref<2x512xf32, #tpu.memory_space<vmem>> -> memref<1x512xf32, #tpu.memory_space<vmem>>
        %get3A_1371 = tpu.memref_squeeze %get3A_1370 : memref<1x512xf32, #tpu.memory_space<vmem>> -> memref<512xf32, #tpu.memory_space<vmem>>
        %get3A_1372 = arith.index_cast %add3A_1368 : i32 to index
        %get3A_1373 = tpu.vector_load %get3A_1371[%get3A_1372] {strides = array<i32>} : memref<512xf32, #tpu.memory_space<vmem>>, vector<16xf32>,
        %get3A_1374 = vector.shape_cast %get3A_1373 : vector<16xf32> to vector<16xf32>
        %broadcast_in_dim3A_1375 = vector.shape_cast %broadcast_in_dim3A_997 : vector<16xi32> to vector<16x1xi32>
        %gather3A_1376 = vector.shape_cast %broadcast_in_dim3A_1375 : vector<16x1xi32> to vector<16xi32>
        %gather3A_1377 = tpu.dynamic_gather %get3A_1374[%gather3A_1376] in [0] : vector<16xf32>, vector<16xi32> -> vector<16xf32>
        %get3A_1378 = arith.constant 0 : i32
        %get3A_1379 = arith.constant 0 : i32
        %get3A_1380 = tpu.memref_slice %arg8[%scan3A_119, %get3A_1378, %get3A_1379] : memref<2x256x128xf32, #tpu.memory_space<vmem>> -> memref<1x256x128xf32, #tpu.memory_space<vmem>>
        %get3A_1381 = tpu.memref_squeeze %get3A_1380 : memref<1x256x128xf32, #tpu.memory_space<vmem>> -> memref<256x128xf32, #tpu.memory_space<vmem>>
        %get3A_1382 = arith.index_cast %add3A_1349 : i32 to index
        %get3A_1383 = arith.constant 0 : index
        %get3A_1384 = tpu.vector_load %get3A_1381[%get3A_1382, %get3A_1383] {strides = array<i32>} : memref<256x128xf32, #tpu.memory_space<vmem>>, vector<1x16xf32>,
        %get3A_1385 = vector.shape_cast %get3A_1384 : vector<1x16xf32> to vector<16xf32>
        %mul3A_1386 = arith.mulf %gather3A_1362, %get3A_1385 : vector<16xf32>
        %add3A_1387 = arith.addf %add3A_1284, %mul3A_1386 : vector<16xf32>
        %get3A_1388 = arith.constant 0 : i32
        %get3A_1389 = arith.constant 0 : i32
        %get3A_1390 = tpu.memref_slice %arg8[%scan3A_119, %get3A_1388, %get3A_1389] : memref<2x256x128xf32, #tpu.memory_space<vmem>> -> memref<1x256x128xf32, #tpu.memory_space<vmem>>
        %get3A_1391 = tpu.memref_squeeze %get3A_1390 : memref<1x256x128xf32, #tpu.memory_space<vmem>> -> memref<256x128xf32, #tpu.memory_space<vmem>>
        %get3A_1392 = arith.index_cast %add3A_1349 : i32 to index
        %get3A_1393 = arith.constant 64 : index
        %get3A_1394 = tpu.vector_load %get3A_1391[%get3A_1392, %get3A_1393] {strides = array<i32>} : memref<256x128xf32, #tpu.memory_space<vmem>>, vector<1x16xf32>,
        %get3A_1395 = vector.shape_cast %get3A_1394 : vector<1x16xf32> to vector<16xf32>
        %mul3A_1396 = arith.mulf %gather3A_1377, %get3A_1395 : vector<16xf32>
        %add3A_1397 = arith.addf %add3A_1387, %mul3A_1396 : vector<16xf32>
        %get3A_1398 = arith.constant 0 : i32
        %get3A_1399 = arith.constant 0 : i32
        %get3A_1400 = tpu.memref_slice %arg8[%scan3A_119, %get3A_1398, %get3A_1399] : memref<2x256x128xf32, #tpu.memory_space<vmem>> -> memref<1x256x128xf32, #tpu.memory_space<vmem>>
        %get3A_1401 = tpu.memref_squeeze %get3A_1400 : memref<1x256x128xf32, #tpu.memory_space<vmem>> -> memref<256x128xf32, #tpu.memory_space<vmem>>
        %get3A_1402 = arith.index_cast %add3A_1349 : i32 to index
        %get3A_1403 = arith.constant 16 : index
        %get3A_1404 = tpu.vector_load %get3A_1401[%get3A_1402, %get3A_1403] {strides = array<i32>} : memref<256x128xf32, #tpu.memory_space<vmem>>, vector<1x16xf32>,
        %get3A_1405 = vector.shape_cast %get3A_1404 : vector<1x16xf32> to vector<16xf32>
        %mul3A_1406 = arith.mulf %gather3A_1362, %get3A_1405 : vector<16xf32>
        %add3A_1407 = arith.addf %add3A_1304, %mul3A_1406 : vector<16xf32>
        %get3A_1408 = arith.constant 0 : i32
        %get3A_1409 = arith.constant 0 : i32
        %get3A_1410 = tpu.memref_slice %arg8[%scan3A_119, %get3A_1408, %get3A_1409] : memref<2x256x128xf32, #tpu.memory_space<vmem>> -> memref<1x256x128xf32, #tpu.memory_space<vmem>>
        %get3A_1411 = tpu.memref_squeeze %get3A_1410 : memref<1x256x128xf32, #tpu.memory_space<vmem>> -> memref<256x128xf32, #tpu.memory_space<vmem>>
        %get3A_1412 = arith.index_cast %add3A_1349 : i32 to index
        %get3A_1413 = arith.constant 80 : index
        %get3A_1414 = tpu.vector_load %get3A_1411[%get3A_1412, %get3A_1413] {strides = array<i32>} : memref<256x128xf32, #tpu.memory_space<vmem>>, vector<1x16xf32>,
        %get3A_1415 = vector.shape_cast %get3A_1414 : vector<1x16xf32> to vector<16xf32>
        %mul3A_1416 = arith.mulf %gather3A_1377, %get3A_1415 : vector<16xf32>
        %add3A_1417 = arith.addf %add3A_1407, %mul3A_1416 : vector<16xf32>
        %get3A_1418 = arith.constant 0 : i32
        %get3A_1419 = arith.constant 0 : i32
        %get3A_1420 = tpu.memref_slice %arg8[%scan3A_119, %get3A_1418, %get3A_1419] : memref<2x256x128xf32, #tpu.memory_space<vmem>> -> memref<1x256x128xf32, #tpu.memory_space<vmem>>
        %get3A_1421 = tpu.memref_squeeze %get3A_1420 : memref<1x256x128xf32, #tpu.memory_space<vmem>> -> memref<256x128xf32, #tpu.memory_space<vmem>>
        %get3A_1422 = arith.index_cast %add3A_1349 : i32 to index
        %get3A_1423 = arith.constant 32 : index
        %get3A_1424 = tpu.vector_load %get3A_1421[%get3A_1422, %get3A_1423] {strides = array<i32>} : memref<256x128xf32, #tpu.memory_space<vmem>>, vector<1x16xf32>,
        %get3A_1425 = vector.shape_cast %get3A_1424 : vector<1x16xf32> to vector<16xf32>
        %mul3A_1426 = arith.mulf %gather3A_1362, %get3A_1425 : vector<16xf32>
        %add3A_1427 = arith.addf %add3A_1324, %mul3A_1426 : vector<16xf32>
        %get3A_1428 = arith.constant 0 : i32
        %get3A_1429 = arith.constant 0 : i32
        %get3A_1430 = tpu.memref_slice %arg8[%scan3A_119, %get3A_1428, %get3A_1429] : memref<2x256x128xf32, #tpu.memory_space<vmem>> -> memref<1x256x128xf32, #tpu.memory_space<vmem>>
        %get3A_1431 = tpu.memref_squeeze %get3A_1430 : memref<1x256x128xf32, #tpu.memory_space<vmem>> -> memref<256x128xf32, #tpu.memory_space<vmem>>
        %get3A_1432 = arith.index_cast %add3A_1349 : i32 to index
        %get3A_1433 = arith.constant 96 : index
        %get3A_1434 = tpu.vector_load %get3A_1431[%get3A_1432, %get3A_1433] {strides = array<i32>} : memref<256x128xf32, #tpu.memory_space<vmem>>, vector<1x16xf32>,
        %get3A_1435 = vector.shape_cast %get3A_1434 : vector<1x16xf32> to vector<16xf32>
        %mul3A_1436 = arith.mulf %gather3A_1377, %get3A_1435 : vector<16xf32>
        %add3A_1437 = arith.addf %add3A_1427, %mul3A_1436 : vector<16xf32>
        %get3A_1438 = arith.constant 0 : i32
        %get3A_1439 = arith.constant 0 : i32
        %get3A_1440 = tpu.memref_slice %arg8[%scan3A_119, %get3A_1438, %get3A_1439] : memref<2x256x128xf32, #tpu.memory_space<vmem>> -> memref<1x256x128xf32, #tpu.memory_space<vmem>>
        %get3A_1441 = tpu.memref_squeeze %get3A_1440 : memref<1x256x128xf32, #tpu.memory_space<vmem>> -> memref<256x128xf32, #tpu.memory_space<vmem>>
        %get3A_1442 = arith.index_cast %add3A_1349 : i32 to index
        %get3A_1443 = arith.constant 48 : index
        %get3A_1444 = tpu.vector_load %get3A_1441[%get3A_1442, %get3A_1443] {strides = array<i32>} : memref<256x128xf32, #tpu.memory_space<vmem>>, vector<1x16xf32>,
        %get3A_1445 = vector.shape_cast %get3A_1444 : vector<1x16xf32> to vector<16xf32>
        %mul3A_1446 = arith.mulf %gather3A_1362, %get3A_1445 : vector<16xf32>
        %add3A_1447 = arith.addf %add3A_1344, %mul3A_1446 : vector<16xf32>
        %get3A_1448 = arith.constant 0 : i32
        %get3A_1449 = arith.constant 0 : i32
        %get3A_1450 = tpu.memref_slice %arg8[%scan3A_119, %get3A_1448, %get3A_1449] : memref<2x256x128xf32, #tpu.memory_space<vmem>> -> memref<1x256x128xf32, #tpu.memory_space<vmem>>
        %get3A_1451 = tpu.memref_squeeze %get3A_1450 : memref<1x256x128xf32, #tpu.memory_space<vmem>> -> memref<256x128xf32, #tpu.memory_space<vmem>>
        %get3A_1452 = arith.index_cast %add3A_1349 : i32 to index
        %get3A_1453 = arith.constant 112 : index
        %get3A_1454 = tpu.vector_load %get3A_1451[%get3A_1452, %get3A_1453] {strides = array<i32>} : memref<256x128xf32, #tpu.memory_space<vmem>>, vector<1x16xf32>,
        %get3A_1455 = vector.shape_cast %get3A_1454 : vector<1x16xf32> to vector<16xf32>
        %mul3A_1456 = arith.mulf %gather3A_1377, %get3A_1455 : vector<16xf32>
        %add3A_1457 = arith.addf %add3A_1447, %mul3A_1456 : vector<16xf32>
        %mul3A_1458 = arith.constant 64 : i32
        %mul3A_1459 = arith.muli %select_n3A_996, %mul3A_1458 : i32
        %add3A_1460 = arith.constant 0 : i32
        %add3A_1461 = arith.addi %mul3A_1459, %add3A_1460 : i32
        %swap3A_1462 = arith.constant 0 : i32
        %swap3A_1463 = arith.constant 0 : i32
        %swap3A_1464 = tpu.memref_slice %arg9[%scan3A_124, %swap3A_1462, %swap3A_1463] : memref<2x4x1024xf32, #tpu.memory_space<vmem>> -> memref<1x4x1024xf32, #tpu.memory_space<vmem>>
        %swap3A_1465 = tpu.memref_squeeze %swap3A_1464 : memref<1x4x1024xf32, #tpu.memory_space<vmem>> -> memref<4x1024xf32, #tpu.memory_space<vmem>>
        %swap3A_1466 = arith.index_cast %select_n3A_980 : i32 to index
        %swap3A_1467 = arith.index_cast %add3A_1461 : i32 to index
        %swap3A_1468 = tpu.vector_load %swap3A_1465[%swap3A_1466, %swap3A_1467] {strides = array<i32>} : memref<4x1024xf32, #tpu.memory_space<vmem>>, vector<1x16xf32>,
        %swap3A_1469 = vector.shape_cast %swap3A_1468 : vector<1x16xf32> to vector<16xf32>
        %swap3A_1470 = vector.shape_cast %add3A_1397 : vector<16xf32> to vector<1x16xf32>
        tpu.vector_store %swap3A_1465[%swap3A_1466, %swap3A_1467], %swap3A_1470 {strides = array<i32>} : memref<4x1024xf32, #tpu.memory_space<vmem>>, vector<1x16xf32>,
        %mul3A_1471 = arith.constant 64 : i32
        %mul3A_1472 = arith.muli %select_n3A_996, %mul3A_1471 : i32
        %add3A_1473 = arith.constant 16 : i32
        %add3A_1474 = arith.addi %mul3A_1472, %add3A_1473 : i32
        %swap3A_1475 = arith.constant 0 : i32
        %swap3A_1476 = arith.constant 0 : i32
        %swap3A_1477 = tpu.memref_slice %arg9[%scan3A_124, %swap3A_1475, %swap3A_1476] : memref<2x4x1024xf32, #tpu.memory_space<vmem>> -> memref<1x4x1024xf32, #tpu.memory_space<vmem>>
        %swap3A_1478 = tpu.memref_squeeze %swap3A_1477 : memref<1x4x1024xf32, #tpu.memory_space<vmem>> -> memref<4x1024xf32, #tpu.memory_space<vmem>>
        %swap3A_1479 = arith.index_cast %select_n3A_980 : i32 to index
        %swap3A_1480 = arith.index_cast %add3A_1474 : i32 to index
        %swap3A_1481 = tpu.vector_load %swap3A_1478[%swap3A_1479, %swap3A_1480] {strides = array<i32>} : memref<4x1024xf32, #tpu.memory_space<vmem>>, vector<1x16xf32>,
        %swap3A_1482 = vector.shape_cast %swap3A_1481 : vector<1x16xf32> to vector<16xf32>
        %swap3A_1483 = vector.shape_cast %add3A_1417 : vector<16xf32> to vector<1x16xf32>
        tpu.vector_store %swap3A_1478[%swap3A_1479, %swap3A_1480], %swap3A_1483 {strides = array<i32>} : memref<4x1024xf32, #tpu.memory_space<vmem>>, vector<1x16xf32>,
        %mul3A_1484 = arith.constant 64 : i32
        %mul3A_1485 = arith.muli %select_n3A_996, %mul3A_1484 : i32
        %add3A_1486 = arith.constant 32 : i32
        %add3A_1487 = arith.addi %mul3A_1485, %add3A_1486 : i32
        %swap3A_1488 = arith.constant 0 : i32
        %swap3A_1489 = arith.constant 0 : i32
        %swap3A_1490 = tpu.memref_slice %arg9[%scan3A_124, %swap3A_1488, %swap3A_1489] : memref<2x4x1024xf32, #tpu.memory_space<vmem>> -> memref<1x4x1024xf32, #tpu.memory_space<vmem>>
        %swap3A_1491 = tpu.memref_squeeze %swap3A_1490 : memref<1x4x1024xf32, #tpu.memory_space<vmem>> -> memref<4x1024xf32, #tpu.memory_space<vmem>>
        %swap3A_1492 = arith.index_cast %select_n3A_980 : i32 to index
        %swap3A_1493 = arith.index_cast %add3A_1487 : i32 to index
        %swap3A_1494 = tpu.vector_load %swap3A_1491[%swap3A_1492, %swap3A_1493] {strides = array<i32>} : memref<4x1024xf32, #tpu.memory_space<vmem>>, vector<1x16xf32>,
        %swap3A_1495 = vector.shape_cast %swap3A_1494 : vector<1x16xf32> to vector<16xf32>
        %swap3A_1496 = vector.shape_cast %add3A_1437 : vector<16xf32> to vector<1x16xf32>
        tpu.vector_store %swap3A_1491[%swap3A_1492, %swap3A_1493], %swap3A_1496 {strides = array<i32>} : memref<4x1024xf32, #tpu.memory_space<vmem>>, vector<1x16xf32>,
        %mul3A_1497 = arith.constant 64 : i32
        %mul3A_1498 = arith.muli %select_n3A_996, %mul3A_1497 : i32
        %add3A_1499 = arith.constant 48 : i32
        %add3A_1500 = arith.addi %mul3A_1498, %add3A_1499 : i32
        %swap3A_1501 = arith.constant 0 : i32
        %swap3A_1502 = arith.constant 0 : i32
        %swap3A_1503 = tpu.memref_slice %arg9[%scan3A_124, %swap3A_1501, %swap3A_1502] : memref<2x4x1024xf32, #tpu.memory_space<vmem>> -> memref<1x4x1024xf32, #tpu.memory_space<vmem>>
        %swap3A_1504 = tpu.memref_squeeze %swap3A_1503 : memref<1x4x1024xf32, #tpu.memory_space<vmem>> -> memref<4x1024xf32, #tpu.memory_space<vmem>>
        %swap3A_1505 = arith.index_cast %select_n3A_980 : i32 to index
        %swap3A_1506 = arith.index_cast %add3A_1500 : i32 to index
        %swap3A_1507 = tpu.vector_load %swap3A_1504[%swap3A_1505, %swap3A_1506] {strides = array<i32>} : memref<4x1024xf32, #tpu.memory_space<vmem>>, vector<1x16xf32>,
        %swap3A_1508 = vector.shape_cast %swap3A_1507 : vector<1x16xf32> to vector<16xf32>
        %swap3A_1509 = vector.shape_cast %add3A_1457 : vector<16xf32> to vector<1x16xf32>
        tpu.vector_store %swap3A_1504[%swap3A_1505, %swap3A_1506], %swap3A_1509 {strides = array<i32>} : memref<4x1024xf32, #tpu.memory_space<vmem>>, vector<1x16xf32>,
      }
      %scan3A_393 = arith.constant 64 : i32
      %mul3A_394 = arith.constant 4 : i32
      %mul3A_395 = arith.muli %add3A_287, %mul3A_394 : i32
      %add3A_396 = arith.addi %mul3A_2, %mul3A_395 : i32
      %dma_start3A_397 = arith.constant 0 : i32
      %dma_start3A_398 = arith.constant 0 : i32
      %dma_start3A_399 = tpu.memref_slice %arg9[%scan3A_124, %dma_start3A_397, %dma_start3A_398] : memref<2x4x1024xf32, #tpu.memory_space<vmem>> -> memref<1x4x1024xf32, #tpu.memory_space<vmem>>
      %dma_start3A_400 = tpu.memref_squeeze %dma_start3A_399 : memref<1x4x1024xf32, #tpu.memory_space<vmem>> -> memref<4x1024xf32, #tpu.memory_space<vmem>>
      %dma_start3A_401 = arith.constant 0 : i32
      %dma_start3A_402 = tpu.memref_slice %arg5[%add3A_396, %dma_start3A_401] : memref<8192x1024xf32, #tpu.memory_space<hbm>> -> memref<4x1024xf32, #tpu.memory_space<hbm>>
      %dma_start3A_403 = arith.constant 0 : i32
      %dma_start3A_404 = tpu.memref_slice %arg5[%add3A_396, %dma_start3A_403] : memref<8192x1024xf32, #tpu.memory_space<hbm>> -> memref<4x1024xf32, #tpu.memory_space<hbm>>
      %dma_start3A_405 = arith.constant 0 : i32
      %dma_start3A_406 = arith.constant 0 : i32
      %dma_start3A_407 = tpu.memref_slice %arg9[%scan3A_124, %dma_start3A_405, %dma_start3A_406] : memref<2x4x1024xf32, #tpu.memory_space<vmem>> -> memref<1x4x1024xf32, #tpu.memory_space<vmem>>
      %dma_start3A_408 = tpu.memref_squeeze %dma_start3A_407 : memref<1x4x1024xf32, #tpu.memory_space<vmem>> -> memref<4x1024xf32, #tpu.memory_space<vmem>>
      tpu.enqueue_dma source(%dma_start3A_408 : memref<4x1024xf32, #tpu.memory_space<vmem>>) target(%dma_start3A_404 : memref<4x1024xf32, #tpu.memory_space<hbm>>) target_semaphore(%arg16 : memref<!tpu.dma_semaphore, #tpu.memory_space<semaphore_mem>>)
      %lt3A_409 = arith.constant 62 : i32
      %lt3A_410 = arith.cmpi slt, %add3A_287, %lt3A_409 : i32
      %convert_element_type3A_411 = arith.extui %lt3A_410 : i1 to i32
      %cond3A_412 = arith.constant 0 : i32
      %cond3A_413 = arith.cmpi ne, %convert_element_type3A_411, %cond3A_412 : i32
      scf.if %cond3A_413 {
        %add3A_414 = arith.constant 2 : i32
        %add3A_415 = arith.addi %add3A_287, %add3A_414 : i32
        %mul3A_416 = arith.constant 4 : i32
        %mul3A_417 = arith.muli %add3A_415, %mul3A_416 : i32
        %add3A_418 = arith.addi %mul3A_2, %mul3A_417 : i32
        %mul3A_419 = arith.constant 128 : i32
        %mul3A_420 = arith.muli %add3A_418, %mul3A_419 : i32
        %dma_start3A_421 = arith.constant 0 : i32
        %dma_start3A_422 = tpu.memref_slice %arg7[%scan3A_123, %dma_start3A_421] : memref<2x512xf32, #tpu.memory_space<vmem>> -> memref<1x512xf32, #tpu.memory_space<vmem>>
        %dma_start3A_423 = tpu.memref_squeeze %dma_start3A_422 : memref<1x512xf32, #tpu.memory_space<vmem>> -> memref<512xf32, #tpu.memory_space<vmem>>
        %dma_start3A_424 = tpu.memref_slice %arg4[%mul3A_420] : memref<1048576xf32, #tpu.memory_space<hbm>> -> memref<512xf32, #tpu.memory_space<hbm>>
        %dma_start3A_425 = arith.constant 0 : i32
        %dma_start3A_426 = tpu.memref_slice %arg7[%scan3A_123, %dma_start3A_425] : memref<2x512xf32, #tpu.memory_space<vmem>> -> memref<1x512xf32, #tpu.memory_space<vmem>>
        %dma_start3A_427 = tpu.memref_squeeze %dma_start3A_426 : memref<1x512xf32, #tpu.memory_space<vmem>> -> memref<512xf32, #tpu.memory_space<vmem>>
        %dma_start3A_428 = tpu.memref_slice %arg4[%mul3A_420] : memref<1048576xf32, #tpu.memory_space<hbm>> -> memref<512xf32, #tpu.memory_space<hbm>>
        tpu.enqueue_dma source(%dma_start3A_428 : memref<512xf32, #tpu.memory_space<hbm>>) target(%dma_start3A_427 : memref<512xf32, #tpu.memory_space<vmem>>) target_semaphore(%arg13 : memref<!tpu.dma_semaphore, #tpu.memory_space<semaphore_mem>>)
      } else {
      }
    }
    %scan3A_129 = arith.constant 32 : i32
    %add3A_130 = arith.constant 0 : i32
    %add3A_131 = arith.addi %mul3A_2, %add3A_130 : i32
    %dma_wait3A = arith.constant 0 : i32
    %dma_wait3A_132 = arith.constant 0 : i32
    %dma_wait3A_133 = arith.constant 0 : i32
    %dma_wait3A_134 = tpu.memref_slice %arg9[%dma_wait3A, %dma_wait3A_132, %dma_wait3A_133] : memref<2x4x1024xf32, #tpu.memory_space<vmem>> -> memref<1x4x1024xf32, #tpu.memory_space<vmem>>
    %dma_wait3A_135 = tpu.memref_squeeze %dma_wait3A_134 : memref<1x4x1024xf32, #tpu.memory_space<vmem>> -> memref<4x1024xf32, #tpu.memory_space<vmem>>
    %dma_wait3A_136 = arith.constant 0 : i32
    %dma_wait3A_137 = tpu.memref_slice %arg5[%add3A_131, %dma_wait3A_136] : memref<8192x1024xf32, #tpu.memory_space<hbm>> -> memref<4x1024xf32, #tpu.memory_space<hbm>>
    %dma_wait3A_138 = arith.constant 0 : i32
    %dma_wait3A_139 = arith.constant 0 : i32
    %dma_wait3A_140 = tpu.memref_slice %arg9[%dma_wait3A, %dma_wait3A_138, %dma_wait3A_139] : memref<2x4x1024xf32, #tpu.memory_space<vmem>> -> memref<1x4x1024xf32, #tpu.memory_space<vmem>>
    %dma_wait3A_141 = tpu.memref_squeeze %dma_wait3A_140 : memref<1x4x1024xf32, #tpu.memory_space<vmem>> -> memref<4x1024xf32, #tpu.memory_space<vmem>>
    %dma_wait3A_142 = arith.constant 0 : i32
    %dma_wait3A_143 = tpu.memref_slice %arg5[%add3A_131, %dma_wait3A_142] : memref<8192x1024xf32, #tpu.memory_space<hbm>> -> memref<4x1024xf32, #tpu.memory_space<hbm>>
    tpu.wait_dma2 semaphore(%arg15 : memref<!tpu.dma_semaphore, #tpu.memory_space<semaphore_mem>>) src(%dma_wait3A_143 : memref<4x1024xf32, #tpu.memory_space<hbm>>) dst(%dma_wait3A_141 : memref<4x1024xf32, #tpu.memory_space<vmem>>)
    %add3A_144 = arith.constant 0 : i32
    %add3A_145 = arith.addi %mul3A_2, %add3A_144 : i32
    %dma_wait3A_146 = arith.constant 1 : i32
    %dma_wait3A_147 = arith.constant 0 : i32
    %dma_wait3A_148 = arith.constant 0 : i32
    %dma_wait3A_149 = tpu.memref_slice %arg9[%dma_wait3A_146, %dma_wait3A_147, %dma_wait3A_148] : memref<2x4x1024xf32, #tpu.memory_space<vmem>> -> memref<1x4x1024xf32, #tpu.memory_space<vmem>>
    %dma_wait3A_150 = tpu.memref_squeeze %dma_wait3A_149 : memref<1x4x1024xf32, #tpu.memory_space<vmem>> -> memref<4x1024xf32, #tpu.memory_space<vmem>>
    %dma_wait3A_151 = arith.constant 0 : i32
    %dma_wait3A_152 = tpu.memref_slice %arg5[%add3A_145, %dma_wait3A_151] : memref<8192x1024xf32, #tpu.memory_space<hbm>> -> memref<4x1024xf32, #tpu.memory_space<hbm>>
    %dma_wait3A_153 = arith.constant 0 : i32
    %dma_wait3A_154 = arith.constant 0 : i32
    %dma_wait3A_155 = tpu.memref_slice %arg9[%dma_wait3A_146, %dma_wait3A_153, %dma_wait3A_154] : memref<2x4x1024xf32, #tpu.memory_space<vmem>> -> memref<1x4x1024xf32, #tpu.memory_space<vmem>>
    %dma_wait3A_156 = tpu.memref_squeeze %dma_wait3A_155 : memref<1x4x1024xf32, #tpu.memory_space<vmem>> -> memref<4x1024xf32, #tpu.memory_space<vmem>>
    %dma_wait3A_157 = arith.constant 0 : i32
    %dma_wait3A_158 = tpu.memref_slice %arg5[%add3A_145, %dma_wait3A_157] : memref<8192x1024xf32, #tpu.memory_space<hbm>> -> memref<4x1024xf32, #tpu.memory_space<hbm>>
    tpu.wait_dma2 semaphore(%arg16 : memref<!tpu.dma_semaphore, #tpu.memory_space<semaphore_mem>>) src(%dma_wait3A_158 : memref<4x1024xf32, #tpu.memory_space<hbm>>) dst(%dma_wait3A_156 : memref<4x1024xf32, #tpu.memory_space<vmem>>)
    return
  }
}

module attributes {stable_mosaic.version = 14 : i64} {
  func.func @_prep_kernel(%arg0: i32, %arg1: memref<128x4x1024xf32, #tpu.memory_space<vmem>>, %arg2: memref<128x1024xf32, #tpu.memory_space<vmem>>, %arg3: memref<1x128xf32, #tpu.memory_space<vmem>>, %arg4: memref<512x2xf32, #tpu.memory_space<vmem>>, %arg5: memref<512x64xi32, #tpu.memory_space<vmem>>, %arg6: memref<512x128xf32, #tpu.memory_space<vmem>>) attributes {dimension_semantics = [#tpu.dimension_semantics<arbitrary>], iteration_bounds = array<i64: 16>, scalar_prefetch = 0 : i64, scratch_operands = 0 : i64, tpu.core_type = #tpu.core_type<tc>, window_params = [{transform_indices = @transform_0, window_bounds = array<i64: 128, 4, 1024>}, {pipeline_mode = #tpu.pipeline_mode<synchronous>, transform_indices = @transform_1, window_bounds = array<i64: 128, 1024>}, {pipeline_mode = #tpu.pipeline_mode<synchronous>, transform_indices = @transform_2, window_bounds = array<i64: 1, 128>}, {transform_indices = @transform_3, window_bounds = array<i64: 512, 2>}, {transform_indices = @transform_4, window_bounds = array<i64: 512, 64>}, {transform_indices = @transform_5, window_bounds = array<i64: 512, 128>}]} {
    %get3A = arith.constant 0 : index
    %get3A_0 = arith.constant 0 : index
    %get3A_1 = arith.constant 0 : index
    %get3A_2 = vector.load %arg1[%get3A, %get3A_0, %get3A_1] : memref<128x4x1024xf32, #tpu.memory_space<vmem>>, vector<128x4x1024xf32>
    %reshape3A = vector.shape_cast %get3A_2 : vector<128x4x1024xf32> to vector<512x1024xf32>
    %get3A_3 = arith.constant 0 : index
    %get3A_4 = arith.constant 0 : index
    %get3A_5 = vector.load %arg2[%get3A_3, %get3A_4] : memref<128x1024xf32, #tpu.memory_space<vmem>>, vector<128x1024xf32>
    %dot_general3A = arith.constant dense<0.000000e+00> : vector<512x128xf32>
    %dot_general3A_6 = tpu.matmul %reshape3A, %get3A_5, %dot_general3A {dimension_numbers = #tpu.dot_dimension_numbers<[1], [1], [0], [0], [0, 0, 1, 0], [], []>, transpose_lhs_hint = false} : vector<512x1024xf32>, vector<128x1024xf32>, vector<512x128xf32> -> vector<512x128xf32>
    %get3A_7 = arith.constant 0 : index
    %get3A_8 = arith.constant 0 : index
    %get3A_9 = vector.load %arg3[%get3A_7, %get3A_8] : memref<1x128xf32, #tpu.memory_space<vmem>>, vector<1x128xf32>
    %add3A = vector.broadcast %get3A_9 : vector<1x128xf32> to vector<512x128xf32>
    %add3A_10 = arith.addf %dot_general3A_6, %add3A : vector<512x128xf32>
    %get3A_11 = arith.constant 0 : index
    %get3A_12 = arith.constant 0 : index
    %get3A_13 = vector.load %arg4[%get3A_11, %get3A_12] : memref<512x2xf32, #tpu.memory_space<vmem>>, vector<512x2xf32>
    %slice3A = vector.extract_strided_slice %get3A_13 {offsets = [0, 0], sizes = [512, 1], strides = [1, 1]} : vector<512x2xf32> to vector<512x1xf32>
    %slice3A_14 = vector.extract_strided_slice %get3A_13 {offsets = [0, 1], sizes = [512, 1], strides = [1, 1]} : vector<512x2xf32> to vector<512x1xf32>
    %iota3A = tpu.iota {dimensions = array<i32: 0>} : vector<512x1xi32>
    %mul3A = arith.constant 512 : i32
    %mul3A_15 = arith.muli %arg0, %mul3A : i32
    %add3A_16 = vector.broadcast %mul3A_15 : i32 to vector<512x1xi32>
    %add3A_17 = arith.addi %iota3A, %add3A_16 : vector<512x1xi32>
    %jit3A = arith.constant 4 : i32
    %eq3A = arith.constant 0 : i32
    %eq3A_18 = arith.cmpi eq, %jit3A, %eq3A : i32
    %jit3A_19 = arith.constant 1 : i32
    %select_n3A = arith.select %eq3A_18, %jit3A_19, %jit3A : i32
    %rem3A = vector.broadcast %select_n3A : i32 to vector<512x1xi32>
    %rem3A_20 = arith.remsi %add3A_17, %rem3A : vector<512x1xi32>
    %ne3A = arith.constant 0 : i32
    %ne3A_21 = vector.broadcast %ne3A : i32 to vector<512x1xi32>
    %ne3A_22 = arith.cmpi ne, %rem3A_20, %ne3A_21 : vector<512x1xi32>
    %lt3A = arith.constant 0 : i32
    %lt3A_23 = vector.broadcast %lt3A : i32 to vector<512x1xi32>
    %lt3A_24 = arith.cmpi slt, %rem3A_20, %lt3A_23 : vector<512x1xi32>
    %lt3A_25 = arith.constant 0 : i32
    %lt3A_26 = arith.cmpi slt, %select_n3A, %lt3A_25 : i32
    %ne3A_27 = vector.broadcast %lt3A_26 : i1 to vector<512x1xi1>
    %ne3A_28 = vector.broadcast %ne3A_27 : vector<512x1xi1> to vector<512x1xi1>
    %ne3A_29 = arith.xori %lt3A_24, %ne3A_28 : vector<512x1xi1>
    %and3A = arith.andi %ne3A_29, %ne3A_22 : vector<512x1xi1>
    %add3A_30 = vector.broadcast %select_n3A : i32 to vector<512x1xi32>
    %add3A_31 = arith.addi %rem3A_20, %add3A_30 : vector<512x1xi32>
    %select_n3A_32 = arith.select %and3A, %add3A_31, %rem3A_20 : vector<512x1xi1>, vector<512x1xi32>
    %iota3A_33 = tpu.iota {dimensions = array<i32: 1>} : vector<512x16xi32>
    %mul3A_34 = arith.constant 8192 : i32
    %mul3A_35 = vector.broadcast %mul3A_34 : i32 to vector<512x16xi32>
    %mul3A_36 = arith.muli %iota3A_33, %mul3A_35 : vector<512x16xi32>
    %add3A_37 = vector.broadcast %select_n3A_32 : vector<512x1xi32> to vector<512x16xi32>
    %add3A_38 = arith.addi %add3A_37, %mul3A_36 : vector<512x16xi32>
    %slice3A_39 = vector.extract_strided_slice %add3A_10 {offsets = [0, 64], sizes = [512, 16], strides = [1, 1]} : vector<512x128xf32> to vector<512x16xf32>
    %slice3A_40 = vector.extract_strided_slice %add3A_10 {offsets = [0, 80], sizes = [512, 16], strides = [1, 1]} : vector<512x128xf32> to vector<512x16xf32>
    %slice3A_41 = vector.extract_strided_slice %add3A_10 {offsets = [0, 96], sizes = [512, 16], strides = [1, 1]} : vector<512x128xf32> to vector<512x16xf32>
    %slice3A_42 = vector.extract_strided_slice %add3A_10 {offsets = [0, 112], sizes = [512, 16], strides = [1, 1]} : vector<512x128xf32> to vector<512x16xf32>
    %max3A = arith.maximumf %slice3A_39, %slice3A_40 : vector<512x16xf32>
    %max3A_43 = arith.maximumf %slice3A_41, %slice3A_42 : vector<512x16xf32>
    %max3A_44 = arith.maximumf %max3A, %max3A_43 : vector<512x16xf32>
    %sub3A = arith.subf %slice3A_39, %max3A_44 : vector<512x16xf32>
    %exp3A = math.exp %sub3A : vector<512x16xf32>
    %sub3A_45 = arith.subf %slice3A_40, %max3A_44 : vector<512x16xf32>
    %exp3A_46 = math.exp %sub3A_45 : vector<512x16xf32>
    %sub3A_47 = arith.subf %slice3A_41, %max3A_44 : vector<512x16xf32>
    %exp3A_48 = math.exp %sub3A_47 : vector<512x16xf32>
    %sub3A_49 = arith.subf %slice3A_42, %max3A_44 : vector<512x16xf32>
    %exp3A_50 = math.exp %sub3A_49 : vector<512x16xf32>
    %add3A_51 = arith.addf %exp3A, %exp3A_46 : vector<512x16xf32>
    %add3A_52 = arith.addf %add3A_51, %exp3A_48 : vector<512x16xf32>
    %add3A_53 = arith.addf %add3A_52, %exp3A_50 : vector<512x16xf32>
    %div3A = arith.constant 1.000000e+00 : f32
    %div3A_54 = vector.broadcast %div3A : f32 to vector<512x16xf32>
    %div3A_55 = arith.divf %div3A_54, %add3A_53 : vector<512x16xf32>
    %slice3A_56 = vector.extract_strided_slice %add3A_10 {offsets = [0, 0], sizes = [512, 16], strides = [1, 1]} : vector<512x128xf32> to vector<512x16xf32>
    %mul3A_57 = arith.constant 1.250000e-01 : f32
    %mul3A_58 = vector.broadcast %mul3A_57 : f32 to vector<512x1xf32>
    %mul3A_59 = arith.mulf %slice3A_14, %mul3A_58 : vector<512x1xf32>
    %mul3A_60 = vector.broadcast %mul3A_59 : vector<512x1xf32> to vector<512x16xf32>
    %mul3A_61 = arith.mulf %slice3A_56, %mul3A_60 : vector<512x16xf32>
    %add3A_62 = vector.broadcast %slice3A : vector<512x1xf32> to vector<512x16xf32>
    %add3A_63 = arith.addf %add3A_62, %mul3A_61 : vector<512x16xf32>
    %mul3A_64 = arith.constant 2.047000e+03 : f32
    %mul3A_65 = vector.broadcast %mul3A_64 : f32 to vector<512x16xf32>
    %mul3A_66 = arith.mulf %add3A_63, %mul3A_65 : vector<512x16xf32>
    %floor3A = math.floor %mul3A_66 : vector<512x16xf32>
    %sub3A_67 = arith.subf %mul3A_66, %floor3A : vector<512x16xf32>
    %sub3A_68 = arith.constant 1.000000e+00 : f32
    %sub3A_69 = vector.broadcast %sub3A_68 : f32 to vector<512x16xf32>
    %sub3A_70 = arith.subf %sub3A_69, %sub3A_67 : vector<512x16xf32>
    %convert_element_type3A = arith.fptosi %floor3A : vector<512x16xf32> to vector<512x16xi32>
    %add3A_71 = arith.constant 1 : i32
    %add3A_72 = vector.broadcast %add3A_71 : i32 to vector<512x16xi32>
    %add3A_73 = arith.addi %convert_element_type3A, %add3A_72 : vector<512x16xi32>
    %ge3A = arith.constant 0 : i32
    %ge3A_74 = vector.broadcast %ge3A : i32 to vector<512x16xi32>
    %ge3A_75 = arith.cmpi sge, %convert_element_type3A, %ge3A_74 : vector<512x16xi32>
    %le3A = arith.constant 2047 : i32
    %le3A_76 = vector.broadcast %le3A : i32 to vector<512x16xi32>
    %le3A_77 = arith.cmpi sle, %convert_element_type3A, %le3A_76 : vector<512x16xi32>
    %and3A_78 = arith.andi %ge3A_75, %le3A_77 : vector<512x16xi1>
    %ge3A_79 = arith.constant 0 : i32
    %ge3A_80 = vector.broadcast %ge3A_79 : i32 to vector<512x16xi32>
    %ge3A_81 = arith.cmpi sge, %add3A_73, %ge3A_80 : vector<512x16xi32>
    %le3A_82 = arith.constant 2047 : i32
    %le3A_83 = vector.broadcast %le3A_82 : i32 to vector<512x16xi32>
    %le3A_84 = arith.cmpi sle, %add3A_73, %le3A_83 : vector<512x16xi32>
    %and3A_85 = arith.andi %ge3A_81, %le3A_84 : vector<512x16xi1>
    %mul3A_86 = arith.mulf %exp3A, %div3A_55 : vector<512x16xf32>
    %eq3A_87 = arith.constant -1 : i32
    %eq3A_88 = vector.broadcast %eq3A_87 : i32 to vector<512x16xi32>
    %eq3A_89 = arith.cmpi eq, %convert_element_type3A, %eq3A_88 : vector<512x16xi32>
    %mul3A_90 = arith.mulf %mul3A_86, %sub3A_67 : vector<512x16xf32>
    %mul3A_91 = arith.mulf %mul3A_86, %sub3A_70 : vector<512x16xf32>
    %jit3A_92 = arith.constant 0.000000e+00 : f32
    %broadcast_in_dim3A = vector.broadcast %jit3A_92 : f32 to vector<512x16xf32>
    %select_n3A_93 = arith.select %and3A_78, %mul3A_91, %broadcast_in_dim3A : vector<512x16xi1>, vector<512x16xf32>
    %select_n3A_94 = arith.select %eq3A_89, %mul3A_90, %select_n3A_93 : vector<512x16xi1>, vector<512x16xf32>
    %mul3A_95 = arith.mulf %mul3A_86, %sub3A_67 : vector<512x16xf32>
    %jit3A_96 = arith.constant 0.000000e+00 : f32
    %broadcast_in_dim3A_97 = vector.broadcast %jit3A_96 : f32 to vector<512x16xf32>
    %select_n3A_98 = arith.select %and3A_85, %mul3A_95, %broadcast_in_dim3A_97 : vector<512x16xi1>, vector<512x16xf32>
    %jit3A_99 = arith.constant 0.000000e+00 : f32
    %broadcast_in_dim3A_100 = vector.broadcast %jit3A_99 : f32 to vector<512x16xf32>
    %select_n3A_101 = arith.select %eq3A_89, %broadcast_in_dim3A_100, %select_n3A_98 : vector<512x16xi1>, vector<512x16xf32>
    %jit3A_102 = arith.constant 0 : i32
    %jit3A_103 = arith.constant 2047 : i32
    %max3A_104 = vector.broadcast %jit3A_102 : i32 to vector<512x16xi32>
    %max3A_105 = arith.maxsi %max3A_104, %convert_element_type3A : vector<512x16xi32>
    %min3A = vector.broadcast %jit3A_103 : i32 to vector<512x16xi32>
    %min3A_106 = arith.minsi %min3A, %max3A_105 : vector<512x16xi32>
    %mul3A_107 = arith.constant 4 : i32
    %mul3A_108 = vector.broadcast %mul3A_107 : i32 to vector<512x16xi32>
    %mul3A_109 = arith.muli %min3A_106, %mul3A_108 : vector<512x16xi32>
    %add3A_110 = arith.addi %mul3A_109, %add3A_38 : vector<512x16xi32>
    %swap3A = arith.constant 0 : index
    %swap3A_111 = arith.constant 0 : index
    %swap3A_112 = vector.load %arg5[%swap3A, %swap3A_111] : memref<512x64xi32, #tpu.memory_space<vmem>>, vector<512x16xi32>
    tpu.vector_store %arg5[%swap3A, %swap3A_111], %add3A_110 {strides = array<i32>} : memref<512x64xi32, #tpu.memory_space<vmem>>, vector<512x16xi32>,
    %swap3A_113 = arith.constant 0 : index
    %swap3A_114 = arith.constant 0 : index
    %swap3A_115 = vector.load %arg6[%swap3A_113, %swap3A_114] : memref<512x128xf32, #tpu.memory_space<vmem>>, vector<512x16xf32>
    tpu.vector_store %arg6[%swap3A_113, %swap3A_114], %select_n3A_94 {strides = array<i32>} : memref<512x128xf32, #tpu.memory_space<vmem>>, vector<512x16xf32>,
    %swap3A_116 = arith.constant 0 : index
    %swap3A_117 = arith.constant 16 : index
    %swap3A_118 = vector.load %arg6[%swap3A_116, %swap3A_117] : memref<512x128xf32, #tpu.memory_space<vmem>>, vector<512x16xf32>
    tpu.vector_store %arg6[%swap3A_116, %swap3A_117], %select_n3A_101 {strides = array<i32>} : memref<512x128xf32, #tpu.memory_space<vmem>>, vector<512x16xf32>,
    %slice3A_119 = vector.extract_strided_slice %add3A_10 {offsets = [0, 16], sizes = [512, 16], strides = [1, 1]} : vector<512x128xf32> to vector<512x16xf32>
    %mul3A_120 = arith.constant 1.250000e-01 : f32
    %mul3A_121 = vector.broadcast %mul3A_120 : f32 to vector<512x1xf32>
    %mul3A_122 = arith.mulf %slice3A_14, %mul3A_121 : vector<512x1xf32>
    %mul3A_123 = vector.broadcast %mul3A_122 : vector<512x1xf32> to vector<512x16xf32>
    %mul3A_124 = arith.mulf %slice3A_119, %mul3A_123 : vector<512x16xf32>
    %add3A_125 = vector.broadcast %slice3A : vector<512x1xf32> to vector<512x16xf32>
    %add3A_126 = arith.addf %add3A_125, %mul3A_124 : vector<512x16xf32>
    %mul3A_127 = arith.constant 2.047000e+03 : f32
    %mul3A_128 = vector.broadcast %mul3A_127 : f32 to vector<512x16xf32>
    %mul3A_129 = arith.mulf %add3A_126, %mul3A_128 : vector<512x16xf32>
    %floor3A_130 = math.floor %mul3A_129 : vector<512x16xf32>
    %sub3A_131 = arith.subf %mul3A_129, %floor3A_130 : vector<512x16xf32>
    %sub3A_132 = arith.constant 1.000000e+00 : f32
    %sub3A_133 = vector.broadcast %sub3A_132 : f32 to vector<512x16xf32>
    %sub3A_134 = arith.subf %sub3A_133, %sub3A_131 : vector<512x16xf32>
    %convert_element_type3A_135 = arith.fptosi %floor3A_130 : vector<512x16xf32> to vector<512x16xi32>
    %add3A_136 = arith.constant 1 : i32
    %add3A_137 = vector.broadcast %add3A_136 : i32 to vector<512x16xi32>
    %add3A_138 = arith.addi %convert_element_type3A_135, %add3A_137 : vector<512x16xi32>
    %ge3A_139 = arith.constant 0 : i32
    %ge3A_140 = vector.broadcast %ge3A_139 : i32 to vector<512x16xi32>
    %ge3A_141 = arith.cmpi sge, %convert_element_type3A_135, %ge3A_140 : vector<512x16xi32>
    %le3A_142 = arith.constant 2047 : i32
    %le3A_143 = vector.broadcast %le3A_142 : i32 to vector<512x16xi32>
    %le3A_144 = arith.cmpi sle, %convert_element_type3A_135, %le3A_143 : vector<512x16xi32>
    %and3A_145 = arith.andi %ge3A_141, %le3A_144 : vector<512x16xi1>
    %ge3A_146 = arith.constant 0 : i32
    %ge3A_147 = vector.broadcast %ge3A_146 : i32 to vector<512x16xi32>
    %ge3A_148 = arith.cmpi sge, %add3A_138, %ge3A_147 : vector<512x16xi32>
    %le3A_149 = arith.constant 2047 : i32
    %le3A_150 = vector.broadcast %le3A_149 : i32 to vector<512x16xi32>
    %le3A_151 = arith.cmpi sle, %add3A_138, %le3A_150 : vector<512x16xi32>
    %and3A_152 = arith.andi %ge3A_148, %le3A_151 : vector<512x16xi1>
    %mul3A_153 = arith.mulf %exp3A_46, %div3A_55 : vector<512x16xf32>
    %eq3A_154 = arith.constant -1 : i32
    %eq3A_155 = vector.broadcast %eq3A_154 : i32 to vector<512x16xi32>
    %eq3A_156 = arith.cmpi eq, %convert_element_type3A_135, %eq3A_155 : vector<512x16xi32>
    %mul3A_157 = arith.mulf %mul3A_153, %sub3A_131 : vector<512x16xf32>
    %mul3A_158 = arith.mulf %mul3A_153, %sub3A_134 : vector<512x16xf32>
    %jit3A_159 = arith.constant 0.000000e+00 : f32
    %broadcast_in_dim3A_160 = vector.broadcast %jit3A_159 : f32 to vector<512x16xf32>
    %select_n3A_161 = arith.select %and3A_145, %mul3A_158, %broadcast_in_dim3A_160 : vector<512x16xi1>, vector<512x16xf32>
    %select_n3A_162 = arith.select %eq3A_156, %mul3A_157, %select_n3A_161 : vector<512x16xi1>, vector<512x16xf32>
    %mul3A_163 = arith.mulf %mul3A_153, %sub3A_131 : vector<512x16xf32>
    %jit3A_164 = arith.constant 0.000000e+00 : f32
    %broadcast_in_dim3A_165 = vector.broadcast %jit3A_164 : f32 to vector<512x16xf32>
    %select_n3A_166 = arith.select %and3A_152, %mul3A_163, %broadcast_in_dim3A_165 : vector<512x16xi1>, vector<512x16xf32>
    %jit3A_167 = arith.constant 0.000000e+00 : f32
    %broadcast_in_dim3A_168 = vector.broadcast %jit3A_167 : f32 to vector<512x16xf32>
    %select_n3A_169 = arith.select %eq3A_156, %broadcast_in_dim3A_168, %select_n3A_166 : vector<512x16xi1>, vector<512x16xf32>
    %jit3A_170 = arith.constant 0 : i32
    %jit3A_171 = arith.constant 2047 : i32
    %max3A_172 = vector.broadcast %jit3A_170 : i32 to vector<512x16xi32>
    %max3A_173 = arith.maxsi %max3A_172, %convert_element_type3A_135 : vector<512x16xi32>
    %min3A_174 = vector.broadcast %jit3A_171 : i32 to vector<512x16xi32>
    %min3A_175 = arith.minsi %min3A_174, %max3A_173 : vector<512x16xi32>
    %mul3A_176 = arith.constant 4 : i32
    %mul3A_177 = vector.broadcast %mul3A_176 : i32 to vector<512x16xi32>
    %mul3A_178 = arith.muli %min3A_175, %mul3A_177 : vector<512x16xi32>
    %add3A_179 = arith.addi %mul3A_178, %add3A_38 : vector<512x16xi32>
    %swap3A_180 = arith.constant 0 : index
    %swap3A_181 = arith.constant 16 : index
    %swap3A_182 = vector.load %arg5[%swap3A_180, %swap3A_181] : memref<512x64xi32, #tpu.memory_space<vmem>>, vector<512x16xi32>
    tpu.vector_store %arg5[%swap3A_180, %swap3A_181], %add3A_179 {strides = array<i32>} : memref<512x64xi32, #tpu.memory_space<vmem>>, vector<512x16xi32>,
    %swap3A_183 = arith.constant 0 : index
    %swap3A_184 = arith.constant 32 : index
    %swap3A_185 = vector.load %arg6[%swap3A_183, %swap3A_184] : memref<512x128xf32, #tpu.memory_space<vmem>>, vector<512x16xf32>
    tpu.vector_store %arg6[%swap3A_183, %swap3A_184], %select_n3A_162 {strides = array<i32>} : memref<512x128xf32, #tpu.memory_space<vmem>>, vector<512x16xf32>,
    %swap3A_186 = arith.constant 0 : index
    %swap3A_187 = arith.constant 48 : index
    %swap3A_188 = vector.load %arg6[%swap3A_186, %swap3A_187] : memref<512x128xf32, #tpu.memory_space<vmem>>, vector<512x16xf32>
    tpu.vector_store %arg6[%swap3A_186, %swap3A_187], %select_n3A_169 {strides = array<i32>} : memref<512x128xf32, #tpu.memory_space<vmem>>, vector<512x16xf32>,
    %slice3A_189 = vector.extract_strided_slice %add3A_10 {offsets = [0, 32], sizes = [512, 16], strides = [1, 1]} : vector<512x128xf32> to vector<512x16xf32>
    %mul3A_190 = arith.constant 1.250000e-01 : f32
    %mul3A_191 = vector.broadcast %mul3A_190 : f32 to vector<512x1xf32>
    %mul3A_192 = arith.mulf %slice3A_14, %mul3A_191 : vector<512x1xf32>
    %mul3A_193 = vector.broadcast %mul3A_192 : vector<512x1xf32> to vector<512x16xf32>
    %mul3A_194 = arith.mulf %slice3A_189, %mul3A_193 : vector<512x16xf32>
    %add3A_195 = vector.broadcast %slice3A : vector<512x1xf32> to vector<512x16xf32>
    %add3A_196 = arith.addf %add3A_195, %mul3A_194 : vector<512x16xf32>
    %mul3A_197 = arith.constant 2.047000e+03 : f32
    %mul3A_198 = vector.broadcast %mul3A_197 : f32 to vector<512x16xf32>
    %mul3A_199 = arith.mulf %add3A_196, %mul3A_198 : vector<512x16xf32>
    %floor3A_200 = math.floor %mul3A_199 : vector<512x16xf32>
    %sub3A_201 = arith.subf %mul3A_199, %floor3A_200 : vector<512x16xf32>
    %sub3A_202 = arith.constant 1.000000e+00 : f32
    %sub3A_203 = vector.broadcast %sub3A_202 : f32 to vector<512x16xf32>
    %sub3A_204 = arith.subf %sub3A_203, %sub3A_201 : vector<512x16xf32>
    %convert_element_type3A_205 = arith.fptosi %floor3A_200 : vector<512x16xf32> to vector<512x16xi32>
    %add3A_206 = arith.constant 1 : i32
    %add3A_207 = vector.broadcast %add3A_206 : i32 to vector<512x16xi32>
    %add3A_208 = arith.addi %convert_element_type3A_205, %add3A_207 : vector<512x16xi32>
    %ge3A_209 = arith.constant 0 : i32
    %ge3A_210 = vector.broadcast %ge3A_209 : i32 to vector<512x16xi32>
    %ge3A_211 = arith.cmpi sge, %convert_element_type3A_205, %ge3A_210 : vector<512x16xi32>
    %le3A_212 = arith.constant 2047 : i32
    %le3A_213 = vector.broadcast %le3A_212 : i32 to vector<512x16xi32>
    %le3A_214 = arith.cmpi sle, %convert_element_type3A_205, %le3A_213 : vector<512x16xi32>
    %and3A_215 = arith.andi %ge3A_211, %le3A_214 : vector<512x16xi1>
    %ge3A_216 = arith.constant 0 : i32
    %ge3A_217 = vector.broadcast %ge3A_216 : i32 to vector<512x16xi32>
    %ge3A_218 = arith.cmpi sge, %add3A_208, %ge3A_217 : vector<512x16xi32>
    %le3A_219 = arith.constant 2047 : i32
    %le3A_220 = vector.broadcast %le3A_219 : i32 to vector<512x16xi32>
    %le3A_221 = arith.cmpi sle, %add3A_208, %le3A_220 : vector<512x16xi32>
    %and3A_222 = arith.andi %ge3A_218, %le3A_221 : vector<512x16xi1>
    %mul3A_223 = arith.mulf %exp3A_48, %div3A_55 : vector<512x16xf32>
    %eq3A_224 = arith.constant -1 : i32
    %eq3A_225 = vector.broadcast %eq3A_224 : i32 to vector<512x16xi32>
    %eq3A_226 = arith.cmpi eq, %convert_element_type3A_205, %eq3A_225 : vector<512x16xi32>
    %mul3A_227 = arith.mulf %mul3A_223, %sub3A_201 : vector<512x16xf32>
    %mul3A_228 = arith.mulf %mul3A_223, %sub3A_204 : vector<512x16xf32>
    %jit3A_229 = arith.constant 0.000000e+00 : f32
    %broadcast_in_dim3A_230 = vector.broadcast %jit3A_229 : f32 to vector<512x16xf32>
    %select_n3A_231 = arith.select %and3A_215, %mul3A_228, %broadcast_in_dim3A_230 : vector<512x16xi1>, vector<512x16xf32>
    %select_n3A_232 = arith.select %eq3A_226, %mul3A_227, %select_n3A_231 : vector<512x16xi1>, vector<512x16xf32>
    %mul3A_233 = arith.mulf %mul3A_223, %sub3A_201 : vector<512x16xf32>
    %jit3A_234 = arith.constant 0.000000e+00 : f32
    %broadcast_in_dim3A_235 = vector.broadcast %jit3A_234 : f32 to vector<512x16xf32>
    %select_n3A_236 = arith.select %and3A_222, %mul3A_233, %broadcast_in_dim3A_235 : vector<512x16xi1>, vector<512x16xf32>
    %jit3A_237 = arith.constant 0.000000e+00 : f32
    %broadcast_in_dim3A_238 = vector.broadcast %jit3A_237 : f32 to vector<512x16xf32>
    %select_n3A_239 = arith.select %eq3A_226, %broadcast_in_dim3A_238, %select_n3A_236 : vector<512x16xi1>, vector<512x16xf32>
    %jit3A_240 = arith.constant 0 : i32
    %jit3A_241 = arith.constant 2047 : i32
    %max3A_242 = vector.broadcast %jit3A_240 : i32 to vector<512x16xi32>
    %max3A_243 = arith.maxsi %max3A_242, %convert_element_type3A_205 : vector<512x16xi32>
    %min3A_244 = vector.broadcast %jit3A_241 : i32 to vector<512x16xi32>
    %min3A_245 = arith.minsi %min3A_244, %max3A_243 : vector<512x16xi32>
    %mul3A_246 = arith.constant 4 : i32
    %mul3A_247 = vector.broadcast %mul3A_246 : i32 to vector<512x16xi32>
    %mul3A_248 = arith.muli %min3A_245, %mul3A_247 : vector<512x16xi32>
    %add3A_249 = arith.addi %mul3A_248, %add3A_38 : vector<512x16xi32>
    %swap3A_250 = arith.constant 0 : index
    %swap3A_251 = arith.constant 32 : index
    %swap3A_252 = vector.load %arg5[%swap3A_250, %swap3A_251] : memref<512x64xi32, #tpu.memory_space<vmem>>, vector<512x16xi32>
    tpu.vector_store %arg5[%swap3A_250, %swap3A_251], %add3A_249 {strides = array<i32>} : memref<512x64xi32, #tpu.memory_space<vmem>>, vector<512x16xi32>,
    %swap3A_253 = arith.constant 0 : index
    %swap3A_254 = arith.constant 64 : index
    %swap3A_255 = vector.load %arg6[%swap3A_253, %swap3A_254] : memref<512x128xf32, #tpu.memory_space<vmem>>, vector<512x16xf32>
    tpu.vector_store %arg6[%swap3A_253, %swap3A_254], %select_n3A_232 {strides = array<i32>} : memref<512x128xf32, #tpu.memory_space<vmem>>, vector<512x16xf32>,
    %swap3A_256 = arith.constant 0 : index
    %swap3A_257 = arith.constant 80 : index
    %swap3A_258 = vector.load %arg6[%swap3A_256, %swap3A_257] : memref<512x128xf32, #tpu.memory_space<vmem>>, vector<512x16xf32>
    tpu.vector_store %arg6[%swap3A_256, %swap3A_257], %select_n3A_239 {strides = array<i32>} : memref<512x128xf32, #tpu.memory_space<vmem>>, vector<512x16xf32>,
    %slice3A_259 = vector.extract_strided_slice %add3A_10 {offsets = [0, 48], sizes = [512, 16], strides = [1, 1]} : vector<512x128xf32> to vector<512x16xf32>
    %mul3A_260 = arith.constant 1.250000e-01 : f32
    %mul3A_261 = vector.broadcast %mul3A_260 : f32 to vector<512x1xf32>
    %mul3A_262 = arith.mulf %slice3A_14, %mul3A_261 : vector<512x1xf32>
    %mul3A_263 = vector.broadcast %mul3A_262 : vector<512x1xf32> to vector<512x16xf32>
    %mul3A_264 = arith.mulf %slice3A_259, %mul3A_263 : vector<512x16xf32>
    %add3A_265 = vector.broadcast %slice3A : vector<512x1xf32> to vector<512x16xf32>
    %add3A_266 = arith.addf %add3A_265, %mul3A_264 : vector<512x16xf32>
    %mul3A_267 = arith.constant 2.047000e+03 : f32
    %mul3A_268 = vector.broadcast %mul3A_267 : f32 to vector<512x16xf32>
    %mul3A_269 = arith.mulf %add3A_266, %mul3A_268 : vector<512x16xf32>
    %floor3A_270 = math.floor %mul3A_269 : vector<512x16xf32>
    %sub3A_271 = arith.subf %mul3A_269, %floor3A_270 : vector<512x16xf32>
    %sub3A_272 = arith.constant 1.000000e+00 : f32
    %sub3A_273 = vector.broadcast %sub3A_272 : f32 to vector<512x16xf32>
    %sub3A_274 = arith.subf %sub3A_273, %sub3A_271 : vector<512x16xf32>
    %convert_element_type3A_275 = arith.fptosi %floor3A_270 : vector<512x16xf32> to vector<512x16xi32>
    %add3A_276 = arith.constant 1 : i32
    %add3A_277 = vector.broadcast %add3A_276 : i32 to vector<512x16xi32>
    %add3A_278 = arith.addi %convert_element_type3A_275, %add3A_277 : vector<512x16xi32>
    %ge3A_279 = arith.constant 0 : i32
    %ge3A_280 = vector.broadcast %ge3A_279 : i32 to vector<512x16xi32>
    %ge3A_281 = arith.cmpi sge, %convert_element_type3A_275, %ge3A_280 : vector<512x16xi32>
    %le3A_282 = arith.constant 2047 : i32
    %le3A_283 = vector.broadcast %le3A_282 : i32 to vector<512x16xi32>
    %le3A_284 = arith.cmpi sle, %convert_element_type3A_275, %le3A_283 : vector<512x16xi32>
    %and3A_285 = arith.andi %ge3A_281, %le3A_284 : vector<512x16xi1>
    %ge3A_286 = arith.constant 0 : i32
    %ge3A_287 = vector.broadcast %ge3A_286 : i32 to vector<512x16xi32>
    %ge3A_288 = arith.cmpi sge, %add3A_278, %ge3A_287 : vector<512x16xi32>
    %le3A_289 = arith.constant 2047 : i32
    %le3A_290 = vector.broadcast %le3A_289 : i32 to vector<512x16xi32>
    %le3A_291 = arith.cmpi sle, %add3A_278, %le3A_290 : vector<512x16xi32>
    %and3A_292 = arith.andi %ge3A_288, %le3A_291 : vector<512x16xi1>
    %mul3A_293 = arith.mulf %exp3A_50, %div3A_55 : vector<512x16xf32>
    %eq3A_294 = arith.constant -1 : i32
    %eq3A_295 = vector.broadcast %eq3A_294 : i32 to vector<512x16xi32>
    %eq3A_296 = arith.cmpi eq, %convert_element_type3A_275, %eq3A_295 : vector<512x16xi32>
    %mul3A_297 = arith.mulf %mul3A_293, %sub3A_271 : vector<512x16xf32>
    %mul3A_298 = arith.mulf %mul3A_293, %sub3A_274 : vector<512x16xf32>
    %jit3A_299 = arith.constant 0.000000e+00 : f32
    %broadcast_in_dim3A_300 = vector.broadcast %jit3A_299 : f32 to vector<512x16xf32>
    %select_n3A_301 = arith.select %and3A_285, %mul3A_298, %broadcast_in_dim3A_300 : vector<512x16xi1>, vector<512x16xf32>
    %select_n3A_302 = arith.select %eq3A_296, %mul3A_297, %select_n3A_301 : vector<512x16xi1>, vector<512x16xf32>
    %mul3A_303 = arith.mulf %mul3A_293, %sub3A_271 : vector<512x16xf32>
    %jit3A_304 = arith.constant 0.000000e+00 : f32
    %broadcast_in_dim3A_305 = vector.broadcast %jit3A_304 : f32 to vector<512x16xf32>
    %select_n3A_306 = arith.select %and3A_292, %mul3A_303, %broadcast_in_dim3A_305 : vector<512x16xi1>, vector<512x16xf32>
    %jit3A_307 = arith.constant 0.000000e+00 : f32
    %broadcast_in_dim3A_308 = vector.broadcast %jit3A_307 : f32 to vector<512x16xf32>
    %select_n3A_309 = arith.select %eq3A_296, %broadcast_in_dim3A_308, %select_n3A_306 : vector<512x16xi1>, vector<512x16xf32>
    %jit3A_310 = arith.constant 0 : i32
    %jit3A_311 = arith.constant 2047 : i32
    %max3A_312 = vector.broadcast %jit3A_310 : i32 to vector<512x16xi32>
    %max3A_313 = arith.maxsi %max3A_312, %convert_element_type3A_275 : vector<512x16xi32>
    %min3A_314 = vector.broadcast %jit3A_311 : i32 to vector<512x16xi32>
    %min3A_315 = arith.minsi %min3A_314, %max3A_313 : vector<512x16xi32>
    %mul3A_316 = arith.constant 4 : i32
    %mul3A_317 = vector.broadcast %mul3A_316 : i32 to vector<512x16xi32>
    %mul3A_318 = arith.muli %min3A_315, %mul3A_317 : vector<512x16xi32>
    %add3A_319 = arith.addi %mul3A_318, %add3A_38 : vector<512x16xi32>
    %swap3A_320 = arith.constant 0 : index
    %swap3A_321 = arith.constant 48 : index
    %swap3A_322 = vector.load %arg5[%swap3A_320, %swap3A_321] : memref<512x64xi32, #tpu.memory_space<vmem>>, vector<512x16xi32>
    tpu.vector_store %arg5[%swap3A_320, %swap3A_321], %add3A_319 {strides = array<i32>} : memref<512x64xi32, #tpu.memory_space<vmem>>, vector<512x16xi32>,
    %swap3A_323 = arith.constant 0 : index
    %swap3A_324 = arith.constant 96 : index
    %swap3A_325 = vector.load %arg6[%swap3A_323, %swap3A_324] : memref<512x128xf32, #tpu.memory_space<vmem>>, vector<512x16xf32>
    tpu.vector_store %arg6[%swap3A_323, %swap3A_324], %select_n3A_302 {strides = array<i32>} : memref<512x128xf32, #tpu.memory_space<vmem>>, vector<512x16xf32>,
    %swap3A_326 = arith.constant 0 : index
    %swap3A_327 = arith.constant 112 : index
    %swap3A_328 = vector.load %arg6[%swap3A_326, %swap3A_327] : memref<512x128xf32, #tpu.memory_space<vmem>>, vector<512x16xf32>
    tpu.vector_store %arg6[%swap3A_326, %swap3A_327], %select_n3A_309 {strides = array<i32>} : memref<512x128xf32, #tpu.memory_space<vmem>>, vector<512x16xf32>,
    return
  }
  func.func @transform_0(%arg0: i32) -> (i32, i32, i32) {
    %c0_i32 = arith.constant 0 : i32
    %c0_i32_0 = arith.constant 0 : i32
    %c0_i32_1 = arith.constant 0 : i32
    return %arg0, %c0_i32, %c0_i32_0 : i32, i32, i32
  }
  func.func @transform_1(%arg0: i32) -> (i32, i32) {
    %c0_i32 = arith.constant 0 : i32
    %c0_i32_0 = arith.constant 0 : i32
    %c0_i32_1 = arith.constant 0 : i32
    return %c0_i32, %c0_i32_0 : i32, i32
  }
  func.func @transform_2(%arg0: i32) -> (i32, i32) {
    %c0_i32 = arith.constant 0 : i32
    %c0_i32_0 = arith.constant 0 : i32
    %c0_i32_1 = arith.constant 0 : i32
    return %c0_i32, %c0_i32_0 : i32, i32
  }
  func.func @transform_3(%arg0: i32) -> (i32, i32) {
    %c0_i32 = arith.constant 0 : i32
    %c0_i32_0 = arith.constant 0 : i32
    return %arg0, %c0_i32 : i32, i32
  }
  func.func @transform_4(%arg0: i32) -> (i32, i32) {
    %c0_i32 = arith.constant 0 : i32
    %c0_i32_0 = arith.constant 0 : i32
    return %arg0, %c0_i32 : i32, i32
  }
  func.func @transform_5(%arg0: i32) -> (i32, i32) {
    %c0_i32 = arith.constant 0 : i32
    %c0_i32_0 = arith.constant 0 : i32
    return %arg0, %c0_i32 : i32, i32
  }
}

module attributes {stable_mosaic.version = 14 : i64} {
  func.func @_vproj_pair_kernel3(%arg0: i32, %arg1: memref<128x4x1024xf32, #tpu.memory_space<vmem>>, %arg2: memref<2x4x1024xf32, #tpu.memory_space<vmem>>, %arg3: memref<1024x1024xf32, #tpu.memory_space<vmem>>, %arg4: memref<1x1024xf32, #tpu.memory_space<vmem>>, %arg5: memref<512x1xf32, #tpu.memory_space<vmem>>, %arg6: memref<8x1xf32, #tpu.memory_space<vmem>>, %arg7: memref<16x512x128xf32, #tpu.memory_space<vmem>>) attributes {dimension_semantics = [#tpu.dimension_semantics<arbitrary>], iteration_bounds = array<i64: 16>, scalar_prefetch = 0 : i64, scratch_operands = 0 : i64, tpu.core_type = #tpu.core_type<tc>, window_params = [{transform_indices = @transform_0, window_bounds = array<i64: 128, 4, 1024>}, {transform_indices = @transform_1, window_bounds = array<i64: 2, 4, 1024>}, {pipeline_mode = #tpu.pipeline_mode<synchronous>, transform_indices = @transform_2, window_bounds = array<i64: 1024, 1024>}, {pipeline_mode = #tpu.pipeline_mode<synchronous>, transform_indices = @transform_3, window_bounds = array<i64: 1, 1024>}, {transform_indices = @transform_4, window_bounds = array<i64: 512, 1>}, {transform_indices = @transform_5, window_bounds = array<i64: 8, 1>}, {transform_indices = @transform_6, window_bounds = array<i64: 16, 512, 128>}]} {
    %get3A = arith.constant 0 : index
    %get3A_0 = arith.constant 0 : index
    %get3A_1 = arith.constant 0 : index
    %get3A_2 = vector.load %arg1[%get3A, %get3A_0, %get3A_1] : memref<128x4x1024xf32, #tpu.memory_space<vmem>>, vector<128x4x1024xf32>
    %reshape3A = vector.shape_cast %get3A_2 : vector<128x4x1024xf32> to vector<512x1024xf32>
    %get3A_3 = arith.constant 0 : index
    %get3A_4 = arith.constant 0 : index
    %get3A_5 = arith.constant 0 : index
    %get3A_6 = vector.load %arg2[%get3A_3, %get3A_4, %get3A_5] : memref<2x4x1024xf32, #tpu.memory_space<vmem>>, vector<2x4x1024xf32>
    %reshape3A_7 = vector.shape_cast %get3A_6 : vector<2x4x1024xf32> to vector<8x1024xf32>
    %get3A_8 = arith.constant 0 : index
    %get3A_9 = arith.constant 0 : index
    %get3A_10 = vector.load %arg3[%get3A_8, %get3A_9] : memref<1024x1024xf32, #tpu.memory_space<vmem>>, vector<1024x1024xf32>
    %dot_general3A = arith.constant dense<0.000000e+00> : vector<512x1024xf32>
    %dot_general3A_11 = tpu.matmul %reshape3A, %get3A_10, %dot_general3A {dimension_numbers = #tpu.dot_dimension_numbers<[1], [1], [0], [0], [0, 0, 1, 0], [], []>, transpose_lhs_hint = false} : vector<512x1024xf32>, vector<1024x1024xf32>, vector<512x1024xf32> -> vector<512x1024xf32>
    %get3A_12 = arith.constant 0 : index
    %get3A_13 = arith.constant 0 : index
    %get3A_14 = vector.load %arg4[%get3A_12, %get3A_13] : memref<1x1024xf32, #tpu.memory_space<vmem>>, vector<1x1024xf32>
    %add3A = vector.broadcast %get3A_14 : vector<1x1024xf32> to vector<512x1024xf32>
    %add3A_15 = arith.addf %dot_general3A_11, %add3A : vector<512x1024xf32>
    %get3A_16 = arith.constant 0 : index
    %get3A_17 = arith.constant 0 : index
    %get3A_18 = vector.load %arg5[%get3A_16, %get3A_17] : memref<512x1xf32, #tpu.memory_space<vmem>>, vector<512x1xf32>
    %mul3A = vector.broadcast %get3A_18 : vector<512x1xf32> to vector<512x1024xf32>
    %mul3A_19 = arith.mulf %add3A_15, %mul3A : vector<512x1024xf32>
    %get3A_20 = arith.constant 0 : index
    %get3A_21 = arith.constant 0 : index
    %get3A_22 = vector.load %arg3[%get3A_20, %get3A_21] : memref<1024x1024xf32, #tpu.memory_space<vmem>>, vector<1024x1024xf32>
    %dot_general3A_23 = arith.constant dense<0.000000e+00> : vector<8x1024xf32>
    %dot_general3A_24 = tpu.matmul %reshape3A_7, %get3A_22, %dot_general3A_23 {dimension_numbers = #tpu.dot_dimension_numbers<[1], [1], [0], [0], [0, 0, 1, 0], [], []>, transpose_lhs_hint = false} : vector<8x1024xf32>, vector<1024x1024xf32>, vector<8x1024xf32> -> vector<8x1024xf32>
    %get3A_25 = arith.constant 0 : index
    %get3A_26 = arith.constant 0 : index
    %get3A_27 = vector.load %arg4[%get3A_25, %get3A_26] : memref<1x1024xf32, #tpu.memory_space<vmem>>, vector<1x1024xf32>
    %add3A_28 = vector.broadcast %get3A_27 : vector<1x1024xf32> to vector<8x1024xf32>
    %add3A_29 = arith.addf %dot_general3A_24, %add3A_28 : vector<8x1024xf32>
    %get3A_30 = arith.constant 0 : index
    %get3A_31 = arith.constant 0 : index
    %get3A_32 = vector.load %arg6[%get3A_30, %get3A_31] : memref<8x1xf32, #tpu.memory_space<vmem>>, vector<8x1xf32>
    %mul3A_33 = vector.broadcast %get3A_32 : vector<8x1xf32> to vector<8x1024xf32>
    %mul3A_34 = arith.mulf %add3A_29, %mul3A_33 : vector<8x1024xf32>
    %slice3A = vector.extract_strided_slice %mul3A_19 {offsets = [4, 0], sizes = [508, 1024], strides = [1, 1]} : vector<512x1024xf32> to vector<508x1024xf32>
    %slice3A_35 = vector.extract_strided_slice %mul3A_34 {offsets = [0, 0], sizes = [4, 1024], strides = [1, 1]} : vector<8x1024xf32> to vector<4x1024xf32>
    %concatenate3A = tpu.concatenate %slice3A, %slice3A_35 in 0 : vector<508x1024xf32>, vector<4x1024xf32> -> vector<512x1024xf32>
    %slice3A_36 = vector.extract_strided_slice %mul3A_19 {offsets = [0, 0], sizes = [512, 64], strides = [1, 1]} : vector<512x1024xf32> to vector<512x64xf32>
    %swap3A = arith.constant 0 : index
    %swap3A_37 = arith.constant 0 : index
    %swap3A_38 = arith.constant 0 : index
    %swap3A_39 = vector.load %arg7[%swap3A, %swap3A_37, %swap3A_38] : memref<16x512x128xf32, #tpu.memory_space<vmem>>, vector<1x512x64xf32>
    %swap3A_40 = vector.shape_cast %swap3A_39 : vector<1x512x64xf32> to vector<512x64xf32>
    %swap3A_41 = vector.shape_cast %slice3A_36 : vector<512x64xf32> to vector<1x512x64xf32>
    tpu.vector_store %arg7[%swap3A, %swap3A_37, %swap3A_38], %swap3A_41 {strides = array<i32>} : memref<16x512x128xf32, #tpu.memory_space<vmem>>, vector<1x512x64xf32>,
    %slice3A_42 = vector.extract_strided_slice %concatenate3A {offsets = [0, 0], sizes = [512, 64], strides = [1, 1]} : vector<512x1024xf32> to vector<512x64xf32>
    %swap3A_43 = arith.constant 0 : index
    %swap3A_44 = arith.constant 0 : index
    %swap3A_45 = arith.constant 64 : index
    %swap3A_46 = vector.load %arg7[%swap3A_43, %swap3A_44, %swap3A_45] : memref<16x512x128xf32, #tpu.memory_space<vmem>>, vector<1x512x64xf32>
    %swap3A_47 = vector.shape_cast %swap3A_46 : vector<1x512x64xf32> to vector<512x64xf32>
    %swap3A_48 = vector.shape_cast %slice3A_42 : vector<512x64xf32> to vector<1x512x64xf32>
    tpu.vector_store %arg7[%swap3A_43, %swap3A_44, %swap3A_45], %swap3A_48 {strides = array<i32>} : memref<16x512x128xf32, #tpu.memory_space<vmem>>, vector<1x512x64xf32>,
    %slice3A_49 = vector.extract_strided_slice %mul3A_19 {offsets = [0, 64], sizes = [512, 64], strides = [1, 1]} : vector<512x1024xf32> to vector<512x64xf32>
    %swap3A_50 = arith.constant 1 : index
    %swap3A_51 = arith.constant 0 : index
    %swap3A_52 = arith.constant 0 : index
    %swap3A_53 = vector.load %arg7[%swap3A_50, %swap3A_51, %swap3A_52] : memref<16x512x128xf32, #tpu.memory_space<vmem>>, vector<1x512x64xf32>
    %swap3A_54 = vector.shape_cast %swap3A_53 : vector<1x512x64xf32> to vector<512x64xf32>
    %swap3A_55 = vector.shape_cast %slice3A_49 : vector<512x64xf32> to vector<1x512x64xf32>
    tpu.vector_store %arg7[%swap3A_50, %swap3A_51, %swap3A_52], %swap3A_55 {strides = array<i32>} : memref<16x512x128xf32, #tpu.memory_space<vmem>>, vector<1x512x64xf32>,
    %slice3A_56 = vector.extract_strided_slice %concatenate3A {offsets = [0, 64], sizes = [512, 64], strides = [1, 1]} : vector<512x1024xf32> to vector<512x64xf32>
    %swap3A_57 = arith.constant 1 : index
    %swap3A_58 = arith.constant 0 : index
    %swap3A_59 = arith.constant 64 : index
    %swap3A_60 = vector.load %arg7[%swap3A_57, %swap3A_58, %swap3A_59] : memref<16x512x128xf32, #tpu.memory_space<vmem>>, vector<1x512x64xf32>
    %swap3A_61 = vector.shape_cast %swap3A_60 : vector<1x512x64xf32> to vector<512x64xf32>
    %swap3A_62 = vector.shape_cast %slice3A_56 : vector<512x64xf32> to vector<1x512x64xf32>
    tpu.vector_store %arg7[%swap3A_57, %swap3A_58, %swap3A_59], %swap3A_62 {strides = array<i32>} : memref<16x512x128xf32, #tpu.memory_space<vmem>>, vector<1x512x64xf32>,
    %slice3A_63 = vector.extract_strided_slice %mul3A_19 {offsets = [0, 128], sizes = [512, 64], strides = [1, 1]} : vector<512x1024xf32> to vector<512x64xf32>
    %swap3A_64 = arith.constant 2 : index
    %swap3A_65 = arith.constant 0 : index
    %swap3A_66 = arith.constant 0 : index
    %swap3A_67 = vector.load %arg7[%swap3A_64, %swap3A_65, %swap3A_66] : memref<16x512x128xf32, #tpu.memory_space<vmem>>, vector<1x512x64xf32>
    %swap3A_68 = vector.shape_cast %swap3A_67 : vector<1x512x64xf32> to vector<512x64xf32>
    %swap3A_69 = vector.shape_cast %slice3A_63 : vector<512x64xf32> to vector<1x512x64xf32>
    tpu.vector_store %arg7[%swap3A_64, %swap3A_65, %swap3A_66], %swap3A_69 {strides = array<i32>} : memref<16x512x128xf32, #tpu.memory_space<vmem>>, vector<1x512x64xf32>,
    %slice3A_70 = vector.extract_strided_slice %concatenate3A {offsets = [0, 128], sizes = [512, 64], strides = [1, 1]} : vector<512x1024xf32> to vector<512x64xf32>
    %swap3A_71 = arith.constant 2 : index
    %swap3A_72 = arith.constant 0 : index
    %swap3A_73 = arith.constant 64 : index
    %swap3A_74 = vector.load %arg7[%swap3A_71, %swap3A_72, %swap3A_73] : memref<16x512x128xf32, #tpu.memory_space<vmem>>, vector<1x512x64xf32>
    %swap3A_75 = vector.shape_cast %swap3A_74 : vector<1x512x64xf32> to vector<512x64xf32>
    %swap3A_76 = vector.shape_cast %slice3A_70 : vector<512x64xf32> to vector<1x512x64xf32>
    tpu.vector_store %arg7[%swap3A_71, %swap3A_72, %swap3A_73], %swap3A_76 {strides = array<i32>} : memref<16x512x128xf32, #tpu.memory_space<vmem>>, vector<1x512x64xf32>,
    %slice3A_77 = vector.extract_strided_slice %mul3A_19 {offsets = [0, 192], sizes = [512, 64], strides = [1, 1]} : vector<512x1024xf32> to vector<512x64xf32>
    %swap3A_78 = arith.constant 3 : index
    %swap3A_79 = arith.constant 0 : index
    %swap3A_80 = arith.constant 0 : index
    %swap3A_81 = vector.load %arg7[%swap3A_78, %swap3A_79, %swap3A_80] : memref<16x512x128xf32, #tpu.memory_space<vmem>>, vector<1x512x64xf32>
    %swap3A_82 = vector.shape_cast %swap3A_81 : vector<1x512x64xf32> to vector<512x64xf32>
    %swap3A_83 = vector.shape_cast %slice3A_77 : vector<512x64xf32> to vector<1x512x64xf32>
    tpu.vector_store %arg7[%swap3A_78, %swap3A_79, %swap3A_80], %swap3A_83 {strides = array<i32>} : memref<16x512x128xf32, #tpu.memory_space<vmem>>, vector<1x512x64xf32>,
    %slice3A_84 = vector.extract_strided_slice %concatenate3A {offsets = [0, 192], sizes = [512, 64], strides = [1, 1]} : vector<512x1024xf32> to vector<512x64xf32>
    %swap3A_85 = arith.constant 3 : index
    %swap3A_86 = arith.constant 0 : index
    %swap3A_87 = arith.constant 64 : index
    %swap3A_88 = vector.load %arg7[%swap3A_85, %swap3A_86, %swap3A_87] : memref<16x512x128xf32, #tpu.memory_space<vmem>>, vector<1x512x64xf32>
    %swap3A_89 = vector.shape_cast %swap3A_88 : vector<1x512x64xf32> to vector<512x64xf32>
    %swap3A_90 = vector.shape_cast %slice3A_84 : vector<512x64xf32> to vector<1x512x64xf32>
    tpu.vector_store %arg7[%swap3A_85, %swap3A_86, %swap3A_87], %swap3A_90 {strides = array<i32>} : memref<16x512x128xf32, #tpu.memory_space<vmem>>, vector<1x512x64xf32>,
    %slice3A_91 = vector.extract_strided_slice %mul3A_19 {offsets = [0, 256], sizes = [512, 64], strides = [1, 1]} : vector<512x1024xf32> to vector<512x64xf32>
    %swap3A_92 = arith.constant 4 : index
    %swap3A_93 = arith.constant 0 : index
    %swap3A_94 = arith.constant 0 : index
    %swap3A_95 = vector.load %arg7[%swap3A_92, %swap3A_93, %swap3A_94] : memref<16x512x128xf32, #tpu.memory_space<vmem>>, vector<1x512x64xf32>
    %swap3A_96 = vector.shape_cast %swap3A_95 : vector<1x512x64xf32> to vector<512x64xf32>
    %swap3A_97 = vector.shape_cast %slice3A_91 : vector<512x64xf32> to vector<1x512x64xf32>
    tpu.vector_store %arg7[%swap3A_92, %swap3A_93, %swap3A_94], %swap3A_97 {strides = array<i32>} : memref<16x512x128xf32, #tpu.memory_space<vmem>>, vector<1x512x64xf32>,
    %slice3A_98 = vector.extract_strided_slice %concatenate3A {offsets = [0, 256], sizes = [512, 64], strides = [1, 1]} : vector<512x1024xf32> to vector<512x64xf32>
    %swap3A_99 = arith.constant 4 : index
    %swap3A_100 = arith.constant 0 : index
    %swap3A_101 = arith.constant 64 : index
    %swap3A_102 = vector.load %arg7[%swap3A_99, %swap3A_100, %swap3A_101] : memref<16x512x128xf32, #tpu.memory_space<vmem>>, vector<1x512x64xf32>
    %swap3A_103 = vector.shape_cast %swap3A_102 : vector<1x512x64xf32> to vector<512x64xf32>
    %swap3A_104 = vector.shape_cast %slice3A_98 : vector<512x64xf32> to vector<1x512x64xf32>
    tpu.vector_store %arg7[%swap3A_99, %swap3A_100, %swap3A_101], %swap3A_104 {strides = array<i32>} : memref<16x512x128xf32, #tpu.memory_space<vmem>>, vector<1x512x64xf32>,
    %slice3A_105 = vector.extract_strided_slice %mul3A_19 {offsets = [0, 320], sizes = [512, 64], strides = [1, 1]} : vector<512x1024xf32> to vector<512x64xf32>
    %swap3A_106 = arith.constant 5 : index
    %swap3A_107 = arith.constant 0 : index
    %swap3A_108 = arith.constant 0 : index
    %swap3A_109 = vector.load %arg7[%swap3A_106, %swap3A_107, %swap3A_108] : memref<16x512x128xf32, #tpu.memory_space<vmem>>, vector<1x512x64xf32>
    %swap3A_110 = vector.shape_cast %swap3A_109 : vector<1x512x64xf32> to vector<512x64xf32>
    %swap3A_111 = vector.shape_cast %slice3A_105 : vector<512x64xf32> to vector<1x512x64xf32>
    tpu.vector_store %arg7[%swap3A_106, %swap3A_107, %swap3A_108], %swap3A_111 {strides = array<i32>} : memref<16x512x128xf32, #tpu.memory_space<vmem>>, vector<1x512x64xf32>,
    %slice3A_112 = vector.extract_strided_slice %concatenate3A {offsets = [0, 320], sizes = [512, 64], strides = [1, 1]} : vector<512x1024xf32> to vector<512x64xf32>
    %swap3A_113 = arith.constant 5 : index
    %swap3A_114 = arith.constant 0 : index
    %swap3A_115 = arith.constant 64 : index
    %swap3A_116 = vector.load %arg7[%swap3A_113, %swap3A_114, %swap3A_115] : memref<16x512x128xf32, #tpu.memory_space<vmem>>, vector<1x512x64xf32>
    %swap3A_117 = vector.shape_cast %swap3A_116 : vector<1x512x64xf32> to vector<512x64xf32>
    %swap3A_118 = vector.shape_cast %slice3A_112 : vector<512x64xf32> to vector<1x512x64xf32>
    tpu.vector_store %arg7[%swap3A_113, %swap3A_114, %swap3A_115], %swap3A_118 {strides = array<i32>} : memref<16x512x128xf32, #tpu.memory_space<vmem>>, vector<1x512x64xf32>,
    %slice3A_119 = vector.extract_strided_slice %mul3A_19 {offsets = [0, 384], sizes = [512, 64], strides = [1, 1]} : vector<512x1024xf32> to vector<512x64xf32>
    %swap3A_120 = arith.constant 6 : index
    %swap3A_121 = arith.constant 0 : index
    %swap3A_122 = arith.constant 0 : index
    %swap3A_123 = vector.load %arg7[%swap3A_120, %swap3A_121, %swap3A_122] : memref<16x512x128xf32, #tpu.memory_space<vmem>>, vector<1x512x64xf32>
    %swap3A_124 = vector.shape_cast %swap3A_123 : vector<1x512x64xf32> to vector<512x64xf32>
    %swap3A_125 = vector.shape_cast %slice3A_119 : vector<512x64xf32> to vector<1x512x64xf32>
    tpu.vector_store %arg7[%swap3A_120, %swap3A_121, %swap3A_122], %swap3A_125 {strides = array<i32>} : memref<16x512x128xf32, #tpu.memory_space<vmem>>, vector<1x512x64xf32>,
    %slice3A_126 = vector.extract_strided_slice %concatenate3A {offsets = [0, 384], sizes = [512, 64], strides = [1, 1]} : vector<512x1024xf32> to vector<512x64xf32>
    %swap3A_127 = arith.constant 6 : index
    %swap3A_128 = arith.constant 0 : index
    %swap3A_129 = arith.constant 64 : index
    %swap3A_130 = vector.load %arg7[%swap3A_127, %swap3A_128, %swap3A_129] : memref<16x512x128xf32, #tpu.memory_space<vmem>>, vector<1x512x64xf32>
    %swap3A_131 = vector.shape_cast %swap3A_130 : vector<1x512x64xf32> to vector<512x64xf32>
    %swap3A_132 = vector.shape_cast %slice3A_126 : vector<512x64xf32> to vector<1x512x64xf32>
    tpu.vector_store %arg7[%swap3A_127, %swap3A_128, %swap3A_129], %swap3A_132 {strides = array<i32>} : memref<16x512x128xf32, #tpu.memory_space<vmem>>, vector<1x512x64xf32>,
    %slice3A_133 = vector.extract_strided_slice %mul3A_19 {offsets = [0, 448], sizes = [512, 64], strides = [1, 1]} : vector<512x1024xf32> to vector<512x64xf32>
    %swap3A_134 = arith.constant 7 : index
    %swap3A_135 = arith.constant 0 : index
    %swap3A_136 = arith.constant 0 : index
    %swap3A_137 = vector.load %arg7[%swap3A_134, %swap3A_135, %swap3A_136] : memref<16x512x128xf32, #tpu.memory_space<vmem>>, vector<1x512x64xf32>
    %swap3A_138 = vector.shape_cast %swap3A_137 : vector<1x512x64xf32> to vector<512x64xf32>
    %swap3A_139 = vector.shape_cast %slice3A_133 : vector<512x64xf32> to vector<1x512x64xf32>
    tpu.vector_store %arg7[%swap3A_134, %swap3A_135, %swap3A_136], %swap3A_139 {strides = array<i32>} : memref<16x512x128xf32, #tpu.memory_space<vmem>>, vector<1x512x64xf32>,
    %slice3A_140 = vector.extract_strided_slice %concatenate3A {offsets = [0, 448], sizes = [512, 64], strides = [1, 1]} : vector<512x1024xf32> to vector<512x64xf32>
    %swap3A_141 = arith.constant 7 : index
    %swap3A_142 = arith.constant 0 : index
    %swap3A_143 = arith.constant 64 : index
    %swap3A_144 = vector.load %arg7[%swap3A_141, %swap3A_142, %swap3A_143] : memref<16x512x128xf32, #tpu.memory_space<vmem>>, vector<1x512x64xf32>
    %swap3A_145 = vector.shape_cast %swap3A_144 : vector<1x512x64xf32> to vector<512x64xf32>
    %swap3A_146 = vector.shape_cast %slice3A_140 : vector<512x64xf32> to vector<1x512x64xf32>
    tpu.vector_store %arg7[%swap3A_141, %swap3A_142, %swap3A_143], %swap3A_146 {strides = array<i32>} : memref<16x512x128xf32, #tpu.memory_space<vmem>>, vector<1x512x64xf32>,
    %slice3A_147 = vector.extract_strided_slice %mul3A_19 {offsets = [0, 512], sizes = [512, 64], strides = [1, 1]} : vector<512x1024xf32> to vector<512x64xf32>
    %swap3A_148 = arith.constant 8 : index
    %swap3A_149 = arith.constant 0 : index
    %swap3A_150 = arith.constant 0 : index
    %swap3A_151 = vector.load %arg7[%swap3A_148, %swap3A_149, %swap3A_150] : memref<16x512x128xf32, #tpu.memory_space<vmem>>, vector<1x512x64xf32>
    %swap3A_152 = vector.shape_cast %swap3A_151 : vector<1x512x64xf32> to vector<512x64xf32>
    %swap3A_153 = vector.shape_cast %slice3A_147 : vector<512x64xf32> to vector<1x512x64xf32>
    tpu.vector_store %arg7[%swap3A_148, %swap3A_149, %swap3A_150], %swap3A_153 {strides = array<i32>} : memref<16x512x128xf32, #tpu.memory_space<vmem>>, vector<1x512x64xf32>,
    %slice3A_154 = vector.extract_strided_slice %concatenate3A {offsets = [0, 512], sizes = [512, 64], strides = [1, 1]} : vector<512x1024xf32> to vector<512x64xf32>
    %swap3A_155 = arith.constant 8 : index
    %swap3A_156 = arith.constant 0 : index
    %swap3A_157 = arith.constant 64 : index
    %swap3A_158 = vector.load %arg7[%swap3A_155, %swap3A_156, %swap3A_157] : memref<16x512x128xf32, #tpu.memory_space<vmem>>, vector<1x512x64xf32>
    %swap3A_159 = vector.shape_cast %swap3A_158 : vector<1x512x64xf32> to vector<512x64xf32>
    %swap3A_160 = vector.shape_cast %slice3A_154 : vector<512x64xf32> to vector<1x512x64xf32>
    tpu.vector_store %arg7[%swap3A_155, %swap3A_156, %swap3A_157], %swap3A_160 {strides = array<i32>} : memref<16x512x128xf32, #tpu.memory_space<vmem>>, vector<1x512x64xf32>,
    %slice3A_161 = vector.extract_strided_slice %mul3A_19 {offsets = [0, 576], sizes = [512, 64], strides = [1, 1]} : vector<512x1024xf32> to vector<512x64xf32>
    %swap3A_162 = arith.constant 9 : index
    %swap3A_163 = arith.constant 0 : index
    %swap3A_164 = arith.constant 0 : index
    %swap3A_165 = vector.load %arg7[%swap3A_162, %swap3A_163, %swap3A_164] : memref<16x512x128xf32, #tpu.memory_space<vmem>>, vector<1x512x64xf32>
    %swap3A_166 = vector.shape_cast %swap3A_165 : vector<1x512x64xf32> to vector<512x64xf32>
    %swap3A_167 = vector.shape_cast %slice3A_161 : vector<512x64xf32> to vector<1x512x64xf32>
    tpu.vector_store %arg7[%swap3A_162, %swap3A_163, %swap3A_164], %swap3A_167 {strides = array<i32>} : memref<16x512x128xf32, #tpu.memory_space<vmem>>, vector<1x512x64xf32>,
    %slice3A_168 = vector.extract_strided_slice %concatenate3A {offsets = [0, 576], sizes = [512, 64], strides = [1, 1]} : vector<512x1024xf32> to vector<512x64xf32>
    %swap3A_169 = arith.constant 9 : index
    %swap3A_170 = arith.constant 0 : index
    %swap3A_171 = arith.constant 64 : index
    %swap3A_172 = vector.load %arg7[%swap3A_169, %swap3A_170, %swap3A_171] : memref<16x512x128xf32, #tpu.memory_space<vmem>>, vector<1x512x64xf32>
    %swap3A_173 = vector.shape_cast %swap3A_172 : vector<1x512x64xf32> to vector<512x64xf32>
    %swap3A_174 = vector.shape_cast %slice3A_168 : vector<512x64xf32> to vector<1x512x64xf32>
    tpu.vector_store %arg7[%swap3A_169, %swap3A_170, %swap3A_171], %swap3A_174 {strides = array<i32>} : memref<16x512x128xf32, #tpu.memory_space<vmem>>, vector<1x512x64xf32>,
    %slice3A_175 = vector.extract_strided_slice %mul3A_19 {offsets = [0, 640], sizes = [512, 64], strides = [1, 1]} : vector<512x1024xf32> to vector<512x64xf32>
    %swap3A_176 = arith.constant 10 : index
    %swap3A_177 = arith.constant 0 : index
    %swap3A_178 = arith.constant 0 : index
    %swap3A_179 = vector.load %arg7[%swap3A_176, %swap3A_177, %swap3A_178] : memref<16x512x128xf32, #tpu.memory_space<vmem>>, vector<1x512x64xf32>
    %swap3A_180 = vector.shape_cast %swap3A_179 : vector<1x512x64xf32> to vector<512x64xf32>
    %swap3A_181 = vector.shape_cast %slice3A_175 : vector<512x64xf32> to vector<1x512x64xf32>
    tpu.vector_store %arg7[%swap3A_176, %swap3A_177, %swap3A_178], %swap3A_181 {strides = array<i32>} : memref<16x512x128xf32, #tpu.memory_space<vmem>>, vector<1x512x64xf32>,
    %slice3A_182 = vector.extract_strided_slice %concatenate3A {offsets = [0, 640], sizes = [512, 64], strides = [1, 1]} : vector<512x1024xf32> to vector<512x64xf32>
    %swap3A_183 = arith.constant 10 : index
    %swap3A_184 = arith.constant 0 : index
    %swap3A_185 = arith.constant 64 : index
    %swap3A_186 = vector.load %arg7[%swap3A_183, %swap3A_184, %swap3A_185] : memref<16x512x128xf32, #tpu.memory_space<vmem>>, vector<1x512x64xf32>
    %swap3A_187 = vector.shape_cast %swap3A_186 : vector<1x512x64xf32> to vector<512x64xf32>
    %swap3A_188 = vector.shape_cast %slice3A_182 : vector<512x64xf32> to vector<1x512x64xf32>
    tpu.vector_store %arg7[%swap3A_183, %swap3A_184, %swap3A_185], %swap3A_188 {strides = array<i32>} : memref<16x512x128xf32, #tpu.memory_space<vmem>>, vector<1x512x64xf32>,
    %slice3A_189 = vector.extract_strided_slice %mul3A_19 {offsets = [0, 704], sizes = [512, 64], strides = [1, 1]} : vector<512x1024xf32> to vector<512x64xf32>
    %swap3A_190 = arith.constant 11 : index
    %swap3A_191 = arith.constant 0 : index
    %swap3A_192 = arith.constant 0 : index
    %swap3A_193 = vector.load %arg7[%swap3A_190, %swap3A_191, %swap3A_192] : memref<16x512x128xf32, #tpu.memory_space<vmem>>, vector<1x512x64xf32>
    %swap3A_194 = vector.shape_cast %swap3A_193 : vector<1x512x64xf32> to vector<512x64xf32>
    %swap3A_195 = vector.shape_cast %slice3A_189 : vector<512x64xf32> to vector<1x512x64xf32>
    tpu.vector_store %arg7[%swap3A_190, %swap3A_191, %swap3A_192], %swap3A_195 {strides = array<i32>} : memref<16x512x128xf32, #tpu.memory_space<vmem>>, vector<1x512x64xf32>,
    %slice3A_196 = vector.extract_strided_slice %concatenate3A {offsets = [0, 704], sizes = [512, 64], strides = [1, 1]} : vector<512x1024xf32> to vector<512x64xf32>
    %swap3A_197 = arith.constant 11 : index
    %swap3A_198 = arith.constant 0 : index
    %swap3A_199 = arith.constant 64 : index
    %swap3A_200 = vector.load %arg7[%swap3A_197, %swap3A_198, %swap3A_199] : memref<16x512x128xf32, #tpu.memory_space<vmem>>, vector<1x512x64xf32>
    %swap3A_201 = vector.shape_cast %swap3A_200 : vector<1x512x64xf32> to vector<512x64xf32>
    %swap3A_202 = vector.shape_cast %slice3A_196 : vector<512x64xf32> to vector<1x512x64xf32>
    tpu.vector_store %arg7[%swap3A_197, %swap3A_198, %swap3A_199], %swap3A_202 {strides = array<i32>} : memref<16x512x128xf32, #tpu.memory_space<vmem>>, vector<1x512x64xf32>,
    %slice3A_203 = vector.extract_strided_slice %mul3A_19 {offsets = [0, 768], sizes = [512, 64], strides = [1, 1]} : vector<512x1024xf32> to vector<512x64xf32>
    %swap3A_204 = arith.constant 12 : index
    %swap3A_205 = arith.constant 0 : index
    %swap3A_206 = arith.constant 0 : index
    %swap3A_207 = vector.load %arg7[%swap3A_204, %swap3A_205, %swap3A_206] : memref<16x512x128xf32, #tpu.memory_space<vmem>>, vector<1x512x64xf32>
    %swap3A_208 = vector.shape_cast %swap3A_207 : vector<1x512x64xf32> to vector<512x64xf32>
    %swap3A_209 = vector.shape_cast %slice3A_203 : vector<512x64xf32> to vector<1x512x64xf32>
    tpu.vector_store %arg7[%swap3A_204, %swap3A_205, %swap3A_206], %swap3A_209 {strides = array<i32>} : memref<16x512x128xf32, #tpu.memory_space<vmem>>, vector<1x512x64xf32>,
    %slice3A_210 = vector.extract_strided_slice %concatenate3A {offsets = [0, 768], sizes = [512, 64], strides = [1, 1]} : vector<512x1024xf32> to vector<512x64xf32>
    %swap3A_211 = arith.constant 12 : index
    %swap3A_212 = arith.constant 0 : index
    %swap3A_213 = arith.constant 64 : index
    %swap3A_214 = vector.load %arg7[%swap3A_211, %swap3A_212, %swap3A_213] : memref<16x512x128xf32, #tpu.memory_space<vmem>>, vector<1x512x64xf32>
    %swap3A_215 = vector.shape_cast %swap3A_214 : vector<1x512x64xf32> to vector<512x64xf32>
    %swap3A_216 = vector.shape_cast %slice3A_210 : vector<512x64xf32> to vector<1x512x64xf32>
    tpu.vector_store %arg7[%swap3A_211, %swap3A_212, %swap3A_213], %swap3A_216 {strides = array<i32>} : memref<16x512x128xf32, #tpu.memory_space<vmem>>, vector<1x512x64xf32>,
    %slice3A_217 = vector.extract_strided_slice %mul3A_19 {offsets = [0, 832], sizes = [512, 64], strides = [1, 1]} : vector<512x1024xf32> to vector<512x64xf32>
    %swap3A_218 = arith.constant 13 : index
    %swap3A_219 = arith.constant 0 : index
    %swap3A_220 = arith.constant 0 : index
    %swap3A_221 = vector.load %arg7[%swap3A_218, %swap3A_219, %swap3A_220] : memref<16x512x128xf32, #tpu.memory_space<vmem>>, vector<1x512x64xf32>
    %swap3A_222 = vector.shape_cast %swap3A_221 : vector<1x512x64xf32> to vector<512x64xf32>
    %swap3A_223 = vector.shape_cast %slice3A_217 : vector<512x64xf32> to vector<1x512x64xf32>
    tpu.vector_store %arg7[%swap3A_218, %swap3A_219, %swap3A_220], %swap3A_223 {strides = array<i32>} : memref<16x512x128xf32, #tpu.memory_space<vmem>>, vector<1x512x64xf32>,
    %slice3A_224 = vector.extract_strided_slice %concatenate3A {offsets = [0, 832], sizes = [512, 64], strides = [1, 1]} : vector<512x1024xf32> to vector<512x64xf32>
    %swap3A_225 = arith.constant 13 : index
    %swap3A_226 = arith.constant 0 : index
    %swap3A_227 = arith.constant 64 : index
    %swap3A_228 = vector.load %arg7[%swap3A_225, %swap3A_226, %swap3A_227] : memref<16x512x128xf32, #tpu.memory_space<vmem>>, vector<1x512x64xf32>
    %swap3A_229 = vector.shape_cast %swap3A_228 : vector<1x512x64xf32> to vector<512x64xf32>
    %swap3A_230 = vector.shape_cast %slice3A_224 : vector<512x64xf32> to vector<1x512x64xf32>
    tpu.vector_store %arg7[%swap3A_225, %swap3A_226, %swap3A_227], %swap3A_230 {strides = array<i32>} : memref<16x512x128xf32, #tpu.memory_space<vmem>>, vector<1x512x64xf32>,
    %slice3A_231 = vector.extract_strided_slice %mul3A_19 {offsets = [0, 896], sizes = [512, 64], strides = [1, 1]} : vector<512x1024xf32> to vector<512x64xf32>
    %swap3A_232 = arith.constant 14 : index
    %swap3A_233 = arith.constant 0 : index
    %swap3A_234 = arith.constant 0 : index
    %swap3A_235 = vector.load %arg7[%swap3A_232, %swap3A_233, %swap3A_234] : memref<16x512x128xf32, #tpu.memory_space<vmem>>, vector<1x512x64xf32>
    %swap3A_236 = vector.shape_cast %swap3A_235 : vector<1x512x64xf32> to vector<512x64xf32>
    %swap3A_237 = vector.shape_cast %slice3A_231 : vector<512x64xf32> to vector<1x512x64xf32>
    tpu.vector_store %arg7[%swap3A_232, %swap3A_233, %swap3A_234], %swap3A_237 {strides = array<i32>} : memref<16x512x128xf32, #tpu.memory_space<vmem>>, vector<1x512x64xf32>,
    %slice3A_238 = vector.extract_strided_slice %concatenate3A {offsets = [0, 896], sizes = [512, 64], strides = [1, 1]} : vector<512x1024xf32> to vector<512x64xf32>
    %swap3A_239 = arith.constant 14 : index
    %swap3A_240 = arith.constant 0 : index
    %swap3A_241 = arith.constant 64 : index
    %swap3A_242 = vector.load %arg7[%swap3A_239, %swap3A_240, %swap3A_241] : memref<16x512x128xf32, #tpu.memory_space<vmem>>, vector<1x512x64xf32>
    %swap3A_243 = vector.shape_cast %swap3A_242 : vector<1x512x64xf32> to vector<512x64xf32>
    %swap3A_244 = vector.shape_cast %slice3A_238 : vector<512x64xf32> to vector<1x512x64xf32>
    tpu.vector_store %arg7[%swap3A_239, %swap3A_240, %swap3A_241], %swap3A_244 {strides = array<i32>} : memref<16x512x128xf32, #tpu.memory_space<vmem>>, vector<1x512x64xf32>,
    %slice3A_245 = vector.extract_strided_slice %mul3A_19 {offsets = [0, 960], sizes = [512, 64], strides = [1, 1]} : vector<512x1024xf32> to vector<512x64xf32>
    %swap3A_246 = arith.constant 15 : index
    %swap3A_247 = arith.constant 0 : index
    %swap3A_248 = arith.constant 0 : index
    %swap3A_249 = vector.load %arg7[%swap3A_246, %swap3A_247, %swap3A_248] : memref<16x512x128xf32, #tpu.memory_space<vmem>>, vector<1x512x64xf32>
    %swap3A_250 = vector.shape_cast %swap3A_249 : vector<1x512x64xf32> to vector<512x64xf32>
    %swap3A_251 = vector.shape_cast %slice3A_245 : vector<512x64xf32> to vector<1x512x64xf32>
    tpu.vector_store %arg7[%swap3A_246, %swap3A_247, %swap3A_248], %swap3A_251 {strides = array<i32>} : memref<16x512x128xf32, #tpu.memory_space<vmem>>, vector<1x512x64xf32>,
    %slice3A_252 = vector.extract_strided_slice %concatenate3A {offsets = [0, 960], sizes = [512, 64], strides = [1, 1]} : vector<512x1024xf32> to vector<512x64xf32>
    %swap3A_253 = arith.constant 15 : index
    %swap3A_254 = arith.constant 0 : index
    %swap3A_255 = arith.constant 64 : index
    %swap3A_256 = vector.load %arg7[%swap3A_253, %swap3A_254, %swap3A_255] : memref<16x512x128xf32, #tpu.memory_space<vmem>>, vector<1x512x64xf32>
    %swap3A_257 = vector.shape_cast %swap3A_256 : vector<1x512x64xf32> to vector<512x64xf32>
    %swap3A_258 = vector.shape_cast %slice3A_252 : vector<512x64xf32> to vector<1x512x64xf32>
    tpu.vector_store %arg7[%swap3A_253, %swap3A_254, %swap3A_255], %swap3A_258 {strides = array<i32>} : memref<16x512x128xf32, #tpu.memory_space<vmem>>, vector<1x512x64xf32>,
    return
  }
  func.func @transform_0(%arg0: i32) -> (i32, i32, i32) {
    %c0_i32 = arith.constant 0 : i32
    %c0_i32_0 = arith.constant 0 : i32
    %c0_i32_1 = arith.constant 0 : i32
    return %arg0, %c0_i32, %c0_i32_0 : i32, i32, i32
  }
  func.func @transform_1(%arg0: i32) -> (i32, i32, i32) {
    %add3A = arith.constant 1 : i32
    %add3A_0 = arith.addi %arg0, %add3A : i32
    %min3A = arith.constant 15 : i32
    %min3A_1 = arith.minsi %add3A_0, %min3A : i32
    %mul3A = arith.constant 64 : i32
    %mul3A_2 = arith.muli %min3A_1, %mul3A : i32
    %c0_i32 = arith.constant 0 : i32
    %c0_i32_3 = arith.constant 0 : i32
    %c0_i32_4 = arith.constant 0 : i32
    return %mul3A_2, %c0_i32, %c0_i32_3 : i32, i32, i32
  }
  func.func @transform_2(%arg0: i32) -> (i32, i32) {
    %c0_i32 = arith.constant 0 : i32
    %c0_i32_0 = arith.constant 0 : i32
    %c0_i32_1 = arith.constant 0 : i32
    return %c0_i32, %c0_i32_0 : i32, i32
  }
  func.func @transform_3(%arg0: i32) -> (i32, i32) {
    %c0_i32 = arith.constant 0 : i32
    %c0_i32_0 = arith.constant 0 : i32
    %c0_i32_1 = arith.constant 0 : i32
    return %c0_i32, %c0_i32_0 : i32, i32
  }
  func.func @transform_4(%arg0: i32) -> (i32, i32) {
    %c0_i32 = arith.constant 0 : i32
    %c0_i32_0 = arith.constant 0 : i32
    return %arg0, %c0_i32 : i32, i32
  }
  func.func @transform_5(%arg0: i32) -> (i32, i32) {
    %add3A = arith.constant 1 : i32
    %add3A_0 = arith.addi %arg0, %add3A : i32
    %min3A = arith.constant 15 : i32
    %min3A_1 = arith.minsi %add3A_0, %min3A : i32
    %mul3A = arith.constant 64 : i32
    %mul3A_2 = arith.muli %min3A_1, %mul3A : i32
    %c0_i32 = arith.constant 0 : i32
    %c0_i32_3 = arith.constant 0 : i32
    return %mul3A_2, %c0_i32 : i32, i32
  }
  func.func @transform_6(%arg0: i32) -> (i32, i32, i32) {
    %c0_i32 = arith.constant 0 : i32
    %c0_i32_0 = arith.constant 0 : i32
    %c0_i32_1 = arith.constant 0 : i32
    return %c0_i32, %arg0, %c0_i32_0 : i32, i32, i32
  }
}

module attributes {stable_mosaic.version = 14 : i64} {
  func.func @_outproj3d_kernel(%arg0: i32, %arg1: memref<512x1024xf32, #tpu.memory_space<vmem>>, %arg2: memref<1024x1024xf32, #tpu.memory_space<vmem>>, %arg3: memref<1x1024xf32, #tpu.memory_space<vmem>>, %arg4: memref<128x4x1024xf32, #tpu.memory_space<vmem>>) attributes {dimension_semantics = [#tpu.dimension_semantics<arbitrary>], iteration_bounds = array<i64: 16>, scalar_prefetch = 0 : i64, scratch_operands = 0 : i64, tpu.core_type = #tpu.core_type<tc>, window_params = [{transform_indices = @transform_0, window_bounds = array<i64: 512, 1024>}, {pipeline_mode = #tpu.pipeline_mode<synchronous>, transform_indices = @transform_1, window_bounds = array<i64: 1024, 1024>}, {pipeline_mode = #tpu.pipeline_mode<synchronous>, transform_indices = @transform_2, window_bounds = array<i64: 1, 1024>}, {transform_indices = @transform_3, window_bounds = array<i64: 128, 4, 1024>}]} {
    %get3A = arith.constant 0 : index
    %get3A_0 = arith.constant 0 : index
    %get3A_1 = vector.load %arg1[%get3A, %get3A_0] : memref<512x1024xf32, #tpu.memory_space<vmem>>, vector<512x1024xf32>
    %get3A_2 = arith.constant 0 : index
    %get3A_3 = arith.constant 0 : index
    %get3A_4 = vector.load %arg2[%get3A_2, %get3A_3] : memref<1024x1024xf32, #tpu.memory_space<vmem>>, vector<1024x1024xf32>
    %dot_general3A = arith.constant dense<0.000000e+00> : vector<512x1024xf32>
    %dot_general3A_5 = tpu.matmul %get3A_1, %get3A_4, %dot_general3A {dimension_numbers = #tpu.dot_dimension_numbers<[1], [1], [0], [0], [0, 0, 1, 0], [], []>, transpose_lhs_hint = false} : vector<512x1024xf32>, vector<1024x1024xf32>, vector<512x1024xf32> -> vector<512x1024xf32>
    %get3A_6 = arith.constant 0 : index
    %get3A_7 = arith.constant 0 : index
    %get3A_8 = vector.load %arg3[%get3A_6, %get3A_7] : memref<1x1024xf32, #tpu.memory_space<vmem>>, vector<1x1024xf32>
    %add3A = vector.broadcast %get3A_8 : vector<1x1024xf32> to vector<512x1024xf32>
    %add3A_9 = arith.addf %dot_general3A_5, %add3A : vector<512x1024xf32>
    %reshape3A = vector.shape_cast %add3A_9 : vector<512x1024xf32> to vector<128x4x1024xf32>
    %swap3A = arith.constant 0 : index
    %swap3A_10 = arith.constant 0 : index
    %swap3A_11 = arith.constant 0 : index
    %swap3A_12 = vector.load %arg4[%swap3A, %swap3A_10, %swap3A_11] : memref<128x4x1024xf32, #tpu.memory_space<vmem>>, vector<128x4x1024xf32>
    tpu.vector_store %arg4[%swap3A, %swap3A_10, %swap3A_11], %reshape3A {strides = array<i32>} : memref<128x4x1024xf32, #tpu.memory_space<vmem>>, vector<128x4x1024xf32>,
    return
  }
  func.func @transform_0(%arg0: i32) -> (i32, i32) {
    %c0_i32 = arith.constant 0 : i32
    %c0_i32_0 = arith.constant 0 : i32
    return %arg0, %c0_i32 : i32, i32
  }
  func.func @transform_1(%arg0: i32) -> (i32, i32) {
    %c0_i32 = arith.constant 0 : i32
    %c0_i32_0 = arith.constant 0 : i32
    %c0_i32_1 = arith.constant 0 : i32
    return %c0_i32, %c0_i32_0 : i32, i32
  }
  func.func @transform_2(%arg0: i32) -> (i32, i32) {
    %c0_i32 = arith.constant 0 : i32
    %c0_i32_0 = arith.constant 0 : i32
    %c0_i32_1 = arith.constant 0 : i32
    return %c0_i32, %c0_i32_0 : i32, i32
  }
  func.func @transform_3(%arg0: i32) -> (i32, i32, i32) {
    %c0_i32 = arith.constant 0 : i32
    %c0_i32_0 = arith.constant 0 : i32
    %c0_i32_1 = arith.constant 0 : i32
    return %arg0, %c0_i32, %c0_i32_0 : i32, i32, i32
  }
}

</mosaic_0001>

<sc_bundles>
// kernel: kernel.6.cloned.1.call-start
scs
__scs_entry_jumppad:
0x0: {  	(pc) =	sbr.rel $0x88, $3  }
0x1: {  	(tag) =	ssettag $0x0;
	lr =	simm.s32 $0x1  }
0x2: {  	[smem:$0x3F95] =	sst lr;
	_ =	strace $0xD0000000  }
0x3: {  	_ = 	snop  }
0x4: {  	_ = 	snop  }
0x5: {  	_ = 	snop  }
0x6: {  	_ = 	snop  }
0x7: {  	_ = 	snop  }
__scs_overlays_trampoline_lowered:
0x8: {  	[smem:$0x3FA4] =	sst s0  }
0x9: {  	[smem:$0x3FA5] =	sst s1  }
0xa: {  	[smem:$0x3FA6] =	sst s2  }
0xb: {  	[smem:$0x3FA7] =	sst s3  }
0xc: {  	[smem:$0x3FA8] =	sst s4  }
0xd: {  	[smem:$0x3FA9] =	sst s5  }
0xe: {  	[smem:$0x3FAA] =	sst s6  }
0xf: {  	[smem:$0x3FAB] =	sst s7  }
0x10: {  	[smem:$0x3FAC] =	sst s8  }
0x11: {  	[smem:$0x3FAD] =	sst s9;
	s0 =	simm.s32 @!p0 $0x0  }
0x12: {  	s1 =	sld [smem:$0x3F93];
	s0 =	simm.s32 @p0 $0x1  }
0x13: {  	[smem:$0x3FAE] =	sst s0;
	s0 =	simm.s32 @!p1 $0x0  }
0x14: {  	s2 =	sld [smem:$0x3F92];
	s0 =	simm.s32 @p1 $0x1  }
0x15: {  	[smem:$0x3FAF] =	sst s0;
	s0 =	simm.s32 @!p2 $0x0  }
0x16: {  	s3 =	sld [smem:$0x3FDB];
	s0 =	simm.s32 @p2 $0x1  }
0x17: {  	s4 =	simm.s32 $0x1BF5;
	[smem:$0x3FB1] =	sst s0  }
0x18: {  	s0 =	sld [smem:$0x3F94];
	_ =	swait.ge [sflag:s4], $0x0  }
0x19: {  	s7 =	sld [smem:$0x3F95]  }
0x1a: {  	s8 =	sadd.s32 $0xFFFFE003, lr  }
0x1b: {  	s9 =	sadd.s32 $0xFFFFFEF7, lr;
	s5 =	simm.s32 $0xFFFFFFFF;
	p2 =	slt.u32 s8, $0xFFFFF086  }
0x1c: {  	p1 =	slt.u32 s9, $0xF7A;
	s5 =	simm.s32 @!p2 $0x0  }
0x1d: {  	s5 =	simm.s32 @p1 $0x1;
	p0 =	seq.s32 s7, s2  }
0x1e: {  	s7 =	smul.u32 @!p0 $0xF7A, s2;
	p2 =	seq.s32 @!p0 s5, $0x0  }
0x1f: {  	s9 =	smul.u32 $0xF7A, s1;
	s8 =	simm.s32 @!p0 $0x1BF5;
	p2 =	por !p2, p0  }
0x20: {  	[sflag:s8] =	ssyncset.s32 @!p0 $0xFFFFF086;
	s6 =	sadd.s32 @!p0 s3, s7;
	s7 =	simm.s32 @!p0 $0x108  }
0x21: {  	s3 =	sadd.s32 s3, s9;
	s6 =	sadd.s32 @!p0 $0x88, s6;
	s7 =	simm.s32 @p2 $0x1082  }
0x22: {  	[simem:s7], [sflag:s8] =	dma.local @!p0 [hbm:s6], $0xF7A  }
0x23: {  	s9 =	sor.u32 $0xD0000000, s2;
	s6 =	simm.s32 $0x108;
	_ =	swait.ge @!p0 [sflag:s8], $0x0  }
0x24: {  	s3 =	sadd.s32 $0x88, s3;
	s6 =	simm.s32 @!p1 $0x1082;
	[sflag:s4] =	ssyncset.s32 $0xFFFFF086  }
0x25: {  	[simem:s6], [sflag:s4] =	dma.local [hbm:s3], $0xF7A  }
0x26: {  	[smem:$0x3F95] =	sst s1;
	(tag) =	ssettag s2;
	_ =	strace s9  }
0x27: {  	s1 =	sld [smem:$0x3FA5]  }
0x28: {  	s2 =	sld [smem:$0x3FA6]  }
0x29: {  	s4 =	sld [smem:$0x3FA8]  }
0x2a: {  	p0 =	seq.s32 s5, $0x0;
	s5 =	sld [smem:$0x3FA9]  }
0x2b: {  	s6 =	sld [smem:$0x3FAA]  }
0x2c: {  	s7 =	sld [smem:$0x3FAB]  }
0x2d: {  	s3 =	simm.s32 $0x108;
	s8 =	sld [smem:$0x3FAC]  }
0x2e: {  	s3 =	simm.s32 @!p0 $0x1082;
	s9 =	sld [smem:$0x3FAD]  }
0x2f: {  	lr =	sadd.s32 s0, s3;
	s0 =	sld [smem:$0x3FA4]  }
0x30: {  	s3 =	sld [smem:$0x3FA7]  }
0x31: {  	[smem:$0x3FB0] =	sst s10  }
0x32: {  	s10 =	sld [smem:$0x3FAE];
	_ =	sdelay $0x3  }
0x33: {  	p0 =	seq.s32 s10, $0x1;
	s10 =	sld [smem:$0x3FB0];
	_ =	sdelay $0x3  }
0x34: {  	[smem:$0x3FB0] =	sst s10  }
0x35: {  	s10 =	sld [smem:$0x3FAF];
	_ =	sdelay $0x3  }
0x36: {  	p1 =	seq.s32 s10, $0x1;
	s10 =	sld [smem:$0x3FB0];
	_ =	sdelay $0x3  }
0x37: {  	[smem:$0x3FB0] =	sst s10  }
0x38: {  	s10 =	sld [smem:$0x3FB1]  }
0x39: {  	_ = 	snop;
	(pc) =	sbr.ind lr, $3  }
0x3a: {  	_ = 	snop  }
0x3b: {  	_ = 	snop  }
0x3c: {  	p2 =	seq.s32 s10, $0x1;
	s10 =	sld [smem:$0x3FB0]  }
0x3d: {  	_ =	shalt  }
0x3e: {  	_ =	shalt  }
0x3f: {  	_ =	shalt  }
0x40: {  	_ =	shalt  }
0x41: {  	_ =	shalt  }
0x42: {  	_ =	shalt  }
0x43: {  	_ =	shalt  }
0x44: {  	_ =	shalt  }
0x45: {  	_ =	shalt  }
0x46: {  	_ =	shalt  }
0x47: {  	_ =	shalt  }
0x48: {  	_ =	shalt  }
0x49: {  	_ =	shalt  }
0x4a: {  	_ =	shalt  }
0x4b: {  	_ =	shalt  }
0x4c: {  	_ =	shalt  }
0x4d: {  	_ =	shalt  }
0x4e: {  	_ =	shalt  }
0x4f: {  	_ =	shalt  }
0x50: {  	_ =	shalt  }
0x51: {  	_ =	shalt  }
0x52: {  	_ =	shalt  }
0x53: {  	_ =	shalt  }
0x54: {  	_ =	shalt  }
0x55: {  	_ =	shalt  }
0x56: {  	_ =	shalt  }
0x57: {  	_ =	shalt  }
0x58: {  	_ =	shalt  }
0x59: {  	_ =	shalt  }
0x5a: {  	_ =	shalt  }
0x5b: {  	_ =	shalt  }
0x5c: {  	_ =	shalt  }
0x5d: {  	_ =	shalt  }
0x5e: {  	_ =	shalt  }
0x5f: {  	_ =	shalt  }
0x60: {  	_ =	shalt  }
0x61: {  	_ =	shalt  }
0x62: {  	_ =	shalt  }
0x63: {  	_ =	shalt  }
0x64: {  	_ =	shalt  }
0x65: {  	_ =	shalt  }
0x66: {  	_ =	shalt  }
0x67: {  	_ =	shalt  }
0x68: {  	_ =	shalt  }
0x69: {  	_ =	shalt  }
0x6a: {  	_ =	shalt  }
0x6b: {  	_ =	shalt  }
0x6c: {  	_ =	shalt  }
0x6d: {  	_ =	shalt  }
0x6e: {  	_ =	shalt  }
0x6f: {  	_ =	shalt  }
0x70: {  	_ =	shalt  }
0x71: {  	_ =	shalt  }
0x72: {  	_ =	shalt  }
0x73: {  	_ =	shalt  }
0x74: {  	_ =	shalt  }
0x75: {  	_ =	shalt  }
0x76: {  	_ =	shalt  }
0x77: {  	_ =	shalt  }
0x78: {  	_ =	shalt  }
0x79: {  	_ =	shalt  }
0x7a: {  	_ =	shalt  }
0x7b: {  	_ =	shalt  }
0x7c: {  	_ =	shalt  }
0x7d: {  	_ =	shalt  }
0x7e: {  	_ =	shalt  }
0x7f: {  	_ =	shalt  }
0x80: {  	_ =	shalt  }
0x81: {  	_ =	shalt  }
0x82: {  	_ =	shalt  }
0x83: {  	_ =	shalt  }
0x84: {  	_ =	shalt  }
0x85: {  	_ =	shalt  }
0x86: {  	_ =	shalt  }
0x87: {  	_ =	shalt  }
.Lfunc_end0:
.L_simem_size_0:
called_computation_lowered:
.L_overlay_start_0:
0x88: {  	s2 =	sld [smem:$0x3FD9]  }
0x89: {  	s3 =	sld [smem:$0x3FFE];
	_ =	sdelay $0x1  }
0x8a: {  	s1 =	srdreg.scid  }
0x8b: {  	s0 =	sand.u32 $0x1, s1  }
0x8c: {  	s17 =	sshll.u32 s0, $0xA;
	s2 =	sadd.s32 s3, s2  }
0x8d: {  	s2 =	sadd.s32 s2, s17  }
0x8e: {  	[smem:$0x3FBC] =	sst s2  }
0x8f: {  	_ = 	snop  }
0x90: {  	s2 =	sld [smem:$0x3FD0];
	(tm) =	ssettm $0x1  }
0x91: {  	s18 =	sld [smem:$0x3FFB];
	_ =	sdelay $0x3  }
0x92: {  	_ =	strace s18  }
0x93: {  	s3 =	sld [smem:$0x3FFC];
	_ =	sdelay $0x3  }
0x94: {  	_ =	strace s3  }
0x95: {  	s3 =	sld [smem:$0x3FFD];
	_ =	sdelay $0x3  }
0x96: {  	_ =	strace s3  }
0x97: {  	_ =	strace $0x8FFFFFFF  }
0x98: {  	s19 =	sld [smem:$0x3FDB];
	_ =	sdelay $0x1  }
0x99: {  	s4 =	simm.s32 $_scs_section_size  }
0x9a: {  	s5 =	simm.s32 $_size__tile_overlayer_lowered;
	s6 =	simm.s32 $_tile_overlayer_lowered  }
0x9b: {  	s22 =	simm.s32 $0x1BFF;
	s21 =	sshll.u32 s6, $0x1;
	s3 =	sadd.s32 s4, s19  }
0x9c: {  	s7 =	simm.s32 $0x0;
	s20 =	sshll.u32 s5, $0x1;
	s5 =	sadd.s32 s21, s3  }
0x9d: {  	[timem:s7], [sflag:s22] =	dma.local [hbm:s5], s20  }
0x9e: {  	_ =	swait.ge [sflag:s22], s20  }
0x9f: {  	s4 =	ssub.s32 $0x0, s20;
	[sflag:s22] =	ssyncset.done $0x0  }
0xa0: {  	[sflag:s22] =	ssyncadd.s32 s4;
	_ =	sdelay $0x1  }
0xa1: {  	s23 =	simm.s32 $0x1B8B  }
0xa2: {  	_ =	swait.ge [sflag:s23], $0x1  }
0xa3: {  	[sflag:s23] =	ssyncset.done $0x0  }
0xa4: {  	s25 =	simm.s32 $0x1B8E;
	s24 =	sld [smem:$0x3FFE];
	[sflag:s23] =	ssyncadd.s32 $0xFFFFFFFF  }
0xa5: {  	s26 =	simm.s32 $execute0_lowered;
	[smem:$0x3FD2] =	sst s25  }
0xa6: {  	s5 =	sshll.u32 s26, $0x1;
	_ =	strace $0x80000046;
	[dreg:$0x1] =	wrdreg $0xFFFFFFFF  }
0xa7: {  	s28 =	simm.s32 $_size_execute0_lowered;
	s3 =	sadd.s32 s3, s5;
	[dreg:$0x0] =	wrdreg $0x0  }
0xa8: {  	s5 =	sshll.u32 s28, $0x1;
	[dreg:$0x2] =	wrdreg s3  }
0xa9: {  	[dreg:$0x3] =	wrdreg s5  }
0xaa: {  	[dreg:$0x4] =	wrdreg $0xC0  }
0xab: {  	_ =	task [dreg:s7], $0x5FFFF  }
0xac: {  	[dreg:$0x1] =	wrdreg $0xFFFFFFFF  }
0xad: {  	[dreg:$0x0] =	wrdreg $0x60  }
0xae: {  	[dreg:$0x2] =	wrdreg s24  }
0xaf: {  	[dreg:$0x3] =	wrdreg s2  }
0xb0: {  	[dreg:$0x4] =	wrdreg $0x9  }
0xb1: {  	_ =	task.clear_ibuf [dreg:s7], $0x5FFFF;
	_ =	strace $0x90000046  }
0xb2: {  	s29 =	simm.s32 $0x9;
	_ =	strace $0x80000048  }
0xb3: {  	_ =	swait.ge [sflag:s29], $0x1  }
0xb4: {  	[sflag:s29] =	ssyncadd.s32 $0xFFFFFFFF  }
0xb5: {  	_ =	strace $0x90000048  }
0xb6: {  	_ =	sfence  }
0xb7: {  	s30 =	sld [smem:$0x0];
	_ =	sdelay $0x2  }
0xb8: {  	s31 =	sshll.u32 s1, $0xD;
	s1 =	sshrl.u32 s1, $0x2  }
0xb9: {  	s3 =	sand.u32 $0x4000, s31;
	s1 =	sadd.s32 s1, s30  }
0xba: {  	s0 =	sor.u32 s3, s0;
	s1 =	sshll.u32 s1, $0x11  }
0xbb: {  	s0 =	sor.u32 s1, s0  }
0xbc: {  	s0 =	sadd.s32 $0x8F2B, s0  }
0xbd: {  	[sflag:s0] =	ssyncadd.remote.s32 $0x1  }
0xbe: {  	_ =	sfence.sel $0xFFFF  }
0xbf: {  	[dreg:$0x0] =	wrdreg $0xFFFFFFFF;
	(pc) =	sbr.abs _section_cstart, $3  }
0xc0: {  	[dreg:$0x1] =	wrdreg $0xFFFFFFFF  }
0xc1: {  	_ =	task.clear_ibuf [dreg:s7], $0x2FFFF;
	_ =	strace $0x9FFFFFFF  }
0xc2: {  	(tm) =	ssettm $0x7FFFFFFF  }
0xc3: {  	_ =	shalt  }
tec
execute0_lowered:
.L_overlay_start_1:
0x0: {  	(tag) =	ssettag $0x1  }
0x1: {  	s0 =	rddreg [dreg:$0x0]  }
0x2: {  	s1 =	rddreg [dreg:$0x1];
	s2 =	simm.s32 $0x0  }
0x3: {  	s3 =	srdreg.scid;
	s6 =	stileid.u32;
	s17 =	simm.s32 $0x400  }
0x4: {  	s28 =	simm.s32 $0x4;
	s29 =	simm.s32 $0x11800;
	s30 =	simm.s32 $0x6  }
0x5: {  	s31 =	simm.s32 $0x3;
	[smem:$0x7FF] =	sst s2;
	s4 =	sand.u32 $0x1, s3  }
0x6: {  	s3 =	sadd.s32 $0x21A00, s0;
	s6 =	sshll.u32 s6, $0x1;
	s7 =	sadd.s32 $0x1A00, s0  }
0x7: {  	_ =	strace $0x80000047;
	s5 =	ssub.s32 $0x2, s4;
	s6 =	sor.u32 s4, s6  }
0x8: {  	s4 =	sadd.s32 $0x221A00, s0;
	s8 =	sshrl.u32 s5, $0x1;
	s21 =	sshll.u32 s6, $0xC  }
0x9: {  	s5 =	ssub.s32 s5, s8;
	s9 =	sadd.s32 s1, s21;
	s11 =	sadd.s32 s7, s21  }
0xa: {  	s22 =	sor.u32 $0x40, s21;
	s23 =	sor.u32 $0xC0, s21;
	s24 =	sor.u32 $0x80, s21  }
0xb: {  	s8 =	simm.s32 $0x0;
	[dreg:$0x3] =	wrdreg s9;
	s10 =	sadd.s32 s1, s22  }
0xc: {  	s9 =	sadd.s32 s7, s22;
	s5 =	smax.u32 s5, $0x1;
	s12 =	sadd.s32 s1, s24  }
0xd: {  	s13 =	sadd.s32 s7, s24;
	s14 =	sadd.s32 s1, s23;
	[dreg:$0x4] =	wrdreg s11  }
0xe: {  	s15 =	sadd.s32 s7, s23;
	s25 =	sadd.s32 $0x10, s11;
	[dreg:$0x5] =	wrdreg s10  }
.Ltmp0:
0xf: {  	s26 =	sadd.s32 $0x20, s11;
	[dreg:$0x6] =	wrdreg s9;
	(pc) =	sbr.rel .LBB2_1-.Ltmp0, $4  }
0x10: {  	s23 =	simm.s32 $0x40;
	s7 =	simm.s32 $0x2;
	[dreg:$0x7] =	wrdreg s5  }
0x11: {  	s24 =	simm.s32 $0xE800;
	s9 =	sshll.u32 s6, $0xF;
	[dreg:$0x8] =	wrdreg s25  }
0x12: {  	s10 =	sadd.s32 $0x221A40, s0;
	[dreg:$0x9] =	wrdreg s26;
	s0 =	simm.s32 $0x200  }
0x13: {  	s5 =	simm.s32 $0x5;
	s25 =	simm.s32 $0x10800;
	s26 =	simm.s32 $0x1  }
.LBB2_15:
0x14: {  	_ =	swait.ge [sflag:s30], $0x1000  }
0x15: {  	[sflag:s30] =	ssyncset.done $0x0  }
0x16: {  	s6 =	simm.s32 $0x7;
	[sflag:s30] =	ssyncadd.s32 $0xFFFFF000  }
0x17: {  	_ =	swait.ge [sflag:s6], $0x1000  }
0x18: {  	s8 =	rddreg [dreg:$0xa]  }
0x19: {  	s1 =	rddreg [dreg:$0x7];
	s8 =	sadd.s32 $0x1, s8  }
0x1a: {  	p0 =	sne.s32 s8, s1  }
.Ltmp1:
0x1b: {  	_ = 	snop;
	(pc) =	sbr.rel @!p0 .LBB2_16-.Ltmp1, $3  }
0x1c: {  	_ =	sdelay $0x1  }
0x1d: {  	[sflag:s6] =	ssyncset.done $0x0  }
0x1e: {  	[sflag:s6] =	ssyncadd.s32 $0xFFFFF000  }
.LBB2_1:
0x1f: {  	[dreg:$0xa] =	wrdreg s8  }
0x20: {  	s1 =	rddreg [dreg:$0x3];
	s6 =	simm.s32 $0x8  }
0x21: {  	[tilespmem:s2], [sflag:$0x8] =	stream.linear.gather [hbm4b:s1+s2], $0x200, $0x38;
	[tilespmem:$0x12800] =	vst v63  }
0x22: {  	_ =	swait.ge [sflag:s6], $0x200  }
0x23: {  	[sflag:s6] =	ssyncset.done $0x0  }
0x24: {  	s18 =	rddreg [dreg:$0x4];
	[sflag:s6] =	ssyncadd.s32 $0xFFFFFE00  }
0x25: {  	[tilespmem:s17], [sflag:$0x8] =	stream.linear.gather [hbm4b:s18+s2], $0x80, $0x38;
	[tilespmem:$0x12800] =	vst v63  }
0x26: {  	s11 =	simm.s32 $0x500;
	s19 =	rddreg [dreg:$0x8]  }
0x27: {  	[tilespmem:s11], [sflag:$0x8] =	stream.linear.gather [hbm4b:s19+s2], $0x80, $0x38;
	[tilespmem:$0x12800] =	vst v63  }
0x28: {  	s21 =	simm.s32 $0x600;
	s20 =	rddreg [dreg:$0x9]  }
0x29: {  	[tilespmem:s21], [sflag:$0x8] =	stream.linear.gather [hbm4b:s20+s2], $0x80, $0x38;
	[tilespmem:$0x12800] =	vst v63  }
0x2a: {  	s22 =	simm.s32 $0x700;
	s1 =	sadd.s32 $0x30, s18  }
0x2b: {  	[tilespmem:s22], [sflag:$0x8] =	stream.linear.gather [hbm4b:s1+s2], $0x80, $0x38;
	[tilespmem:$0x12800] =	vst v63  }
0x2c: {  	_ =	swait.ge [sflag:s6], $0x200  }
0x2d: {  	[sflag:s6] =	ssyncset.done $0x0  }
0x2e: {  	[sflag:s6] =	ssyncadd.s32 $0xFFFFFE00;
	s6 =	simm.s32 $0x800  }
0x2f: {  	[tilespmem:s6], [sflag:$0x5] =	stream.indirect.gather [hbm4b:s3+s23], $0x80, s2, s23, $0xb8;
	[tilespmem:$0x12800] =	vst v63  }
0x30: {  	s8 =	simm.s32 $0x80;
	s11 =	simm.s32 $0x2800  }
0x31: {  	[tilespmem:s11], [sflag:$0x5] =	stream.indirect.gather [hbm4b:s3+s23], $0x80, s8, s23, $0xb8;
	[tilespmem:$0x12800] =	vst v63  }
0x32: {  	s16 =	simm.s32 $0x100;
	s18 =	simm.s32 $0x4800  }
0x33: {  	[tilespmem:s18], [sflag:$0x5] =	stream.indirect.gather [hbm4b:s3+s23], $0x80, s16, s23, $0xb8;
	[tilespmem:$0x12800] =	vst v63  }
0x34: {  	s19 =	simm.s32 $0x180;
	s20 =	simm.s32 $0x6800  }
0x35: {  	[tilespmem:s20], [sflag:$0x5] =	stream.indirect.gather [hbm4b:s3+s23], $0x80, s19, s23, $0xb8;
	[tilespmem:$0x12800] =	vst v63  }
0x36: {  	s21 =	rddreg [dreg:$0x5]  }
0x37: {  	[tilespmem:s0], [sflag:$0x2] =	stream.linear.gather [hbm4b:s21+s2], $0x200, $0x38;
	[tilespmem:$0x12800] =	vst v63  }
0x38: {  	s22 =	rddreg [dreg:$0x6];
	s11 =	simm.s32 $0x480  }
0x39: {  	[tilespmem:s11], [sflag:$0x4] =	stream.linear.gather [hbm4b:s22+s2], $0x80, $0x38;
	[tilespmem:$0x12800] =	vst v63  }
0x3a: {  	s16 =	sadd.s32 $0x10, s22;
	s18 =	simm.s32 $0x580  }
0x3b: {  	[tilespmem:s18], [sflag:$0x4] =	stream.linear.gather [hbm4b:s16+s2], $0x80, $0x38;
	[tilespmem:$0x12800] =	vst v63  }
0x3c: {  	s19 =	sadd.s32 $0x20, s22;
	s20 =	simm.s32 $0x680  }
0x3d: {  	[tilespmem:s20], [sflag:$0x4] =	stream.linear.gather [hbm4b:s19+s2], $0x80, $0x38;
	[tilespmem:$0x12800] =	vst v63  }
0x3e: {  	s1 =	simm.s32 $0x0;
	s21 =	sadd.s32 $0x30, s22;
	s22 =	simm.s32 $0x780  }
0x3f: {  	[tilespmem:s22], [sflag:$0x4] =	stream.linear.gather [hbm4b:s21+s2], $0x80, $0x38;
	[tilespmem:$0x12800] =	vst v63  }
.LBB2_2:
0x40: {  	_ =	swait.ge [sflag:s5], $0x2000  }
0x41: {  	[sflag:s5] =	ssyncset.done $0x0  }
0x42: {  	[sflag:s5] =	ssyncadd.s32 $0xFFFFE000  }
0x43: {  	_ =	swait.ge [sflag:s5], $0x2000  }
0x44: {  	[sflag:s5] =	ssyncset.done $0x0  }
0x45: {  	[sflag:s5] =	ssyncadd.s32 $0xFFFFE000  }
0x46: {  	_ =	swait.ge [sflag:s5], $0x2000  }
0x47: {  	[sflag:s5] =	ssyncset.done $0x0  }
0x48: {  	[sflag:s5] =	ssyncadd.s32 $0xFFFFE000  }
0x49: {  	_ =	swait.ge [sflag:s5], $0x2000  }
0x4a: {  	[sflag:s5] =	ssyncset.done $0x0  }
0x4b: {  	[sflag:s5] =	ssyncadd.s32 $0xFFFFE000  }
0x4c: {  	_ =	swait.ge [sflag:s7], $0x200  }
0x4d: {  	[sflag:s7] =	ssyncset.done $0x0  }
0x4e: {  	s6 =	simm.s32 $0x8800;
	p0 =	seq.s32 s1, $0x1F;
	[sflag:s7] =	ssyncadd.s32 $0xFFFFFE00  }
0x4f: {  	[tilespmem:s6], [sflag:$0x5] =	stream.indirect.gather [hbm4b:s3+s23], $0x80, s0, s23, $0xb8;
	[tilespmem:$0x12800] =	vst v63  }
0x50: {  	s19 =	simm.s32 $0x280;
	s8 =	simm.s32 $0xA800;
	p1 =	seq.s32 @!p0 s1, $0x0  }
0x51: {  	[tilespmem:s8], [sflag:$0x5] =	stream.indirect.gather [hbm4b:s3+s23], $0x80, s19, s23, $0xb8;
	[tilespmem:$0x12800] =	vst v63  }
0x52: {  	s20 =	simm.s32 $0x300;
	s21 =	simm.s32 $0xC800;
	p1 =	por p0, !p1  }
0x53: {  	[tilespmem:s21], [sflag:$0x5] =	stream.indirect.gather [hbm4b:s3+s23], $0x80, s20, s23, $0xb8;
	[tilespmem:$0x12800] =	vst v63  }
.Ltmp2:
0x54: {  	_ = 	snop;
	(pc) =	sbr.rel @!p1 .LBB2_3-.Ltmp2, $4  }
0x55: {  	s22 =	simm.s32 $0x380;
	s21 =	sshll.u32 @!p0 s1, $0x7  }
0x56: {  	[tilespmem:s24], [sflag:$0x5] =	stream.indirect.gather [hbm4b:s3+s23], $0x80, s22, s23, $0xb8;
	[tilespmem:$0x12800] =	vst v63  }
0x57: {  	s11 =	simm.s32 @!p0 $0x0;
	s6 =	sadd.s32 @!p0 s12, s21  }
0x58: {  	[tilespmem:s11], [sflag:$0x1] =	stream.linear.gather @!p0 [hbm4b:s6+s11], $0x200, $0x38;
	[tilespmem:$0x12800] =	vst v63  }
0x59: {  	_ =	swait.ge [sflag:s31], $0x200  }
.Ltmp3:
0x5a: {  	[sflag:s31] =	ssyncset.done $0x0;
	(pc) =	sbr.rel .LBB2_5-.Ltmp3, $4  }
0x5b: {  	[sflag:s31] =	ssyncadd.s32 $0xFFFFFE00  }
0x5c: {  	_ =	swait.ge [sflag:s30], $0x1000  }
0x5d: {  	[sflag:s30] =	ssyncset.done $0x0  }
0x5e: {  	p1 =	por $0x0, $0x0;
	[sflag:s30] =	ssyncadd.s32 $0xFFFFF000  }
.LBB2_3:
0x5f: {  	p1 =	por @!p0 $0x1, $0x1  }
.LBB2_5:
0x60: {  	s19 =	simm.s32 $0xFFFFFFFE;
	s22 =	simm.s32 $0x0  }
.LBB2_6:
0x61: {  	s19 =	sadd.s32 $0x2, s19  }
0x62: {  	s11 =	sshll.u32 s19, $0x4  }
0x63: {  	s11 =	sand.u32 $0x3FFFFF00, s11  }
0x64: {  	v0 =	vld [tilespmem:s11+$0x400]  }
0x65: {  	v1 =	vld [tilespmem:s11+$0x410]  }
0x66: {  	v10 =	vld [tilespmem:s11+$0x420]  }
0x67: {  	s6 =	sshrl.u32 s19, $0x4;
	v11 =	vld [tilespmem:s11+$0x430]  }
0x68: {  	s20 =	sand.u32 $0xE, s19;
	s18 =	sshll.u32 s6, $0x6;
	v21 =	vld [tilespmem:s11+$0x440]  }
0x69: {  	s16 =	sor.u32 s20, s18;
	v22 =	vld [tilespmem:s11+$0x450]  }
0x6a: {  	v57 =	vld [tilespmem:s11+$0x460];
	s16 =	sshll.u32 s16, $0x7  }
0x6b: {  	v59 =	vld [tilespmem:s11+$0x470];
	s16 =	sand.u32 $0x3FFFE700, s16  }
0x6c: {  	v2 =	vld [tilespmem:s16+$0x800]  }
0x6d: {  	v3 =	vld [tilespmem:s16+$0x840]  }
0x6e: {  	v4 =	vld [tilespmem:s16+$0x810]  }
0x6f: {  	v5 =	vld [tilespmem:s16+$0x850]  }
0x70: {  	v6 =	vld [tilespmem:s16+$0x820]  }
0x71: {  	v7 =	vld [tilespmem:s16+$0x860]  }
0x72: {  	v8 =	vld [tilespmem:s16+$0x830]  }
0x73: {  	v9 =	vld [tilespmem:s16+$0x870]  }
0x74: {  	v12 =	vld [tilespmem:s16+$0x1000]  }
0x75: {  	v18 =	vmov s20;
	v13 =	vld [tilespmem:s16+$0x1040]  }
0x76: {  	v14 =	vld [tilespmem:s16+$0x1010];
	v0 =	vperm.xlane v0, v18;
	v1 =	vperm.xlane v1, v18  }
0x77: {  	v15 =	vld [tilespmem:s16+$0x1050];
	v10 =	vperm.xlane v10, v18;
	v48 =	vperm.xlane v11, v18  }
0x78: {  	v16 =	vld [tilespmem:s16+$0x1020];
	v56 =	vperm.xlane v21, v18;
	v60 =	vperm.xlane v22, v18  }
0x79: {  	v17 =	vld [tilespmem:s16+$0x1060];
	v30 =	vperm.xlane v57, v18;
	v33 =	vperm.xlane v59, v18  }
0x7a: {  	v19 =	vld [tilespmem:s16+$0x1030];
	v2 =	vmul.f32 v2, v0;
	v4 =	vmul.f32 v4, v0  }
0x7b: {  	v23 =	vld [tilespmem:s16+$0x1800];
	v3 =	vmul.f32 v3, v1;
	v6 =	vmul.f32 v6, v0  }
0x7c: {  	v24 =	vld [tilespmem:s16+$0x1840];
	v5 =	vmul.f32 v5, v1;
	v44 =	vmul.f32 v7, v1  }
0x7d: {  	v25 =	vld [tilespmem:s16+$0x1810];
	v0 =	vmul.f32 v8, v0;
	v46 =	vmul.f32 v12, v10  }
0x7e: {  	v47 =	vld [tilespmem:s16+$0x1820];
	v49 =	vmul.f32 v14, v10;
	v1 =	vmul.f32 v9, v1  }
0x7f: {  	v45 =	vld [tilespmem:s16+$0x1850];
	v52 =	vmul.f32 v13, v48;
	v53 =	vmul.f32 v15, v48  }
0x80: {  	v50 =	vld [tilespmem:s16+$0x1860];
	v55 =	vmul.f32 v16, v10;
	v58 =	vmul.f32 v19, v10  }
0x81: {  	v62 =	vld [tilespmem:s16+$0x2000];
	v61 =	vmul.f32 v23, v56;
	v17 =	vmul.f32 v17, v48;
	v2 =	vadd.f32 $0.0e+00, v2  }
0x82: {  	v26 =	vld [tilespmem:s16+$0x2010];
	v24 =	vmul.f32 v24, v60;
	v25 =	vmul.f32 v25, v56;
	v4 =	vadd.f32 $0.0e+00, v4  }
0x83: {  	v20 =	vld [tilespmem:s16+$0x1070];
	v27 =	vmul.f32 v47, v56;
	v43 =	vadd.f32 $0.0e+00, v6;
	v2 =	vadd.f32 v3, v2  }
0x84: {  	v63 =	vld [tilespmem:s16+$0x2040];
	v7 =	vmul.f32 v45, v60;
	v0 =	vadd.f32 $0.0e+00, v0;
	v4 =	vadd.f32 v5, v4  }
0x85: {  	v51 =	vld [tilespmem:s16+$0x1830];
	v12 =	vmul.f32 v50, v60;
	v3 =	vadd.f32 v44, v43;
	v2 =	vadd.f32 v46, v2  }
0x86: {  	v29 =	vld [tilespmem:s16+$0x2020];
	v34 =	vmul.f32 v62, v30;
	v0 =	vadd.f32 v1, v0;
	v4 =	vadd.f32 v49, v4  }
0x87: {  	v54 =	vld [tilespmem:s16+$0x1870];
	v36 =	vmul.f32 v26, v30;
	v1 =	vadd.f32 v55, v3;
	v2 =	vadd.f32 v52, v2  }
0x88: {  	v28 =	vld [tilespmem:s16+$0x2050];
	v6 =	vmul.f32 v20, v48;
	v0 =	vadd.f32 v58, v0;
	v4 =	vadd.f32 v53, v4  }
0x89: {  	v31 =	vld [tilespmem:s16+$0x2030];
	v9 =	vmul.f32 v63, v33;
	v1 =	vadd.f32 v17, v1;
	v2 =	vadd.f32 v61, v2  }
0x8a: {  	v32 =	vld [tilespmem:s16+$0x2060];
	v5 =	vmul.f32 v51, v56;
	v0 =	vadd.f32 v6, v0;
	v4 =	vadd.f32 v25, v4  }
0x8b: {  	v35 =	vld [tilespmem:s16+$0x2070];
	v37 =	vmul.f32 v29, v30;
	v1 =	vadd.f32 v27, v1;
	v2 =	vadd.f32 v24, v2  }
0x8c: {  	v3 =	vmul.f32 v54, v60;
	v0 =	vadd.f32 v5, v0;
	v4 =	vadd.f32 v7, v4  }
0x8d: {  	v38 =	vmul.f32 v28, v33;
	v1 =	vadd.f32 v12, v1;
	v2 =	vadd.f32 v34, v2  }
0x8e: {  	v6 =	vmul.f32 v31, v30;
	v0 =	vadd.f32 v3, v0;
	v3 =	vadd.f32 v36, v4  }
0x8f: {  	s6 =	sshll.u32 s6, $0x7;
	s8 =	sshll.u32 s20, $0x8;
	v5 =	vmul.f32 v32, v33;
	v1 =	vadd.f32 v37, v1;
	v2 =	vadd.f32 v9, v2  }
0x90: {  	s16 =	sadd.s32 s6, s8;
	v39 =	vmul.f32 v35, v33;
	v0 =	vadd.f32 v6, v0;
	v3 =	vadd.f32 v38, v3  }
0x91: {  	s8 =	sadd.s32 $0x10800, s16;
	v1 =	vadd.f32 v5, v1;
	[tilespmem:s16+$0x10800] =	vst v2  }
0x92: {  	v0 =	vadd.f32 v39, v0;
	[tilespmem:s8+$0x10] =	vst v3  }
0x93: {  	[tilespmem:s8+$0x20] =	vst v1  }
0x94: {  	[tilespmem:s8+$0x30] =	vst v0  }
0x95: {  	v0 =	vld [tilespmem:s11+$0x400]  }
0x96: {  	v1 =	vld [tilespmem:s11+$0x410]  }
0x97: {  	v46 =	vld [tilespmem:s11+$0x420]  }
0x98: {  	s20 =	sor.u32 $0x1, s20;
	v47 =	vld [tilespmem:s11+$0x430]  }
0x99: {  	s16 =	sor.u32 s20, s18;
	v56 =	vld [tilespmem:s11+$0x440]  }
0x9a: {  	s8 =	sshll.u32 s16, $0x7;
	v57 =	vld [tilespmem:s11+$0x450]  }
0x9b: {  	s18 =	sand.u32 $0x3FFFE780, s8;
	v37 =	vld [tilespmem:s11+$0x460]  }
0x9c: {  	v2 =	vld [tilespmem:s18+$0x800]  }
0x9d: {  	v3 =	vld [tilespmem:s18+$0x840]  }
0x9e: {  	v40 =	vld [tilespmem:s18+$0x810]  }
0x9f: {  	v41 =	vld [tilespmem:s18+$0x850]  }
0xa0: {  	v42 =	vld [tilespmem:s18+$0x820]  }
0xa1: {  	v43 =	vld [tilespmem:s18+$0x860]  }
0xa2: {  	v44 =	vld [tilespmem:s18+$0x830]  }
0xa3: {  	v45 =	vld [tilespmem:s18+$0x870]  }
0xa4: {  	v48 =	vld [tilespmem:s18+$0x1000]  }
0xa5: {  	v49 =	vld [tilespmem:s18+$0x1040]  }
0xa6: {  	v18 =	vmov s20;
	v50 =	vld [tilespmem:s18+$0x1010]  }
0xa7: {  	v51 =	vld [tilespmem:s18+$0x1050];
	v0 =	vperm.xlane v0, v18;
	v1 =	vperm.xlane v1, v18  }
0xa8: {  	v52 =	vld [tilespmem:s18+$0x1020];
	v10 =	vperm.xlane v46, v18;
	v28 =	vperm.xlane v47, v18  }
0xa9: {  	v53 =	vld [tilespmem:s18+$0x1060];
	v36 =	vperm.xlane v56, v18;
	v2 =	vmul.f32 v2, v0  }
0xaa: {  	v54 =	vld [tilespmem:s18+$0x1030];
	v4 =	vmul.f32 v40, v0;
	v3 =	vmul.f32 v3, v1  }
0xab: {  	v58 =	vld [tilespmem:s18+$0x1800];
	v6 =	vmul.f32 v42, v0;
	v5 =	vmul.f32 v41, v1  }
0xac: {  	v60 =	vld [tilespmem:s18+$0x1810];
	v62 =	vmul.f32 v43, v1;
	v0 =	vmul.f32 v44, v0  }
0xad: {  	v27 =	vld [tilespmem:s18+$0x1820];
	v26 =	vmul.f32 v48, v10;
	v29 =	vmul.f32 v50, v10  }
0xae: {  	v55 =	vld [tilespmem:s18+$0x1070];
	v1 =	vmul.f32 v45, v1;
	v32 =	vmul.f32 v49, v28  }
0xaf: {  	v59 =	vld [tilespmem:s18+$0x1840];
	v33 =	vmul.f32 v51, v28;
	v35 =	vmul.f32 v52, v10  }
0xb0: {  	v63 =	vld [tilespmem:s18+$0x1850];
	v38 =	vmul.f32 v54, v10;
	v40 =	vperm.xlane v57, v18  }
0xb1: {  	v30 =	vld [tilespmem:s18+$0x1860];
	v41 =	vmul.f32 v58, v36;
	v43 =	vmul.f32 v53, v28  }
0xb2: {  	v39 =	vld [tilespmem:s11+$0x470];
	v46 =	vmul.f32 v60, v36;
	v48 =	vmul.f32 v27, v36;
	v2 =	vadd.f32 $0.0e+00, v2  }
0xb3: {  	v47 =	vld [tilespmem:s18+$0x2010];
	v51 =	vperm.xlane v37, v18;
	v4 =	vadd.f32 $0.0e+00, v4;
	v61 =	vadd.f32 $0.0e+00, v6  }
0xb4: {  	v31 =	vld [tilespmem:s18+$0x1830];
	v0 =	vadd.f32 $0.0e+00, v0;
	v6 =	vmul.f32 v55, v28;
	v2 =	vadd.f32 v3, v2  }
0xb5: {  	v42 =	vld [tilespmem:s18+$0x2000];
	v45 =	vmul.f32 v59, v40;
	v7 =	vmul.f32 v63, v40;
	v4 =	vadd.f32 v5, v4  }
0xb6: {  	v44 =	vld [tilespmem:s18+$0x2040];
	v53 =	vmul.f32 v30, v40;
	v3 =	vadd.f32 v62, v61;
	v2 =	vadd.f32 v26, v2  }
0xb7: {  	v50 =	vld [tilespmem:s18+$0x2020];
	v55 =	vperm.xlane v39, v18;
	v0 =	vadd.f32 v1, v0;
	v4 =	vadd.f32 v29, v4  }
0xb8: {  	v34 =	vld [tilespmem:s18+$0x1870];
	v58 =	vmul.f32 v47, v51;
	v1 =	vadd.f32 v35, v3;
	v2 =	vadd.f32 v32, v2  }
0xb9: {  	v52 =	vld [tilespmem:s18+$0x2030];
	v5 =	vmul.f32 v31, v36;
	v0 =	vadd.f32 v38, v0;
	v4 =	vadd.f32 v33, v4  }
0xba: {  	v49 =	vld [tilespmem:s18+$0x2050];
	v56 =	vmul.f32 v42, v51;
	v1 =	vadd.f32 v43, v1;
	v2 =	vadd.f32 v41, v2  }
0xbb: {  	v54 =	vld [tilespmem:s18+$0x2060];
	v59 =	vmul.f32 v44, v55;
	v0 =	vadd.f32 v6, v0;
	v4 =	vadd.f32 v46, v4  }
0xbc: {  	v57 =	vld [tilespmem:s18+$0x2070];
	v9 =	vmul.f32 v50, v51;
	v1 =	vadd.f32 v48, v1;
	v2 =	vadd.f32 v45, v2  }
0xbd: {  	v3 =	vmul.f32 v34, v40;
	v0 =	vadd.f32 v5, v0;
	v4 =	vadd.f32 v7, v4  }
0xbe: {  	v60 =	vmul.f32 v52, v51;
	v1 =	vadd.f32 v53, v1;
	v2 =	vadd.f32 v56, v2  }
0xbf: {  	s20 =	sand.u32 $0xE00, s22;
	v61 =	vmul.f32 v49, v55;
	v0 =	vadd.f32 v3, v0;
	v3 =	vadd.f32 v58, v4  }
0xc0: {  	p2 =	slt.u32 s19, $0x3E;
	s6 =	sadd.s32 s6, s20;
	v62 =	vmul.f32 v54, v55;
	v1 =	vadd.f32 v9, v1;
	v2 =	vadd.f32 v59, v2  }
.Ltmp4:
0xc1: {  	s6 =	sadd.s32 $0x10800, s6;
	v63 =	vmul.f32 v57, v55;
	v0 =	vadd.f32 v60, v0;
	v3 =	vadd.f32 v61, v3;
	(pc) =	sbr.rel @p2 .LBB2_6-.Ltmp4, $4  }
0xc2: {  	v1 =	vadd.f32 v62, v1;
	[tilespmem:s6+$0x40] =	vst v2  }
0xc3: {  	v0 =	vadd.f32 v63, v0;
	[tilespmem:s6+$0x50] =	vst v3  }
0xc4: {  	[tilespmem:s6+$0x60] =	vst v1  }
0xc5: {  	s22 =	sadd.s32 $0x200, s22;
	[tilespmem:s6+$0x70] =	vst v0  }
0xc6: {  	s6 =	sshll.u32 s1, $0xA  }
0xc7: {  	s19 =	sadd.s32 s9, s6  }
0xc8: {  	s6 =	sadd.s32 s4, s19  }
0xc9: {  	[hbm4b:s6+s0] =	stream.strided.scatter [tilespmem:s25], [sflag:$0x6], $0x1000, s17, s0, $0x38;
	[tilespmem:$0x12800] =	vst v63  }
0xca: {  	s8 =	simm.s32 @!p0 $0x0;
	s11 =	simm.s32 @!p0 $0x400;
	s6 =	sadd.s32 @!p0 s13, s21  }
0xcb: {  	[tilespmem:s11], [sflag:$0x3] =	stream.linear.gather @!p0 [hbm4b:s6+s8], $0x80, $0x38;
	[tilespmem:$0x12800] =	vst v63  }
0xcc: {  	s16 =	simm.s32 @!p0 $0x500;
	s11 =	sadd.s32 @!p0 $0x10, s6  }
0xcd: {  	[tilespmem:s16], [sflag:$0x3] =	stream.linear.gather @!p0 [hbm4b:s11+s8], $0x80, $0x38;
	[tilespmem:$0x12800] =	vst v63  }
0xce: {  	s11 =	sadd.s32 @!p0 $0x20, s6;
	s16 =	simm.s32 @!p0 $0x600  }
0xcf: {  	[tilespmem:s16], [sflag:$0x3] =	stream.linear.gather @!p0 [hbm4b:s11+s8], $0x80, $0x38;
	[tilespmem:$0x12800] =	vst v63  }
0xd0: {  	s6 =	sadd.s32 @!p0 $0x30, s6;
	s11 =	simm.s32 @!p0 $0x700  }
0xd1: {  	[tilespmem:s11], [sflag:$0x3] =	stream.linear.gather @!p0 [hbm4b:s6+s8], $0x80, $0x38;
	[tilespmem:$0x12800] =	vst v63  }
0xd2: {  	_ =	swait.ge [sflag:s5], $0x2000  }
0xd3: {  	[sflag:s5] =	ssyncset.done $0x0  }
0xd4: {  	[sflag:s5] =	ssyncadd.s32 $0xFFFFE000  }
0xd5: {  	_ =	swait.ge [sflag:s5], $0x2000  }
0xd6: {  	[sflag:s5] =	ssyncset.done $0x0  }
0xd7: {  	[sflag:s5] =	ssyncadd.s32 $0xFFFFE000  }
0xd8: {  	p2 =	sgt.u32 s1, $0x1E;
	_ =	swait.ge [sflag:s5], $0x2000  }
.Ltmp5:
0xd9: {  	[sflag:s5] =	ssyncset.done $0x0;
	(pc) =	sbr.rel @p2 .LBB2_9-.Ltmp5, $4  }
0xda: {  	[sflag:s5] =	ssyncadd.s32 $0xFFFFE000  }
0xdb: {  	_ =	swait.ge [sflag:s5], $0x2000  }
0xdc: {  	[sflag:s5] =	ssyncset.done $0x0  }
0xdd: {  	[sflag:s5] =	ssyncadd.s32 $0xFFFFE000  }
0xde: {  	_ =	swait.ge [sflag:s26], $0x200  }
0xdf: {  	[sflag:s26] =	ssyncset.done $0x0  }
0xe0: {  	s6 =	simm.s32 $0x800;
	[sflag:s26] =	ssyncadd.s32 $0xFFFFFE00  }
0xe1: {  	[tilespmem:s6], [sflag:$0x5] =	stream.indirect.gather [hbm4b:s3+s23], $0x80, s2, s23, $0xb8;
	[tilespmem:$0x12800] =	vst v63  }
0xe2: {  	s16 =	simm.s32 $0x80;
	s8 =	simm.s32 $0x2800  }
0xe3: {  	[tilespmem:s8], [sflag:$0x5] =	stream.indirect.gather [hbm4b:s3+s23], $0x80, s16, s23, $0xb8;
	[tilespmem:$0x12800] =	vst v63  }
.Ltmp6:
0xe4: {  	_ = 	snop;
	(pc) =	sbr.rel .LBB2_10-.Ltmp6, $4  }
0xe5: {  	s18 =	simm.s32 $0x100;
	s20 =	simm.s32 $0x4800  }
0xe6: {  	[tilespmem:s20], [sflag:$0x5] =	stream.indirect.gather [hbm4b:s3+s23], $0x80, s18, s23, $0xb8;
	[tilespmem:$0x12800] =	vst v63  }
0xe7: {  	s21 =	simm.s32 $0x180;
	s22 =	simm.s32 $0x6800  }
0xe8: {  	[tilespmem:s22], [sflag:$0x5] =	stream.indirect.gather [hbm4b:s3+s23], $0x80, s21, s23, $0xb8;
	[tilespmem:$0x12800] =	vst v63  }
.LBB2_9:
.Ltmp7:
0xe9: {  	(pc) =	sbr.rel @p0 .LBB2_11-.Ltmp7, $1  }
0xea: {  	_ =	sdelay $0x3  }
.LBB2_10:
0xeb: {  	s6 =	sshll.u32 s1, $0x7  }
0xec: {  	s6 =	sadd.s32 s14, s6  }
0xed: {  	[tilespmem:s0], [sflag:$0x2] =	stream.linear.gather [hbm4b:s6+s2], $0x200, $0x38;
	[tilespmem:$0x12800] =	vst v63  }
.LBB2_11:
0xee: {  	_ =	swait.ge [sflag:s28], $0x200  }
0xef: {  	[sflag:s28] =	ssyncset.done $0x0  }
0xf0: {  	s6 =	simm.s32 @!p1 $0x7;
	[sflag:s28] =	ssyncadd.s32 $0xFFFFFE00  }
0xf1: {  	_ =	swait.ge @!p1 [sflag:s6], $0x1000  }
0xf2: {  	[sflag:s6] =	ssyncset.done @!p1 $0x0  }
0xf3: {  	s21 =	simm.s32 $0xFFFFFFFE;
	s22 =	simm.s32 $0x0;
	[sflag:s6] =	ssyncadd.s32 @!p1 $0xFFFFF000  }
.LBB2_12:
0xf4: {  	s21 =	sadd.s32 $0x2, s21  }
0xf5: {  	s8 =	sshll.u32 s21, $0x4  }
0xf6: {  	s11 =	sand.u32 $0x3FFFFF00, s8  }
0xf7: {  	v0 =	vld [tilespmem:s11+$0x480]  }
0xf8: {  	v1 =	vld [tilespmem:s11+$0x490]  }
0xf9: {  	v10 =	vld [tilespmem:s11+$0x4A0]  }
0xfa: {  	s6 =	sshrl.u32 s21, $0x4;
	v11 =	vld [tilespmem:s11+$0x4B0]  }
0xfb: {  	s20 =	sand.u32 $0xE, s21;
	s18 =	sshll.u32 s6, $0x6;
	v21 =	vld [tilespmem:s11+$0x4C0]  }
0xfc: {  	s16 =	sor.u32 s20, s18;
	v22 =	vld [tilespmem:s11+$0x4D0]  }
0xfd: {  	v57 =	vld [tilespmem:s11+$0x4E0];
	s16 =	sshll.u32 s16, $0x7  }
0xfe: {  	v59 =	vld [tilespmem:s11+$0x4F0];
	s16 =	sand.u32 $0x3FFFE700, s16  }
0xff: {  	v2 =	vld [tilespmem:s16+$0x8800]  }
0x100: {  	v3 =	vld [tilespmem:s16+$0x8840]  }
0x101: {  	v4 =	vld [tilespmem:s16+$0x8810]  }
0x102: {  	v5 =	vld [tilespmem:s16+$0x8850]  }
0x103: {  	v6 =	vld [tilespmem:s16+$0x8820]  }
0x104: {  	v7 =	vld [tilespmem:s16+$0x8860]  }
0x105: {  	v8 =	vld [tilespmem:s16+$0x8830]  }
0x106: {  	v9 =	vld [tilespmem:s16+$0x8870]  }
0x107: {  	v12 =	vld [tilespmem:s16+$0x9000]  }
0x108: {  	v18 =	vmov s20;
	v13 =	vld [tilespmem:s16+$0x9040]  }
0x109: {  	v14 =	vld [tilespmem:s16+$0x9010];
	v0 =	vperm.xlane v0, v18;
	v1 =	vperm.xlane v1, v18  }
0x10a: {  	v15 =	vld [tilespmem:s16+$0x9050];
	v10 =	vperm.xlane v10, v18;
	v48 =	vperm.xlane v11, v18  }
0x10b: {  	v16 =	vld [tilespmem:s16+$0x9020];
	v56 =	vperm.xlane v21, v18;
	v60 =	vperm.xlane v22, v18  }
0x10c: {  	v17 =	vld [tilespmem:s16+$0x9060];
	v30 =	vperm.xlane v57, v18;
	v33 =	vperm.xlane v59, v18  }
0x10d: {  	v19 =	vld [tilespmem:s16+$0x9030];
	v2 =	vmul.f32 v2, v0;
	v4 =	vmul.f32 v4, v0  }
0x10e: {  	v23 =	vld [tilespmem:s16+$0x9800];
	v3 =	vmul.f32 v3, v1;
	v6 =	vmul.f32 v6, v0  }
0x10f: {  	v24 =	vld [tilespmem:s16+$0x9840];
	v5 =	vmul.f32 v5, v1;
	v44 =	vmul.f32 v7, v1  }
0x110: {  	v25 =	vld [tilespmem:s16+$0x9810];
	v0 =	vmul.f32 v8, v0;
	v46 =	vmul.f32 v12, v10  }
0x111: {  	v47 =	vld [tilespmem:s16+$0x9820];
	v49 =	vmul.f32 v14, v10;
	v1 =	vmul.f32 v9, v1  }
0x112: {  	v45 =	vld [tilespmem:s16+$0x9850];
	v52 =	vmul.f32 v13, v48;
	v53 =	vmul.f32 v15, v48  }
0x113: {  	v50 =	vld [tilespmem:s16+$0x9860];
	v55 =	vmul.f32 v16, v10;
	v58 =	vmul.f32 v19, v10  }
0x114: {  	v62 =	vld [tilespmem:s16+$0xA000];
	v61 =	vmul.f32 v23, v56;
	v17 =	vmul.f32 v17, v48;
	v2 =	vadd.f32 $0.0e+00, v2  }
0x115: {  	v26 =	vld [tilespmem:s16+$0xA010];
	v24 =	vmul.f32 v24, v60;
	v25 =	vmul.f32 v25, v56;
	v4 =	vadd.f32 $0.0e+00, v4  }
0x116: {  	v20 =	vld [tilespmem:s16+$0x9070];
	v27 =	vmul.f32 v47, v56;
	v43 =	vadd.f32 $0.0e+00, v6;
	v2 =	vadd.f32 v3, v2  }
0x117: {  	v63 =	vld [tilespmem:s16+$0xA040];
	v7 =	vmul.f32 v45, v60;
	v0 =	vadd.f32 $0.0e+00, v0;
	v4 =	vadd.f32 v5, v4  }
0x118: {  	v51 =	vld [tilespmem:s16+$0x9830];
	v12 =	vmul.f32 v50, v60;
	v3 =	vadd.f32 v44, v43;
	v2 =	vadd.f32 v46, v2  }
0x119: {  	v29 =	vld [tilespmem:s16+$0xA020];
	v34 =	vmul.f32 v62, v30;
	v0 =	vadd.f32 v1, v0;
	v4 =	vadd.f32 v49, v4  }
0x11a: {  	v54 =	vld [tilespmem:s16+$0x9870];
	v36 =	vmul.f32 v26, v30;
	v1 =	vadd.f32 v55, v3;
	v2 =	vadd.f32 v52, v2  }
0x11b: {  	v28 =	vld [tilespmem:s16+$0xA050];
	v6 =	vmul.f32 v20, v48;
	v0 =	vadd.f32 v58, v0;
	v4 =	vadd.f32 v53, v4  }
0x11c: {  	v31 =	vld [tilespmem:s16+$0xA030];
	v9 =	vmul.f32 v63, v33;
	v1 =	vadd.f32 v17, v1;
	v2 =	vadd.f32 v61, v2  }
0x11d: {  	v32 =	vld [tilespmem:s16+$0xA060];
	v5 =	vmul.f32 v51, v56;
	v0 =	vadd.f32 v6, v0;
	v4 =	vadd.f32 v25, v4  }
0x11e: {  	v35 =	vld [tilespmem:s16+$0xA070];
	v37 =	vmul.f32 v29, v30;
	v1 =	vadd.f32 v27, v1;
	v2 =	vadd.f32 v24, v2  }
0x11f: {  	v3 =	vmul.f32 v54, v60;
	v0 =	vadd.f32 v5, v0;
	v4 =	vadd.f32 v7, v4  }
0x120: {  	v38 =	vmul.f32 v28, v33;
	v1 =	vadd.f32 v12, v1;
	v2 =	vadd.f32 v34, v2  }
0x121: {  	v6 =	vmul.f32 v31, v30;
	v0 =	vadd.f32 v3, v0;
	v3 =	vadd.f32 v36, v4  }
0x122: {  	s6 =	sshll.u32 s6, $0x7;
	s16 =	sshll.u32 s20, $0x8;
	v5 =	vmul.f32 v32, v33;
	v1 =	vadd.f32 v37, v1;
	v2 =	vadd.f32 v9, v2  }
0x123: {  	s8 =	sadd.s32 s6, s16;
	v39 =	vmul.f32 v35, v33;
	v0 =	vadd.f32 v6, v0;
	v3 =	vadd.f32 v38, v3  }
0x124: {  	s16 =	sadd.s32 $0x11800, s8;
	v1 =	vadd.f32 v5, v1;
	[tilespmem:s8+$0x11800] =	vst v2  }
0x125: {  	v0 =	vadd.f32 v39, v0;
	[tilespmem:s16+$0x10] =	vst v3  }
0x126: {  	[tilespmem:s16+$0x20] =	vst v1  }
0x127: {  	[tilespmem:s16+$0x30] =	vst v0  }
0x128: {  	v0 =	vld [tilespmem:s11+$0x480]  }
0x129: {  	v1 =	vld [tilespmem:s11+$0x490]  }
0x12a: {  	v46 =	vld [tilespmem:s11+$0x4A0]  }
0x12b: {  	s20 =	sor.u32 $0x1, s20;
	v47 =	vld [tilespmem:s11+$0x4B0]  }
0x12c: {  	s18 =	sor.u32 s20, s18;
	v56 =	vld [tilespmem:s11+$0x4C0]  }
0x12d: {  	s16 =	sshll.u32 s18, $0x7;
	v57 =	vld [tilespmem:s11+$0x4D0]  }
0x12e: {  	s16 =	sand.u32 $0x3FFFE780, s16;
	v37 =	vld [tilespmem:s11+$0x4E0]  }
0x12f: {  	v2 =	vld [tilespmem:s16+$0x8800]  }
0x130: {  	v3 =	vld [tilespmem:s16+$0x8840]  }
0x131: {  	v40 =	vld [tilespmem:s16+$0x8810]  }
0x132: {  	v41 =	vld [tilespmem:s16+$0x8850]  }
0x133: {  	v42 =	vld [tilespmem:s16+$0x8820]  }
0x134: {  	v43 =	vld [tilespmem:s16+$0x8860]  }
0x135: {  	v44 =	vld [tilespmem:s16+$0x8830]  }
0x136: {  	v45 =	vld [tilespmem:s16+$0x8870]  }
0x137: {  	v48 =	vld [tilespmem:s16+$0x9000]  }
0x138: {  	v49 =	vld [tilespmem:s16+$0x9040]  }
0x139: {  	v18 =	vmov s20;
	v50 =	vld [tilespmem:s16+$0x9010]  }
0x13a: {  	v51 =	vld [tilespmem:s16+$0x9050];
	v0 =	vperm.xlane v0, v18;
	v1 =	vperm.xlane v1, v18  }
0x13b: {  	v52 =	vld [tilespmem:s16+$0x9020];
	v10 =	vperm.xlane v46, v18;
	v28 =	vperm.xlane v47, v18  }
0x13c: {  	v53 =	vld [tilespmem:s16+$0x9060];
	v36 =	vperm.xlane v56, v18;
	v2 =	vmul.f32 v2, v0  }
0x13d: {  	v54 =	vld [tilespmem:s16+$0x9030];
	v4 =	vmul.f32 v40, v0;
	v3 =	vmul.f32 v3, v1  }
0x13e: {  	v58 =	vld [tilespmem:s16+$0x9800];
	v6 =	vmul.f32 v42, v0;
	v5 =	vmul.f32 v41, v1  }
0x13f: {  	v60 =	vld [tilespmem:s16+$0x9810];
	v62 =	vmul.f32 v43, v1;
	v0 =	vmul.f32 v44, v0  }
0x140: {  	v27 =	vld [tilespmem:s16+$0x9820];
	v26 =	vmul.f32 v48, v10;
	v29 =	vmul.f32 v50, v10  }
0x141: {  	v55 =	vld [tilespmem:s16+$0x9070];
	v1 =	vmul.f32 v45, v1;
	v32 =	vmul.f32 v49, v28  }
0x142: {  	v59 =	vld [tilespmem:s16+$0x9840];
	v33 =	vmul.f32 v51, v28;
	v35 =	vmul.f32 v52, v10  }
0x143: {  	v63 =	vld [tilespmem:s16+$0x9850];
	v38 =	vmul.f32 v54, v10;
	v40 =	vperm.xlane v57, v18  }
0x144: {  	v30 =	vld [tilespmem:s16+$0x9860];
	v41 =	vmul.f32 v58, v36;
	v43 =	vmul.f32 v53, v28  }
0x145: {  	v39 =	vld [tilespmem:s11+$0x4F0];
	v46 =	vmul.f32 v60, v36;
	v48 =	vmul.f32 v27, v36;
	v2 =	vadd.f32 $0.0e+00, v2  }
0x146: {  	v47 =	vld [tilespmem:s16+$0xA010];
	v51 =	vperm.xlane v37, v18;
	v4 =	vadd.f32 $0.0e+00, v4;
	v61 =	vadd.f32 $0.0e+00, v6  }
0x147: {  	v31 =	vld [tilespmem:s16+$0x9830];
	v0 =	vadd.f32 $0.0e+00, v0;
	v6 =	vmul.f32 v55, v28;
	v2 =	vadd.f32 v3, v2  }
0x148: {  	v42 =	vld [tilespmem:s16+$0xA000];
	v45 =	vmul.f32 v59, v40;
	v7 =	vmul.f32 v63, v40;
	v4 =	vadd.f32 v5, v4  }
0x149: {  	v44 =	vld [tilespmem:s16+$0xA040];
	v53 =	vmul.f32 v30, v40;
	v3 =	vadd.f32 v62, v61;
	v2 =	vadd.f32 v26, v2  }
0x14a: {  	v50 =	vld [tilespmem:s16+$0xA020];
	v55 =	vperm.xlane v39, v18;
	v0 =	vadd.f32 v1, v0;
	v4 =	vadd.f32 v29, v4  }
0x14b: {  	v34 =	vld [tilespmem:s16+$0x9870];
	v58 =	vmul.f32 v47, v51;
	v1 =	vadd.f32 v35, v3;
	v2 =	vadd.f32 v32, v2  }
0x14c: {  	v52 =	vld [tilespmem:s16+$0xA030];
	v5 =	vmul.f32 v31, v36;
	v0 =	vadd.f32 v38, v0;
	v4 =	vadd.f32 v33, v4  }
0x14d: {  	v49 =	vld [tilespmem:s16+$0xA050];
	v56 =	vmul.f32 v42, v51;
	v1 =	vadd.f32 v43, v1;
	v2 =	vadd.f32 v41, v2  }
0x14e: {  	v54 =	vld [tilespmem:s16+$0xA060];
	v59 =	vmul.f32 v44, v55;
	v0 =	vadd.f32 v6, v0;
	v4 =	vadd.f32 v46, v4  }
0x14f: {  	v57 =	vld [tilespmem:s16+$0xA070];
	v9 =	vmul.f32 v50, v51;
	v1 =	vadd.f32 v48, v1;
	v2 =	vadd.f32 v45, v2  }
0x150: {  	v3 =	vmul.f32 v34, v40;
	v0 =	vadd.f32 v5, v0;
	v4 =	vadd.f32 v7, v4  }
0x151: {  	v60 =	vmul.f32 v52, v51;
	v1 =	vadd.f32 v53, v1;
	v2 =	vadd.f32 v56, v2  }
0x152: {  	s20 =	sand.u32 $0xE00, s22;
	v61 =	vmul.f32 v49, v55;
	v0 =	vadd.f32 v3, v0;
	v3 =	vadd.f32 v58, v4  }
0x153: {  	p1 =	slt.u32 s21, $0x3E;
	s6 =	sadd.s32 s6, s20;
	v62 =	vmul.f32 v54, v55;
	v1 =	vadd.f32 v9, v1;
	v2 =	vadd.f32 v59, v2  }
.Ltmp8:
0x154: {  	s6 =	sadd.s32 $0x11800, s6;
	v63 =	vmul.f32 v57, v55;
	v0 =	vadd.f32 v60, v0;
	v3 =	vadd.f32 v61, v3;
	(pc) =	sbr.rel @p1 .LBB2_12-.Ltmp8, $4  }
0x155: {  	v1 =	vadd.f32 v62, v1;
	[tilespmem:s6+$0x40] =	vst v2  }
0x156: {  	v0 =	vadd.f32 v63, v0;
	[tilespmem:s6+$0x50] =	vst v3  }
0x157: {  	[tilespmem:s6+$0x60] =	vst v1  }
0x158: {  	s22 =	sadd.s32 $0x200, s22;
	[tilespmem:s6+$0x70] =	vst v0  }
.Ltmp9:
0x159: {  	(pc) =	sbr.rel @p0 .LBB2_15-.Ltmp9, $3  }
0x15a: {  	_ =	sdelay $0x1  }
0x15b: {  	s6 =	sadd.s32 s19, s10  }
0x15c: {  	[hbm4b:s6+s0] =	stream.strided.scatter [tilespmem:s29], [sflag:$0x7], $0x1000, s17, s0, $0x38;
	[tilespmem:$0x12800] =	vst v63  }
0x15d: {  	s6 =	sshll.u32 s1, $0x7  }
0x15e: {  	s8 =	simm.s32 $0x480;
	s6 =	sadd.s32 s15, s6  }
0x15f: {  	[tilespmem:s8], [sflag:$0x4] =	stream.linear.gather [hbm4b:s6+s2], $0x80, $0x38;
	[tilespmem:$0x12800] =	vst v63  }
0x160: {  	s11 =	simm.s32 $0x580;
	s19 =	sadd.s32 $0x10, s6  }
0x161: {  	[tilespmem:s11], [sflag:$0x4] =	stream.linear.gather [hbm4b:s19+s2], $0x80, $0x38;
	[tilespmem:$0x12800] =	vst v63  }
.Ltmp10:
0x162: {  	_ = 	snop;
	(pc) =	sbr.rel .LBB2_2-.Ltmp10, $4  }
0x163: {  	s21 =	simm.s32 $0x680;
	s20 =	sadd.s32 $0x20, s6  }
0x164: {  	[tilespmem:s21], [sflag:$0x4] =	stream.linear.gather [hbm4b:s20+s2], $0x80, $0x38;
	[tilespmem:$0x12800] =	vst v63  }
0x165: {  	s22 =	simm.s32 $0x780;
	s1 =	sadd.s32 $0x1, s1;
	s6 =	sadd.s32 $0x30, s6  }
0x166: {  	[tilespmem:s22], [sflag:$0x4] =	stream.linear.gather [hbm4b:s6+s2], $0x80, $0x38;
	[tilespmem:$0x12800] =	vst v63  }
.LBB2_16:
0x167: {  	_ =	sfence.sel $0x180000  }
0x168: {  	[bflag:$0x0] =	sbarrier.arrive $0xFFFF  }
0x169: {  	_ =	strace $0x90000047  }
0x16a: {  	s0 =	stileid.u32;
	[bflag:$0x2] =	sbarrier.arrive $0xFFFF  }
0x16b: {  	p0 =	sne.s32 s0, $0x0;
	s0 =	rddreg [dreg:$0x2]  }
0x16c: {  	s0 =	sadd.s32 @!p0 $0x100000, s0  }
0x16d: {  	[sflag:s0] =	ssyncadd.tile.s32 @!p0 $0x1;
	_ =	shalt  }
.Lfunc_end2:
_tile_overlayer_lowered:
.L_overlay_start_2:
0x16e: {  	(tag) =	ssettag $0x2  }
0x16f: {  	s0 =	rddreg [dreg:$0x0];
	s2 =	stileid.u32  }
0x170: {  	s1 =	rddreg [dreg:$0x1];
	p0 =	sne.s32 s2, $0x0  }
0x171: {  	s3 =	rddreg [dreg:$0x2];
	[bflag:$0x3] =	sbarrier.arrive $0xFFFF;
	s2 =	simm.s32 @!p0 $0x1C08  }
0x172: {  	[timem:s3], [sflag:s2] =	dma.local @!p0 [hbm:s0], s1  }
0x173: {  	s0 =	simm.s32 @!p0 $0x8  }
0x174: {  	_ =	swait.ge @!p0 [sflag:s0], s1  }
0x175: {  	s1 =	ssub.s32 @!p0 $0x0, s1;
	[sflag:s0] =	ssyncset.done @!p0 $0x0  }
0x176: {  	[sflag:s0] =	ssyncadd.s32 @!p0 s1  }
0x177: {  	[bflag:$0x3] =	sbarrier.arrive $0xFFFF  }
0x178: {  	_ =	shalt  }

</sc_bundles>
